<compile_context>
chip_gen: v7x
topology: tpu7x:2x2x1
jax: 0.10.2.dev20260603
libtpu: 0.0.44.dev20260713+nightly
codegen_flags: <defaults>
</compile_context>

<pallas_src>
import dataclasses
import functools

import jax
import jax.numpy as jnp
from jax import lax
from jax.experimental import pallas as pl
from jax.experimental.pallas import tpu as pltpu
from jax.experimental.pallas import tpu_sc as plsc

_NC = 2
_NS = 16
_NW = _NC * _NS
_L = 16
_NBUF = 4
_HP = jax.lax.Precision.HIGHEST

def _ref_dot(a, b):
    return jnp.dot(a.astype(jnp.bfloat16), b.astype(jnp.bfloat16),
                   preferred_element_type=jnp.float32)



def _sc_compiler_params():
    cp = pltpu.CompilerParams()
    if "needs_layout_passes" in pltpu.CompilerParams.__dataclass_fields__:
        cp = dataclasses.replace(cp, needs_layout_passes=False)
    return cp



def _sc_hist(dst2, n):
    epw = dst2.shape[1]
    mesh = plsc.VectorSubcoreMesh(core_axis_name="c", subcore_axis_name="s")

    @functools.partial(
        pl.kernel,
        out_type=jax.ShapeDtypeStruct((_NW, n), jnp.float32),
        mesh=mesh,
        scratch_types=[
            pltpu.VMEM((epw,), jnp.int32),
            pltpu.VMEM((n,), jnp.float32),
        ],
        compiler_params=_sc_compiler_params(),
    )
    def hist_kernel(dst_hbm, hist_hbm, dstv, degv):
        wid = lax.axis_index("s") * _NC + lax.axis_index("c")
        pltpu.sync_copy(dst_hbm.at[wid], dstv)
        zero16 = jnp.zeros((_L,), jnp.float32)

        @pl.loop(0, n // _L)
        def _(i):
            degv[pl.ds(i * _L, _L)] = zero16

        one16 = jnp.ones((_L,), jnp.float32)

        @pl.loop(0, epw // _L)
        def _(i):
            idx = dstv[pl.ds(i * _L, _L)]
            plsc.addupdate_scatter(degv, [idx], one16)

        pltpu.sync_copy(degv, hist_hbm.at[wid])

    return hist_kernel(dst2)


def _sc_scatter(hws, comb, zeros_init):
    n, d = hws.shape
    nw, n_blocks, blk, _, k = comb.shape
    n_pad = zeros_init.shape[0]
    rows_per_tile = n_pad // _NS
    mesh = plsc.VectorSubcoreMesh(core_axis_name="c", subcore_axis_name="s")

    @functools.partial(
        pl.kernel,
        out_type=jax.ShapeDtypeStruct((_NC, n_pad, d), jnp.float32),
        mesh=mesh,
        scratch_types=[
            pltpu.VMEM((blk, 2, k), jnp.int32),
        ] + [pltpu.VMEM((k, d), jnp.float32) for _ in range(_NBUF)]
          + [pltpu.SemaphoreType.DMA for _ in range(_NBUF)]
          + [pltpu.SemaphoreType.DMA,
             pltpu.VMEM_SHARED((n_pad, d), jnp.float32)],
    )
    def scat_kernel(hws_hbm, comb_hbm, zeros_hbm, out_hbm,
                    idxb, *rest):
        rows = rest[:_NBUF]
        gsem = rest[_NBUF:2 * _NBUF]
        ssem = rest[2 * _NBUF]
        acc = rest[2 * _NBUF + 1]
        cid = lax.axis_index("c")
        sid = lax.axis_index("s")
        wid = sid * _NC + cid
        pltpu.sync_copy(zeros_hbm.at[pl.ds(sid * rows_per_tile, rows_per_tile)],
                        acc.at[pl.ds(sid * rows_per_tile, rows_per_tile)])
        plsc.subcore_barrier()

        @pl.loop(0, n_blocks)
        def _(i):
            pltpu.sync_copy(comb_hbm.at[wid, i], idxb)
            gd = [None] * blk
            sd = [None] * blk
            for j in range(min(_NBUF, blk)):
                gd[j] = pltpu.async_copy(
                    hws_hbm.at[idxb.at[j, 0]], rows[j % _NBUF],
                    gsem[j % _NBUF])
            for j in range(blk):
                gd[j].wait()
                sd[j] = pltpu.async_copy(
                    rows[j % _NBUF], acc.at[idxb.at[j, 1]], ssem, add=True)
                if j + _NBUF < blk:
                    sd[j].wait()
                    gd[j + _NBUF] = pltpu.async_copy(
                        hws_hbm.at[idxb.at[j + _NBUF, 0]], rows[j % _NBUF],
                        gsem[j % _NBUF])
            for j in range(max(blk - _NBUF, 0), blk):
                sd[j].wait()

        plsc.subcore_barrier()
        pltpu.sync_copy(
            acc.at[pl.ds(sid * rows_per_tile, rows_per_tile)],
            out_hbm.at[cid].at[pl.ds(sid * rows_per_tile, rows_per_tile)])

    return scat_kernel(hws, comb, zeros_init)



def _dinv_body(hist_ref, dinv_ref):
    hist = hist_ref[...]
    deg = lax.dot_general(hist, jnp.ones((hist.shape[0], 1), jnp.float32),
                          (((0,), (0,)), ((), ())),
                          precision=_HP,
                          preferred_element_type=jnp.float32)
    dinv_ref[...] = lax.rsqrt(1.0 + deg)


def _tc_dinv(hist):
    nw, n = hist.shape
    return pl.pallas_call(
        _dinv_body,
        out_shape=jax.ShapeDtypeStruct((n, 1), jnp.float32),
    )(hist)


def _prep0_body(x_ref, w_ref, dinv_ref, hws_ref):
    xw = _ref_dot(x_ref[...], w_ref[...])
    hws_ref[...] = xw * dinv_ref[...]


def _tc_prep0(x, w0, dinv, bn):
    n, d = x.shape
    nb = n // bn
    return pl.pallas_call(
        _prep0_body,
        grid=(nb,),
        in_specs=[
            pl.BlockSpec((bn, d), lambda i: (i, 0)),
            pl.BlockSpec((d, d), lambda i: (0, 0)),
            pl.BlockSpec((bn, 1), lambda i: (i, 0)),
        ],
        out_specs=pl.BlockSpec((bn, d), lambda i: (i, 0)),
        out_shape=jax.ShapeDtypeStruct((n, d), jnp.float32),
    )(x, w0, dinv)


def _layer_body(acc_ref, hws_ref, dinv_ref, b_ref, w_ref, out_ref):
    dinv = dinv_ref[...]
    h = acc_ref[0] + acc_ref[1] + hws_ref[...]
    h = jnp.maximum(dinv * h + b_ref[...], 0.0)
    out_ref[...] = _ref_dot(h, w_ref[...]) * dinv


def _tc_layer(acc, hws, dinv, b_row, w_next, bn):
    n, d = hws.shape
    nb = n // bn
    return pl.pallas_call(
        _layer_body,
        grid=(nb,),
        in_specs=[
            pl.BlockSpec((_NC, bn, d), lambda i: (0, i, 0)),
            pl.BlockSpec((bn, d), lambda i: (i, 0)),
            pl.BlockSpec((bn, 1), lambda i: (i, 0)),
            pl.BlockSpec((1, d), lambda i: (0, 0)),
            pl.BlockSpec((d, d), lambda i: (0, 0)),
        ],
        out_specs=pl.BlockSpec((bn, d), lambda i: (i, 0)),
        out_shape=jax.ShapeDtypeStruct((n, d), jnp.float32),
    )(acc, hws, dinv, b_row, w_next)


def _final_body(g_graphs, acc_ref, hws_ref, dinv_ref, b_ref, batch_ref,
                mw1_ref, mb1_ref, mw2_ref, mb2_ref, out_ref, s_ref, cnt_ref):
    i = pl.program_id(0)

    @pl.when(i == 0)
    def _():
        s_ref[...] = jnp.zeros_like(s_ref)
        cnt_ref[...] = jnp.zeros_like(cnt_ref)

    dinv = dinv_ref[...]
    h = acc_ref[0] + acc_ref[1] + hws_ref[...]
    h = jnp.maximum(dinv * h + b_ref[...], 0.0)
    bt = batch_ref[0]
    bn = h.shape[0]
    g_iota = lax.broadcasted_iota(jnp.int32, (g_graphs, bn), 0)
    pt = (g_iota == bt).astype(jnp.float32)
    s_ref[...] += jnp.dot(pt, h, precision=_HP,
                          preferred_element_type=jnp.float32)
    cnt_ref[...] += jnp.sum(pt, axis=1, keepdims=True)

    @pl.when(i == pl.num_programs(0) - 1)
    def _():
        g = s_ref[...] / jnp.maximum(cnt_ref[...], 1.0)
        z = jnp.maximum(_ref_dot(g, mw1_ref[...]) + mb1_ref[...], 0.0)
        out_ref[...] = _ref_dot(z, mw2_ref[...]) + mb2_ref[...]


def _tc_final(acc, hws, dinv, b_row, batch3, mw1, mb1_row, mw2, mb2_11, bn, g_graphs):
    n, d = hws.shape
    nb = n // bn
    return pl.pallas_call(
        functools.partial(_final_body, g_graphs),
        grid=(nb,),
        in_specs=[
            pl.BlockSpec((_NC, bn, d), lambda i: (0, i, 0)),
            pl.BlockSpec((bn, d), lambda i: (i, 0)),
            pl.BlockSpec((bn, 1), lambda i: (i, 0)),
            pl.BlockSpec((1, d), lambda i: (0, 0)),
            pl.BlockSpec((1, 1, bn), lambda i: (i, 0, 0)),
            pl.BlockSpec((d, d), lambda i: (0, 0)),
            pl.BlockSpec((1, d), lambda i: (0, 0)),
            pl.BlockSpec((d, 1), lambda i: (0, 0)),
            pl.BlockSpec((1, 1), lambda i: (0, 0)),
        ],
        out_specs=pl.BlockSpec((g_graphs, 1), lambda i: (0, 0)),
        out_shape=jax.ShapeDtypeStruct((g_graphs, 1), jnp.float32),
        scratch_shapes=[
            pltpu.VMEM((g_graphs, d), jnp.float32),
            pltpu.VMEM((g_graphs, 1), jnp.float32),
        ],
    )(acc, hws, dinv, b_row, batch3, mw1, mb1_row, mw2, mb2_11)



def kernel(x, edge_index, edge_attr, batch, W0, b0, W1, b1, W2, b2,
           mW1, mb1, mW2, mb2):
    n, d = x.shape
    e = edge_index.shape[1]
    g_graphs = 64
    bn = 1000
    k = 80
    blk = 16
    n_pad0 = ((n + _NS * 8 - 1) // (_NS * 8)) * (_NS * 8)
    e_pad = ((e + _NW * blk * k - 1) // (_NW * blk * k)) * (_NW * blk * k)
    pad_w = (e_pad - e) // _NW
    d_src = jnp.tile(jax.lax.rem(jnp.arange(pad_w, dtype=jnp.int32) * 41,
                                 jnp.int32(n)).reshape(1, pad_w), (_NW, 1))
    d_dst = jnp.tile(n + jax.lax.rem(jnp.arange(pad_w, dtype=jnp.int32),
                                     jnp.int32(n_pad0 - n)).reshape(1, pad_w),
                     (_NW, 1))
    src_p = jnp.concatenate(
        [edge_index[0].reshape(_NW, e // _NW), d_src], axis=1).reshape(-1)
    dst_p = jnp.concatenate(
        [edge_index[1].reshape(_NW, e // _NW), d_dst], axis=1).reshape(-1)
    epw = e_pad // _NW
    c_chunks = epw // k
    n_blocks = c_chunks // blk

    src3 = src_p.reshape(_NW, c_chunks, k)
    dst3 = dst_p.reshape(_NW, c_chunks, k)
    comb = jnp.stack([src3, dst3], axis=2).reshape(_NW, n_blocks, blk, 2, k)
    dst2 = edge_index[1].reshape(_NW, e // _NW)
    batch3 = batch.reshape(n // bn, 1, bn)

    n_pad = ((n + _NS * 8 - 1) // (_NS * 8)) * (_NS * 8)
    zeros_init = jnp.zeros((n_pad, d), jnp.float32)

    hist = _sc_hist(dst2, n)
    dinv = _tc_dinv(hist)
    hws = _tc_prep0(x, W0, dinv, bn)

    acc = _sc_scatter(hws, comb, zeros_init)
    hws = _tc_layer(acc, hws, dinv, b0.reshape(1, d), W1, bn)
    acc = _sc_scatter(hws, comb, zeros_init)
    hws = _tc_layer(acc, hws, dinv, b1.reshape(1, d), W2, bn)
    acc = _sc_scatter(hws, comb, zeros_init)

    return _tc_final(acc, hws, dinv, b2.reshape(1, d), batch3,
                     mW1, mb1.reshape(1, d), mW2, mb2.reshape(1, 1),
                     bn, g_graphs)

# --- scband reference (transcript-rebuilt; emitter-appended) ---
"""Pipeline reference for scband-gcnregressor-27986006901220 (READ-ONLY COPY).

The authoritative reference and input builder live on the scoring server;
editing this copy changes nothing except your own understanding.
"""

import jax, jax.numpy as jnp
import numpy as np

N = 10000
E = 320000
D = 128
H = 128
G = 64


def _glorot(key, fan_in, fan_out):
    s = 1.0 / np.sqrt(fan_in)
    return jax.random.uniform(key, (fan_in, fan_out), jnp.float32, -s, s)


def setup_inputs(seed: int = 0) -> dict:
    key = jax.random.key(seed)
    ks = jax.random.split(key, 16)
    inp = {}
    inp["x"] = jax.random.normal(ks[0], (N, D), dtype=jnp.float32)
    inp["edge_index"] = jax.random.randint(ks[1], (2, E), 0, N, dtype=jnp.int32)
    inp["edge_attr"] = jax.random.normal(ks[2], (E, 4), dtype=jnp.float32)
    inp["batch"] = jnp.sort(jax.random.randint(ks[3], (N,), 0, G, dtype=jnp.int32))
    # GCNConv weights (3 layers)
    inp["W0"] = _glorot(ks[4], D, H)
    inp["b0"] = jnp.zeros((H,), jnp.float32)
    inp["W1"] = _glorot(ks[5], H, H)
    inp["b1"] = jnp.zeros((H,), jnp.float32)
    inp["W2"] = _glorot(ks[6], H, H)
    inp["b2"] = jnp.zeros((H,), jnp.float32)
    # MLP head weights
    inp["mW1"] = _glorot(ks[7], H, H)
    inp["mb1"] = jnp.zeros((H,), jnp.float32)
    inp["mW2"] = _glorot(ks[8], H, 1)
    inp["mb2"] = jnp.zeros((1,), jnp.float32)
    return inp


def reference(x, edge_index, edge_attr, batch, W0, b0, W1, b1, W2, b2, mW1, mb1, mW2, mb2):
    n = x.shape[0]
    loop = jnp.arange(n, dtype=edge_index.dtype)
    src = jnp.concatenate([edge_index[0], loop])
    dst = jnp.concatenate([edge_index[1], loop])
    # symmetric normalization with self-loops (PyG GCNConv, eval mode)
    deg = jnp.zeros((n,), jnp.float32).at[dst].add(1.0)
    dinv = jnp.where(deg > 0, 1.0 / jnp.sqrt(deg), 0.0)
    norm = dinv[src] * dinv[dst]
    h = x
    for W, b in ((W0, b0), (W1, b1), (W2, b2)):
        hw = h @ W
        msg = hw[src] * norm[:, None]
        h = jnp.zeros((n, W.shape[1]), jnp.float32).at[dst].add(msg) + b
        h = jax.nn.relu(h)  # dropout is identity in eval
    # global mean pool over graphs
    s = jax.ops.segment_sum(h, batch, num_segments=G)
    cnt = jax.ops.segment_sum(jnp.ones((n, 1), jnp.float32), batch, num_segments=G)
    g = s / jnp.maximum(cnt, 1.0)
    z = jax.nn.relu(g @ mW1 + mb1)
    return z @ mW2 + mb2

if __name__ == "__main__":
    import jax
    _d = setup_inputs()
    print(jax.jit(kernel)(*tuple(_d.values())))

</pallas_src>

<mosaic_0001>
#map = affine_map<(d0, d1) -> (0, 0)>
#map1 = affine_map<(d0, d1) -> (0, 0, 0, 0, 0)>
#map2 = affine_map<(d0, d1) -> (0, 0, 0)>
module attributes {stable_mosaic.version = 14 : i64} {
  func.func @scat_kernel(%arg0: i32, %arg1: i32, %arg2: memref<10000x128xf32, #tpu.memory_space<hbm>>, %arg3: memref<32x8x16x2x80xi32, #tpu.memory_space<hbm>>, %arg4: memref<10112x128xf32, #tpu.memory_space<hbm>>, %arg5: memref<2x10112x128xf32, #tpu.memory_space<hbm>>, %arg6: memref<16x2x80xi32, #tpu.memory_space<vmem>>, %arg7: memref<80x128xf32, #tpu.memory_space<vmem>>, %arg8: memref<80x128xf32, #tpu.memory_space<vmem>>, %arg9: memref<80x128xf32, #tpu.memory_space<vmem>>, %arg10: memref<80x128xf32, #tpu.memory_space<vmem>>, %arg11: memref<!tpu.dma_semaphore, #tpu.memory_space<semaphore_mem>>, %arg12: memref<!tpu.dma_semaphore, #tpu.memory_space<semaphore_mem>>, %arg13: memref<!tpu.dma_semaphore, #tpu.memory_space<semaphore_mem>>, %arg14: memref<!tpu.dma_semaphore, #tpu.memory_space<semaphore_mem>>, %arg15: memref<!tpu.dma_semaphore, #tpu.memory_space<semaphore_mem>>, %arg16: memref<10112x128xf32, #tpu.memory_space<vmem_shared>>) attributes {dimension_semantics = [#tpu.dimension_semantics<core_parallel>, #tpu.dimension_semantics<subcore_parallel>], iteration_bounds = array<i64: 2, 16>, scalar_prefetch = 0 : i64, scratch_operands = 11 : i64, tpu.core_type = #tpu.core_type<sc_vector_subcore>, window_params = [{transform_indices = #map}, {transform_indices = #map1}, {transform_indices = #map}, {transform_indices = #map2}]} {
    %mul3A = arith.constant 2 : i32
    %mul3A_0 = arith.muli %arg1, %mul3A : i32
    %add3A = arith.addi %mul3A_0, %arg0 : i32
    %mul3A_1 = arith.constant 632 : i32
    %mul3A_2 = arith.muli %arg1, %mul3A_1 : i32
    %mul3A_3 = arith.constant 632 : i32
    %mul3A_4 = arith.muli %arg1, %mul3A_3 : i32
    "tpu.region"() ({
      %run_scoped3A = tpu.sem_alloc : memref<!tpu.dma_semaphore, #tpu.memory_space<semaphore_mem>>
      %dma_start3A = arith.constant 0 : i32
      %dma_start3A_14 = tpu.memref_slice %arg16[%mul3A_4, %dma_start3A] : memref<10112x128xf32, #tpu.memory_space<vmem_shared>> -> memref<632x128xf32, #tpu.memory_space<vmem_shared>>
      %dma_start3A_15 = arith.constant 0 : i32
      %dma_start3A_16 = tpu.memref_slice %arg4[%mul3A_2, %dma_start3A_15] : memref<10112x128xf32, #tpu.memory_space<hbm>> -> memref<632x128xf32, #tpu.memory_space<hbm>>
      tpu.enqueue_dma source(%dma_start3A_16 : memref<632x128xf32, #tpu.memory_space<hbm>>) target(%dma_start3A_14 : memref<632x128xf32, #tpu.memory_space<vmem_shared>>) target_semaphore(%run_scoped3A : memref<!tpu.dma_semaphore, #tpu.memory_space<semaphore_mem>>)
      %dma_wait3A = arith.constant 0 : i32
      %dma_wait3A_17 = tpu.memref_slice %arg16[%mul3A_4, %dma_wait3A] : memref<10112x128xf32, #tpu.memory_space<vmem_shared>> -> memref<632x128xf32, #tpu.memory_space<vmem_shared>>
      %dma_wait3A_18 = arith.constant 0 : i32
      %dma_wait3A_19 = tpu.memref_slice %arg4[%mul3A_2, %dma_wait3A_18] : memref<10112x128xf32, #tpu.memory_space<hbm>> -> memref<632x128xf32, #tpu.memory_space<hbm>>
      tpu.wait_dma2 semaphore(%run_scoped3A : memref<!tpu.dma_semaphore, #tpu.memory_space<semaphore_mem>>) src(%dma_wait3A_19 : memref<632x128xf32, #tpu.memory_space<hbm>>) dst(%dma_wait3A_17 : memref<632x128xf32, #tpu.memory_space<vmem_shared>>)
      tpu.yield
    }) : () -> ()
    %barrier3A = arith.constant 0 : index
    tpu.barrier barrier_id(%barrier3A)
    %scan3A = arith.constant 0 : i32
    %scan3A_5 = arith.constant 8 : i32
    %scan3A_6 = arith.addi %scan3A, %scan3A_5 : i32
    %scan3A_7 = arith.constant 1 : i32
    scf.for %scan3A_14 = %scan3A to %scan3A_6 step %scan3A_7  : i32 {
      %mul3A_15 = arith.constant 1 : i32
      %mul3A_16 = arith.muli %scan3A_14, %mul3A_15 : i32
      %add3A_17 = arith.constant 0 : i32
      %add3A_18 = arith.addi %add3A_17, %mul3A_16 : i32
      "tpu.region"() ({
        %run_scoped3A = tpu.sem_alloc : memref<!tpu.dma_semaphore, #tpu.memory_space<semaphore_mem>>
        %dma_start3A_529 = arith.constant 0 : i32
        %dma_start3A_530 = arith.constant 0 : i32
        %dma_start3A_531 = arith.constant 0 : i32
        %dma_start3A_532 = tpu.memref_slice %arg3[%add3A, %add3A_18, %dma_start3A_529, %dma_start3A_530, %dma_start3A_531] : memref<32x8x16x2x80xi32, #tpu.memory_space<hbm>> -> memref<1x1x16x2x80xi32, #tpu.memory_space<hbm>>
        %dma_start3A_533 = tpu.memref_squeeze %dma_start3A_532 : memref<1x1x16x2x80xi32, #tpu.memory_space<hbm>> -> memref<16x2x80xi32, #tpu.memory_space<hbm>>
        %dma_start3A_534 = arith.constant 0 : i32
        %dma_start3A_535 = arith.constant 0 : i32
        %dma_start3A_536 = arith.constant 0 : i32
        %dma_start3A_537 = tpu.memref_slice %arg3[%add3A, %add3A_18, %dma_start3A_534, %dma_start3A_535, %dma_start3A_536] : memref<32x8x16x2x80xi32, #tpu.memory_space<hbm>> -> memref<1x1x16x2x80xi32, #tpu.memory_space<hbm>>
        %dma_start3A_538 = tpu.memref_squeeze %dma_start3A_537 : memref<1x1x16x2x80xi32, #tpu.memory_space<hbm>> -> memref<16x2x80xi32, #tpu.memory_space<hbm>>
        tpu.enqueue_dma source(%dma_start3A_538 : memref<16x2x80xi32, #tpu.memory_space<hbm>>) target(%arg6 : memref<16x2x80xi32, #tpu.memory_space<vmem>>) target_semaphore(%run_scoped3A : memref<!tpu.dma_semaphore, #tpu.memory_space<semaphore_mem>>)
        %dma_wait3A_539 = arith.constant 0 : i32
        %dma_wait3A_540 = arith.constant 0 : i32
        %dma_wait3A_541 = arith.constant 0 : i32
        %dma_wait3A_542 = tpu.memref_slice %arg3[%add3A, %add3A_18, %dma_wait3A_539, %dma_wait3A_540, %dma_wait3A_541] : memref<32x8x16x2x80xi32, #tpu.memory_space<hbm>> -> memref<1x1x16x2x80xi32, #tpu.memory_space<hbm>>
        %dma_wait3A_543 = tpu.memref_squeeze %dma_wait3A_542 : memref<1x1x16x2x80xi32, #tpu.memory_space<hbm>> -> memref<16x2x80xi32, #tpu.memory_space<hbm>>
        %dma_wait3A_544 = arith.constant 0 : i32
        %dma_wait3A_545 = arith.constant 0 : i32
        %dma_wait3A_546 = arith.constant 0 : i32
        %dma_wait3A_547 = tpu.memref_slice %arg3[%add3A, %add3A_18, %dma_wait3A_544, %dma_wait3A_545, %dma_wait3A_546] : memref<32x8x16x2x80xi32, #tpu.memory_space<hbm>> -> memref<1x1x16x2x80xi32, #tpu.memory_space<hbm>>
        %dma_wait3A_548 = tpu.memref_squeeze %dma_wait3A_547 : memref<1x1x16x2x80xi32, #tpu.memory_space<hbm>> -> memref<16x2x80xi32, #tpu.memory_space<hbm>>
        tpu.wait_dma2 semaphore(%run_scoped3A : memref<!tpu.dma_semaphore, #tpu.memory_space<semaphore_mem>>) src(%dma_wait3A_548 : memref<16x2x80xi32, #tpu.memory_space<hbm>>) dst(%arg6 : memref<16x2x80xi32, #tpu.memory_space<vmem>>)
        tpu.yield
      }) : () -> ()
      %dma_start3A = arith.constant 0 : i32
      %dma_start3A_19 = arith.constant 0 : i32
      %dma_start3A_20 = arith.constant 0 : i32
      %dma_start3A_21 = tpu.memref_slice %arg6[%dma_start3A, %dma_start3A_19, %dma_start3A_20] : memref<16x2x80xi32, #tpu.memory_space<vmem>> -> memref<1x1x80xi32, #tpu.memory_space<vmem>>
      %dma_start3A_22 = tpu.memref_squeeze %dma_start3A_21 : memref<1x1x80xi32, #tpu.memory_space<vmem>> -> memref<80xi32, #tpu.memory_space<vmem>>
      %dma_start3A_23 = arith.constant 0 : i32
      %dma_start3A_24 = arith.constant 0 : i32
      %dma_start3A_25 = tpu.memref_slice %arg2[%dma_start3A_23, %dma_start3A_24] : memref<10000x128xf32, #tpu.memory_space<hbm>> -> memref<10000x128xf32, #tpu.memory_space<hbm>>
      tpu.enqueue_indirect_dma source(%dma_start3A_25 : memref<10000x128xf32, #tpu.memory_space<hbm>>) target(%arg7 : memref<80x128xf32, #tpu.memory_space<vmem>>) offsets(%dma_start3A_22 : memref<80xi32, #tpu.memory_space<vmem>>) semaphore(%arg11 : memref<!tpu.dma_semaphore, #tpu.memory_space<semaphore_mem>>)
      %dma_start3A_26 = arith.constant 1 : i32
      %dma_start3A_27 = arith.constant 0 : i32
      %dma_start3A_28 = arith.constant 0 : i32
      %dma_start3A_29 = tpu.memref_slice %arg6[%dma_start3A_26, %dma_start3A_27, %dma_start3A_28] : memref<16x2x80xi32, #tpu.memory_space<vmem>> -> memref<1x1x80xi32, #tpu.memory_space<vmem>>
      %dma_start3A_30 = tpu.memref_squeeze %dma_start3A_29 : memref<1x1x80xi32, #tpu.memory_space<vmem>> -> memref<80xi32, #tpu.memory_space<vmem>>
      %dma_start3A_31 = arith.constant 0 : i32
      %dma_start3A_32 = arith.constant 0 : i32
      %dma_start3A_33 = tpu.memref_slice %arg2[%dma_start3A_31, %dma_start3A_32] : memref<10000x128xf32, #tpu.memory_space<hbm>> -> memref<10000x128xf32, #tpu.memory_space<hbm>>
      tpu.enqueue_indirect_dma source(%dma_start3A_33 : memref<10000x128xf32, #tpu.memory_space<hbm>>) target(%arg8 : memref<80x128xf32, #tpu.memory_space<vmem>>) offsets(%dma_start3A_30 : memref<80xi32, #tpu.memory_space<vmem>>) semaphore(%arg12 : memref<!tpu.dma_semaphore, #tpu.memory_space<semaphore_mem>>)
      %dma_start3A_34 = arith.constant 2 : i32
      %dma_start3A_35 = arith.constant 0 : i32
      %dma_start3A_36 = arith.constant 0 : i32
      %dma_start3A_37 = tpu.memref_slice %arg6[%dma_start3A_34, %dma_start3A_35, %dma_start3A_36] : memref<16x2x80xi32, #tpu.memory_space<vmem>> -> memref<1x1x80xi32, #tpu.memory_space<vmem>>
      %dma_start3A_38 = tpu.memref_squeeze %dma_start3A_37 : memref<1x1x80xi32, #tpu.memory_space<vmem>> -> memref<80xi32, #tpu.memory_space<vmem>>
      %dma_start3A_39 = arith.constant 0 : i32
      %dma_start3A_40 = arith.constant 0 : i32
      %dma_start3A_41 = tpu.memref_slice %arg2[%dma_start3A_39, %dma_start3A_40] : memref<10000x128xf32, #tpu.memory_space<hbm>> -> memref<10000x128xf32, #tpu.memory_space<hbm>>
      tpu.enqueue_indirect_dma source(%dma_start3A_41 : memref<10000x128xf32, #tpu.memory_space<hbm>>) target(%arg9 : memref<80x128xf32, #tpu.memory_space<vmem>>) offsets(%dma_start3A_38 : memref<80xi32, #tpu.memory_space<vmem>>) semaphore(%arg13 : memref<!tpu.dma_semaphore, #tpu.memory_space<semaphore_mem>>)
      %dma_start3A_42 = arith.constant 3 : i32
      %dma_start3A_43 = arith.constant 0 : i32
      %dma_start3A_44 = arith.constant 0 : i32
      %dma_start3A_45 = tpu.memref_slice %arg6[%dma_start3A_42, %dma_start3A_43, %dma_start3A_44] : memref<16x2x80xi32, #tpu.memory_space<vmem>> -> memref<1x1x80xi32, #tpu.memory_space<vmem>>
      %dma_start3A_46 = tpu.memref_squeeze %dma_start3A_45 : memref<1x1x80xi32, #tpu.memory_space<vmem>> -> memref<80xi32, #tpu.memory_space<vmem>>
      %dma_start3A_47 = arith.constant 0 : i32
      %dma_start3A_48 = arith.constant 0 : i32
      %dma_start3A_49 = tpu.memref_slice %arg2[%dma_start3A_47, %dma_start3A_48] : memref<10000x128xf32, #tpu.memory_space<hbm>> -> memref<10000x128xf32, #tpu.memory_space<hbm>>
      tpu.enqueue_indirect_dma source(%dma_start3A_49 : memref<10000x128xf32, #tpu.memory_space<hbm>>) target(%arg10 : memref<80x128xf32, #tpu.memory_space<vmem>>) offsets(%dma_start3A_46 : memref<80xi32, #tpu.memory_space<vmem>>) semaphore(%arg14 : memref<!tpu.dma_semaphore, #tpu.memory_space<semaphore_mem>>)
      %dma_wait3A = arith.constant 0 : i32
      %dma_wait3A_50 = arith.constant 0 : i32
      %dma_wait3A_51 = arith.constant 0 : i32
      %dma_wait3A_52 = tpu.memref_slice %arg6[%dma_wait3A, %dma_wait3A_50, %dma_wait3A_51] : memref<16x2x80xi32, #tpu.memory_space<vmem>> -> memref<1x1x80xi32, #tpu.memory_space<vmem>>
      %dma_wait3A_53 = tpu.memref_squeeze %dma_wait3A_52 : memref<1x1x80xi32, #tpu.memory_space<vmem>> -> memref<80xi32, #tpu.memory_space<vmem>>
      %dma_wait3A_54 = arith.constant 0 : i32
      %dma_wait3A_55 = arith.constant 0 : i32
      %dma_wait3A_56 = tpu.memref_slice %arg2[%dma_wait3A_54, %dma_wait3A_55] : memref<10000x128xf32, #tpu.memory_space<hbm>> -> memref<10000x128xf32, #tpu.memory_space<hbm>>
      tpu.wait_indirect_dma semaphore(%arg11 : memref<!tpu.dma_semaphore, #tpu.memory_space<semaphore_mem>>) src(%dma_wait3A_56 : memref<10000x128xf32, #tpu.memory_space<hbm>>) dst(%arg7 : memref<80x128xf32, #tpu.memory_space<vmem>>)
      %dma_start3A_57 = arith.constant 0 : i32
      %dma_start3A_58 = arith.constant 1 : i32
      %dma_start3A_59 = arith.constant 0 : i32
      %dma_start3A_60 = tpu.memref_slice %arg6[%dma_start3A_57, %dma_start3A_58, %dma_start3A_59] : memref<16x2x80xi32, #tpu.memory_space<vmem>> -> memref<1x1x80xi32, #tpu.memory_space<vmem>>
      %dma_start3A_61 = tpu.memref_squeeze %dma_start3A_60 : memref<1x1x80xi32, #tpu.memory_space<vmem>> -> memref<80xi32, #tpu.memory_space<vmem>>
      %dma_start3A_62 = arith.constant 0 : i32
      %dma_start3A_63 = arith.constant 0 : i32
      %dma_start3A_64 = tpu.memref_slice %arg16[%dma_start3A_62, %dma_start3A_63] : memref<10112x128xf32, #tpu.memory_space<vmem_shared>> -> memref<10112x128xf32, #tpu.memory_space<vmem_shared>>
      tpu.enqueue_indirect_dma source(%arg7 : memref<80x128xf32, #tpu.memory_space<vmem>>) target(%dma_start3A_64 : memref<10112x128xf32, #tpu.memory_space<vmem_shared>>) offsets(%dma_start3A_61 : memref<80xi32, #tpu.memory_space<vmem>>) semaphore(%arg15 : memref<!tpu.dma_semaphore, #tpu.memory_space<semaphore_mem>>) {add = true}
      %dma_wait3A_65 = arith.constant 0 : i32
      %dma_wait3A_66 = arith.constant 1 : i32
      %dma_wait3A_67 = arith.constant 0 : i32
      %dma_wait3A_68 = tpu.memref_slice %arg6[%dma_wait3A_65, %dma_wait3A_66, %dma_wait3A_67] : memref<16x2x80xi32, #tpu.memory_space<vmem>> -> memref<1x1x80xi32, #tpu.memory_space<vmem>>
      %dma_wait3A_69 = tpu.memref_squeeze %dma_wait3A_68 : memref<1x1x80xi32, #tpu.memory_space<vmem>> -> memref<80xi32, #tpu.memory_space<vmem>>
      %dma_wait3A_70 = arith.constant 0 : i32
      %dma_wait3A_71 = arith.constant 0 : i32
      %dma_wait3A_72 = tpu.memref_slice %arg16[%dma_wait3A_70, %dma_wait3A_71] : memref<10112x128xf32, #tpu.memory_space<vmem_shared>> -> memref<10112x128xf32, #tpu.memory_space<vmem_shared>>
      tpu.wait_indirect_dma semaphore(%arg15 : memref<!tpu.dma_semaphore, #tpu.memory_space<semaphore_mem>>) src(%arg7 : memref<80x128xf32, #tpu.memory_space<vmem>>) dst(%dma_wait3A_72 : memref<10112x128xf32, #tpu.memory_space<vmem_shared>>)
      %dma_start3A_73 = arith.constant 4 : i32
      %dma_start3A_74 = arith.constant 0 : i32
      %dma_start3A_75 = arith.constant 0 : i32
      %dma_start3A_76 = tpu.memref_slice %arg6[%dma_start3A_73, %dma_start3A_74, %dma_start3A_75] : memref<16x2x80xi32, #tpu.memory_space<vmem>> -> memref<1x1x80xi32, #tpu.memory_space<vmem>>
      %dma_start3A_77 = tpu.memref_squeeze %dma_start3A_76 : memref<1x1x80xi32, #tpu.memory_space<vmem>> -> memref<80xi32, #tpu.memory_space<vmem>>
      %dma_start3A_78 = arith.constant 0 : i32
      %dma_start3A_79 = arith.constant 0 : i32
      %dma_start3A_80 = tpu.memref_slice %arg2[%dma_start3A_78, %dma_start3A_79] : memref<10000x128xf32, #tpu.memory_space<hbm>> -> memref<10000x128xf32, #tpu.memory_space<hbm>>
      tpu.enqueue_indirect_dma source(%dma_start3A_80 : memref<10000x128xf32, #tpu.memory_space<hbm>>) target(%arg7 : memref<80x128xf32, #tpu.memory_space<vmem>>) offsets(%dma_start3A_77 : memref<80xi32, #tpu.memory_space<vmem>>) semaphore(%arg11 : memref<!tpu.dma_semaphore, #tpu.memory_space<semaphore_mem>>)
      %dma_wait3A_81 = arith.constant 1 : i32
      %dma_wait3A_82 = arith.constant 0 : i32
      %dma_wait3A_83 = arith.constant 0 : i32
      %dma_wait3A_84 = tpu.memref_slice %arg6[%dma_wait3A_81, %dma_wait3A_82, %dma_wait3A_83] : memref<16x2x80xi32, #tpu.memory_space<vmem>> -> memref<1x1x80xi32, #tpu.memory_space<vmem>>
      %dma_wait3A_85 = tpu.memref_squeeze %dma_wait3A_84 : memref<1x1x80xi32, #tpu.memory_space<vmem>> -> memref<80xi32, #tpu.memory_space<vmem>>
      %dma_wait3A_86 = arith.constant 0 : i32
      %dma_wait3A_87 = arith.constant 0 : i32
      %dma_wait3A_88 = tpu.memref_slice %arg2[%dma_wait3A_86, %dma_wait3A_87] : memref<10000x128xf32, #tpu.memory_space<hbm>> -> memref<10000x128xf32, #tpu.memory_space<hbm>>
      tpu.wait_indirect_dma semaphore(%arg12 : memref<!tpu.dma_semaphore, #tpu.memory_space<semaphore_mem>>) src(%dma_wait3A_88 : memref<10000x128xf32, #tpu.memory_space<hbm>>) dst(%arg8 : memref<80x128xf32, #tpu.memory_space<vmem>>)
      %dma_start3A_89 = arith.constant 1 : i32
      %dma_start3A_90 = arith.constant 1 : i32
      %dma_start3A_91 = arith.constant 0 : i32
      %dma_start3A_92 = tpu.memref_slice %arg6[%dma_start3A_89, %dma_start3A_90, %dma_start3A_91] : memref<16x2x80xi32, #tpu.memory_space<vmem>> -> memref<1x1x80xi32, #tpu.memory_space<vmem>>
      %dma_start3A_93 = tpu.memref_squeeze %dma_start3A_92 : memref<1x1x80xi32, #tpu.memory_space<vmem>> -> memref<80xi32, #tpu.memory_space<vmem>>
      %dma_start3A_94 = arith.constant 0 : i32
      %dma_start3A_95 = arith.constant 0 : i32
      %dma_start3A_96 = tpu.memref_slice %arg16[%dma_start3A_94, %dma_start3A_95] : memref<10112x128xf32, #tpu.memory_space<vmem_shared>> -> memref<10112x128xf32, #tpu.memory_space<vmem_shared>>
      tpu.enqueue_indirect_dma source(%arg8 : memref<80x128xf32, #tpu.memory_space<vmem>>) target(%dma_start3A_96 : memref<10112x128xf32, #tpu.memory_space<vmem_shared>>) offsets(%dma_start3A_93 : memref<80xi32, #tpu.memory_space<vmem>>) semaphore(%arg15 : memref<!tpu.dma_semaphore, #tpu.memory_space<semaphore_mem>>) {add = true}
      %dma_wait3A_97 = arith.constant 1 : i32
      %dma_wait3A_98 = arith.constant 1 : i32
      %dma_wait3A_99 = arith.constant 0 : i32
      %dma_wait3A_100 = tpu.memref_slice %arg6[%dma_wait3A_97, %dma_wait3A_98, %dma_wait3A_99] : memref<16x2x80xi32, #tpu.memory_space<vmem>> -> memref<1x1x80xi32, #tpu.memory_space<vmem>>
      %dma_wait3A_101 = tpu.memref_squeeze %dma_wait3A_100 : memref<1x1x80xi32, #tpu.memory_space<vmem>> -> memref<80xi32, #tpu.memory_space<vmem>>
      %dma_wait3A_102 = arith.constant 0 : i32
      %dma_wait3A_103 = arith.constant 0 : i32
      %dma_wait3A_104 = tpu.memref_slice %arg16[%dma_wait3A_102, %dma_wait3A_103] : memref<10112x128xf32, #tpu.memory_space<vmem_shared>> -> memref<10112x128xf32, #tpu.memory_space<vmem_shared>>
      tpu.wait_indirect_dma semaphore(%arg15 : memref<!tpu.dma_semaphore, #tpu.memory_space<semaphore_mem>>) src(%arg8 : memref<80x128xf32, #tpu.memory_space<vmem>>) dst(%dma_wait3A_104 : memref<10112x128xf32, #tpu.memory_space<vmem_shared>>)
      %dma_start3A_105 = arith.constant 5 : i32
      %dma_start3A_106 = arith.constant 0 : i32
      %dma_start3A_107 = arith.constant 0 : i32
      %dma_start3A_108 = tpu.memref_slice %arg6[%dma_start3A_105, %dma_start3A_106, %dma_start3A_107] : memref<16x2x80xi32, #tpu.memory_space<vmem>> -> memref<1x1x80xi32, #tpu.memory_space<vmem>>
      %dma_start3A_109 = tpu.memref_squeeze %dma_start3A_108 : memref<1x1x80xi32, #tpu.memory_space<vmem>> -> memref<80xi32, #tpu.memory_space<vmem>>
      %dma_start3A_110 = arith.constant 0 : i32
      %dma_start3A_111 = arith.constant 0 : i32
      %dma_start3A_112 = tpu.memref_slice %arg2[%dma_start3A_110, %dma_start3A_111] : memref<10000x128xf32, #tpu.memory_space<hbm>> -> memref<10000x128xf32, #tpu.memory_space<hbm>>
      tpu.enqueue_indirect_dma source(%dma_start3A_112 : memref<10000x128xf32, #tpu.memory_space<hbm>>) target(%arg8 : memref<80x128xf32, #tpu.memory_space<vmem>>) offsets(%dma_start3A_109 : memref<80xi32, #tpu.memory_space<vmem>>) semaphore(%arg12 : memref<!tpu.dma_semaphore, #tpu.memory_space<semaphore_mem>>)
      %dma_wait3A_113 = arith.constant 2 : i32
      %dma_wait3A_114 = arith.constant 0 : i32
      %dma_wait3A_115 = arith.constant 0 : i32
      %dma_wait3A_116 = tpu.memref_slice %arg6[%dma_wait3A_113, %dma_wait3A_114, %dma_wait3A_115] : memref<16x2x80xi32, #tpu.memory_space<vmem>> -> memref<1x1x80xi32, #tpu.memory_space<vmem>>
      %dma_wait3A_117 = tpu.memref_squeeze %dma_wait3A_116 : memref<1x1x80xi32, #tpu.memory_space<vmem>> -> memref<80xi32, #tpu.memory_space<vmem>>
      %dma_wait3A_118 = arith.constant 0 : i32
      %dma_wait3A_119 = arith.constant 0 : i32
      %dma_wait3A_120 = tpu.memref_slice %arg2[%dma_wait3A_118, %dma_wait3A_119] : memref<10000x128xf32, #tpu.memory_space<hbm>> -> memref<10000x128xf32, #tpu.memory_space<hbm>>
      tpu.wait_indirect_dma semaphore(%arg13 : memref<!tpu.dma_semaphore, #tpu.memory_space<semaphore_mem>>) src(%dma_wait3A_120 : memref<10000x128xf32, #tpu.memory_space<hbm>>) dst(%arg9 : memref<80x128xf32, #tpu.memory_space<vmem>>)
      %dma_start3A_121 = arith.constant 2 : i32
      %dma_start3A_122 = arith.constant 1 : i32
      %dma_start3A_123 = arith.constant 0 : i32
      %dma_start3A_124 = tpu.memref_slice %arg6[%dma_start3A_121, %dma_start3A_122, %dma_start3A_123] : memref<16x2x80xi32, #tpu.memory_space<vmem>> -> memref<1x1x80xi32, #tpu.memory_space<vmem>>
      %dma_start3A_125 = tpu.memref_squeeze %dma_start3A_124 : memref<1x1x80xi32, #tpu.memory_space<vmem>> -> memref<80xi32, #tpu.memory_space<vmem>>
      %dma_start3A_126 = arith.constant 0 : i32
      %dma_start3A_127 = arith.constant 0 : i32
      %dma_start3A_128 = tpu.memref_slice %arg16[%dma_start3A_126, %dma_start3A_127] : memref<10112x128xf32, #tpu.memory_space<vmem_shared>> -> memref<10112x128xf32, #tpu.memory_space<vmem_shared>>
      tpu.enqueue_indirect_dma source(%arg9 : memref<80x128xf32, #tpu.memory_space<vmem>>) target(%dma_start3A_128 : memref<10112x128xf32, #tpu.memory_space<vmem_shared>>) offsets(%dma_start3A_125 : memref<80xi32, #tpu.memory_space<vmem>>) semaphore(%arg15 : memref<!tpu.dma_semaphore, #tpu.memory_space<semaphore_mem>>) {add = true}
      %dma_wait3A_129 = arith.constant 2 : i32
      %dma_wait3A_130 = arith.constant 1 : i32
      %dma_wait3A_131 = arith.constant 0 : i32
      %dma_wait3A_132 = tpu.memref_slice %arg6[%dma_wait3A_129, %dma_wait3A_130, %dma_wait3A_131] : memref<16x2x80xi32, #tpu.memory_space<vmem>> -> memref<1x1x80xi32, #tpu.memory_space<vmem>>
      %dma_wait3A_133 = tpu.memref_squeeze %dma_wait3A_132 : memref<1x1x80xi32, #tpu.memory_space<vmem>> -> memref<80xi32, #tpu.memory_space<vmem>>
      %dma_wait3A_134 = arith.constant 0 : i32
      %dma_wait3A_135 = arith.constant 0 : i32
      %dma_wait3A_136 = tpu.memref_slice %arg16[%dma_wait3A_134, %dma_wait3A_135] : memref<10112x128xf32, #tpu.memory_space<vmem_shared>> -> memref<10112x128xf32, #tpu.memory_space<vmem_shared>>
      tpu.wait_indirect_dma semaphore(%arg15 : memref<!tpu.dma_semaphore, #tpu.memory_space<semaphore_mem>>) src(%arg9 : memref<80x128xf32, #tpu.memory_space<vmem>>) dst(%dma_wait3A_136 : memref<10112x128xf32, #tpu.memory_space<vmem_shared>>)
      %dma_start3A_137 = arith.constant 6 : i32
      %dma_start3A_138 = arith.constant 0 : i32
      %dma_start3A_139 = arith.constant 0 : i32
      %dma_start3A_140 = tpu.memref_slice %arg6[%dma_start3A_137, %dma_start3A_138, %dma_start3A_139] : memref<16x2x80xi32, #tpu.memory_space<vmem>> -> memref<1x1x80xi32, #tpu.memory_space<vmem>>
      %dma_start3A_141 = tpu.memref_squeeze %dma_start3A_140 : memref<1x1x80xi32, #tpu.memory_space<vmem>> -> memref<80xi32, #tpu.memory_space<vmem>>
      %dma_start3A_142 = arith.constant 0 : i32
      %dma_start3A_143 = arith.constant 0 : i32
      %dma_start3A_144 = tpu.memref_slice %arg2[%dma_start3A_142, %dma_start3A_143] : memref<10000x128xf32, #tpu.memory_space<hbm>> -> memref<10000x128xf32, #tpu.memory_space<hbm>>
      tpu.enqueue_indirect_dma source(%dma_start3A_144 : memref<10000x128xf32, #tpu.memory_space<hbm>>) target(%arg9 : memref<80x128xf32, #tpu.memory_space<vmem>>) offsets(%dma_start3A_141 : memref<80xi32, #tpu.memory_space<vmem>>) semaphore(%arg13 : memref<!tpu.dma_semaphore, #tpu.memory_space<semaphore_mem>>)
      %dma_wait3A_145 = arith.constant 3 : i32
      %dma_wait3A_146 = arith.constant 0 : i32
      %dma_wait3A_147 = arith.constant 0 : i32
      %dma_wait3A_148 = tpu.memref_slice %arg6[%dma_wait3A_145, %dma_wait3A_146, %dma_wait3A_147] : memref<16x2x80xi32, #tpu.memory_space<vmem>> -> memref<1x1x80xi32, #tpu.memory_space<vmem>>
      %dma_wait3A_149 = tpu.memref_squeeze %dma_wait3A_148 : memref<1x1x80xi32, #tpu.memory_space<vmem>> -> memref<80xi32, #tpu.memory_space<vmem>>
      %dma_wait3A_150 = arith.constant 0 : i32
      %dma_wait3A_151 = arith.constant 0 : i32
      %dma_wait3A_152 = tpu.memref_slice %arg2[%dma_wait3A_150, %dma_wait3A_151] : memref<10000x128xf32, #tpu.memory_space<hbm>> -> memref<10000x128xf32, #tpu.memory_space<hbm>>
      tpu.wait_indirect_dma semaphore(%arg14 : memref<!tpu.dma_semaphore, #tpu.memory_space<semaphore_mem>>) src(%dma_wait3A_152 : memref<10000x128xf32, #tpu.memory_space<hbm>>) dst(%arg10 : memref<80x128xf32, #tpu.memory_space<vmem>>)
      %dma_start3A_153 = arith.constant 3 : i32
      %dma_start3A_154 = arith.constant 1 : i32
      %dma_start3A_155 = arith.constant 0 : i32
      %dma_start3A_156 = tpu.memref_slice %arg6[%dma_start3A_153, %dma_start3A_154, %dma_start3A_155] : memref<16x2x80xi32, #tpu.memory_space<vmem>> -> memref<1x1x80xi32, #tpu.memory_space<vmem>>
      %dma_start3A_157 = tpu.memref_squeeze %dma_start3A_156 : memref<1x1x80xi32, #tpu.memory_space<vmem>> -> memref<80xi32, #tpu.memory_space<vmem>>
      %dma_start3A_158 = arith.constant 0 : i32
      %dma_start3A_159 = arith.constant 0 : i32
      %dma_start3A_160 = tpu.memref_slice %arg16[%dma_start3A_158, %dma_start3A_159] : memref<10112x128xf32, #tpu.memory_space<vmem_shared>> -> memref<10112x128xf32, #tpu.memory_space<vmem_shared>>
      tpu.enqueue_indirect_dma source(%arg10 : memref<80x128xf32, #tpu.memory_space<vmem>>) target(%dma_start3A_160 : memref<10112x128xf32, #tpu.memory_space<vmem_shared>>) offsets(%dma_start3A_157 : memref<80xi32, #tpu.memory_space<vmem>>) semaphore(%arg15 : memref<!tpu.dma_semaphore, #tpu.memory_space<semaphore_mem>>) {add = true}
      %dma_wait3A_161 = arith.constant 3 : i32
      %dma_wait3A_162 = arith.constant 1 : i32
      %dma_wait3A_163 = arith.constant 0 : i32
      %dma_wait3A_164 = tpu.memref_slice %arg6[%dma_wait3A_161, %dma_wait3A_162, %dma_wait3A_163] : memref<16x2x80xi32, #tpu.memory_space<vmem>> -> memref<1x1x80xi32, #tpu.memory_space<vmem>>
      %dma_wait3A_165 = tpu.memref_squeeze %dma_wait3A_164 : memref<1x1x80xi32, #tpu.memory_space<vmem>> -> memref<80xi32, #tpu.memory_space<vmem>>
      %dma_wait3A_166 = arith.constant 0 : i32
      %dma_wait3A_167 = arith.constant 0 : i32
      %dma_wait3A_168 = tpu.memref_slice %arg16[%dma_wait3A_166, %dma_wait3A_167] : memref<10112x128xf32, #tpu.memory_space<vmem_shared>> -> memref<10112x128xf32, #tpu.memory_space<vmem_shared>>
      tpu.wait_indirect_dma semaphore(%arg15 : memref<!tpu.dma_semaphore, #tpu.memory_space<semaphore_mem>>) src(%arg10 : memref<80x128xf32, #tpu.memory_space<vmem>>) dst(%dma_wait3A_168 : memref<10112x128xf32, #tpu.memory_space<vmem_shared>>)
      %dma_start3A_169 = arith.constant 7 : i32
      %dma_start3A_170 = arith.constant 0 : i32
      %dma_start3A_171 = arith.constant 0 : i32
      %dma_start3A_172 = tpu.memref_slice %arg6[%dma_start3A_169, %dma_start3A_170, %dma_start3A_171] : memref<16x2x80xi32, #tpu.memory_space<vmem>> -> memref<1x1x80xi32, #tpu.memory_space<vmem>>
      %dma_start3A_173 = tpu.memref_squeeze %dma_start3A_172 : memref<1x1x80xi32, #tpu.memory_space<vmem>> -> memref<80xi32, #tpu.memory_space<vmem>>
      %dma_start3A_174 = arith.constant 0 : i32
      %dma_start3A_175 = arith.constant 0 : i32
      %dma_start3A_176 = tpu.memref_slice %arg2[%dma_start3A_174, %dma_start3A_175] : memref<10000x128xf32, #tpu.memory_space<hbm>> -> memref<10000x128xf32, #tpu.memory_space<hbm>>
      tpu.enqueue_indirect_dma source(%dma_start3A_176 : memref<10000x128xf32, #tpu.memory_space<hbm>>) target(%arg10 : memref<80x128xf32, #tpu.memory_space<vmem>>) offsets(%dma_start3A_173 : memref<80xi32, #tpu.memory_space<vmem>>) semaphore(%arg14 : memref<!tpu.dma_semaphore, #tpu.memory_space<semaphore_mem>>)
      %dma_wait3A_177 = arith.constant 4 : i32
      %dma_wait3A_178 = arith.constant 0 : i32
      %dma_wait3A_179 = arith.constant 0 : i32
      %dma_wait3A_180 = tpu.memref_slice %arg6[%dma_wait3A_177, %dma_wait3A_178, %dma_wait3A_179] : memref<16x2x80xi32, #tpu.memory_space<vmem>> -> memref<1x1x80xi32, #tpu.memory_space<vmem>>
      %dma_wait3A_181 = tpu.memref_squeeze %dma_wait3A_180 : memref<1x1x80xi32, #tpu.memory_space<vmem>> -> memref<80xi32, #tpu.memory_space<vmem>>
      %dma_wait3A_182 = arith.constant 0 : i32
      %dma_wait3A_183 = arith.constant 0 : i32
      %dma_wait3A_184 = tpu.memref_slice %arg2[%dma_wait3A_182, %dma_wait3A_183] : memref<10000x128xf32, #tpu.memory_space<hbm>> -> memref<10000x128xf32, #tpu.memory_space<hbm>>
      tpu.wait_indirect_dma semaphore(%arg11 : memref<!tpu.dma_semaphore, #tpu.memory_space<semaphore_mem>>) src(%dma_wait3A_184 : memref<10000x128xf32, #tpu.memory_space<hbm>>) dst(%arg7 : memref<80x128xf32, #tpu.memory_space<vmem>>)
      %dma_start3A_185 = arith.constant 4 : i32
      %dma_start3A_186 = arith.constant 1 : i32
      %dma_start3A_187 = arith.constant 0 : i32
      %dma_start3A_188 = tpu.memref_slice %arg6[%dma_start3A_185, %dma_start3A_186, %dma_start3A_187] : memref<16x2x80xi32, #tpu.memory_space<vmem>> -> memref<1x1x80xi32, #tpu.memory_space<vmem>>
      %dma_start3A_189 = tpu.memref_squeeze %dma_start3A_188 : memref<1x1x80xi32, #tpu.memory_space<vmem>> -> memref<80xi32, #tpu.memory_space<vmem>>
      %dma_start3A_190 = arith.constant 0 : i32
      %dma_start3A_191 = arith.constant 0 : i32
      %dma_start3A_192 = tpu.memref_slice %arg16[%dma_start3A_190, %dma_start3A_191] : memref<10112x128xf32, #tpu.memory_space<vmem_shared>> -> memref<10112x128xf32, #tpu.memory_space<vmem_shared>>
      tpu.enqueue_indirect_dma source(%arg7 : memref<80x128xf32, #tpu.memory_space<vmem>>) target(%dma_start3A_192 : memref<10112x128xf32, #tpu.memory_space<vmem_shared>>) offsets(%dma_start3A_189 : memref<80xi32, #tpu.memory_space<vmem>>) semaphore(%arg15 : memref<!tpu.dma_semaphore, #tpu.memory_space<semaphore_mem>>) {add = true}
      %dma_wait3A_193 = arith.constant 4 : i32
      %dma_wait3A_194 = arith.constant 1 : i32
      %dma_wait3A_195 = arith.constant 0 : i32
      %dma_wait3A_196 = tpu.memref_slice %arg6[%dma_wait3A_193, %dma_wait3A_194, %dma_wait3A_195] : memref<16x2x80xi32, #tpu.memory_space<vmem>> -> memref<1x1x80xi32, #tpu.memory_space<vmem>>
      %dma_wait3A_197 = tpu.memref_squeeze %dma_wait3A_196 : memref<1x1x80xi32, #tpu.memory_space<vmem>> -> memref<80xi32, #tpu.memory_space<vmem>>
      %dma_wait3A_198 = arith.constant 0 : i32
      %dma_wait3A_199 = arith.constant 0 : i32
      %dma_wait3A_200 = tpu.memref_slice %arg16[%dma_wait3A_198, %dma_wait3A_199] : memref<10112x128xf32, #tpu.memory_space<vmem_shared>> -> memref<10112x128xf32, #tpu.memory_space<vmem_shared>>
      tpu.wait_indirect_dma semaphore(%arg15 : memref<!tpu.dma_semaphore, #tpu.memory_space<semaphore_mem>>) src(%arg7 : memref<80x128xf32, #tpu.memory_space<vmem>>) dst(%dma_wait3A_200 : memref<10112x128xf32, #tpu.memory_space<vmem_shared>>)
      %dma_start3A_201 = arith.constant 8 : i32
      %dma_start3A_202 = arith.constant 0 : i32
      %dma_start3A_203 = arith.constant 0 : i32
      %dma_start3A_204 = tpu.memref_slice %arg6[%dma_start3A_201, %dma_start3A_202, %dma_start3A_203] : memref<16x2x80xi32, #tpu.memory_space<vmem>> -> memref<1x1x80xi32, #tpu.memory_space<vmem>>
      %dma_start3A_205 = tpu.memref_squeeze %dma_start3A_204 : memref<1x1x80xi32, #tpu.memory_space<vmem>> -> memref<80xi32, #tpu.memory_space<vmem>>
      %dma_start3A_206 = arith.constant 0 : i32
      %dma_start3A_207 = arith.constant 0 : i32
      %dma_start3A_208 = tpu.memref_slice %arg2[%dma_start3A_206, %dma_start3A_207] : memref<10000x128xf32, #tpu.memory_space<hbm>> -> memref<10000x128xf32, #tpu.memory_space<hbm>>
      tpu.enqueue_indirect_dma source(%dma_start3A_208 : memref<10000x128xf32, #tpu.memory_space<hbm>>) target(%arg7 : memref<80x128xf32, #tpu.memory_space<vmem>>) offsets(%dma_start3A_205 : memref<80xi32, #tpu.memory_space<vmem>>) semaphore(%arg11 : memref<!tpu.dma_semaphore, #tpu.memory_space<semaphore_mem>>)
      %dma_wait3A_209 = arith.constant 5 : i32
      %dma_wait3A_210 = arith.constant 0 : i32
      %dma_wait3A_211 = arith.constant 0 : i32
      %dma_wait3A_212 = tpu.memref_slice %arg6[%dma_wait3A_209, %dma_wait3A_210, %dma_wait3A_211] : memref<16x2x80xi32, #tpu.memory_space<vmem>> -> memref<1x1x80xi32, #tpu.memory_space<vmem>>
      %dma_wait3A_213 = tpu.memref_squeeze %dma_wait3A_212 : memref<1x1x80xi32, #tpu.memory_space<vmem>> -> memref<80xi32, #tpu.memory_space<vmem>>
      %dma_wait3A_214 = arith.constant 0 : i32
      %dma_wait3A_215 = arith.constant 0 : i32
      %dma_wait3A_216 = tpu.memref_slice %arg2[%dma_wait3A_214, %dma_wait3A_215] : memref<10000x128xf32, #tpu.memory_space<hbm>> -> memref<10000x128xf32, #tpu.memory_space<hbm>>
      tpu.wait_indirect_dma semaphore(%arg12 : memref<!tpu.dma_semaphore, #tpu.memory_space<semaphore_mem>>) src(%dma_wait3A_216 : memref<10000x128xf32, #tpu.memory_space<hbm>>) dst(%arg8 : memref<80x128xf32, #tpu.memory_space<vmem>>)
      %dma_start3A_217 = arith.constant 5 : i32
      %dma_start3A_218 = arith.constant 1 : i32
      %dma_start3A_219 = arith.constant 0 : i32
      %dma_start3A_220 = tpu.memref_slice %arg6[%dma_start3A_217, %dma_start3A_218, %dma_start3A_219] : memref<16x2x80xi32, #tpu.memory_space<vmem>> -> memref<1x1x80xi32, #tpu.memory_space<vmem>>
      %dma_start3A_221 = tpu.memref_squeeze %dma_start3A_220 : memref<1x1x80xi32, #tpu.memory_space<vmem>> -> memref<80xi32, #tpu.memory_space<vmem>>
      %dma_start3A_222 = arith.constant 0 : i32
      %dma_start3A_223 = arith.constant 0 : i32
      %dma_start3A_224 = tpu.memref_slice %arg16[%dma_start3A_222, %dma_start3A_223] : memref<10112x128xf32, #tpu.memory_space<vmem_shared>> -> memref<10112x128xf32, #tpu.memory_space<vmem_shared>>
      tpu.enqueue_indirect_dma source(%arg8 : memref<80x128xf32, #tpu.memory_space<vmem>>) target(%dma_start3A_224 : memref<10112x128xf32, #tpu.memory_space<vmem_shared>>) offsets(%dma_start3A_221 : memref<80xi32, #tpu.memory_space<vmem>>) semaphore(%arg15 : memref<!tpu.dma_semaphore, #tpu.memory_space<semaphore_mem>>) {add = true}
      %dma_wait3A_225 = arith.constant 5 : i32
      %dma_wait3A_226 = arith.constant 1 : i32
      %dma_wait3A_227 = arith.constant 0 : i32
      %dma_wait3A_228 = tpu.memref_slice %arg6[%dma_wait3A_225, %dma_wait3A_226, %dma_wait3A_227] : memref<16x2x80xi32, #tpu.memory_space<vmem>> -> memref<1x1x80xi32, #tpu.memory_space<vmem>>
      %dma_wait3A_229 = tpu.memref_squeeze %dma_wait3A_228 : memref<1x1x80xi32, #tpu.memory_space<vmem>> -> memref<80xi32, #tpu.memory_space<vmem>>
      %dma_wait3A_230 = arith.constant 0 : i32
      %dma_wait3A_231 = arith.constant 0 : i32
      %dma_wait3A_232 = tpu.memref_slice %arg16[%dma_wait3A_230, %dma_wait3A_231] : memref<10112x128xf32, #tpu.memory_space<vmem_shared>> -> memref<10112x128xf32, #tpu.memory_space<vmem_shared>>
      tpu.wait_indirect_dma semaphore(%arg15 : memref<!tpu.dma_semaphore, #tpu.memory_space<semaphore_mem>>) src(%arg8 : memref<80x128xf32, #tpu.memory_space<vmem>>) dst(%dma_wait3A_232 : memref<10112x128xf32, #tpu.memory_space<vmem_shared>>)
      %dma_start3A_233 = arith.constant 9 : i32
      %dma_start3A_234 = arith.constant 0 : i32
      %dma_start3A_235 = arith.constant 0 : i32
      %dma_start3A_236 = tpu.memref_slice %arg6[%dma_start3A_233, %dma_start3A_234, %dma_start3A_235] : memref<16x2x80xi32, #tpu.memory_space<vmem>> -> memref<1x1x80xi32, #tpu.memory_space<vmem>>
      %dma_start3A_237 = tpu.memref_squeeze %dma_start3A_236 : memref<1x1x80xi32, #tpu.memory_space<vmem>> -> memref<80xi32, #tpu.memory_space<vmem>>
      %dma_start3A_238 = arith.constant 0 : i32
      %dma_start3A_239 = arith.constant 0 : i32
      %dma_start3A_240 = tpu.memref_slice %arg2[%dma_start3A_238, %dma_start3A_239] : memref<10000x128xf32, #tpu.memory_space<hbm>> -> memref<10000x128xf32, #tpu.memory_space<hbm>>
      tpu.enqueue_indirect_dma source(%dma_start3A_240 : memref<10000x128xf32, #tpu.memory_space<hbm>>) target(%arg8 : memref<80x128xf32, #tpu.memory_space<vmem>>) offsets(%dma_start3A_237 : memref<80xi32, #tpu.memory_space<vmem>>) semaphore(%arg12 : memref<!tpu.dma_semaphore, #tpu.memory_space<semaphore_mem>>)
      %dma_wait3A_241 = arith.constant 6 : i32
      %dma_wait3A_242 = arith.constant 0 : i32
      %dma_wait3A_243 = arith.constant 0 : i32
      %dma_wait3A_244 = tpu.memref_slice %arg6[%dma_wait3A_241, %dma_wait3A_242, %dma_wait3A_243] : memref<16x2x80xi32, #tpu.memory_space<vmem>> -> memref<1x1x80xi32, #tpu.memory_space<vmem>>
      %dma_wait3A_245 = tpu.memref_squeeze %dma_wait3A_244 : memref<1x1x80xi32, #tpu.memory_space<vmem>> -> memref<80xi32, #tpu.memory_space<vmem>>
      %dma_wait3A_246 = arith.constant 0 : i32
      %dma_wait3A_247 = arith.constant 0 : i32
      %dma_wait3A_248 = tpu.memref_slice %arg2[%dma_wait3A_246, %dma_wait3A_247] : memref<10000x128xf32, #tpu.memory_space<hbm>> -> memref<10000x128xf32, #tpu.memory_space<hbm>>
      tpu.wait_indirect_dma semaphore(%arg13 : memref<!tpu.dma_semaphore, #tpu.memory_space<semaphore_mem>>) src(%dma_wait3A_248 : memref<10000x128xf32, #tpu.memory_space<hbm>>) dst(%arg9 : memref<80x128xf32, #tpu.memory_space<vmem>>)
      %dma_start3A_249 = arith.constant 6 : i32
      %dma_start3A_250 = arith.constant 1 : i32
      %dma_start3A_251 = arith.constant 0 : i32
      %dma_start3A_252 = tpu.memref_slice %arg6[%dma_start3A_249, %dma_start3A_250, %dma_start3A_251] : memref<16x2x80xi32, #tpu.memory_space<vmem>> -> memref<1x1x80xi32, #tpu.memory_space<vmem>>
      %dma_start3A_253 = tpu.memref_squeeze %dma_start3A_252 : memref<1x1x80xi32, #tpu.memory_space<vmem>> -> memref<80xi32, #tpu.memory_space<vmem>>
      %dma_start3A_254 = arith.constant 0 : i32
      %dma_start3A_255 = arith.constant 0 : i32
      %dma_start3A_256 = tpu.memref_slice %arg16[%dma_start3A_254, %dma_start3A_255] : memref<10112x128xf32, #tpu.memory_space<vmem_shared>> -> memref<10112x128xf32, #tpu.memory_space<vmem_shared>>
      tpu.enqueue_indirect_dma source(%arg9 : memref<80x128xf32, #tpu.memory_space<vmem>>) target(%dma_start3A_256 : memref<10112x128xf32, #tpu.memory_space<vmem_shared>>) offsets(%dma_start3A_253 : memref<80xi32, #tpu.memory_space<vmem>>) semaphore(%arg15 : memref<!tpu.dma_semaphore, #tpu.memory_space<semaphore_mem>>) {add = true}
      %dma_wait3A_257 = arith.constant 6 : i32
      %dma_wait3A_258 = arith.constant 1 : i32
      %dma_wait3A_259 = arith.constant 0 : i32
      %dma_wait3A_260 = tpu.memref_slice %arg6[%dma_wait3A_257, %dma_wait3A_258, %dma_wait3A_259] : memref<16x2x80xi32, #tpu.memory_space<vmem>> -> memref<1x1x80xi32, #tpu.memory_space<vmem>>
      %dma_wait3A_261 = tpu.memref_squeeze %dma_wait3A_260 : memref<1x1x80xi32, #tpu.memory_space<vmem>> -> memref<80xi32, #tpu.memory_space<vmem>>
      %dma_wait3A_262 = arith.constant 0 : i32
      %dma_wait3A_263 = arith.constant 0 : i32
      %dma_wait3A_264 = tpu.memref_slice %arg16[%dma_wait3A_262, %dma_wait3A_263] : memref<10112x128xf32, #tpu.memory_space<vmem_shared>> -> memref<10112x128xf32, #tpu.memory_space<vmem_shared>>
      tpu.wait_indirect_dma semaphore(%arg15 : memref<!tpu.dma_semaphore, #tpu.memory_space<semaphore_mem>>) src(%arg9 : memref<80x128xf32, #tpu.memory_space<vmem>>) dst(%dma_wait3A_264 : memref<10112x128xf32, #tpu.memory_space<vmem_shared>>)
      %dma_start3A_265 = arith.constant 10 : i32
      %dma_start3A_266 = arith.constant 0 : i32
      %dma_start3A_267 = arith.constant 0 : i32
      %dma_start3A_268 = tpu.memref_slice %arg6[%dma_start3A_265, %dma_start3A_266, %dma_start3A_267] : memref<16x2x80xi32, #tpu.memory_space<vmem>> -> memref<1x1x80xi32, #tpu.memory_space<vmem>>
      %dma_start3A_269 = tpu.memref_squeeze %dma_start3A_268 : memref<1x1x80xi32, #tpu.memory_space<vmem>> -> memref<80xi32, #tpu.memory_space<vmem>>
      %dma_start3A_270 = arith.constant 0 : i32
      %dma_start3A_271 = arith.constant 0 : i32
      %dma_start3A_272 = tpu.memref_slice %arg2[%dma_start3A_270, %dma_start3A_271] : memref<10000x128xf32, #tpu.memory_space<hbm>> -> memref<10000x128xf32, #tpu.memory_space<hbm>>
      tpu.enqueue_indirect_dma source(%dma_start3A_272 : memref<10000x128xf32, #tpu.memory_space<hbm>>) target(%arg9 : memref<80x128xf32, #tpu.memory_space<vmem>>) offsets(%dma_start3A_269 : memref<80xi32, #tpu.memory_space<vmem>>) semaphore(%arg13 : memref<!tpu.dma_semaphore, #tpu.memory_space<semaphore_mem>>)
      %dma_wait3A_273 = arith.constant 7 : i32
      %dma_wait3A_274 = arith.constant 0 : i32
      %dma_wait3A_275 = arith.constant 0 : i32
      %dma_wait3A_276 = tpu.memref_slice %arg6[%dma_wait3A_273, %dma_wait3A_274, %dma_wait3A_275] : memref<16x2x80xi32, #tpu.memory_space<vmem>> -> memref<1x1x80xi32, #tpu.memory_space<vmem>>
      %dma_wait3A_277 = tpu.memref_squeeze %dma_wait3A_276 : memref<1x1x80xi32, #tpu.memory_space<vmem>> -> memref<80xi32, #tpu.memory_space<vmem>>
      %dma_wait3A_278 = arith.constant 0 : i32
      %dma_wait3A_279 = arith.constant 0 : i32
      %dma_wait3A_280 = tpu.memref_slice %arg2[%dma_wait3A_278, %dma_wait3A_279] : memref<10000x128xf32, #tpu.memory_space<hbm>> -> memref<10000x128xf32, #tpu.memory_space<hbm>>
      tpu.wait_indirect_dma semaphore(%arg14 : memref<!tpu.dma_semaphore, #tpu.memory_space<semaphore_mem>>) src(%dma_wait3A_280 : memref<10000x128xf32, #tpu.memory_space<hbm>>) dst(%arg10 : memref<80x128xf32, #tpu.memory_space<vmem>>)
      %dma_start3A_281 = arith.constant 7 : i32
      %dma_start3A_282 = arith.constant 1 : i32
      %dma_start3A_283 = arith.constant 0 : i32
      %dma_start3A_284 = tpu.memref_slice %arg6[%dma_start3A_281, %dma_start3A_282, %dma_start3A_283] : memref<16x2x80xi32, #tpu.memory_space<vmem>> -> memref<1x1x80xi32, #tpu.memory_space<vmem>>
      %dma_start3A_285 = tpu.memref_squeeze %dma_start3A_284 : memref<1x1x80xi32, #tpu.memory_space<vmem>> -> memref<80xi32, #tpu.memory_space<vmem>>
      %dma_start3A_286 = arith.constant 0 : i32
      %dma_start3A_287 = arith.constant 0 : i32
      %dma_start3A_288 = tpu.memref_slice %arg16[%dma_start3A_286, %dma_start3A_287] : memref<10112x128xf32, #tpu.memory_space<vmem_shared>> -> memref<10112x128xf32, #tpu.memory_space<vmem_shared>>
      tpu.enqueue_indirect_dma source(%arg10 : memref<80x128xf32, #tpu.memory_space<vmem>>) target(%dma_start3A_288 : memref<10112x128xf32, #tpu.memory_space<vmem_shared>>) offsets(%dma_start3A_285 : memref<80xi32, #tpu.memory_space<vmem>>) semaphore(%arg15 : memref<!tpu.dma_semaphore, #tpu.memory_space<semaphore_mem>>) {add = true}
      %dma_wait3A_289 = arith.constant 7 : i32
      %dma_wait3A_290 = arith.constant 1 : i32
      %dma_wait3A_291 = arith.constant 0 : i32
      %dma_wait3A_292 = tpu.memref_slice %arg6[%dma_wait3A_289, %dma_wait3A_290, %dma_wait3A_291] : memref<16x2x80xi32, #tpu.memory_space<vmem>> -> memref<1x1x80xi32, #tpu.memory_space<vmem>>
      %dma_wait3A_293 = tpu.memref_squeeze %dma_wait3A_292 : memref<1x1x80xi32, #tpu.memory_space<vmem>> -> memref<80xi32, #tpu.memory_space<vmem>>
      %dma_wait3A_294 = arith.constant 0 : i32
      %dma_wait3A_295 = arith.constant 0 : i32
      %dma_wait3A_296 = tpu.memref_slice %arg16[%dma_wait3A_294, %dma_wait3A_295] : memref<10112x128xf32, #tpu.memory_space<vmem_shared>> -> memref<10112x128xf32, #tpu.memory_space<vmem_shared>>
      tpu.wait_indirect_dma semaphore(%arg15 : memref<!tpu.dma_semaphore, #tpu.memory_space<semaphore_mem>>) src(%arg10 : memref<80x128xf32, #tpu.memory_space<vmem>>) dst(%dma_wait3A_296 : memref<10112x128xf32, #tpu.memory_space<vmem_shared>>)
      %dma_start3A_297 = arith.constant 11 : i32
      %dma_start3A_298 = arith.constant 0 : i32
      %dma_start3A_299 = arith.constant 0 : i32
      %dma_start3A_300 = tpu.memref_slice %arg6[%dma_start3A_297, %dma_start3A_298, %dma_start3A_299] : memref<16x2x80xi32, #tpu.memory_space<vmem>> -> memref<1x1x80xi32, #tpu.memory_space<vmem>>
      %dma_start3A_301 = tpu.memref_squeeze %dma_start3A_300 : memref<1x1x80xi32, #tpu.memory_space<vmem>> -> memref<80xi32, #tpu.memory_space<vmem>>
      %dma_start3A_302 = arith.constant 0 : i32
      %dma_start3A_303 = arith.constant 0 : i32
      %dma_start3A_304 = tpu.memref_slice %arg2[%dma_start3A_302, %dma_start3A_303] : memref<10000x128xf32, #tpu.memory_space<hbm>> -> memref<10000x128xf32, #tpu.memory_space<hbm>>
      tpu.enqueue_indirect_dma source(%dma_start3A_304 : memref<10000x128xf32, #tpu.memory_space<hbm>>) target(%arg10 : memref<80x128xf32, #tpu.memory_space<vmem>>) offsets(%dma_start3A_301 : memref<80xi32, #tpu.memory_space<vmem>>) semaphore(%arg14 : memref<!tpu.dma_semaphore, #tpu.memory_space<semaphore_mem>>)
      %dma_wait3A_305 = arith.constant 8 : i32
      %dma_wait3A_306 = arith.constant 0 : i32
      %dma_wait3A_307 = arith.constant 0 : i32
      %dma_wait3A_308 = tpu.memref_slice %arg6[%dma_wait3A_305, %dma_wait3A_306, %dma_wait3A_307] : memref<16x2x80xi32, #tpu.memory_space<vmem>> -> memref<1x1x80xi32, #tpu.memory_space<vmem>>
      %dma_wait3A_309 = tpu.memref_squeeze %dma_wait3A_308 : memref<1x1x80xi32, #tpu.memory_space<vmem>> -> memref<80xi32, #tpu.memory_space<vmem>>
      %dma_wait3A_310 = arith.constant 0 : i32
      %dma_wait3A_311 = arith.constant 0 : i32
      %dma_wait3A_312 = tpu.memref_slice %arg2[%dma_wait3A_310, %dma_wait3A_311] : memref<10000x128xf32, #tpu.memory_space<hbm>> -> memref<10000x128xf32, #tpu.memory_space<hbm>>
      tpu.wait_indirect_dma semaphore(%arg11 : memref<!tpu.dma_semaphore, #tpu.memory_space<semaphore_mem>>) src(%dma_wait3A_312 : memref<10000x128xf32, #tpu.memory_space<hbm>>) dst(%arg7 : memref<80x128xf32, #tpu.memory_space<vmem>>)
      %dma_start3A_313 = arith.constant 8 : i32
      %dma_start3A_314 = arith.constant 1 : i32
      %dma_start3A_315 = arith.constant 0 : i32
      %dma_start3A_316 = tpu.memref_slice %arg6[%dma_start3A_313, %dma_start3A_314, %dma_start3A_315] : memref<16x2x80xi32, #tpu.memory_space<vmem>> -> memref<1x1x80xi32, #tpu.memory_space<vmem>>
      %dma_start3A_317 = tpu.memref_squeeze %dma_start3A_316 : memref<1x1x80xi32, #tpu.memory_space<vmem>> -> memref<80xi32, #tpu.memory_space<vmem>>
      %dma_start3A_318 = arith.constant 0 : i32
      %dma_start3A_319 = arith.constant 0 : i32
      %dma_start3A_320 = tpu.memref_slice %arg16[%dma_start3A_318, %dma_start3A_319] : memref<10112x128xf32, #tpu.memory_space<vmem_shared>> -> memref<10112x128xf32, #tpu.memory_space<vmem_shared>>
      tpu.enqueue_indirect_dma source(%arg7 : memref<80x128xf32, #tpu.memory_space<vmem>>) target(%dma_start3A_320 : memref<10112x128xf32, #tpu.memory_space<vmem_shared>>) offsets(%dma_start3A_317 : memref<80xi32, #tpu.memory_space<vmem>>) semaphore(%arg15 : memref<!tpu.dma_semaphore, #tpu.memory_space<semaphore_mem>>) {add = true}
      %dma_wait3A_321 = arith.constant 8 : i32
      %dma_wait3A_322 = arith.constant 1 : i32
      %dma_wait3A_323 = arith.constant 0 : i32
      %dma_wait3A_324 = tpu.memref_slice %arg6[%dma_wait3A_321, %dma_wait3A_322, %dma_wait3A_323] : memref<16x2x80xi32, #tpu.memory_space<vmem>> -> memref<1x1x80xi32, #tpu.memory_space<vmem>>
      %dma_wait3A_325 = tpu.memref_squeeze %dma_wait3A_324 : memref<1x1x80xi32, #tpu.memory_space<vmem>> -> memref<80xi32, #tpu.memory_space<vmem>>
      %dma_wait3A_326 = arith.constant 0 : i32
      %dma_wait3A_327 = arith.constant 0 : i32
      %dma_wait3A_328 = tpu.memref_slice %arg16[%dma_wait3A_326, %dma_wait3A_327] : memref<10112x128xf32, #tpu.memory_space<vmem_shared>> -> memref<10112x128xf32, #tpu.memory_space<vmem_shared>>
      tpu.wait_indirect_dma semaphore(%arg15 : memref<!tpu.dma_semaphore, #tpu.memory_space<semaphore_mem>>) src(%arg7 : memref<80x128xf32, #tpu.memory_space<vmem>>) dst(%dma_wait3A_328 : memref<10112x128xf32, #tpu.memory_space<vmem_shared>>)
      %dma_start3A_329 = arith.constant 12 : i32
      %dma_start3A_330 = arith.constant 0 : i32
      %dma_start3A_331 = arith.constant 0 : i32
      %dma_start3A_332 = tpu.memref_slice %arg6[%dma_start3A_329, %dma_start3A_330, %dma_start3A_331] : memref<16x2x80xi32, #tpu.memory_space<vmem>> -> memref<1x1x80xi32, #tpu.memory_space<vmem>>
      %dma_start3A_333 = tpu.memref_squeeze %dma_start3A_332 : memref<1x1x80xi32, #tpu.memory_space<vmem>> -> memref<80xi32, #tpu.memory_space<vmem>>
      %dma_start3A_334 = arith.constant 0 : i32
      %dma_start3A_335 = arith.constant 0 : i32
      %dma_start3A_336 = tpu.memref_slice %arg2[%dma_start3A_334, %dma_start3A_335] : memref<10000x128xf32, #tpu.memory_space<hbm>> -> memref<10000x128xf32, #tpu.memory_space<hbm>>
      tpu.enqueue_indirect_dma source(%dma_start3A_336 : memref<10000x128xf32, #tpu.memory_space<hbm>>) target(%arg7 : memref<80x128xf32, #tpu.memory_space<vmem>>) offsets(%dma_start3A_333 : memref<80xi32, #tpu.memory_space<vmem>>) semaphore(%arg11 : memref<!tpu.dma_semaphore, #tpu.memory_space<semaphore_mem>>)
      %dma_wait3A_337 = arith.constant 9 : i32
      %dma_wait3A_338 = arith.constant 0 : i32
      %dma_wait3A_339 = arith.constant 0 : i32
      %dma_wait3A_340 = tpu.memref_slice %arg6[%dma_wait3A_337, %dma_wait3A_338, %dma_wait3A_339] : memref<16x2x80xi32, #tpu.memory_space<vmem>> -> memref<1x1x80xi32, #tpu.memory_space<vmem>>
      %dma_wait3A_341 = tpu.memref_squeeze %dma_wait3A_340 : memref<1x1x80xi32, #tpu.memory_space<vmem>> -> memref<80xi32, #tpu.memory_space<vmem>>
      %dma_wait3A_342 = arith.constant 0 : i32
      %dma_wait3A_343 = arith.constant 0 : i32
      %dma_wait3A_344 = tpu.memref_slice %arg2[%dma_wait3A_342, %dma_wait3A_343] : memref<10000x128xf32, #tpu.memory_space<hbm>> -> memref<10000x128xf32, #tpu.memory_space<hbm>>
      tpu.wait_indirect_dma semaphore(%arg12 : memref<!tpu.dma_semaphore, #tpu.memory_space<semaphore_mem>>) src(%dma_wait3A_344 : memref<10000x128xf32, #tpu.memory_space<hbm>>) dst(%arg8 : memref<80x128xf32, #tpu.memory_space<vmem>>)
      %dma_start3A_345 = arith.constant 9 : i32
      %dma_start3A_346 = arith.constant 1 : i32
      %dma_start3A_347 = arith.constant 0 : i32
      %dma_start3A_348 = tpu.memref_slice %arg6[%dma_start3A_345, %dma_start3A_346, %dma_start3A_347] : memref<16x2x80xi32, #tpu.memory_space<vmem>> -> memref<1x1x80xi32, #tpu.memory_space<vmem>>
      %dma_start3A_349 = tpu.memref_squeeze %dma_start3A_348 : memref<1x1x80xi32, #tpu.memory_space<vmem>> -> memref<80xi32, #tpu.memory_space<vmem>>
      %dma_start3A_350 = arith.constant 0 : i32
      %dma_start3A_351 = arith.constant 0 : i32
      %dma_start3A_352 = tpu.memref_slice %arg16[%dma_start3A_350, %dma_start3A_351] : memref<10112x128xf32, #tpu.memory_space<vmem_shared>> -> memref<10112x128xf32, #tpu.memory_space<vmem_shared>>
      tpu.enqueue_indirect_dma source(%arg8 : memref<80x128xf32, #tpu.memory_space<vmem>>) target(%dma_start3A_352 : memref<10112x128xf32, #tpu.memory_space<vmem_shared>>) offsets(%dma_start3A_349 : memref<80xi32, #tpu.memory_space<vmem>>) semaphore(%arg15 : memref<!tpu.dma_semaphore, #tpu.memory_space<semaphore_mem>>) {add = true}
      %dma_wait3A_353 = arith.constant 9 : i32
      %dma_wait3A_354 = arith.constant 1 : i32
      %dma_wait3A_355 = arith.constant 0 : i32
      %dma_wait3A_356 = tpu.memref_slice %arg6[%dma_wait3A_353, %dma_wait3A_354, %dma_wait3A_355] : memref<16x2x80xi32, #tpu.memory_space<vmem>> -> memref<1x1x80xi32, #tpu.memory_space<vmem>>
      %dma_wait3A_357 = tpu.memref_squeeze %dma_wait3A_356 : memref<1x1x80xi32, #tpu.memory_space<vmem>> -> memref<80xi32, #tpu.memory_space<vmem>>
      %dma_wait3A_358 = arith.constant 0 : i32
      %dma_wait3A_359 = arith.constant 0 : i32
      %dma_wait3A_360 = tpu.memref_slice %arg16[%dma_wait3A_358, %dma_wait3A_359] : memref<10112x128xf32, #tpu.memory_space<vmem_shared>> -> memref<10112x128xf32, #tpu.memory_space<vmem_shared>>
      tpu.wait_indirect_dma semaphore(%arg15 : memref<!tpu.dma_semaphore, #tpu.memory_space<semaphore_mem>>) src(%arg8 : memref<80x128xf32, #tpu.memory_space<vmem>>) dst(%dma_wait3A_360 : memref<10112x128xf32, #tpu.memory_space<vmem_shared>>)
      %dma_start3A_361 = arith.constant 13 : i32
      %dma_start3A_362 = arith.constant 0 : i32
      %dma_start3A_363 = arith.constant 0 : i32
      %dma_start3A_364 = tpu.memref_slice %arg6[%dma_start3A_361, %dma_start3A_362, %dma_start3A_363] : memref<16x2x80xi32, #tpu.memory_space<vmem>> -> memref<1x1x80xi32, #tpu.memory_space<vmem>>
      %dma_start3A_365 = tpu.memref_squeeze %dma_start3A_364 : memref<1x1x80xi32, #tpu.memory_space<vmem>> -> memref<80xi32, #tpu.memory_space<vmem>>
      %dma_start3A_366 = arith.constant 0 : i32
      %dma_start3A_367 = arith.constant 0 : i32
      %dma_start3A_368 = tpu.memref_slice %arg2[%dma_start3A_366, %dma_start3A_367] : memref<10000x128xf32, #tpu.memory_space<hbm>> -> memref<10000x128xf32, #tpu.memory_space<hbm>>
      tpu.enqueue_indirect_dma source(%dma_start3A_368 : memref<10000x128xf32, #tpu.memory_space<hbm>>) target(%arg8 : memref<80x128xf32, #tpu.memory_space<vmem>>) offsets(%dma_start3A_365 : memref<80xi32, #tpu.memory_space<vmem>>) semaphore(%arg12 : memref<!tpu.dma_semaphore, #tpu.memory_space<semaphore_mem>>)
      %dma_wait3A_369 = arith.constant 10 : i32
      %dma_wait3A_370 = arith.constant 0 : i32
      %dma_wait3A_371 = arith.constant 0 : i32
      %dma_wait3A_372 = tpu.memref_slice %arg6[%dma_wait3A_369, %dma_wait3A_370, %dma_wait3A_371] : memref<16x2x80xi32, #tpu.memory_space<vmem>> -> memref<1x1x80xi32, #tpu.memory_space<vmem>>
      %dma_wait3A_373 = tpu.memref_squeeze %dma_wait3A_372 : memref<1x1x80xi32, #tpu.memory_space<vmem>> -> memref<80xi32, #tpu.memory_space<vmem>>
      %dma_wait3A_374 = arith.constant 0 : i32
      %dma_wait3A_375 = arith.constant 0 : i32
      %dma_wait3A_376 = tpu.memref_slice %arg2[%dma_wait3A_374, %dma_wait3A_375] : memref<10000x128xf32, #tpu.memory_space<hbm>> -> memref<10000x128xf32, #tpu.memory_space<hbm>>
      tpu.wait_indirect_dma semaphore(%arg13 : memref<!tpu.dma_semaphore, #tpu.memory_space<semaphore_mem>>) src(%dma_wait3A_376 : memref<10000x128xf32, #tpu.memory_space<hbm>>) dst(%arg9 : memref<80x128xf32, #tpu.memory_space<vmem>>)
      %dma_start3A_377 = arith.constant 10 : i32
      %dma_start3A_378 = arith.constant 1 : i32
      %dma_start3A_379 = arith.constant 0 : i32
      %dma_start3A_380 = tpu.memref_slice %arg6[%dma_start3A_377, %dma_start3A_378, %dma_start3A_379] : memref<16x2x80xi32, #tpu.memory_space<vmem>> -> memref<1x1x80xi32, #tpu.memory_space<vmem>>
      %dma_start3A_381 = tpu.memref_squeeze %dma_start3A_380 : memref<1x1x80xi32, #tpu.memory_space<vmem>> -> memref<80xi32, #tpu.memory_space<vmem>>
      %dma_start3A_382 = arith.constant 0 : i32
      %dma_start3A_383 = arith.constant 0 : i32
      %dma_start3A_384 = tpu.memref_slice %arg16[%dma_start3A_382, %dma_start3A_383] : memref<10112x128xf32, #tpu.memory_space<vmem_shared>> -> memref<10112x128xf32, #tpu.memory_space<vmem_shared>>
      tpu.enqueue_indirect_dma source(%arg9 : memref<80x128xf32, #tpu.memory_space<vmem>>) target(%dma_start3A_384 : memref<10112x128xf32, #tpu.memory_space<vmem_shared>>) offsets(%dma_start3A_381 : memref<80xi32, #tpu.memory_space<vmem>>) semaphore(%arg15 : memref<!tpu.dma_semaphore, #tpu.memory_space<semaphore_mem>>) {add = true}
      %dma_wait3A_385 = arith.constant 10 : i32
      %dma_wait3A_386 = arith.constant 1 : i32
      %dma_wait3A_387 = arith.constant 0 : i32
      %dma_wait3A_388 = tpu.memref_slice %arg6[%dma_wait3A_385, %dma_wait3A_386, %dma_wait3A_387] : memref<16x2x80xi32, #tpu.memory_space<vmem>> -> memref<1x1x80xi32, #tpu.memory_space<vmem>>
      %dma_wait3A_389 = tpu.memref_squeeze %dma_wait3A_388 : memref<1x1x80xi32, #tpu.memory_space<vmem>> -> memref<80xi32, #tpu.memory_space<vmem>>
      %dma_wait3A_390 = arith.constant 0 : i32
      %dma_wait3A_391 = arith.constant 0 : i32
      %dma_wait3A_392 = tpu.memref_slice %arg16[%dma_wait3A_390, %dma_wait3A_391] : memref<10112x128xf32, #tpu.memory_space<vmem_shared>> -> memref<10112x128xf32, #tpu.memory_space<vmem_shared>>
      tpu.wait_indirect_dma semaphore(%arg15 : memref<!tpu.dma_semaphore, #tpu.memory_space<semaphore_mem>>) src(%arg9 : memref<80x128xf32, #tpu.memory_space<vmem>>) dst(%dma_wait3A_392 : memref<10112x128xf32, #tpu.memory_space<vmem_shared>>)
      %dma_start3A_393 = arith.constant 14 : i32
      %dma_start3A_394 = arith.constant 0 : i32
      %dma_start3A_395 = arith.constant 0 : i32
      %dma_start3A_396 = tpu.memref_slice %arg6[%dma_start3A_393, %dma_start3A_394, %dma_start3A_395] : memref<16x2x80xi32, #tpu.memory_space<vmem>> -> memref<1x1x80xi32, #tpu.memory_space<vmem>>
      %dma_start3A_397 = tpu.memref_squeeze %dma_start3A_396 : memref<1x1x80xi32, #tpu.memory_space<vmem>> -> memref<80xi32, #tpu.memory_space<vmem>>
      %dma_start3A_398 = arith.constant 0 : i32
      %dma_start3A_399 = arith.constant 0 : i32
      %dma_start3A_400 = tpu.memref_slice %arg2[%dma_start3A_398, %dma_start3A_399] : memref<10000x128xf32, #tpu.memory_space<hbm>> -> memref<10000x128xf32, #tpu.memory_space<hbm>>
      tpu.enqueue_indirect_dma source(%dma_start3A_400 : memref<10000x128xf32, #tpu.memory_space<hbm>>) target(%arg9 : memref<80x128xf32, #tpu.memory_space<vmem>>) offsets(%dma_start3A_397 : memref<80xi32, #tpu.memory_space<vmem>>) semaphore(%arg13 : memref<!tpu.dma_semaphore, #tpu.memory_space<semaphore_mem>>)
      %dma_wait3A_401 = arith.constant 11 : i32
      %dma_wait3A_402 = arith.constant 0 : i32
      %dma_wait3A_403 = arith.constant 0 : i32
      %dma_wait3A_404 = tpu.memref_slice %arg6[%dma_wait3A_401, %dma_wait3A_402, %dma_wait3A_403] : memref<16x2x80xi32, #tpu.memory_space<vmem>> -> memref<1x1x80xi32, #tpu.memory_space<vmem>>
      %dma_wait3A_405 = tpu.memref_squeeze %dma_wait3A_404 : memref<1x1x80xi32, #tpu.memory_space<vmem>> -> memref<80xi32, #tpu.memory_space<vmem>>
      %dma_wait3A_406 = arith.constant 0 : i32
      %dma_wait3A_407 = arith.constant 0 : i32
      %dma_wait3A_408 = tpu.memref_slice %arg2[%dma_wait3A_406, %dma_wait3A_407] : memref<10000x128xf32, #tpu.memory_space<hbm>> -> memref<10000x128xf32, #tpu.memory_space<hbm>>
      tpu.wait_indirect_dma semaphore(%arg14 : memref<!tpu.dma_semaphore, #tpu.memory_space<semaphore_mem>>) src(%dma_wait3A_408 : memref<10000x128xf32, #tpu.memory_space<hbm>>) dst(%arg10 : memref<80x128xf32, #tpu.memory_space<vmem>>)
      %dma_start3A_409 = arith.constant 11 : i32
      %dma_start3A_410 = arith.constant 1 : i32
      %dma_start3A_411 = arith.constant 0 : i32
      %dma_start3A_412 = tpu.memref_slice %arg6[%dma_start3A_409, %dma_start3A_410, %dma_start3A_411] : memref<16x2x80xi32, #tpu.memory_space<vmem>> -> memref<1x1x80xi32, #tpu.memory_space<vmem>>
      %dma_start3A_413 = tpu.memref_squeeze %dma_start3A_412 : memref<1x1x80xi32, #tpu.memory_space<vmem>> -> memref<80xi32, #tpu.memory_space<vmem>>
      %dma_start3A_414 = arith.constant 0 : i32
      %dma_start3A_415 = arith.constant 0 : i32
      %dma_start3A_416 = tpu.memref_slice %arg16[%dma_start3A_414, %dma_start3A_415] : memref<10112x128xf32, #tpu.memory_space<vmem_shared>> -> memref<10112x128xf32, #tpu.memory_space<vmem_shared>>
      tpu.enqueue_indirect_dma source(%arg10 : memref<80x128xf32, #tpu.memory_space<vmem>>) target(%dma_start3A_416 : memref<10112x128xf32, #tpu.memory_space<vmem_shared>>) offsets(%dma_start3A_413 : memref<80xi32, #tpu.memory_space<vmem>>) semaphore(%arg15 : memref<!tpu.dma_semaphore, #tpu.memory_space<semaphore_mem>>) {add = true}
      %dma_wait3A_417 = arith.constant 11 : i32
      %dma_wait3A_418 = arith.constant 1 : i32
      %dma_wait3A_419 = arith.constant 0 : i32
      %dma_wait3A_420 = tpu.memref_slice %arg6[%dma_wait3A_417, %dma_wait3A_418, %dma_wait3A_419] : memref<16x2x80xi32, #tpu.memory_space<vmem>> -> memref<1x1x80xi32, #tpu.memory_space<vmem>>
      %dma_wait3A_421 = tpu.memref_squeeze %dma_wait3A_420 : memref<1x1x80xi32, #tpu.memory_space<vmem>> -> memref<80xi32, #tpu.memory_space<vmem>>
      %dma_wait3A_422 = arith.constant 0 : i32
      %dma_wait3A_423 = arith.constant 0 : i32
      %dma_wait3A_424 = tpu.memref_slice %arg16[%dma_wait3A_422, %dma_wait3A_423] : memref<10112x128xf32, #tpu.memory_space<vmem_shared>> -> memref<10112x128xf32, #tpu.memory_space<vmem_shared>>
      tpu.wait_indirect_dma semaphore(%arg15 : memref<!tpu.dma_semaphore, #tpu.memory_space<semaphore_mem>>) src(%arg10 : memref<80x128xf32, #tpu.memory_space<vmem>>) dst(%dma_wait3A_424 : memref<10112x128xf32, #tpu.memory_space<vmem_shared>>)
      %dma_start3A_425 = arith.constant 15 : i32
      %dma_start3A_426 = arith.constant 0 : i32
      %dma_start3A_427 = arith.constant 0 : i32
      %dma_start3A_428 = tpu.memref_slice %arg6[%dma_start3A_425, %dma_start3A_426, %dma_start3A_427] : memref<16x2x80xi32, #tpu.memory_space<vmem>> -> memref<1x1x80xi32, #tpu.memory_space<vmem>>
      %dma_start3A_429 = tpu.memref_squeeze %dma_start3A_428 : memref<1x1x80xi32, #tpu.memory_space<vmem>> -> memref<80xi32, #tpu.memory_space<vmem>>
      %dma_start3A_430 = arith.constant 0 : i32
      %dma_start3A_431 = arith.constant 0 : i32
      %dma_start3A_432 = tpu.memref_slice %arg2[%dma_start3A_430, %dma_start3A_431] : memref<10000x128xf32, #tpu.memory_space<hbm>> -> memref<10000x128xf32, #tpu.memory_space<hbm>>
      tpu.enqueue_indirect_dma source(%dma_start3A_432 : memref<10000x128xf32, #tpu.memory_space<hbm>>) target(%arg10 : memref<80x128xf32, #tpu.memory_space<vmem>>) offsets(%dma_start3A_429 : memref<80xi32, #tpu.memory_space<vmem>>) semaphore(%arg14 : memref<!tpu.dma_semaphore, #tpu.memory_space<semaphore_mem>>)
      %dma_wait3A_433 = arith.constant 12 : i32
      %dma_wait3A_434 = arith.constant 0 : i32
      %dma_wait3A_435 = arith.constant 0 : i32
      %dma_wait3A_436 = tpu.memref_slice %arg6[%dma_wait3A_433, %dma_wait3A_434, %dma_wait3A_435] : memref<16x2x80xi32, #tpu.memory_space<vmem>> -> memref<1x1x80xi32, #tpu.memory_space<vmem>>
      %dma_wait3A_437 = tpu.memref_squeeze %dma_wait3A_436 : memref<1x1x80xi32, #tpu.memory_space<vmem>> -> memref<80xi32, #tpu.memory_space<vmem>>
      %dma_wait3A_438 = arith.constant 0 : i32
      %dma_wait3A_439 = arith.constant 0 : i32
      %dma_wait3A_440 = tpu.memref_slice %arg2[%dma_wait3A_438, %dma_wait3A_439] : memref<10000x128xf32, #tpu.memory_space<hbm>> -> memref<10000x128xf32, #tpu.memory_space<hbm>>
      tpu.wait_indirect_dma semaphore(%arg11 : memref<!tpu.dma_semaphore, #tpu.memory_space<semaphore_mem>>) src(%dma_wait3A_440 : memref<10000x128xf32, #tpu.memory_space<hbm>>) dst(%arg7 : memref<80x128xf32, #tpu.memory_space<vmem>>)
      %dma_start3A_441 = arith.constant 12 : i32
      %dma_start3A_442 = arith.constant 1 : i32
      %dma_start3A_443 = arith.constant 0 : i32
      %dma_start3A_444 = tpu.memref_slice %arg6[%dma_start3A_441, %dma_start3A_442, %dma_start3A_443] : memref<16x2x80xi32, #tpu.memory_space<vmem>> -> memref<1x1x80xi32, #tpu.memory_space<vmem>>
      %dma_start3A_445 = tpu.memref_squeeze %dma_start3A_444 : memref<1x1x80xi32, #tpu.memory_space<vmem>> -> memref<80xi32, #tpu.memory_space<vmem>>
      %dma_start3A_446 = arith.constant 0 : i32
      %dma_start3A_447 = arith.constant 0 : i32
      %dma_start3A_448 = tpu.memref_slice %arg16[%dma_start3A_446, %dma_start3A_447] : memref<10112x128xf32, #tpu.memory_space<vmem_shared>> -> memref<10112x128xf32, #tpu.memory_space<vmem_shared>>
      tpu.enqueue_indirect_dma source(%arg7 : memref<80x128xf32, #tpu.memory_space<vmem>>) target(%dma_start3A_448 : memref<10112x128xf32, #tpu.memory_space<vmem_shared>>) offsets(%dma_start3A_445 : memref<80xi32, #tpu.memory_space<vmem>>) semaphore(%arg15 : memref<!tpu.dma_semaphore, #tpu.memory_space<semaphore_mem>>) {add = true}
      %dma_wait3A_449 = arith.constant 13 : i32
      %dma_wait3A_450 = arith.constant 0 : i32
      %dma_wait3A_451 = arith.constant 0 : i32
      %dma_wait3A_452 = tpu.memref_slice %arg6[%dma_wait3A_449, %dma_wait3A_450, %dma_wait3A_451] : memref<16x2x80xi32, #tpu.memory_space<vmem>> -> memref<1x1x80xi32, #tpu.memory_space<vmem>>
      %dma_wait3A_453 = tpu.memref_squeeze %dma_wait3A_452 : memref<1x1x80xi32, #tpu.memory_space<vmem>> -> memref<80xi32, #tpu.memory_space<vmem>>
      %dma_wait3A_454 = arith.constant 0 : i32
      %dma_wait3A_455 = arith.constant 0 : i32
      %dma_wait3A_456 = tpu.memref_slice %arg2[%dma_wait3A_454, %dma_wait3A_455] : memref<10000x128xf32, #tpu.memory_space<hbm>> -> memref<10000x128xf32, #tpu.memory_space<hbm>>
      tpu.wait_indirect_dma semaphore(%arg12 : memref<!tpu.dma_semaphore, #tpu.memory_space<semaphore_mem>>) src(%dma_wait3A_456 : memref<10000x128xf32, #tpu.memory_space<hbm>>) dst(%arg8 : memref<80x128xf32, #tpu.memory_space<vmem>>)
      %dma_start3A_457 = arith.constant 13 : i32
      %dma_start3A_458 = arith.constant 1 : i32
      %dma_start3A_459 = arith.constant 0 : i32
      %dma_start3A_460 = tpu.memref_slice %arg6[%dma_start3A_457, %dma_start3A_458, %dma_start3A_459] : memref<16x2x80xi32, #tpu.memory_space<vmem>> -> memref<1x1x80xi32, #tpu.memory_space<vmem>>
      %dma_start3A_461 = tpu.memref_squeeze %dma_start3A_460 : memref<1x1x80xi32, #tpu.memory_space<vmem>> -> memref<80xi32, #tpu.memory_space<vmem>>
      %dma_start3A_462 = arith.constant 0 : i32
      %dma_start3A_463 = arith.constant 0 : i32
      %dma_start3A_464 = tpu.memref_slice %arg16[%dma_start3A_462, %dma_start3A_463] : memref<10112x128xf32, #tpu.memory_space<vmem_shared>> -> memref<10112x128xf32, #tpu.memory_space<vmem_shared>>
      tpu.enqueue_indirect_dma source(%arg8 : memref<80x128xf32, #tpu.memory_space<vmem>>) target(%dma_start3A_464 : memref<10112x128xf32, #tpu.memory_space<vmem_shared>>) offsets(%dma_start3A_461 : memref<80xi32, #tpu.memory_space<vmem>>) semaphore(%arg15 : memref<!tpu.dma_semaphore, #tpu.memory_space<semaphore_mem>>) {add = true}
      %dma_wait3A_465 = arith.constant 14 : i32
      %dma_wait3A_466 = arith.constant 0 : i32
      %dma_wait3A_467 = arith.constant 0 : i32
      %dma_wait3A_468 = tpu.memref_slice %arg6[%dma_wait3A_465, %dma_wait3A_466, %dma_wait3A_467] : memref<16x2x80xi32, #tpu.memory_space<vmem>> -> memref<1x1x80xi32, #tpu.memory_space<vmem>>
      %dma_wait3A_469 = tpu.memref_squeeze %dma_wait3A_468 : memref<1x1x80xi32, #tpu.memory_space<vmem>> -> memref<80xi32, #tpu.memory_space<vmem>>
      %dma_wait3A_470 = arith.constant 0 : i32
      %dma_wait3A_471 = arith.constant 0 : i32
      %dma_wait3A_472 = tpu.memref_slice %arg2[%dma_wait3A_470, %dma_wait3A_471] : memref<10000x128xf32, #tpu.memory_space<hbm>> -> memref<10000x128xf32, #tpu.memory_space<hbm>>
      tpu.wait_indirect_dma semaphore(%arg13 : memref<!tpu.dma_semaphore, #tpu.memory_space<semaphore_mem>>) src(%dma_wait3A_472 : memref<10000x128xf32, #tpu.memory_space<hbm>>) dst(%arg9 : memref<80x128xf32, #tpu.memory_space<vmem>>)
      %dma_start3A_473 = arith.constant 14 : i32
      %dma_start3A_474 = arith.constant 1 : i32
      %dma_start3A_475 = arith.constant 0 : i32
      %dma_start3A_476 = tpu.memref_slice %arg6[%dma_start3A_473, %dma_start3A_474, %dma_start3A_475] : memref<16x2x80xi32, #tpu.memory_space<vmem>> -> memref<1x1x80xi32, #tpu.memory_space<vmem>>
      %dma_start3A_477 = tpu.memref_squeeze %dma_start3A_476 : memref<1x1x80xi32, #tpu.memory_space<vmem>> -> memref<80xi32, #tpu.memory_space<vmem>>
      %dma_start3A_478 = arith.constant 0 : i32
      %dma_start3A_479 = arith.constant 0 : i32
      %dma_start3A_480 = tpu.memref_slice %arg16[%dma_start3A_478, %dma_start3A_479] : memref<10112x128xf32, #tpu.memory_space<vmem_shared>> -> memref<10112x128xf32, #tpu.memory_space<vmem_shared>>
      tpu.enqueue_indirect_dma source(%arg9 : memref<80x128xf32, #tpu.memory_space<vmem>>) target(%dma_start3A_480 : memref<10112x128xf32, #tpu.memory_space<vmem_shared>>) offsets(%dma_start3A_477 : memref<80xi32, #tpu.memory_space<vmem>>) semaphore(%arg15 : memref<!tpu.dma_semaphore, #tpu.memory_space<semaphore_mem>>) {add = true}
      %dma_wait3A_481 = arith.constant 15 : i32
      %dma_wait3A_482 = arith.constant 0 : i32
      %dma_wait3A_483 = arith.constant 0 : i32
      %dma_wait3A_484 = tpu.memref_slice %arg6[%dma_wait3A_481, %dma_wait3A_482, %dma_wait3A_483] : memref<16x2x80xi32, #tpu.memory_space<vmem>> -> memref<1x1x80xi32, #tpu.memory_space<vmem>>
      %dma_wait3A_485 = tpu.memref_squeeze %dma_wait3A_484 : memref<1x1x80xi32, #tpu.memory_space<vmem>> -> memref<80xi32, #tpu.memory_space<vmem>>
      %dma_wait3A_486 = arith.constant 0 : i32
      %dma_wait3A_487 = arith.constant 0 : i32
      %dma_wait3A_488 = tpu.memref_slice %arg2[%dma_wait3A_486, %dma_wait3A_487] : memref<10000x128xf32, #tpu.memory_space<hbm>> -> memref<10000x128xf32, #tpu.memory_space<hbm>>
      tpu.wait_indirect_dma semaphore(%arg14 : memref<!tpu.dma_semaphore, #tpu.memory_space<semaphore_mem>>) src(%dma_wait3A_488 : memref<10000x128xf32, #tpu.memory_space<hbm>>) dst(%arg10 : memref<80x128xf32, #tpu.memory_space<vmem>>)
      %dma_start3A_489 = arith.constant 15 : i32
      %dma_start3A_490 = arith.constant 1 : i32
      %dma_start3A_491 = arith.constant 0 : i32
      %dma_start3A_492 = tpu.memref_slice %arg6[%dma_start3A_489, %dma_start3A_490, %dma_start3A_491] : memref<16x2x80xi32, #tpu.memory_space<vmem>> -> memref<1x1x80xi32, #tpu.memory_space<vmem>>
      %dma_start3A_493 = tpu.memref_squeeze %dma_start3A_492 : memref<1x1x80xi32, #tpu.memory_space<vmem>> -> memref<80xi32, #tpu.memory_space<vmem>>
      %dma_start3A_494 = arith.constant 0 : i32
      %dma_start3A_495 = arith.constant 0 : i32
      %dma_start3A_496 = tpu.memref_slice %arg16[%dma_start3A_494, %dma_start3A_495] : memref<10112x128xf32, #tpu.memory_space<vmem_shared>> -> memref<10112x128xf32, #tpu.memory_space<vmem_shared>>
      tpu.enqueue_indirect_dma source(%arg10 : memref<80x128xf32, #tpu.memory_space<vmem>>) target(%dma_start3A_496 : memref<10112x128xf32, #tpu.memory_space<vmem_shared>>) offsets(%dma_start3A_493 : memref<80xi32, #tpu.memory_space<vmem>>) semaphore(%arg15 : memref<!tpu.dma_semaphore, #tpu.memory_space<semaphore_mem>>) {add = true}
      %dma_wait3A_497 = arith.constant 12 : i32
      %dma_wait3A_498 = arith.constant 1 : i32
      %dma_wait3A_499 = arith.constant 0 : i32
      %dma_wait3A_500 = tpu.memref_slice %arg6[%dma_wait3A_497, %dma_wait3A_498, %dma_wait3A_499] : memref<16x2x80xi32, #tpu.memory_space<vmem>> -> memref<1x1x80xi32, #tpu.memory_space<vmem>>
      %dma_wait3A_501 = tpu.memref_squeeze %dma_wait3A_500 : memref<1x1x80xi32, #tpu.memory_space<vmem>> -> memref<80xi32, #tpu.memory_space<vmem>>
      %dma_wait3A_502 = arith.constant 0 : i32
      %dma_wait3A_503 = arith.constant 0 : i32
      %dma_wait3A_504 = tpu.memref_slice %arg16[%dma_wait3A_502, %dma_wait3A_503] : memref<10112x128xf32, #tpu.memory_space<vmem_shared>> -> memref<10112x128xf32, #tpu.memory_space<vmem_shared>>
      tpu.wait_indirect_dma semaphore(%arg15 : memref<!tpu.dma_semaphore, #tpu.memory_space<semaphore_mem>>) src(%arg7 : memref<80x128xf32, #tpu.memory_space<vmem>>) dst(%dma_wait3A_504 : memref<10112x128xf32, #tpu.memory_space<vmem_shared>>)
      %dma_wait3A_505 = arith.constant 13 : i32
      %dma_wait3A_506 = arith.constant 1 : i32
      %dma_wait3A_507 = arith.constant 0 : i32
      %dma_wait3A_508 = tpu.memref_slice %arg6[%dma_wait3A_505, %dma_wait3A_506, %dma_wait3A_507] : memref<16x2x80xi32, #tpu.memory_space<vmem>> -> memref<1x1x80xi32, #tpu.memory_space<vmem>>
      %dma_wait3A_509 = tpu.memref_squeeze %dma_wait3A_508 : memref<1x1x80xi32, #tpu.memory_space<vmem>> -> memref<80xi32, #tpu.memory_space<vmem>>
      %dma_wait3A_510 = arith.constant 0 : i32
      %dma_wait3A_511 = arith.constant 0 : i32
      %dma_wait3A_512 = tpu.memref_slice %arg16[%dma_wait3A_510, %dma_wait3A_511] : memref<10112x128xf32, #tpu.memory_space<vmem_shared>> -> memref<10112x128xf32, #tpu.memory_space<vmem_shared>>
      tpu.wait_indirect_dma semaphore(%arg15 : memref<!tpu.dma_semaphore, #tpu.memory_space<semaphore_mem>>) src(%arg8 : memref<80x128xf32, #tpu.memory_space<vmem>>) dst(%dma_wait3A_512 : memref<10112x128xf32, #tpu.memory_space<vmem_shared>>)
      %dma_wait3A_513 = arith.constant 14 : i32
      %dma_wait3A_514 = arith.constant 1 : i32
      %dma_wait3A_515 = arith.constant 0 : i32
      %dma_wait3A_516 = tpu.memref_slice %arg6[%dma_wait3A_513, %dma_wait3A_514, %dma_wait3A_515] : memref<16x2x80xi32, #tpu.memory_space<vmem>> -> memref<1x1x80xi32, #tpu.memory_space<vmem>>
      %dma_wait3A_517 = tpu.memref_squeeze %dma_wait3A_516 : memref<1x1x80xi32, #tpu.memory_space<vmem>> -> memref<80xi32, #tpu.memory_space<vmem>>
      %dma_wait3A_518 = arith.constant 0 : i32
      %dma_wait3A_519 = arith.constant 0 : i32
      %dma_wait3A_520 = tpu.memref_slice %arg16[%dma_wait3A_518, %dma_wait3A_519] : memref<10112x128xf32, #tpu.memory_space<vmem_shared>> -> memref<10112x128xf32, #tpu.memory_space<vmem_shared>>
      tpu.wait_indirect_dma semaphore(%arg15 : memref<!tpu.dma_semaphore, #tpu.memory_space<semaphore_mem>>) src(%arg9 : memref<80x128xf32, #tpu.memory_space<vmem>>) dst(%dma_wait3A_520 : memref<10112x128xf32, #tpu.memory_space<vmem_shared>>)
      %dma_wait3A_521 = arith.constant 15 : i32
      %dma_wait3A_522 = arith.constant 1 : i32
      %dma_wait3A_523 = arith.constant 0 : i32
      %dma_wait3A_524 = tpu.memref_slice %arg6[%dma_wait3A_521, %dma_wait3A_522, %dma_wait3A_523] : memref<16x2x80xi32, #tpu.memory_space<vmem>> -> memref<1x1x80xi32, #tpu.memory_space<vmem>>
      %dma_wait3A_525 = tpu.memref_squeeze %dma_wait3A_524 : memref<1x1x80xi32, #tpu.memory_space<vmem>> -> memref<80xi32, #tpu.memory_space<vmem>>
      %dma_wait3A_526 = arith.constant 0 : i32
      %dma_wait3A_527 = arith.constant 0 : i32
      %dma_wait3A_528 = tpu.memref_slice %arg16[%dma_wait3A_526, %dma_wait3A_527] : memref<10112x128xf32, #tpu.memory_space<vmem_shared>> -> memref<10112x128xf32, #tpu.memory_space<vmem_shared>>
      tpu.wait_indirect_dma semaphore(%arg15 : memref<!tpu.dma_semaphore, #tpu.memory_space<semaphore_mem>>) src(%arg10 : memref<80x128xf32, #tpu.memory_space<vmem>>) dst(%dma_wait3A_528 : memref<10112x128xf32, #tpu.memory_space<vmem_shared>>)
    }
    %scan3A_8 = arith.constant 8 : i32
    %barrier3A_9 = arith.constant 0 : index
    tpu.barrier barrier_id(%barrier3A_9)
    %mul3A_10 = arith.constant 632 : i32
    %mul3A_11 = arith.muli %arg1, %mul3A_10 : i32
    %mul3A_12 = arith.constant 632 : i32
    %mul3A_13 = arith.muli %arg1, %mul3A_12 : i32
    "tpu.region"() ({
      %run_scoped3A = tpu.sem_alloc : memref<!tpu.dma_semaphore, #tpu.memory_space<semaphore_mem>>
      %dma_start3A = arith.constant 0 : i32
      %dma_start3A_14 = arith.constant 0 : i32
      %dma_start3A_15 = tpu.memref_slice %arg5[%arg0, %dma_start3A, %dma_start3A_14] : memref<2x10112x128xf32, #tpu.memory_space<hbm>> -> memref<1x10112x128xf32, #tpu.memory_space<hbm>>
      %dma_start3A_16 = tpu.memref_squeeze %dma_start3A_15 : memref<1x10112x128xf32, #tpu.memory_space<hbm>> -> memref<10112x128xf32, #tpu.memory_space<hbm>>
      %dma_start3A_17 = arith.constant 0 : i32
      %dma_start3A_18 = tpu.memref_slice %dma_start3A_16[%mul3A_13, %dma_start3A_17] : memref<10112x128xf32, #tpu.memory_space<hbm>> -> memref<632x128xf32, #tpu.memory_space<hbm>>
      %dma_start3A_19 = arith.constant 0 : i32
      %dma_start3A_20 = tpu.memref_slice %arg16[%mul3A_11, %dma_start3A_19] : memref<10112x128xf32, #tpu.memory_space<vmem_shared>> -> memref<632x128xf32, #tpu.memory_space<vmem_shared>>
      tpu.enqueue_dma source(%dma_start3A_20 : memref<632x128xf32, #tpu.memory_space<vmem_shared>>) target(%dma_start3A_18 : memref<632x128xf32, #tpu.memory_space<hbm>>) target_semaphore(%run_scoped3A : memref<!tpu.dma_semaphore, #tpu.memory_space<semaphore_mem>>)
      %dma_wait3A = arith.constant 0 : i32
      %dma_wait3A_21 = arith.constant 0 : i32
      %dma_wait3A_22 = tpu.memref_slice %arg5[%arg0, %dma_wait3A, %dma_wait3A_21] : memref<2x10112x128xf32, #tpu.memory_space<hbm>> -> memref<1x10112x128xf32, #tpu.memory_space<hbm>>
      %dma_wait3A_23 = tpu.memref_squeeze %dma_wait3A_22 : memref<1x10112x128xf32, #tpu.memory_space<hbm>> -> memref<10112x128xf32, #tpu.memory_space<hbm>>
      %dma_wait3A_24 = arith.constant 0 : i32
      %dma_wait3A_25 = tpu.memref_slice %dma_wait3A_23[%mul3A_13, %dma_wait3A_24] : memref<10112x128xf32, #tpu.memory_space<hbm>> -> memref<632x128xf32, #tpu.memory_space<hbm>>
      %dma_wait3A_26 = arith.constant 0 : i32
      %dma_wait3A_27 = tpu.memref_slice %arg16[%mul3A_11, %dma_wait3A_26] : memref<10112x128xf32, #tpu.memory_space<vmem_shared>> -> memref<632x128xf32, #tpu.memory_space<vmem_shared>>
      tpu.wait_dma2 semaphore(%run_scoped3A : memref<!tpu.dma_semaphore, #tpu.memory_space<semaphore_mem>>) src(%dma_wait3A_27 : memref<632x128xf32, #tpu.memory_space<vmem_shared>>) dst(%dma_wait3A_25 : memref<632x128xf32, #tpu.memory_space<hbm>>)
      tpu.yield
    }) : () -> ()
    return
  }
}

#map = affine_map<(d0, d1) -> (0, 0)>
#map1 = affine_map<(d0, d1) -> (0, 0, 0, 0, 0)>
#map2 = affine_map<(d0, d1) -> (0, 0, 0)>
module attributes {stable_mosaic.version = 14 : i64} {
  func.func @scat_kernel(%arg0: i32, %arg1: i32, %arg2: memref<10000x128xf32, #tpu.memory_space<hbm>>, %arg3: memref<32x8x16x2x80xi32, #tpu.memory_space<hbm>>, %arg4: memref<10112x128xf32, #tpu.memory_space<hbm>>, %arg5: memref<2x10112x128xf32, #tpu.memory_space<hbm>>, %arg6: memref<16x2x80xi32, #tpu.memory_space<vmem>>, %arg7: memref<80x128xf32, #tpu.memory_space<vmem>>, %arg8: memref<80x128xf32, #tpu.memory_space<vmem>>, %arg9: memref<80x128xf32, #tpu.memory_space<vmem>>, %arg10: memref<80x128xf32, #tpu.memory_space<vmem>>, %arg11: memref<!tpu.dma_semaphore, #tpu.memory_space<semaphore_mem>>, %arg12: memref<!tpu.dma_semaphore, #tpu.memory_space<semaphore_mem>>, %arg13: memref<!tpu.dma_semaphore, #tpu.memory_space<semaphore_mem>>, %arg14: memref<!tpu.dma_semaphore, #tpu.memory_space<semaphore_mem>>, %arg15: memref<!tpu.dma_semaphore, #tpu.memory_space<semaphore_mem>>, %arg16: memref<10112x128xf32, #tpu.memory_space<vmem_shared>>) attributes {dimension_semantics = [#tpu.dimension_semantics<core_parallel>, #tpu.dimension_semantics<subcore_parallel>], iteration_bounds = array<i64: 2, 16>, scalar_prefetch = 0 : i64, scratch_operands = 11 : i64, tpu.core_type = #tpu.core_type<sc_vector_subcore>, window_params = [{transform_indices = #map}, {transform_indices = #map1}, {transform_indices = #map}, {transform_indices = #map2}]} {
    %mul3A = arith.constant 2 : i32
    %mul3A_0 = arith.muli %arg1, %mul3A : i32
    %add3A = arith.addi %mul3A_0, %arg0 : i32
    %mul3A_1 = arith.constant 632 : i32
    %mul3A_2 = arith.muli %arg1, %mul3A_1 : i32
    %mul3A_3 = arith.constant 632 : i32
    %mul3A_4 = arith.muli %arg1, %mul3A_3 : i32
    "tpu.region"() ({
      %run_scoped3A = tpu.sem_alloc : memref<!tpu.dma_semaphore, #tpu.memory_space<semaphore_mem>>
      %dma_start3A = arith.constant 0 : i32
      %dma_start3A_14 = tpu.memref_slice %arg16[%mul3A_4, %dma_start3A] : memref<10112x128xf32, #tpu.memory_space<vmem_shared>> -> memref<632x128xf32, #tpu.memory_space<vmem_shared>>
      %dma_start3A_15 = arith.constant 0 : i32
      %dma_start3A_16 = tpu.memref_slice %arg4[%mul3A_2, %dma_start3A_15] : memref<10112x128xf32, #tpu.memory_space<hbm>> -> memref<632x128xf32, #tpu.memory_space<hbm>>
      tpu.enqueue_dma source(%dma_start3A_16 : memref<632x128xf32, #tpu.memory_space<hbm>>) target(%dma_start3A_14 : memref<632x128xf32, #tpu.memory_space<vmem_shared>>) target_semaphore(%run_scoped3A : memref<!tpu.dma_semaphore, #tpu.memory_space<semaphore_mem>>)
      %dma_wait3A = arith.constant 0 : i32
      %dma_wait3A_17 = tpu.memref_slice %arg16[%mul3A_4, %dma_wait3A] : memref<10112x128xf32, #tpu.memory_space<vmem_shared>> -> memref<632x128xf32, #tpu.memory_space<vmem_shared>>
      %dma_wait3A_18 = arith.constant 0 : i32
      %dma_wait3A_19 = tpu.memref_slice %arg4[%mul3A_2, %dma_wait3A_18] : memref<10112x128xf32, #tpu.memory_space<hbm>> -> memref<632x128xf32, #tpu.memory_space<hbm>>
      tpu.wait_dma2 semaphore(%run_scoped3A : memref<!tpu.dma_semaphore, #tpu.memory_space<semaphore_mem>>) src(%dma_wait3A_19 : memref<632x128xf32, #tpu.memory_space<hbm>>) dst(%dma_wait3A_17 : memref<632x128xf32, #tpu.memory_space<vmem_shared>>)
      tpu.yield
    }) : () -> ()
    %barrier3A = arith.constant 0 : index
    tpu.barrier barrier_id(%barrier3A)
    %scan3A = arith.constant 0 : i32
    %scan3A_5 = arith.constant 8 : i32
    %scan3A_6 = arith.addi %scan3A, %scan3A_5 : i32
    %scan3A_7 = arith.constant 1 : i32
    scf.for %scan3A_14 = %scan3A to %scan3A_6 step %scan3A_7  : i32 {
      %mul3A_15 = arith.constant 1 : i32
      %mul3A_16 = arith.muli %scan3A_14, %mul3A_15 : i32
      %add3A_17 = arith.constant 0 : i32
      %add3A_18 = arith.addi %add3A_17, %mul3A_16 : i32
      "tpu.region"() ({
        %run_scoped3A = tpu.sem_alloc : memref<!tpu.dma_semaphore, #tpu.memory_space<semaphore_mem>>
        %dma_start3A_529 = arith.constant 0 : i32
        %dma_start3A_530 = arith.constant 0 : i32
        %dma_start3A_531 = arith.constant 0 : i32
        %dma_start3A_532 = tpu.memref_slice %arg3[%add3A, %add3A_18, %dma_start3A_529, %dma_start3A_530, %dma_start3A_531] : memref<32x8x16x2x80xi32, #tpu.memory_space<hbm>> -> memref<1x1x16x2x80xi32, #tpu.memory_space<hbm>>
        %dma_start3A_533 = tpu.memref_squeeze %dma_start3A_532 : memref<1x1x16x2x80xi32, #tpu.memory_space<hbm>> -> memref<16x2x80xi32, #tpu.memory_space<hbm>>
        %dma_start3A_534 = arith.constant 0 : i32
        %dma_start3A_535 = arith.constant 0 : i32
        %dma_start3A_536 = arith.constant 0 : i32
        %dma_start3A_537 = tpu.memref_slice %arg3[%add3A, %add3A_18, %dma_start3A_534, %dma_start3A_535, %dma_start3A_536] : memref<32x8x16x2x80xi32, #tpu.memory_space<hbm>> -> memref<1x1x16x2x80xi32, #tpu.memory_space<hbm>>
        %dma_start3A_538 = tpu.memref_squeeze %dma_start3A_537 : memref<1x1x16x2x80xi32, #tpu.memory_space<hbm>> -> memref<16x2x80xi32, #tpu.memory_space<hbm>>
        tpu.enqueue_dma source(%dma_start3A_538 : memref<16x2x80xi32, #tpu.memory_space<hbm>>) target(%arg6 : memref<16x2x80xi32, #tpu.memory_space<vmem>>) target_semaphore(%run_scoped3A : memref<!tpu.dma_semaphore, #tpu.memory_space<semaphore_mem>>)
        %dma_wait3A_539 = arith.constant 0 : i32
        %dma_wait3A_540 = arith.constant 0 : i32
        %dma_wait3A_541 = arith.constant 0 : i32
        %dma_wait3A_542 = tpu.memref_slice %arg3[%add3A, %add3A_18, %dma_wait3A_539, %dma_wait3A_540, %dma_wait3A_541] : memref<32x8x16x2x80xi32, #tpu.memory_space<hbm>> -> memref<1x1x16x2x80xi32, #tpu.memory_space<hbm>>
        %dma_wait3A_543 = tpu.memref_squeeze %dma_wait3A_542 : memref<1x1x16x2x80xi32, #tpu.memory_space<hbm>> -> memref<16x2x80xi32, #tpu.memory_space<hbm>>
        %dma_wait3A_544 = arith.constant 0 : i32
        %dma_wait3A_545 = arith.constant 0 : i32
        %dma_wait3A_546 = arith.constant 0 : i32
        %dma_wait3A_547 = tpu.memref_slice %arg3[%add3A, %add3A_18, %dma_wait3A_544, %dma_wait3A_545, %dma_wait3A_546] : memref<32x8x16x2x80xi32, #tpu.memory_space<hbm>> -> memref<1x1x16x2x80xi32, #tpu.memory_space<hbm>>
        %dma_wait3A_548 = tpu.memref_squeeze %dma_wait3A_547 : memref<1x1x16x2x80xi32, #tpu.memory_space<hbm>> -> memref<16x2x80xi32, #tpu.memory_space<hbm>>
        tpu.wait_dma2 semaphore(%run_scoped3A : memref<!tpu.dma_semaphore, #tpu.memory_space<semaphore_mem>>) src(%dma_wait3A_548 : memref<16x2x80xi32, #tpu.memory_space<hbm>>) dst(%arg6 : memref<16x2x80xi32, #tpu.memory_space<vmem>>)
        tpu.yield
      }) : () -> ()
      %dma_start3A = arith.constant 0 : i32
      %dma_start3A_19 = arith.constant 0 : i32
      %dma_start3A_20 = arith.constant 0 : i32
      %dma_start3A_21 = tpu.memref_slice %arg6[%dma_start3A, %dma_start3A_19, %dma_start3A_20] : memref<16x2x80xi32, #tpu.memory_space<vmem>> -> memref<1x1x80xi32, #tpu.memory_space<vmem>>
      %dma_start3A_22 = tpu.memref_squeeze %dma_start3A_21 : memref<1x1x80xi32, #tpu.memory_space<vmem>> -> memref<80xi32, #tpu.memory_space<vmem>>
      %dma_start3A_23 = arith.constant 0 : i32
      %dma_start3A_24 = arith.constant 0 : i32
      %dma_start3A_25 = tpu.memref_slice %arg2[%dma_start3A_23, %dma_start3A_24] : memref<10000x128xf32, #tpu.memory_space<hbm>> -> memref<10000x128xf32, #tpu.memory_space<hbm>>
      tpu.enqueue_indirect_dma source(%dma_start3A_25 : memref<10000x128xf32, #tpu.memory_space<hbm>>) target(%arg7 : memref<80x128xf32, #tpu.memory_space<vmem>>) offsets(%dma_start3A_22 : memref<80xi32, #tpu.memory_space<vmem>>) semaphore(%arg11 : memref<!tpu.dma_semaphore, #tpu.memory_space<semaphore_mem>>)
      %dma_start3A_26 = arith.constant 1 : i32
      %dma_start3A_27 = arith.constant 0 : i32
      %dma_start3A_28 = arith.constant 0 : i32
      %dma_start3A_29 = tpu.memref_slice %arg6[%dma_start3A_26, %dma_start3A_27, %dma_start3A_28] : memref<16x2x80xi32, #tpu.memory_space<vmem>> -> memref<1x1x80xi32, #tpu.memory_space<vmem>>
      %dma_start3A_30 = tpu.memref_squeeze %dma_start3A_29 : memref<1x1x80xi32, #tpu.memory_space<vmem>> -> memref<80xi32, #tpu.memory_space<vmem>>
      %dma_start3A_31 = arith.constant 0 : i32
      %dma_start3A_32 = arith.constant 0 : i32
      %dma_start3A_33 = tpu.memref_slice %arg2[%dma_start3A_31, %dma_start3A_32] : memref<10000x128xf32, #tpu.memory_space<hbm>> -> memref<10000x128xf32, #tpu.memory_space<hbm>>
      tpu.enqueue_indirect_dma source(%dma_start3A_33 : memref<10000x128xf32, #tpu.memory_space<hbm>>) target(%arg8 : memref<80x128xf32, #tpu.memory_space<vmem>>) offsets(%dma_start3A_30 : memref<80xi32, #tpu.memory_space<vmem>>) semaphore(%arg12 : memref<!tpu.dma_semaphore, #tpu.memory_space<semaphore_mem>>)
      %dma_start3A_34 = arith.constant 2 : i32
      %dma_start3A_35 = arith.constant 0 : i32
      %dma_start3A_36 = arith.constant 0 : i32
      %dma_start3A_37 = tpu.memref_slice %arg6[%dma_start3A_34, %dma_start3A_35, %dma_start3A_36] : memref<16x2x80xi32, #tpu.memory_space<vmem>> -> memref<1x1x80xi32, #tpu.memory_space<vmem>>
      %dma_start3A_38 = tpu.memref_squeeze %dma_start3A_37 : memref<1x1x80xi32, #tpu.memory_space<vmem>> -> memref<80xi32, #tpu.memory_space<vmem>>
      %dma_start3A_39 = arith.constant 0 : i32
      %dma_start3A_40 = arith.constant 0 : i32
      %dma_start3A_41 = tpu.memref_slice %arg2[%dma_start3A_39, %dma_start3A_40] : memref<10000x128xf32, #tpu.memory_space<hbm>> -> memref<10000x128xf32, #tpu.memory_space<hbm>>
      tpu.enqueue_indirect_dma source(%dma_start3A_41 : memref<10000x128xf32, #tpu.memory_space<hbm>>) target(%arg9 : memref<80x128xf32, #tpu.memory_space<vmem>>) offsets(%dma_start3A_38 : memref<80xi32, #tpu.memory_space<vmem>>) semaphore(%arg13 : memref<!tpu.dma_semaphore, #tpu.memory_space<semaphore_mem>>)
      %dma_start3A_42 = arith.constant 3 : i32
      %dma_start3A_43 = arith.constant 0 : i32
      %dma_start3A_44 = arith.constant 0 : i32
      %dma_start3A_45 = tpu.memref_slice %arg6[%dma_start3A_42, %dma_start3A_43, %dma_start3A_44] : memref<16x2x80xi32, #tpu.memory_space<vmem>> -> memref<1x1x80xi32, #tpu.memory_space<vmem>>
      %dma_start3A_46 = tpu.memref_squeeze %dma_start3A_45 : memref<1x1x80xi32, #tpu.memory_space<vmem>> -> memref<80xi32, #tpu.memory_space<vmem>>
      %dma_start3A_47 = arith.constant 0 : i32
      %dma_start3A_48 = arith.constant 0 : i32
      %dma_start3A_49 = tpu.memref_slice %arg2[%dma_start3A_47, %dma_start3A_48] : memref<10000x128xf32, #tpu.memory_space<hbm>> -> memref<10000x128xf32, #tpu.memory_space<hbm>>
      tpu.enqueue_indirect_dma source(%dma_start3A_49 : memref<10000x128xf32, #tpu.memory_space<hbm>>) target(%arg10 : memref<80x128xf32, #tpu.memory_space<vmem>>) offsets(%dma_start3A_46 : memref<80xi32, #tpu.memory_space<vmem>>) semaphore(%arg14 : memref<!tpu.dma_semaphore, #tpu.memory_space<semaphore_mem>>)
      %dma_wait3A = arith.constant 0 : i32
      %dma_wait3A_50 = arith.constant 0 : i32
      %dma_wait3A_51 = arith.constant 0 : i32
      %dma_wait3A_52 = tpu.memref_slice %arg6[%dma_wait3A, %dma_wait3A_50, %dma_wait3A_51] : memref<16x2x80xi32, #tpu.memory_space<vmem>> -> memref<1x1x80xi32, #tpu.memory_space<vmem>>
      %dma_wait3A_53 = tpu.memref_squeeze %dma_wait3A_52 : memref<1x1x80xi32, #tpu.memory_space<vmem>> -> memref<80xi32, #tpu.memory_space<vmem>>
      %dma_wait3A_54 = arith.constant 0 : i32
      %dma_wait3A_55 = arith.constant 0 : i32
      %dma_wait3A_56 = tpu.memref_slice %arg2[%dma_wait3A_54, %dma_wait3A_55] : memref<10000x128xf32, #tpu.memory_space<hbm>> -> memref<10000x128xf32, #tpu.memory_space<hbm>>
      tpu.wait_indirect_dma semaphore(%arg11 : memref<!tpu.dma_semaphore, #tpu.memory_space<semaphore_mem>>) src(%dma_wait3A_56 : memref<10000x128xf32, #tpu.memory_space<hbm>>) dst(%arg7 : memref<80x128xf32, #tpu.memory_space<vmem>>)
      %dma_start3A_57 = arith.constant 0 : i32
      %dma_start3A_58 = arith.constant 1 : i32
      %dma_start3A_59 = arith.constant 0 : i32
      %dma_start3A_60 = tpu.memref_slice %arg6[%dma_start3A_57, %dma_start3A_58, %dma_start3A_59] : memref<16x2x80xi32, #tpu.memory_space<vmem>> -> memref<1x1x80xi32, #tpu.memory_space<vmem>>
      %dma_start3A_61 = tpu.memref_squeeze %dma_start3A_60 : memref<1x1x80xi32, #tpu.memory_space<vmem>> -> memref<80xi32, #tpu.memory_space<vmem>>
      %dma_start3A_62 = arith.constant 0 : i32
      %dma_start3A_63 = arith.constant 0 : i32
      %dma_start3A_64 = tpu.memref_slice %arg16[%dma_start3A_62, %dma_start3A_63] : memref<10112x128xf32, #tpu.memory_space<vmem_shared>> -> memref<10112x128xf32, #tpu.memory_space<vmem_shared>>
      tpu.enqueue_indirect_dma source(%arg7 : memref<80x128xf32, #tpu.memory_space<vmem>>) target(%dma_start3A_64 : memref<10112x128xf32, #tpu.memory_space<vmem_shared>>) offsets(%dma_start3A_61 : memref<80xi32, #tpu.memory_space<vmem>>) semaphore(%arg15 : memref<!tpu.dma_semaphore, #tpu.memory_space<semaphore_mem>>) {add = true}
      %dma_wait3A_65 = arith.constant 0 : i32
      %dma_wait3A_66 = arith.constant 1 : i32
      %dma_wait3A_67 = arith.constant 0 : i32
      %dma_wait3A_68 = tpu.memref_slice %arg6[%dma_wait3A_65, %dma_wait3A_66, %dma_wait3A_67] : memref<16x2x80xi32, #tpu.memory_space<vmem>> -> memref<1x1x80xi32, #tpu.memory_space<vmem>>
      %dma_wait3A_69 = tpu.memref_squeeze %dma_wait3A_68 : memref<1x1x80xi32, #tpu.memory_space<vmem>> -> memref<80xi32, #tpu.memory_space<vmem>>
      %dma_wait3A_70 = arith.constant 0 : i32
      %dma_wait3A_71 = arith.constant 0 : i32
      %dma_wait3A_72 = tpu.memref_slice %arg16[%dma_wait3A_70, %dma_wait3A_71] : memref<10112x128xf32, #tpu.memory_space<vmem_shared>> -> memref<10112x128xf32, #tpu.memory_space<vmem_shared>>
      tpu.wait_indirect_dma semaphore(%arg15 : memref<!tpu.dma_semaphore, #tpu.memory_space<semaphore_mem>>) src(%arg7 : memref<80x128xf32, #tpu.memory_space<vmem>>) dst(%dma_wait3A_72 : memref<10112x128xf32, #tpu.memory_space<vmem_shared>>)
      %dma_start3A_73 = arith.constant 4 : i32
      %dma_start3A_74 = arith.constant 0 : i32
      %dma_start3A_75 = arith.constant 0 : i32
      %dma_start3A_76 = tpu.memref_slice %arg6[%dma_start3A_73, %dma_start3A_74, %dma_start3A_75] : memref<16x2x80xi32, #tpu.memory_space<vmem>> -> memref<1x1x80xi32, #tpu.memory_space<vmem>>
      %dma_start3A_77 = tpu.memref_squeeze %dma_start3A_76 : memref<1x1x80xi32, #tpu.memory_space<vmem>> -> memref<80xi32, #tpu.memory_space<vmem>>
      %dma_start3A_78 = arith.constant 0 : i32
      %dma_start3A_79 = arith.constant 0 : i32
      %dma_start3A_80 = tpu.memref_slice %arg2[%dma_start3A_78, %dma_start3A_79] : memref<10000x128xf32, #tpu.memory_space<hbm>> -> memref<10000x128xf32, #tpu.memory_space<hbm>>
      tpu.enqueue_indirect_dma source(%dma_start3A_80 : memref<10000x128xf32, #tpu.memory_space<hbm>>) target(%arg7 : memref<80x128xf32, #tpu.memory_space<vmem>>) offsets(%dma_start3A_77 : memref<80xi32, #tpu.memory_space<vmem>>) semaphore(%arg11 : memref<!tpu.dma_semaphore, #tpu.memory_space<semaphore_mem>>)
      %dma_wait3A_81 = arith.constant 1 : i32
      %dma_wait3A_82 = arith.constant 0 : i32
      %dma_wait3A_83 = arith.constant 0 : i32
      %dma_wait3A_84 = tpu.memref_slice %arg6[%dma_wait3A_81, %dma_wait3A_82, %dma_wait3A_83] : memref<16x2x80xi32, #tpu.memory_space<vmem>> -> memref<1x1x80xi32, #tpu.memory_space<vmem>>
      %dma_wait3A_85 = tpu.memref_squeeze %dma_wait3A_84 : memref<1x1x80xi32, #tpu.memory_space<vmem>> -> memref<80xi32, #tpu.memory_space<vmem>>
      %dma_wait3A_86 = arith.constant 0 : i32
      %dma_wait3A_87 = arith.constant 0 : i32
      %dma_wait3A_88 = tpu.memref_slice %arg2[%dma_wait3A_86, %dma_wait3A_87] : memref<10000x128xf32, #tpu.memory_space<hbm>> -> memref<10000x128xf32, #tpu.memory_space<hbm>>
      tpu.wait_indirect_dma semaphore(%arg12 : memref<!tpu.dma_semaphore, #tpu.memory_space<semaphore_mem>>) src(%dma_wait3A_88 : memref<10000x128xf32, #tpu.memory_space<hbm>>) dst(%arg8 : memref<80x128xf32, #tpu.memory_space<vmem>>)
      %dma_start3A_89 = arith.constant 1 : i32
      %dma_start3A_90 = arith.constant 1 : i32
      %dma_start3A_91 = arith.constant 0 : i32
      %dma_start3A_92 = tpu.memref_slice %arg6[%dma_start3A_89, %dma_start3A_90, %dma_start3A_91] : memref<16x2x80xi32, #tpu.memory_space<vmem>> -> memref<1x1x80xi32, #tpu.memory_space<vmem>>
      %dma_start3A_93 = tpu.memref_squeeze %dma_start3A_92 : memref<1x1x80xi32, #tpu.memory_space<vmem>> -> memref<80xi32, #tpu.memory_space<vmem>>
      %dma_start3A_94 = arith.constant 0 : i32
      %dma_start3A_95 = arith.constant 0 : i32
      %dma_start3A_96 = tpu.memref_slice %arg16[%dma_start3A_94, %dma_start3A_95] : memref<10112x128xf32, #tpu.memory_space<vmem_shared>> -> memref<10112x128xf32, #tpu.memory_space<vmem_shared>>
      tpu.enqueue_indirect_dma source(%arg8 : memref<80x128xf32, #tpu.memory_space<vmem>>) target(%dma_start3A_96 : memref<10112x128xf32, #tpu.memory_space<vmem_shared>>) offsets(%dma_start3A_93 : memref<80xi32, #tpu.memory_space<vmem>>) semaphore(%arg15 : memref<!tpu.dma_semaphore, #tpu.memory_space<semaphore_mem>>) {add = true}
      %dma_wait3A_97 = arith.constant 1 : i32
      %dma_wait3A_98 = arith.constant 1 : i32
      %dma_wait3A_99 = arith.constant 0 : i32
      %dma_wait3A_100 = tpu.memref_slice %arg6[%dma_wait3A_97, %dma_wait3A_98, %dma_wait3A_99] : memref<16x2x80xi32, #tpu.memory_space<vmem>> -> memref<1x1x80xi32, #tpu.memory_space<vmem>>
      %dma_wait3A_101 = tpu.memref_squeeze %dma_wait3A_100 : memref<1x1x80xi32, #tpu.memory_space<vmem>> -> memref<80xi32, #tpu.memory_space<vmem>>
      %dma_wait3A_102 = arith.constant 0 : i32
      %dma_wait3A_103 = arith.constant 0 : i32
      %dma_wait3A_104 = tpu.memref_slice %arg16[%dma_wait3A_102, %dma_wait3A_103] : memref<10112x128xf32, #tpu.memory_space<vmem_shared>> -> memref<10112x128xf32, #tpu.memory_space<vmem_shared>>
      tpu.wait_indirect_dma semaphore(%arg15 : memref<!tpu.dma_semaphore, #tpu.memory_space<semaphore_mem>>) src(%arg8 : memref<80x128xf32, #tpu.memory_space<vmem>>) dst(%dma_wait3A_104 : memref<10112x128xf32, #tpu.memory_space<vmem_shared>>)
      %dma_start3A_105 = arith.constant 5 : i32
      %dma_start3A_106 = arith.constant 0 : i32
      %dma_start3A_107 = arith.constant 0 : i32
      %dma_start3A_108 = tpu.memref_slice %arg6[%dma_start3A_105, %dma_start3A_106, %dma_start3A_107] : memref<16x2x80xi32, #tpu.memory_space<vmem>> -> memref<1x1x80xi32, #tpu.memory_space<vmem>>
      %dma_start3A_109 = tpu.memref_squeeze %dma_start3A_108 : memref<1x1x80xi32, #tpu.memory_space<vmem>> -> memref<80xi32, #tpu.memory_space<vmem>>
      %dma_start3A_110 = arith.constant 0 : i32
      %dma_start3A_111 = arith.constant 0 : i32
      %dma_start3A_112 = tpu.memref_slice %arg2[%dma_start3A_110, %dma_start3A_111] : memref<10000x128xf32, #tpu.memory_space<hbm>> -> memref<10000x128xf32, #tpu.memory_space<hbm>>
      tpu.enqueue_indirect_dma source(%dma_start3A_112 : memref<10000x128xf32, #tpu.memory_space<hbm>>) target(%arg8 : memref<80x128xf32, #tpu.memory_space<vmem>>) offsets(%dma_start3A_109 : memref<80xi32, #tpu.memory_space<vmem>>) semaphore(%arg12 : memref<!tpu.dma_semaphore, #tpu.memory_space<semaphore_mem>>)
      %dma_wait3A_113 = arith.constant 2 : i32
      %dma_wait3A_114 = arith.constant 0 : i32
      %dma_wait3A_115 = arith.constant 0 : i32
      %dma_wait3A_116 = tpu.memref_slice %arg6[%dma_wait3A_113, %dma_wait3A_114, %dma_wait3A_115] : memref<16x2x80xi32, #tpu.memory_space<vmem>> -> memref<1x1x80xi32, #tpu.memory_space<vmem>>
      %dma_wait3A_117 = tpu.memref_squeeze %dma_wait3A_116 : memref<1x1x80xi32, #tpu.memory_space<vmem>> -> memref<80xi32, #tpu.memory_space<vmem>>
      %dma_wait3A_118 = arith.constant 0 : i32
      %dma_wait3A_119 = arith.constant 0 : i32
      %dma_wait3A_120 = tpu.memref_slice %arg2[%dma_wait3A_118, %dma_wait3A_119] : memref<10000x128xf32, #tpu.memory_space<hbm>> -> memref<10000x128xf32, #tpu.memory_space<hbm>>
      tpu.wait_indirect_dma semaphore(%arg13 : memref<!tpu.dma_semaphore, #tpu.memory_space<semaphore_mem>>) src(%dma_wait3A_120 : memref<10000x128xf32, #tpu.memory_space<hbm>>) dst(%arg9 : memref<80x128xf32, #tpu.memory_space<vmem>>)
      %dma_start3A_121 = arith.constant 2 : i32
      %dma_start3A_122 = arith.constant 1 : i32
      %dma_start3A_123 = arith.constant 0 : i32
      %dma_start3A_124 = tpu.memref_slice %arg6[%dma_start3A_121, %dma_start3A_122, %dma_start3A_123] : memref<16x2x80xi32, #tpu.memory_space<vmem>> -> memref<1x1x80xi32, #tpu.memory_space<vmem>>
      %dma_start3A_125 = tpu.memref_squeeze %dma_start3A_124 : memref<1x1x80xi32, #tpu.memory_space<vmem>> -> memref<80xi32, #tpu.memory_space<vmem>>
      %dma_start3A_126 = arith.constant 0 : i32
      %dma_start3A_127 = arith.constant 0 : i32
      %dma_start3A_128 = tpu.memref_slice %arg16[%dma_start3A_126, %dma_start3A_127] : memref<10112x128xf32, #tpu.memory_space<vmem_shared>> -> memref<10112x128xf32, #tpu.memory_space<vmem_shared>>
      tpu.enqueue_indirect_dma source(%arg9 : memref<80x128xf32, #tpu.memory_space<vmem>>) target(%dma_start3A_128 : memref<10112x128xf32, #tpu.memory_space<vmem_shared>>) offsets(%dma_start3A_125 : memref<80xi32, #tpu.memory_space<vmem>>) semaphore(%arg15 : memref<!tpu.dma_semaphore, #tpu.memory_space<semaphore_mem>>) {add = true}
      %dma_wait3A_129 = arith.constant 2 : i32
      %dma_wait3A_130 = arith.constant 1 : i32
      %dma_wait3A_131 = arith.constant 0 : i32
      %dma_wait3A_132 = tpu.memref_slice %arg6[%dma_wait3A_129, %dma_wait3A_130, %dma_wait3A_131] : memref<16x2x80xi32, #tpu.memory_space<vmem>> -> memref<1x1x80xi32, #tpu.memory_space<vmem>>
      %dma_wait3A_133 = tpu.memref_squeeze %dma_wait3A_132 : memref<1x1x80xi32, #tpu.memory_space<vmem>> -> memref<80xi32, #tpu.memory_space<vmem>>
      %dma_wait3A_134 = arith.constant 0 : i32
      %dma_wait3A_135 = arith.constant 0 : i32
      %dma_wait3A_136 = tpu.memref_slice %arg16[%dma_wait3A_134, %dma_wait3A_135] : memref<10112x128xf32, #tpu.memory_space<vmem_shared>> -> memref<10112x128xf32, #tpu.memory_space<vmem_shared>>
      tpu.wait_indirect_dma semaphore(%arg15 : memref<!tpu.dma_semaphore, #tpu.memory_space<semaphore_mem>>) src(%arg9 : memref<80x128xf32, #tpu.memory_space<vmem>>) dst(%dma_wait3A_136 : memref<10112x128xf32, #tpu.memory_space<vmem_shared>>)
      %dma_start3A_137 = arith.constant 6 : i32
      %dma_start3A_138 = arith.constant 0 : i32
      %dma_start3A_139 = arith.constant 0 : i32
      %dma_start3A_140 = tpu.memref_slice %arg6[%dma_start3A_137, %dma_start3A_138, %dma_start3A_139] : memref<16x2x80xi32, #tpu.memory_space<vmem>> -> memref<1x1x80xi32, #tpu.memory_space<vmem>>
      %dma_start3A_141 = tpu.memref_squeeze %dma_start3A_140 : memref<1x1x80xi32, #tpu.memory_space<vmem>> -> memref<80xi32, #tpu.memory_space<vmem>>
      %dma_start3A_142 = arith.constant 0 : i32
      %dma_start3A_143 = arith.constant 0 : i32
      %dma_start3A_144 = tpu.memref_slice %arg2[%dma_start3A_142, %dma_start3A_143] : memref<10000x128xf32, #tpu.memory_space<hbm>> -> memref<10000x128xf32, #tpu.memory_space<hbm>>
      tpu.enqueue_indirect_dma source(%dma_start3A_144 : memref<10000x128xf32, #tpu.memory_space<hbm>>) target(%arg9 : memref<80x128xf32, #tpu.memory_space<vmem>>) offsets(%dma_start3A_141 : memref<80xi32, #tpu.memory_space<vmem>>) semaphore(%arg13 : memref<!tpu.dma_semaphore, #tpu.memory_space<semaphore_mem>>)
      %dma_wait3A_145 = arith.constant 3 : i32
      %dma_wait3A_146 = arith.constant 0 : i32
      %dma_wait3A_147 = arith.constant 0 : i32
      %dma_wait3A_148 = tpu.memref_slice %arg6[%dma_wait3A_145, %dma_wait3A_146, %dma_wait3A_147] : memref<16x2x80xi32, #tpu.memory_space<vmem>> -> memref<1x1x80xi32, #tpu.memory_space<vmem>>
      %dma_wait3A_149 = tpu.memref_squeeze %dma_wait3A_148 : memref<1x1x80xi32, #tpu.memory_space<vmem>> -> memref<80xi32, #tpu.memory_space<vmem>>
      %dma_wait3A_150 = arith.constant 0 : i32
      %dma_wait3A_151 = arith.constant 0 : i32
      %dma_wait3A_152 = tpu.memref_slice %arg2[%dma_wait3A_150, %dma_wait3A_151] : memref<10000x128xf32, #tpu.memory_space<hbm>> -> memref<10000x128xf32, #tpu.memory_space<hbm>>
      tpu.wait_indirect_dma semaphore(%arg14 : memref<!tpu.dma_semaphore, #tpu.memory_space<semaphore_mem>>) src(%dma_wait3A_152 : memref<10000x128xf32, #tpu.memory_space<hbm>>) dst(%arg10 : memref<80x128xf32, #tpu.memory_space<vmem>>)
      %dma_start3A_153 = arith.constant 3 : i32
      %dma_start3A_154 = arith.constant 1 : i32
      %dma_start3A_155 = arith.constant 0 : i32
      %dma_start3A_156 = tpu.memref_slice %arg6[%dma_start3A_153, %dma_start3A_154, %dma_start3A_155] : memref<16x2x80xi32, #tpu.memory_space<vmem>> -> memref<1x1x80xi32, #tpu.memory_space<vmem>>
      %dma_start3A_157 = tpu.memref_squeeze %dma_start3A_156 : memref<1x1x80xi32, #tpu.memory_space<vmem>> -> memref<80xi32, #tpu.memory_space<vmem>>
      %dma_start3A_158 = arith.constant 0 : i32
      %dma_start3A_159 = arith.constant 0 : i32
      %dma_start3A_160 = tpu.memref_slice %arg16[%dma_start3A_158, %dma_start3A_159] : memref<10112x128xf32, #tpu.memory_space<vmem_shared>> -> memref<10112x128xf32, #tpu.memory_space<vmem_shared>>
      tpu.enqueue_indirect_dma source(%arg10 : memref<80x128xf32, #tpu.memory_space<vmem>>) target(%dma_start3A_160 : memref<10112x128xf32, #tpu.memory_space<vmem_shared>>) offsets(%dma_start3A_157 : memref<80xi32, #tpu.memory_space<vmem>>) semaphore(%arg15 : memref<!tpu.dma_semaphore, #tpu.memory_space<semaphore_mem>>) {add = true}
      %dma_wait3A_161 = arith.constant 3 : i32
      %dma_wait3A_162 = arith.constant 1 : i32
      %dma_wait3A_163 = arith.constant 0 : i32
      %dma_wait3A_164 = tpu.memref_slice %arg6[%dma_wait3A_161, %dma_wait3A_162, %dma_wait3A_163] : memref<16x2x80xi32, #tpu.memory_space<vmem>> -> memref<1x1x80xi32, #tpu.memory_space<vmem>>
      %dma_wait3A_165 = tpu.memref_squeeze %dma_wait3A_164 : memref<1x1x80xi32, #tpu.memory_space<vmem>> -> memref<80xi32, #tpu.memory_space<vmem>>
      %dma_wait3A_166 = arith.constant 0 : i32
      %dma_wait3A_167 = arith.constant 0 : i32
      %dma_wait3A_168 = tpu.memref_slice %arg16[%dma_wait3A_166, %dma_wait3A_167] : memref<10112x128xf32, #tpu.memory_space<vmem_shared>> -> memref<10112x128xf32, #tpu.memory_space<vmem_shared>>
      tpu.wait_indirect_dma semaphore(%arg15 : memref<!tpu.dma_semaphore, #tpu.memory_space<semaphore_mem>>) src(%arg10 : memref<80x128xf32, #tpu.memory_space<vmem>>) dst(%dma_wait3A_168 : memref<10112x128xf32, #tpu.memory_space<vmem_shared>>)
      %dma_start3A_169 = arith.constant 7 : i32
      %dma_start3A_170 = arith.constant 0 : i32
      %dma_start3A_171 = arith.constant 0 : i32
      %dma_start3A_172 = tpu.memref_slice %arg6[%dma_start3A_169, %dma_start3A_170, %dma_start3A_171] : memref<16x2x80xi32, #tpu.memory_space<vmem>> -> memref<1x1x80xi32, #tpu.memory_space<vmem>>
      %dma_start3A_173 = tpu.memref_squeeze %dma_start3A_172 : memref<1x1x80xi32, #tpu.memory_space<vmem>> -> memref<80xi32, #tpu.memory_space<vmem>>
      %dma_start3A_174 = arith.constant 0 : i32
      %dma_start3A_175 = arith.constant 0 : i32
      %dma_start3A_176 = tpu.memref_slice %arg2[%dma_start3A_174, %dma_start3A_175] : memref<10000x128xf32, #tpu.memory_space<hbm>> -> memref<10000x128xf32, #tpu.memory_space<hbm>>
      tpu.enqueue_indirect_dma source(%dma_start3A_176 : memref<10000x128xf32, #tpu.memory_space<hbm>>) target(%arg10 : memref<80x128xf32, #tpu.memory_space<vmem>>) offsets(%dma_start3A_173 : memref<80xi32, #tpu.memory_space<vmem>>) semaphore(%arg14 : memref<!tpu.dma_semaphore, #tpu.memory_space<semaphore_mem>>)
      %dma_wait3A_177 = arith.constant 4 : i32
      %dma_wait3A_178 = arith.constant 0 : i32
      %dma_wait3A_179 = arith.constant 0 : i32
      %dma_wait3A_180 = tpu.memref_slice %arg6[%dma_wait3A_177, %dma_wait3A_178, %dma_wait3A_179] : memref<16x2x80xi32, #tpu.memory_space<vmem>> -> memref<1x1x80xi32, #tpu.memory_space<vmem>>
      %dma_wait3A_181 = tpu.memref_squeeze %dma_wait3A_180 : memref<1x1x80xi32, #tpu.memory_space<vmem>> -> memref<80xi32, #tpu.memory_space<vmem>>
      %dma_wait3A_182 = arith.constant 0 : i32
      %dma_wait3A_183 = arith.constant 0 : i32
      %dma_wait3A_184 = tpu.memref_slice %arg2[%dma_wait3A_182, %dma_wait3A_183] : memref<10000x128xf32, #tpu.memory_space<hbm>> -> memref<10000x128xf32, #tpu.memory_space<hbm>>
      tpu.wait_indirect_dma semaphore(%arg11 : memref<!tpu.dma_semaphore, #tpu.memory_space<semaphore_mem>>) src(%dma_wait3A_184 : memref<10000x128xf32, #tpu.memory_space<hbm>>) dst(%arg7 : memref<80x128xf32, #tpu.memory_space<vmem>>)
      %dma_start3A_185 = arith.constant 4 : i32
      %dma_start3A_186 = arith.constant 1 : i32
      %dma_start3A_187 = arith.constant 0 : i32
      %dma_start3A_188 = tpu.memref_slice %arg6[%dma_start3A_185, %dma_start3A_186, %dma_start3A_187] : memref<16x2x80xi32, #tpu.memory_space<vmem>> -> memref<1x1x80xi32, #tpu.memory_space<vmem>>
      %dma_start3A_189 = tpu.memref_squeeze %dma_start3A_188 : memref<1x1x80xi32, #tpu.memory_space<vmem>> -> memref<80xi32, #tpu.memory_space<vmem>>
      %dma_start3A_190 = arith.constant 0 : i32
      %dma_start3A_191 = arith.constant 0 : i32
      %dma_start3A_192 = tpu.memref_slice %arg16[%dma_start3A_190, %dma_start3A_191] : memref<10112x128xf32, #tpu.memory_space<vmem_shared>> -> memref<10112x128xf32, #tpu.memory_space<vmem_shared>>
      tpu.enqueue_indirect_dma source(%arg7 : memref<80x128xf32, #tpu.memory_space<vmem>>) target(%dma_start3A_192 : memref<10112x128xf32, #tpu.memory_space<vmem_shared>>) offsets(%dma_start3A_189 : memref<80xi32, #tpu.memory_space<vmem>>) semaphore(%arg15 : memref<!tpu.dma_semaphore, #tpu.memory_space<semaphore_mem>>) {add = true}
      %dma_wait3A_193 = arith.constant 4 : i32
      %dma_wait3A_194 = arith.constant 1 : i32
      %dma_wait3A_195 = arith.constant 0 : i32
      %dma_wait3A_196 = tpu.memref_slice %arg6[%dma_wait3A_193, %dma_wait3A_194, %dma_wait3A_195] : memref<16x2x80xi32, #tpu.memory_space<vmem>> -> memref<1x1x80xi32, #tpu.memory_space<vmem>>
      %dma_wait3A_197 = tpu.memref_squeeze %dma_wait3A_196 : memref<1x1x80xi32, #tpu.memory_space<vmem>> -> memref<80xi32, #tpu.memory_space<vmem>>
      %dma_wait3A_198 = arith.constant 0 : i32
      %dma_wait3A_199 = arith.constant 0 : i32
      %dma_wait3A_200 = tpu.memref_slice %arg16[%dma_wait3A_198, %dma_wait3A_199] : memref<10112x128xf32, #tpu.memory_space<vmem_shared>> -> memref<10112x128xf32, #tpu.memory_space<vmem_shared>>
      tpu.wait_indirect_dma semaphore(%arg15 : memref<!tpu.dma_semaphore, #tpu.memory_space<semaphore_mem>>) src(%arg7 : memref<80x128xf32, #tpu.memory_space<vmem>>) dst(%dma_wait3A_200 : memref<10112x128xf32, #tpu.memory_space<vmem_shared>>)
      %dma_start3A_201 = arith.constant 8 : i32
      %dma_start3A_202 = arith.constant 0 : i32
      %dma_start3A_203 = arith.constant 0 : i32
      %dma_start3A_204 = tpu.memref_slice %arg6[%dma_start3A_201, %dma_start3A_202, %dma_start3A_203] : memref<16x2x80xi32, #tpu.memory_space<vmem>> -> memref<1x1x80xi32, #tpu.memory_space<vmem>>
      %dma_start3A_205 = tpu.memref_squeeze %dma_start3A_204 : memref<1x1x80xi32, #tpu.memory_space<vmem>> -> memref<80xi32, #tpu.memory_space<vmem>>
      %dma_start3A_206 = arith.constant 0 : i32
      %dma_start3A_207 = arith.constant 0 : i32
      %dma_start3A_208 = tpu.memref_slice %arg2[%dma_start3A_206, %dma_start3A_207] : memref<10000x128xf32, #tpu.memory_space<hbm>> -> memref<10000x128xf32, #tpu.memory_space<hbm>>
      tpu.enqueue_indirect_dma source(%dma_start3A_208 : memref<10000x128xf32, #tpu.memory_space<hbm>>) target(%arg7 : memref<80x128xf32, #tpu.memory_space<vmem>>) offsets(%dma_start3A_205 : memref<80xi32, #tpu.memory_space<vmem>>) semaphore(%arg11 : memref<!tpu.dma_semaphore, #tpu.memory_space<semaphore_mem>>)
      %dma_wait3A_209 = arith.constant 5 : i32
      %dma_wait3A_210 = arith.constant 0 : i32
      %dma_wait3A_211 = arith.constant 0 : i32
      %dma_wait3A_212 = tpu.memref_slice %arg6[%dma_wait3A_209, %dma_wait3A_210, %dma_wait3A_211] : memref<16x2x80xi32, #tpu.memory_space<vmem>> -> memref<1x1x80xi32, #tpu.memory_space<vmem>>
      %dma_wait3A_213 = tpu.memref_squeeze %dma_wait3A_212 : memref<1x1x80xi32, #tpu.memory_space<vmem>> -> memref<80xi32, #tpu.memory_space<vmem>>
      %dma_wait3A_214 = arith.constant 0 : i32
      %dma_wait3A_215 = arith.constant 0 : i32
      %dma_wait3A_216 = tpu.memref_slice %arg2[%dma_wait3A_214, %dma_wait3A_215] : memref<10000x128xf32, #tpu.memory_space<hbm>> -> memref<10000x128xf32, #tpu.memory_space<hbm>>
      tpu.wait_indirect_dma semaphore(%arg12 : memref<!tpu.dma_semaphore, #tpu.memory_space<semaphore_mem>>) src(%dma_wait3A_216 : memref<10000x128xf32, #tpu.memory_space<hbm>>) dst(%arg8 : memref<80x128xf32, #tpu.memory_space<vmem>>)
      %dma_start3A_217 = arith.constant 5 : i32
      %dma_start3A_218 = arith.constant 1 : i32
      %dma_start3A_219 = arith.constant 0 : i32
      %dma_start3A_220 = tpu.memref_slice %arg6[%dma_start3A_217, %dma_start3A_218, %dma_start3A_219] : memref<16x2x80xi32, #tpu.memory_space<vmem>> -> memref<1x1x80xi32, #tpu.memory_space<vmem>>
      %dma_start3A_221 = tpu.memref_squeeze %dma_start3A_220 : memref<1x1x80xi32, #tpu.memory_space<vmem>> -> memref<80xi32, #tpu.memory_space<vmem>>
      %dma_start3A_222 = arith.constant 0 : i32
      %dma_start3A_223 = arith.constant 0 : i32
      %dma_start3A_224 = tpu.memref_slice %arg16[%dma_start3A_222, %dma_start3A_223] : memref<10112x128xf32, #tpu.memory_space<vmem_shared>> -> memref<10112x128xf32, #tpu.memory_space<vmem_shared>>
      tpu.enqueue_indirect_dma source(%arg8 : memref<80x128xf32, #tpu.memory_space<vmem>>) target(%dma_start3A_224 : memref<10112x128xf32, #tpu.memory_space<vmem_shared>>) offsets(%dma_start3A_221 : memref<80xi32, #tpu.memory_space<vmem>>) semaphore(%arg15 : memref<!tpu.dma_semaphore, #tpu.memory_space<semaphore_mem>>) {add = true}
      %dma_wait3A_225 = arith.constant 5 : i32
      %dma_wait3A_226 = arith.constant 1 : i32
      %dma_wait3A_227 = arith.constant 0 : i32
      %dma_wait3A_228 = tpu.memref_slice %arg6[%dma_wait3A_225, %dma_wait3A_226, %dma_wait3A_227] : memref<16x2x80xi32, #tpu.memory_space<vmem>> -> memref<1x1x80xi32, #tpu.memory_space<vmem>>
      %dma_wait3A_229 = tpu.memref_squeeze %dma_wait3A_228 : memref<1x1x80xi32, #tpu.memory_space<vmem>> -> memref<80xi32, #tpu.memory_space<vmem>>
      %dma_wait3A_230 = arith.constant 0 : i32
      %dma_wait3A_231 = arith.constant 0 : i32
      %dma_wait3A_232 = tpu.memref_slice %arg16[%dma_wait3A_230, %dma_wait3A_231] : memref<10112x128xf32, #tpu.memory_space<vmem_shared>> -> memref<10112x128xf32, #tpu.memory_space<vmem_shared>>
      tpu.wait_indirect_dma semaphore(%arg15 : memref<!tpu.dma_semaphore, #tpu.memory_space<semaphore_mem>>) src(%arg8 : memref<80x128xf32, #tpu.memory_space<vmem>>) dst(%dma_wait3A_232 : memref<10112x128xf32, #tpu.memory_space<vmem_shared>>)
      %dma_start3A_233 = arith.constant 9 : i32
      %dma_start3A_234 = arith.constant 0 : i32
      %dma_start3A_235 = arith.constant 0 : i32
      %dma_start3A_236 = tpu.memref_slice %arg6[%dma_start3A_233, %dma_start3A_234, %dma_start3A_235] : memref<16x2x80xi32, #tpu.memory_space<vmem>> -> memref<1x1x80xi32, #tpu.memory_space<vmem>>
      %dma_start3A_237 = tpu.memref_squeeze %dma_start3A_236 : memref<1x1x80xi32, #tpu.memory_space<vmem>> -> memref<80xi32, #tpu.memory_space<vmem>>
      %dma_start3A_238 = arith.constant 0 : i32
      %dma_start3A_239 = arith.constant 0 : i32
      %dma_start3A_240 = tpu.memref_slice %arg2[%dma_start3A_238, %dma_start3A_239] : memref<10000x128xf32, #tpu.memory_space<hbm>> -> memref<10000x128xf32, #tpu.memory_space<hbm>>
      tpu.enqueue_indirect_dma source(%dma_start3A_240 : memref<10000x128xf32, #tpu.memory_space<hbm>>) target(%arg8 : memref<80x128xf32, #tpu.memory_space<vmem>>) offsets(%dma_start3A_237 : memref<80xi32, #tpu.memory_space<vmem>>) semaphore(%arg12 : memref<!tpu.dma_semaphore, #tpu.memory_space<semaphore_mem>>)
      %dma_wait3A_241 = arith.constant 6 : i32
      %dma_wait3A_242 = arith.constant 0 : i32
      %dma_wait3A_243 = arith.constant 0 : i32
      %dma_wait3A_244 = tpu.memref_slice %arg6[%dma_wait3A_241, %dma_wait3A_242, %dma_wait3A_243] : memref<16x2x80xi32, #tpu.memory_space<vmem>> -> memref<1x1x80xi32, #tpu.memory_space<vmem>>
      %dma_wait3A_245 = tpu.memref_squeeze %dma_wait3A_244 : memref<1x1x80xi32, #tpu.memory_space<vmem>> -> memref<80xi32, #tpu.memory_space<vmem>>
      %dma_wait3A_246 = arith.constant 0 : i32
      %dma_wait3A_247 = arith.constant 0 : i32
      %dma_wait3A_248 = tpu.memref_slice %arg2[%dma_wait3A_246, %dma_wait3A_247] : memref<10000x128xf32, #tpu.memory_space<hbm>> -> memref<10000x128xf32, #tpu.memory_space<hbm>>
      tpu.wait_indirect_dma semaphore(%arg13 : memref<!tpu.dma_semaphore, #tpu.memory_space<semaphore_mem>>) src(%dma_wait3A_248 : memref<10000x128xf32, #tpu.memory_space<hbm>>) dst(%arg9 : memref<80x128xf32, #tpu.memory_space<vmem>>)
      %dma_start3A_249 = arith.constant 6 : i32
      %dma_start3A_250 = arith.constant 1 : i32
      %dma_start3A_251 = arith.constant 0 : i32
      %dma_start3A_252 = tpu.memref_slice %arg6[%dma_start3A_249, %dma_start3A_250, %dma_start3A_251] : memref<16x2x80xi32, #tpu.memory_space<vmem>> -> memref<1x1x80xi32, #tpu.memory_space<vmem>>
      %dma_start3A_253 = tpu.memref_squeeze %dma_start3A_252 : memref<1x1x80xi32, #tpu.memory_space<vmem>> -> memref<80xi32, #tpu.memory_space<vmem>>
      %dma_start3A_254 = arith.constant 0 : i32
      %dma_start3A_255 = arith.constant 0 : i32
      %dma_start3A_256 = tpu.memref_slice %arg16[%dma_start3A_254, %dma_start3A_255] : memref<10112x128xf32, #tpu.memory_space<vmem_shared>> -> memref<10112x128xf32, #tpu.memory_space<vmem_shared>>
      tpu.enqueue_indirect_dma source(%arg9 : memref<80x128xf32, #tpu.memory_space<vmem>>) target(%dma_start3A_256 : memref<10112x128xf32, #tpu.memory_space<vmem_shared>>) offsets(%dma_start3A_253 : memref<80xi32, #tpu.memory_space<vmem>>) semaphore(%arg15 : memref<!tpu.dma_semaphore, #tpu.memory_space<semaphore_mem>>) {add = true}
      %dma_wait3A_257 = arith.constant 6 : i32
      %dma_wait3A_258 = arith.constant 1 : i32
      %dma_wait3A_259 = arith.constant 0 : i32
      %dma_wait3A_260 = tpu.memref_slice %arg6[%dma_wait3A_257, %dma_wait3A_258, %dma_wait3A_259] : memref<16x2x80xi32, #tpu.memory_space<vmem>> -> memref<1x1x80xi32, #tpu.memory_space<vmem>>
      %dma_wait3A_261 = tpu.memref_squeeze %dma_wait3A_260 : memref<1x1x80xi32, #tpu.memory_space<vmem>> -> memref<80xi32, #tpu.memory_space<vmem>>
      %dma_wait3A_262 = arith.constant 0 : i32
      %dma_wait3A_263 = arith.constant 0 : i32
      %dma_wait3A_264 = tpu.memref_slice %arg16[%dma_wait3A_262, %dma_wait3A_263] : memref<10112x128xf32, #tpu.memory_space<vmem_shared>> -> memref<10112x128xf32, #tpu.memory_space<vmem_shared>>
      tpu.wait_indirect_dma semaphore(%arg15 : memref<!tpu.dma_semaphore, #tpu.memory_space<semaphore_mem>>) src(%arg9 : memref<80x128xf32, #tpu.memory_space<vmem>>) dst(%dma_wait3A_264 : memref<10112x128xf32, #tpu.memory_space<vmem_shared>>)
      %dma_start3A_265 = arith.constant 10 : i32
      %dma_start3A_266 = arith.constant 0 : i32
      %dma_start3A_267 = arith.constant 0 : i32
      %dma_start3A_268 = tpu.memref_slice %arg6[%dma_start3A_265, %dma_start3A_266, %dma_start3A_267] : memref<16x2x80xi32, #tpu.memory_space<vmem>> -> memref<1x1x80xi32, #tpu.memory_space<vmem>>
      %dma_start3A_269 = tpu.memref_squeeze %dma_start3A_268 : memref<1x1x80xi32, #tpu.memory_space<vmem>> -> memref<80xi32, #tpu.memory_space<vmem>>
      %dma_start3A_270 = arith.constant 0 : i32
      %dma_start3A_271 = arith.constant 0 : i32
      %dma_start3A_272 = tpu.memref_slice %arg2[%dma_start3A_270, %dma_start3A_271] : memref<10000x128xf32, #tpu.memory_space<hbm>> -> memref<10000x128xf32, #tpu.memory_space<hbm>>
      tpu.enqueue_indirect_dma source(%dma_start3A_272 : memref<10000x128xf32, #tpu.memory_space<hbm>>) target(%arg9 : memref<80x128xf32, #tpu.memory_space<vmem>>) offsets(%dma_start3A_269 : memref<80xi32, #tpu.memory_space<vmem>>) semaphore(%arg13 : memref<!tpu.dma_semaphore, #tpu.memory_space<semaphore_mem>>)
      %dma_wait3A_273 = arith.constant 7 : i32
      %dma_wait3A_274 = arith.constant 0 : i32
      %dma_wait3A_275 = arith.constant 0 : i32
      %dma_wait3A_276 = tpu.memref_slice %arg6[%dma_wait3A_273, %dma_wait3A_274, %dma_wait3A_275] : memref<16x2x80xi32, #tpu.memory_space<vmem>> -> memref<1x1x80xi32, #tpu.memory_space<vmem>>
      %dma_wait3A_277 = tpu.memref_squeeze %dma_wait3A_276 : memref<1x1x80xi32, #tpu.memory_space<vmem>> -> memref<80xi32, #tpu.memory_space<vmem>>
      %dma_wait3A_278 = arith.constant 0 : i32
      %dma_wait3A_279 = arith.constant 0 : i32
      %dma_wait3A_280 = tpu.memref_slice %arg2[%dma_wait3A_278, %dma_wait3A_279] : memref<10000x128xf32, #tpu.memory_space<hbm>> -> memref<10000x128xf32, #tpu.memory_space<hbm>>
      tpu.wait_indirect_dma semaphore(%arg14 : memref<!tpu.dma_semaphore, #tpu.memory_space<semaphore_mem>>) src(%dma_wait3A_280 : memref<10000x128xf32, #tpu.memory_space<hbm>>) dst(%arg10 : memref<80x128xf32, #tpu.memory_space<vmem>>)
      %dma_start3A_281 = arith.constant 7 : i32
      %dma_start3A_282 = arith.constant 1 : i32
      %dma_start3A_283 = arith.constant 0 : i32
      %dma_start3A_284 = tpu.memref_slice %arg6[%dma_start3A_281, %dma_start3A_282, %dma_start3A_283] : memref<16x2x80xi32, #tpu.memory_space<vmem>> -> memref<1x1x80xi32, #tpu.memory_space<vmem>>
      %dma_start3A_285 = tpu.memref_squeeze %dma_start3A_284 : memref<1x1x80xi32, #tpu.memory_space<vmem>> -> memref<80xi32, #tpu.memory_space<vmem>>
      %dma_start3A_286 = arith.constant 0 : i32
      %dma_start3A_287 = arith.constant 0 : i32
      %dma_start3A_288 = tpu.memref_slice %arg16[%dma_start3A_286, %dma_start3A_287] : memref<10112x128xf32, #tpu.memory_space<vmem_shared>> -> memref<10112x128xf32, #tpu.memory_space<vmem_shared>>
      tpu.enqueue_indirect_dma source(%arg10 : memref<80x128xf32, #tpu.memory_space<vmem>>) target(%dma_start3A_288 : memref<10112x128xf32, #tpu.memory_space<vmem_shared>>) offsets(%dma_start3A_285 : memref<80xi32, #tpu.memory_space<vmem>>) semaphore(%arg15 : memref<!tpu.dma_semaphore, #tpu.memory_space<semaphore_mem>>) {add = true}
      %dma_wait3A_289 = arith.constant 7 : i32
      %dma_wait3A_290 = arith.constant 1 : i32
      %dma_wait3A_291 = arith.constant 0 : i32
      %dma_wait3A_292 = tpu.memref_slice %arg6[%dma_wait3A_289, %dma_wait3A_290, %dma_wait3A_291] : memref<16x2x80xi32, #tpu.memory_space<vmem>> -> memref<1x1x80xi32, #tpu.memory_space<vmem>>
      %dma_wait3A_293 = tpu.memref_squeeze %dma_wait3A_292 : memref<1x1x80xi32, #tpu.memory_space<vmem>> -> memref<80xi32, #tpu.memory_space<vmem>>
      %dma_wait3A_294 = arith.constant 0 : i32
      %dma_wait3A_295 = arith.constant 0 : i32
      %dma_wait3A_296 = tpu.memref_slice %arg16[%dma_wait3A_294, %dma_wait3A_295] : memref<10112x128xf32, #tpu.memory_space<vmem_shared>> -> memref<10112x128xf32, #tpu.memory_space<vmem_shared>>
      tpu.wait_indirect_dma semaphore(%arg15 : memref<!tpu.dma_semaphore, #tpu.memory_space<semaphore_mem>>) src(%arg10 : memref<80x128xf32, #tpu.memory_space<vmem>>) dst(%dma_wait3A_296 : memref<10112x128xf32, #tpu.memory_space<vmem_shared>>)
      %dma_start3A_297 = arith.constant 11 : i32
      %dma_start3A_298 = arith.constant 0 : i32
      %dma_start3A_299 = arith.constant 0 : i32
      %dma_start3A_300 = tpu.memref_slice %arg6[%dma_start3A_297, %dma_start3A_298, %dma_start3A_299] : memref<16x2x80xi32, #tpu.memory_space<vmem>> -> memref<1x1x80xi32, #tpu.memory_space<vmem>>
      %dma_start3A_301 = tpu.memref_squeeze %dma_start3A_300 : memref<1x1x80xi32, #tpu.memory_space<vmem>> -> memref<80xi32, #tpu.memory_space<vmem>>
      %dma_start3A_302 = arith.constant 0 : i32
      %dma_start3A_303 = arith.constant 0 : i32
      %dma_start3A_304 = tpu.memref_slice %arg2[%dma_start3A_302, %dma_start3A_303] : memref<10000x128xf32, #tpu.memory_space<hbm>> -> memref<10000x128xf32, #tpu.memory_space<hbm>>
      tpu.enqueue_indirect_dma source(%dma_start3A_304 : memref<10000x128xf32, #tpu.memory_space<hbm>>) target(%arg10 : memref<80x128xf32, #tpu.memory_space<vmem>>) offsets(%dma_start3A_301 : memref<80xi32, #tpu.memory_space<vmem>>) semaphore(%arg14 : memref<!tpu.dma_semaphore, #tpu.memory_space<semaphore_mem>>)
      %dma_wait3A_305 = arith.constant 8 : i32
      %dma_wait3A_306 = arith.constant 0 : i32
      %dma_wait3A_307 = arith.constant 0 : i32
      %dma_wait3A_308 = tpu.memref_slice %arg6[%dma_wait3A_305, %dma_wait3A_306, %dma_wait3A_307] : memref<16x2x80xi32, #tpu.memory_space<vmem>> -> memref<1x1x80xi32, #tpu.memory_space<vmem>>
      %dma_wait3A_309 = tpu.memref_squeeze %dma_wait3A_308 : memref<1x1x80xi32, #tpu.memory_space<vmem>> -> memref<80xi32, #tpu.memory_space<vmem>>
      %dma_wait3A_310 = arith.constant 0 : i32
      %dma_wait3A_311 = arith.constant 0 : i32
      %dma_wait3A_312 = tpu.memref_slice %arg2[%dma_wait3A_310, %dma_wait3A_311] : memref<10000x128xf32, #tpu.memory_space<hbm>> -> memref<10000x128xf32, #tpu.memory_space<hbm>>
      tpu.wait_indirect_dma semaphore(%arg11 : memref<!tpu.dma_semaphore, #tpu.memory_space<semaphore_mem>>) src(%dma_wait3A_312 : memref<10000x128xf32, #tpu.memory_space<hbm>>) dst(%arg7 : memref<80x128xf32, #tpu.memory_space<vmem>>)
      %dma_start3A_313 = arith.constant 8 : i32
      %dma_start3A_314 = arith.constant 1 : i32
      %dma_start3A_315 = arith.constant 0 : i32
      %dma_start3A_316 = tpu.memref_slice %arg6[%dma_start3A_313, %dma_start3A_314, %dma_start3A_315] : memref<16x2x80xi32, #tpu.memory_space<vmem>> -> memref<1x1x80xi32, #tpu.memory_space<vmem>>
      %dma_start3A_317 = tpu.memref_squeeze %dma_start3A_316 : memref<1x1x80xi32, #tpu.memory_space<vmem>> -> memref<80xi32, #tpu.memory_space<vmem>>
      %dma_start3A_318 = arith.constant 0 : i32
      %dma_start3A_319 = arith.constant 0 : i32
      %dma_start3A_320 = tpu.memref_slice %arg16[%dma_start3A_318, %dma_start3A_319] : memref<10112x128xf32, #tpu.memory_space<vmem_shared>> -> memref<10112x128xf32, #tpu.memory_space<vmem_shared>>
      tpu.enqueue_indirect_dma source(%arg7 : memref<80x128xf32, #tpu.memory_space<vmem>>) target(%dma_start3A_320 : memref<10112x128xf32, #tpu.memory_space<vmem_shared>>) offsets(%dma_start3A_317 : memref<80xi32, #tpu.memory_space<vmem>>) semaphore(%arg15 : memref<!tpu.dma_semaphore, #tpu.memory_space<semaphore_mem>>) {add = true}
      %dma_wait3A_321 = arith.constant 8 : i32
      %dma_wait3A_322 = arith.constant 1 : i32
      %dma_wait3A_323 = arith.constant 0 : i32
      %dma_wait3A_324 = tpu.memref_slice %arg6[%dma_wait3A_321, %dma_wait3A_322, %dma_wait3A_323] : memref<16x2x80xi32, #tpu.memory_space<vmem>> -> memref<1x1x80xi32, #tpu.memory_space<vmem>>
      %dma_wait3A_325 = tpu.memref_squeeze %dma_wait3A_324 : memref<1x1x80xi32, #tpu.memory_space<vmem>> -> memref<80xi32, #tpu.memory_space<vmem>>
      %dma_wait3A_326 = arith.constant 0 : i32
      %dma_wait3A_327 = arith.constant 0 : i32
      %dma_wait3A_328 = tpu.memref_slice %arg16[%dma_wait3A_326, %dma_wait3A_327] : memref<10112x128xf32, #tpu.memory_space<vmem_shared>> -> memref<10112x128xf32, #tpu.memory_space<vmem_shared>>
      tpu.wait_indirect_dma semaphore(%arg15 : memref<!tpu.dma_semaphore, #tpu.memory_space<semaphore_mem>>) src(%arg7 : memref<80x128xf32, #tpu.memory_space<vmem>>) dst(%dma_wait3A_328 : memref<10112x128xf32, #tpu.memory_space<vmem_shared>>)
      %dma_start3A_329 = arith.constant 12 : i32
      %dma_start3A_330 = arith.constant 0 : i32
      %dma_start3A_331 = arith.constant 0 : i32
      %dma_start3A_332 = tpu.memref_slice %arg6[%dma_start3A_329, %dma_start3A_330, %dma_start3A_331] : memref<16x2x80xi32, #tpu.memory_space<vmem>> -> memref<1x1x80xi32, #tpu.memory_space<vmem>>
      %dma_start3A_333 = tpu.memref_squeeze %dma_start3A_332 : memref<1x1x80xi32, #tpu.memory_space<vmem>> -> memref<80xi32, #tpu.memory_space<vmem>>
      %dma_start3A_334 = arith.constant 0 : i32
      %dma_start3A_335 = arith.constant 0 : i32
      %dma_start3A_336 = tpu.memref_slice %arg2[%dma_start3A_334, %dma_start3A_335] : memref<10000x128xf32, #tpu.memory_space<hbm>> -> memref<10000x128xf32, #tpu.memory_space<hbm>>
      tpu.enqueue_indirect_dma source(%dma_start3A_336 : memref<10000x128xf32, #tpu.memory_space<hbm>>) target(%arg7 : memref<80x128xf32, #tpu.memory_space<vmem>>) offsets(%dma_start3A_333 : memref<80xi32, #tpu.memory_space<vmem>>) semaphore(%arg11 : memref<!tpu.dma_semaphore, #tpu.memory_space<semaphore_mem>>)
      %dma_wait3A_337 = arith.constant 9 : i32
      %dma_wait3A_338 = arith.constant 0 : i32
      %dma_wait3A_339 = arith.constant 0 : i32
      %dma_wait3A_340 = tpu.memref_slice %arg6[%dma_wait3A_337, %dma_wait3A_338, %dma_wait3A_339] : memref<16x2x80xi32, #tpu.memory_space<vmem>> -> memref<1x1x80xi32, #tpu.memory_space<vmem>>
      %dma_wait3A_341 = tpu.memref_squeeze %dma_wait3A_340 : memref<1x1x80xi32, #tpu.memory_space<vmem>> -> memref<80xi32, #tpu.memory_space<vmem>>
      %dma_wait3A_342 = arith.constant 0 : i32
      %dma_wait3A_343 = arith.constant 0 : i32
      %dma_wait3A_344 = tpu.memref_slice %arg2[%dma_wait3A_342, %dma_wait3A_343] : memref<10000x128xf32, #tpu.memory_space<hbm>> -> memref<10000x128xf32, #tpu.memory_space<hbm>>
      tpu.wait_indirect_dma semaphore(%arg12 : memref<!tpu.dma_semaphore, #tpu.memory_space<semaphore_mem>>) src(%dma_wait3A_344 : memref<10000x128xf32, #tpu.memory_space<hbm>>) dst(%arg8 : memref<80x128xf32, #tpu.memory_space<vmem>>)
      %dma_start3A_345 = arith.constant 9 : i32
      %dma_start3A_346 = arith.constant 1 : i32
      %dma_start3A_347 = arith.constant 0 : i32
      %dma_start3A_348 = tpu.memref_slice %arg6[%dma_start3A_345, %dma_start3A_346, %dma_start3A_347] : memref<16x2x80xi32, #tpu.memory_space<vmem>> -> memref<1x1x80xi32, #tpu.memory_space<vmem>>
      %dma_start3A_349 = tpu.memref_squeeze %dma_start3A_348 : memref<1x1x80xi32, #tpu.memory_space<vmem>> -> memref<80xi32, #tpu.memory_space<vmem>>
      %dma_start3A_350 = arith.constant 0 : i32
      %dma_start3A_351 = arith.constant 0 : i32
      %dma_start3A_352 = tpu.memref_slice %arg16[%dma_start3A_350, %dma_start3A_351] : memref<10112x128xf32, #tpu.memory_space<vmem_shared>> -> memref<10112x128xf32, #tpu.memory_space<vmem_shared>>
      tpu.enqueue_indirect_dma source(%arg8 : memref<80x128xf32, #tpu.memory_space<vmem>>) target(%dma_start3A_352 : memref<10112x128xf32, #tpu.memory_space<vmem_shared>>) offsets(%dma_start3A_349 : memref<80xi32, #tpu.memory_space<vmem>>) semaphore(%arg15 : memref<!tpu.dma_semaphore, #tpu.memory_space<semaphore_mem>>) {add = true}
      %dma_wait3A_353 = arith.constant 9 : i32
      %dma_wait3A_354 = arith.constant 1 : i32
      %dma_wait3A_355 = arith.constant 0 : i32
      %dma_wait3A_356 = tpu.memref_slice %arg6[%dma_wait3A_353, %dma_wait3A_354, %dma_wait3A_355] : memref<16x2x80xi32, #tpu.memory_space<vmem>> -> memref<1x1x80xi32, #tpu.memory_space<vmem>>
      %dma_wait3A_357 = tpu.memref_squeeze %dma_wait3A_356 : memref<1x1x80xi32, #tpu.memory_space<vmem>> -> memref<80xi32, #tpu.memory_space<vmem>>
      %dma_wait3A_358 = arith.constant 0 : i32
      %dma_wait3A_359 = arith.constant 0 : i32
      %dma_wait3A_360 = tpu.memref_slice %arg16[%dma_wait3A_358, %dma_wait3A_359] : memref<10112x128xf32, #tpu.memory_space<vmem_shared>> -> memref<10112x128xf32, #tpu.memory_space<vmem_shared>>
      tpu.wait_indirect_dma semaphore(%arg15 : memref<!tpu.dma_semaphore, #tpu.memory_space<semaphore_mem>>) src(%arg8 : memref<80x128xf32, #tpu.memory_space<vmem>>) dst(%dma_wait3A_360 : memref<10112x128xf32, #tpu.memory_space<vmem_shared>>)
      %dma_start3A_361 = arith.constant 13 : i32
      %dma_start3A_362 = arith.constant 0 : i32
      %dma_start3A_363 = arith.constant 0 : i32
      %dma_start3A_364 = tpu.memref_slice %arg6[%dma_start3A_361, %dma_start3A_362, %dma_start3A_363] : memref<16x2x80xi32, #tpu.memory_space<vmem>> -> memref<1x1x80xi32, #tpu.memory_space<vmem>>
      %dma_start3A_365 = tpu.memref_squeeze %dma_start3A_364 : memref<1x1x80xi32, #tpu.memory_space<vmem>> -> memref<80xi32, #tpu.memory_space<vmem>>
      %dma_start3A_366 = arith.constant 0 : i32
      %dma_start3A_367 = arith.constant 0 : i32
      %dma_start3A_368 = tpu.memref_slice %arg2[%dma_start3A_366, %dma_start3A_367] : memref<10000x128xf32, #tpu.memory_space<hbm>> -> memref<10000x128xf32, #tpu.memory_space<hbm>>
      tpu.enqueue_indirect_dma source(%dma_start3A_368 : memref<10000x128xf32, #tpu.memory_space<hbm>>) target(%arg8 : memref<80x128xf32, #tpu.memory_space<vmem>>) offsets(%dma_start3A_365 : memref<80xi32, #tpu.memory_space<vmem>>) semaphore(%arg12 : memref<!tpu.dma_semaphore, #tpu.memory_space<semaphore_mem>>)
      %dma_wait3A_369 = arith.constant 10 : i32
      %dma_wait3A_370 = arith.constant 0 : i32
      %dma_wait3A_371 = arith.constant 0 : i32
      %dma_wait3A_372 = tpu.memref_slice %arg6[%dma_wait3A_369, %dma_wait3A_370, %dma_wait3A_371] : memref<16x2x80xi32, #tpu.memory_space<vmem>> -> memref<1x1x80xi32, #tpu.memory_space<vmem>>
      %dma_wait3A_373 = tpu.memref_squeeze %dma_wait3A_372 : memref<1x1x80xi32, #tpu.memory_space<vmem>> -> memref<80xi32, #tpu.memory_space<vmem>>
      %dma_wait3A_374 = arith.constant 0 : i32
      %dma_wait3A_375 = arith.constant 0 : i32
      %dma_wait3A_376 = tpu.memref_slice %arg2[%dma_wait3A_374, %dma_wait3A_375] : memref<10000x128xf32, #tpu.memory_space<hbm>> -> memref<10000x128xf32, #tpu.memory_space<hbm>>
      tpu.wait_indirect_dma semaphore(%arg13 : memref<!tpu.dma_semaphore, #tpu.memory_space<semaphore_mem>>) src(%dma_wait3A_376 : memref<10000x128xf32, #tpu.memory_space<hbm>>) dst(%arg9 : memref<80x128xf32, #tpu.memory_space<vmem>>)
      %dma_start3A_377 = arith.constant 10 : i32
      %dma_start3A_378 = arith.constant 1 : i32
      %dma_start3A_379 = arith.constant 0 : i32
      %dma_start3A_380 = tpu.memref_slice %arg6[%dma_start3A_377, %dma_start3A_378, %dma_start3A_379] : memref<16x2x80xi32, #tpu.memory_space<vmem>> -> memref<1x1x80xi32, #tpu.memory_space<vmem>>
      %dma_start3A_381 = tpu.memref_squeeze %dma_start3A_380 : memref<1x1x80xi32, #tpu.memory_space<vmem>> -> memref<80xi32, #tpu.memory_space<vmem>>
      %dma_start3A_382 = arith.constant 0 : i32
      %dma_start3A_383 = arith.constant 0 : i32
      %dma_start3A_384 = tpu.memref_slice %arg16[%dma_start3A_382, %dma_start3A_383] : memref<10112x128xf32, #tpu.memory_space<vmem_shared>> -> memref<10112x128xf32, #tpu.memory_space<vmem_shared>>
      tpu.enqueue_indirect_dma source(%arg9 : memref<80x128xf32, #tpu.memory_space<vmem>>) target(%dma_start3A_384 : memref<10112x128xf32, #tpu.memory_space<vmem_shared>>) offsets(%dma_start3A_381 : memref<80xi32, #tpu.memory_space<vmem>>) semaphore(%arg15 : memref<!tpu.dma_semaphore, #tpu.memory_space<semaphore_mem>>) {add = true}
      %dma_wait3A_385 = arith.constant 10 : i32
      %dma_wait3A_386 = arith.constant 1 : i32
      %dma_wait3A_387 = arith.constant 0 : i32
      %dma_wait3A_388 = tpu.memref_slice %arg6[%dma_wait3A_385, %dma_wait3A_386, %dma_wait3A_387] : memref<16x2x80xi32, #tpu.memory_space<vmem>> -> memref<1x1x80xi32, #tpu.memory_space<vmem>>
      %dma_wait3A_389 = tpu.memref_squeeze %dma_wait3A_388 : memref<1x1x80xi32, #tpu.memory_space<vmem>> -> memref<80xi32, #tpu.memory_space<vmem>>
      %dma_wait3A_390 = arith.constant 0 : i32
      %dma_wait3A_391 = arith.constant 0 : i32
      %dma_wait3A_392 = tpu.memref_slice %arg16[%dma_wait3A_390, %dma_wait3A_391] : memref<10112x128xf32, #tpu.memory_space<vmem_shared>> -> memref<10112x128xf32, #tpu.memory_space<vmem_shared>>
      tpu.wait_indirect_dma semaphore(%arg15 : memref<!tpu.dma_semaphore, #tpu.memory_space<semaphore_mem>>) src(%arg9 : memref<80x128xf32, #tpu.memory_space<vmem>>) dst(%dma_wait3A_392 : memref<10112x128xf32, #tpu.memory_space<vmem_shared>>)
      %dma_start3A_393 = arith.constant 14 : i32
      %dma_start3A_394 = arith.constant 0 : i32
      %dma_start3A_395 = arith.constant 0 : i32
      %dma_start3A_396 = tpu.memref_slice %arg6[%dma_start3A_393, %dma_start3A_394, %dma_start3A_395] : memref<16x2x80xi32, #tpu.memory_space<vmem>> -> memref<1x1x80xi32, #tpu.memory_space<vmem>>
      %dma_start3A_397 = tpu.memref_squeeze %dma_start3A_396 : memref<1x1x80xi32, #tpu.memory_space<vmem>> -> memref<80xi32, #tpu.memory_space<vmem>>
      %dma_start3A_398 = arith.constant 0 : i32
      %dma_start3A_399 = arith.constant 0 : i32
      %dma_start3A_400 = tpu.memref_slice %arg2[%dma_start3A_398, %dma_start3A_399] : memref<10000x128xf32, #tpu.memory_space<hbm>> -> memref<10000x128xf32, #tpu.memory_space<hbm>>
      tpu.enqueue_indirect_dma source(%dma_start3A_400 : memref<10000x128xf32, #tpu.memory_space<hbm>>) target(%arg9 : memref<80x128xf32, #tpu.memory_space<vmem>>) offsets(%dma_start3A_397 : memref<80xi32, #tpu.memory_space<vmem>>) semaphore(%arg13 : memref<!tpu.dma_semaphore, #tpu.memory_space<semaphore_mem>>)
      %dma_wait3A_401 = arith.constant 11 : i32
      %dma_wait3A_402 = arith.constant 0 : i32
      %dma_wait3A_403 = arith.constant 0 : i32
      %dma_wait3A_404 = tpu.memref_slice %arg6[%dma_wait3A_401, %dma_wait3A_402, %dma_wait3A_403] : memref<16x2x80xi32, #tpu.memory_space<vmem>> -> memref<1x1x80xi32, #tpu.memory_space<vmem>>
      %dma_wait3A_405 = tpu.memref_squeeze %dma_wait3A_404 : memref<1x1x80xi32, #tpu.memory_space<vmem>> -> memref<80xi32, #tpu.memory_space<vmem>>
      %dma_wait3A_406 = arith.constant 0 : i32
      %dma_wait3A_407 = arith.constant 0 : i32
      %dma_wait3A_408 = tpu.memref_slice %arg2[%dma_wait3A_406, %dma_wait3A_407] : memref<10000x128xf32, #tpu.memory_space<hbm>> -> memref<10000x128xf32, #tpu.memory_space<hbm>>
      tpu.wait_indirect_dma semaphore(%arg14 : memref<!tpu.dma_semaphore, #tpu.memory_space<semaphore_mem>>) src(%dma_wait3A_408 : memref<10000x128xf32, #tpu.memory_space<hbm>>) dst(%arg10 : memref<80x128xf32, #tpu.memory_space<vmem>>)
      %dma_start3A_409 = arith.constant 11 : i32
      %dma_start3A_410 = arith.constant 1 : i32
      %dma_start3A_411 = arith.constant 0 : i32
      %dma_start3A_412 = tpu.memref_slice %arg6[%dma_start3A_409, %dma_start3A_410, %dma_start3A_411] : memref<16x2x80xi32, #tpu.memory_space<vmem>> -> memref<1x1x80xi32, #tpu.memory_space<vmem>>
      %dma_start3A_413 = tpu.memref_squeeze %dma_start3A_412 : memref<1x1x80xi32, #tpu.memory_space<vmem>> -> memref<80xi32, #tpu.memory_space<vmem>>
      %dma_start3A_414 = arith.constant 0 : i32
      %dma_start3A_415 = arith.constant 0 : i32
      %dma_start3A_416 = tpu.memref_slice %arg16[%dma_start3A_414, %dma_start3A_415] : memref<10112x128xf32, #tpu.memory_space<vmem_shared>> -> memref<10112x128xf32, #tpu.memory_space<vmem_shared>>
      tpu.enqueue_indirect_dma source(%arg10 : memref<80x128xf32, #tpu.memory_space<vmem>>) target(%dma_start3A_416 : memref<10112x128xf32, #tpu.memory_space<vmem_shared>>) offsets(%dma_start3A_413 : memref<80xi32, #tpu.memory_space<vmem>>) semaphore(%arg15 : memref<!tpu.dma_semaphore, #tpu.memory_space<semaphore_mem>>) {add = true}
      %dma_wait3A_417 = arith.constant 11 : i32
      %dma_wait3A_418 = arith.constant 1 : i32
      %dma_wait3A_419 = arith.constant 0 : i32
      %dma_wait3A_420 = tpu.memref_slice %arg6[%dma_wait3A_417, %dma_wait3A_418, %dma_wait3A_419] : memref<16x2x80xi32, #tpu.memory_space<vmem>> -> memref<1x1x80xi32, #tpu.memory_space<vmem>>
      %dma_wait3A_421 = tpu.memref_squeeze %dma_wait3A_420 : memref<1x1x80xi32, #tpu.memory_space<vmem>> -> memref<80xi32, #tpu.memory_space<vmem>>
      %dma_wait3A_422 = arith.constant 0 : i32
      %dma_wait3A_423 = arith.constant 0 : i32
      %dma_wait3A_424 = tpu.memref_slice %arg16[%dma_wait3A_422, %dma_wait3A_423] : memref<10112x128xf32, #tpu.memory_space<vmem_shared>> -> memref<10112x128xf32, #tpu.memory_space<vmem_shared>>
      tpu.wait_indirect_dma semaphore(%arg15 : memref<!tpu.dma_semaphore, #tpu.memory_space<semaphore_mem>>) src(%arg10 : memref<80x128xf32, #tpu.memory_space<vmem>>) dst(%dma_wait3A_424 : memref<10112x128xf32, #tpu.memory_space<vmem_shared>>)
      %dma_start3A_425 = arith.constant 15 : i32
      %dma_start3A_426 = arith.constant 0 : i32
      %dma_start3A_427 = arith.constant 0 : i32
      %dma_start3A_428 = tpu.memref_slice %arg6[%dma_start3A_425, %dma_start3A_426, %dma_start3A_427] : memref<16x2x80xi32, #tpu.memory_space<vmem>> -> memref<1x1x80xi32, #tpu.memory_space<vmem>>
      %dma_start3A_429 = tpu.memref_squeeze %dma_start3A_428 : memref<1x1x80xi32, #tpu.memory_space<vmem>> -> memref<80xi32, #tpu.memory_space<vmem>>
      %dma_start3A_430 = arith.constant 0 : i32
      %dma_start3A_431 = arith.constant 0 : i32
      %dma_start3A_432 = tpu.memref_slice %arg2[%dma_start3A_430, %dma_start3A_431] : memref<10000x128xf32, #tpu.memory_space<hbm>> -> memref<10000x128xf32, #tpu.memory_space<hbm>>
      tpu.enqueue_indirect_dma source(%dma_start3A_432 : memref<10000x128xf32, #tpu.memory_space<hbm>>) target(%arg10 : memref<80x128xf32, #tpu.memory_space<vmem>>) offsets(%dma_start3A_429 : memref<80xi32, #tpu.memory_space<vmem>>) semaphore(%arg14 : memref<!tpu.dma_semaphore, #tpu.memory_space<semaphore_mem>>)
      %dma_wait3A_433 = arith.constant 12 : i32
      %dma_wait3A_434 = arith.constant 0 : i32
      %dma_wait3A_435 = arith.constant 0 : i32
      %dma_wait3A_436 = tpu.memref_slice %arg6[%dma_wait3A_433, %dma_wait3A_434, %dma_wait3A_435] : memref<16x2x80xi32, #tpu.memory_space<vmem>> -> memref<1x1x80xi32, #tpu.memory_space<vmem>>
      %dma_wait3A_437 = tpu.memref_squeeze %dma_wait3A_436 : memref<1x1x80xi32, #tpu.memory_space<vmem>> -> memref<80xi32, #tpu.memory_space<vmem>>
      %dma_wait3A_438 = arith.constant 0 : i32
      %dma_wait3A_439 = arith.constant 0 : i32
      %dma_wait3A_440 = tpu.memref_slice %arg2[%dma_wait3A_438, %dma_wait3A_439] : memref<10000x128xf32, #tpu.memory_space<hbm>> -> memref<10000x128xf32, #tpu.memory_space<hbm>>
      tpu.wait_indirect_dma semaphore(%arg11 : memref<!tpu.dma_semaphore, #tpu.memory_space<semaphore_mem>>) src(%dma_wait3A_440 : memref<10000x128xf32, #tpu.memory_space<hbm>>) dst(%arg7 : memref<80x128xf32, #tpu.memory_space<vmem>>)
      %dma_start3A_441 = arith.constant 12 : i32
      %dma_start3A_442 = arith.constant 1 : i32
      %dma_start3A_443 = arith.constant 0 : i32
      %dma_start3A_444 = tpu.memref_slice %arg6[%dma_start3A_441, %dma_start3A_442, %dma_start3A_443] : memref<16x2x80xi32, #tpu.memory_space<vmem>> -> memref<1x1x80xi32, #tpu.memory_space<vmem>>
      %dma_start3A_445 = tpu.memref_squeeze %dma_start3A_444 : memref<1x1x80xi32, #tpu.memory_space<vmem>> -> memref<80xi32, #tpu.memory_space<vmem>>
      %dma_start3A_446 = arith.constant 0 : i32
      %dma_start3A_447 = arith.constant 0 : i32
      %dma_start3A_448 = tpu.memref_slice %arg16[%dma_start3A_446, %dma_start3A_447] : memref<10112x128xf32, #tpu.memory_space<vmem_shared>> -> memref<10112x128xf32, #tpu.memory_space<vmem_shared>>
      tpu.enqueue_indirect_dma source(%arg7 : memref<80x128xf32, #tpu.memory_space<vmem>>) target(%dma_start3A_448 : memref<10112x128xf32, #tpu.memory_space<vmem_shared>>) offsets(%dma_start3A_445 : memref<80xi32, #tpu.memory_space<vmem>>) semaphore(%arg15 : memref<!tpu.dma_semaphore, #tpu.memory_space<semaphore_mem>>) {add = true}
      %dma_wait3A_449 = arith.constant 13 : i32
      %dma_wait3A_450 = arith.constant 0 : i32
      %dma_wait3A_451 = arith.constant 0 : i32
      %dma_wait3A_452 = tpu.memref_slice %arg6[%dma_wait3A_449, %dma_wait3A_450, %dma_wait3A_451] : memref<16x2x80xi32, #tpu.memory_space<vmem>> -> memref<1x1x80xi32, #tpu.memory_space<vmem>>
      %dma_wait3A_453 = tpu.memref_squeeze %dma_wait3A_452 : memref<1x1x80xi32, #tpu.memory_space<vmem>> -> memref<80xi32, #tpu.memory_space<vmem>>
      %dma_wait3A_454 = arith.constant 0 : i32
      %dma_wait3A_455 = arith.constant 0 : i32
      %dma_wait3A_456 = tpu.memref_slice %arg2[%dma_wait3A_454, %dma_wait3A_455] : memref<10000x128xf32, #tpu.memory_space<hbm>> -> memref<10000x128xf32, #tpu.memory_space<hbm>>
      tpu.wait_indirect_dma semaphore(%arg12 : memref<!tpu.dma_semaphore, #tpu.memory_space<semaphore_mem>>) src(%dma_wait3A_456 : memref<10000x128xf32, #tpu.memory_space<hbm>>) dst(%arg8 : memref<80x128xf32, #tpu.memory_space<vmem>>)
      %dma_start3A_457 = arith.constant 13 : i32
      %dma_start3A_458 = arith.constant 1 : i32
      %dma_start3A_459 = arith.constant 0 : i32
      %dma_start3A_460 = tpu.memref_slice %arg6[%dma_start3A_457, %dma_start3A_458, %dma_start3A_459] : memref<16x2x80xi32, #tpu.memory_space<vmem>> -> memref<1x1x80xi32, #tpu.memory_space<vmem>>
      %dma_start3A_461 = tpu.memref_squeeze %dma_start3A_460 : memref<1x1x80xi32, #tpu.memory_space<vmem>> -> memref<80xi32, #tpu.memory_space<vmem>>
      %dma_start3A_462 = arith.constant 0 : i32
      %dma_start3A_463 = arith.constant 0 : i32
      %dma_start3A_464 = tpu.memref_slice %arg16[%dma_start3A_462, %dma_start3A_463] : memref<10112x128xf32, #tpu.memory_space<vmem_shared>> -> memref<10112x128xf32, #tpu.memory_space<vmem_shared>>
      tpu.enqueue_indirect_dma source(%arg8 : memref<80x128xf32, #tpu.memory_space<vmem>>) target(%dma_start3A_464 : memref<10112x128xf32, #tpu.memory_space<vmem_shared>>) offsets(%dma_start3A_461 : memref<80xi32, #tpu.memory_space<vmem>>) semaphore(%arg15 : memref<!tpu.dma_semaphore, #tpu.memory_space<semaphore_mem>>) {add = true}
      %dma_wait3A_465 = arith.constant 14 : i32
      %dma_wait3A_466 = arith.constant 0 : i32
      %dma_wait3A_467 = arith.constant 0 : i32
      %dma_wait3A_468 = tpu.memref_slice %arg6[%dma_wait3A_465, %dma_wait3A_466, %dma_wait3A_467] : memref<16x2x80xi32, #tpu.memory_space<vmem>> -> memref<1x1x80xi32, #tpu.memory_space<vmem>>
      %dma_wait3A_469 = tpu.memref_squeeze %dma_wait3A_468 : memref<1x1x80xi32, #tpu.memory_space<vmem>> -> memref<80xi32, #tpu.memory_space<vmem>>
      %dma_wait3A_470 = arith.constant 0 : i32
      %dma_wait3A_471 = arith.constant 0 : i32
      %dma_wait3A_472 = tpu.memref_slice %arg2[%dma_wait3A_470, %dma_wait3A_471] : memref<10000x128xf32, #tpu.memory_space<hbm>> -> memref<10000x128xf32, #tpu.memory_space<hbm>>
      tpu.wait_indirect_dma semaphore(%arg13 : memref<!tpu.dma_semaphore, #tpu.memory_space<semaphore_mem>>) src(%dma_wait3A_472 : memref<10000x128xf32, #tpu.memory_space<hbm>>) dst(%arg9 : memref<80x128xf32, #tpu.memory_space<vmem>>)
      %dma_start3A_473 = arith.constant 14 : i32
      %dma_start3A_474 = arith.constant 1 : i32
      %dma_start3A_475 = arith.constant 0 : i32
      %dma_start3A_476 = tpu.memref_slice %arg6[%dma_start3A_473, %dma_start3A_474, %dma_start3A_475] : memref<16x2x80xi32, #tpu.memory_space<vmem>> -> memref<1x1x80xi32, #tpu.memory_space<vmem>>
      %dma_start3A_477 = tpu.memref_squeeze %dma_start3A_476 : memref<1x1x80xi32, #tpu.memory_space<vmem>> -> memref<80xi32, #tpu.memory_space<vmem>>
      %dma_start3A_478 = arith.constant 0 : i32
      %dma_start3A_479 = arith.constant 0 : i32
      %dma_start3A_480 = tpu.memref_slice %arg16[%dma_start3A_478, %dma_start3A_479] : memref<10112x128xf32, #tpu.memory_space<vmem_shared>> -> memref<10112x128xf32, #tpu.memory_space<vmem_shared>>
      tpu.enqueue_indirect_dma source(%arg9 : memref<80x128xf32, #tpu.memory_space<vmem>>) target(%dma_start3A_480 : memref<10112x128xf32, #tpu.memory_space<vmem_shared>>) offsets(%dma_start3A_477 : memref<80xi32, #tpu.memory_space<vmem>>) semaphore(%arg15 : memref<!tpu.dma_semaphore, #tpu.memory_space<semaphore_mem>>) {add = true}
      %dma_wait3A_481 = arith.constant 15 : i32
      %dma_wait3A_482 = arith.constant 0 : i32
      %dma_wait3A_483 = arith.constant 0 : i32
      %dma_wait3A_484 = tpu.memref_slice %arg6[%dma_wait3A_481, %dma_wait3A_482, %dma_wait3A_483] : memref<16x2x80xi32, #tpu.memory_space<vmem>> -> memref<1x1x80xi32, #tpu.memory_space<vmem>>
      %dma_wait3A_485 = tpu.memref_squeeze %dma_wait3A_484 : memref<1x1x80xi32, #tpu.memory_space<vmem>> -> memref<80xi32, #tpu.memory_space<vmem>>
      %dma_wait3A_486 = arith.constant 0 : i32
      %dma_wait3A_487 = arith.constant 0 : i32
      %dma_wait3A_488 = tpu.memref_slice %arg2[%dma_wait3A_486, %dma_wait3A_487] : memref<10000x128xf32, #tpu.memory_space<hbm>> -> memref<10000x128xf32, #tpu.memory_space<hbm>>
      tpu.wait_indirect_dma semaphore(%arg14 : memref<!tpu.dma_semaphore, #tpu.memory_space<semaphore_mem>>) src(%dma_wait3A_488 : memref<10000x128xf32, #tpu.memory_space<hbm>>) dst(%arg10 : memref<80x128xf32, #tpu.memory_space<vmem>>)
      %dma_start3A_489 = arith.constant 15 : i32
      %dma_start3A_490 = arith.constant 1 : i32
      %dma_start3A_491 = arith.constant 0 : i32
      %dma_start3A_492 = tpu.memref_slice %arg6[%dma_start3A_489, %dma_start3A_490, %dma_start3A_491] : memref<16x2x80xi32, #tpu.memory_space<vmem>> -> memref<1x1x80xi32, #tpu.memory_space<vmem>>
      %dma_start3A_493 = tpu.memref_squeeze %dma_start3A_492 : memref<1x1x80xi32, #tpu.memory_space<vmem>> -> memref<80xi32, #tpu.memory_space<vmem>>
      %dma_start3A_494 = arith.constant 0 : i32
      %dma_start3A_495 = arith.constant 0 : i32
      %dma_start3A_496 = tpu.memref_slice %arg16[%dma_start3A_494, %dma_start3A_495] : memref<10112x128xf32, #tpu.memory_space<vmem_shared>> -> memref<10112x128xf32, #tpu.memory_space<vmem_shared>>
      tpu.enqueue_indirect_dma source(%arg10 : memref<80x128xf32, #tpu.memory_space<vmem>>) target(%dma_start3A_496 : memref<10112x128xf32, #tpu.memory_space<vmem_shared>>) offsets(%dma_start3A_493 : memref<80xi32, #tpu.memory_space<vmem>>) semaphore(%arg15 : memref<!tpu.dma_semaphore, #tpu.memory_space<semaphore_mem>>) {add = true}
      %dma_wait3A_497 = arith.constant 12 : i32
      %dma_wait3A_498 = arith.constant 1 : i32
      %dma_wait3A_499 = arith.constant 0 : i32
      %dma_wait3A_500 = tpu.memref_slice %arg6[%dma_wait3A_497, %dma_wait3A_498, %dma_wait3A_499] : memref<16x2x80xi32, #tpu.memory_space<vmem>> -> memref<1x1x80xi32, #tpu.memory_space<vmem>>
      %dma_wait3A_501 = tpu.memref_squeeze %dma_wait3A_500 : memref<1x1x80xi32, #tpu.memory_space<vmem>> -> memref<80xi32, #tpu.memory_space<vmem>>
      %dma_wait3A_502 = arith.constant 0 : i32
      %dma_wait3A_503 = arith.constant 0 : i32
      %dma_wait3A_504 = tpu.memref_slice %arg16[%dma_wait3A_502, %dma_wait3A_503] : memref<10112x128xf32, #tpu.memory_space<vmem_shared>> -> memref<10112x128xf32, #tpu.memory_space<vmem_shared>>
      tpu.wait_indirect_dma semaphore(%arg15 : memref<!tpu.dma_semaphore, #tpu.memory_space<semaphore_mem>>) src(%arg7 : memref<80x128xf32, #tpu.memory_space<vmem>>) dst(%dma_wait3A_504 : memref<10112x128xf32, #tpu.memory_space<vmem_shared>>)
      %dma_wait3A_505 = arith.constant 13 : i32
      %dma_wait3A_506 = arith.constant 1 : i32
      %dma_wait3A_507 = arith.constant 0 : i32
      %dma_wait3A_508 = tpu.memref_slice %arg6[%dma_wait3A_505, %dma_wait3A_506, %dma_wait3A_507] : memref<16x2x80xi32, #tpu.memory_space<vmem>> -> memref<1x1x80xi32, #tpu.memory_space<vmem>>
      %dma_wait3A_509 = tpu.memref_squeeze %dma_wait3A_508 : memref<1x1x80xi32, #tpu.memory_space<vmem>> -> memref<80xi32, #tpu.memory_space<vmem>>
      %dma_wait3A_510 = arith.constant 0 : i32
      %dma_wait3A_511 = arith.constant 0 : i32
      %dma_wait3A_512 = tpu.memref_slice %arg16[%dma_wait3A_510, %dma_wait3A_511] : memref<10112x128xf32, #tpu.memory_space<vmem_shared>> -> memref<10112x128xf32, #tpu.memory_space<vmem_shared>>
      tpu.wait_indirect_dma semaphore(%arg15 : memref<!tpu.dma_semaphore, #tpu.memory_space<semaphore_mem>>) src(%arg8 : memref<80x128xf32, #tpu.memory_space<vmem>>) dst(%dma_wait3A_512 : memref<10112x128xf32, #tpu.memory_space<vmem_shared>>)
      %dma_wait3A_513 = arith.constant 14 : i32
      %dma_wait3A_514 = arith.constant 1 : i32
      %dma_wait3A_515 = arith.constant 0 : i32
      %dma_wait3A_516 = tpu.memref_slice %arg6[%dma_wait3A_513, %dma_wait3A_514, %dma_wait3A_515] : memref<16x2x80xi32, #tpu.memory_space<vmem>> -> memref<1x1x80xi32, #tpu.memory_space<vmem>>
      %dma_wait3A_517 = tpu.memref_squeeze %dma_wait3A_516 : memref<1x1x80xi32, #tpu.memory_space<vmem>> -> memref<80xi32, #tpu.memory_space<vmem>>
      %dma_wait3A_518 = arith.constant 0 : i32
      %dma_wait3A_519 = arith.constant 0 : i32
      %dma_wait3A_520 = tpu.memref_slice %arg16[%dma_wait3A_518, %dma_wait3A_519] : memref<10112x128xf32, #tpu.memory_space<vmem_shared>> -> memref<10112x128xf32, #tpu.memory_space<vmem_shared>>
      tpu.wait_indirect_dma semaphore(%arg15 : memref<!tpu.dma_semaphore, #tpu.memory_space<semaphore_mem>>) src(%arg9 : memref<80x128xf32, #tpu.memory_space<vmem>>) dst(%dma_wait3A_520 : memref<10112x128xf32, #tpu.memory_space<vmem_shared>>)
      %dma_wait3A_521 = arith.constant 15 : i32
      %dma_wait3A_522 = arith.constant 1 : i32
      %dma_wait3A_523 = arith.constant 0 : i32
      %dma_wait3A_524 = tpu.memref_slice %arg6[%dma_wait3A_521, %dma_wait3A_522, %dma_wait3A_523] : memref<16x2x80xi32, #tpu.memory_space<vmem>> -> memref<1x1x80xi32, #tpu.memory_space<vmem>>
      %dma_wait3A_525 = tpu.memref_squeeze %dma_wait3A_524 : memref<1x1x80xi32, #tpu.memory_space<vmem>> -> memref<80xi32, #tpu.memory_space<vmem>>
      %dma_wait3A_526 = arith.constant 0 : i32
      %dma_wait3A_527 = arith.constant 0 : i32
      %dma_wait3A_528 = tpu.memref_slice %arg16[%dma_wait3A_526, %dma_wait3A_527] : memref<10112x128xf32, #tpu.memory_space<vmem_shared>> -> memref<10112x128xf32, #tpu.memory_space<vmem_shared>>
      tpu.wait_indirect_dma semaphore(%arg15 : memref<!tpu.dma_semaphore, #tpu.memory_space<semaphore_mem>>) src(%arg10 : memref<80x128xf32, #tpu.memory_space<vmem>>) dst(%dma_wait3A_528 : memref<10112x128xf32, #tpu.memory_space<vmem_shared>>)
    }
    %scan3A_8 = arith.constant 8 : i32
    %barrier3A_9 = arith.constant 0 : index
    tpu.barrier barrier_id(%barrier3A_9)
    %mul3A_10 = arith.constant 632 : i32
    %mul3A_11 = arith.muli %arg1, %mul3A_10 : i32
    %mul3A_12 = arith.constant 632 : i32
    %mul3A_13 = arith.muli %arg1, %mul3A_12 : i32
    "tpu.region"() ({
      %run_scoped3A = tpu.sem_alloc : memref<!tpu.dma_semaphore, #tpu.memory_space<semaphore_mem>>
      %dma_start3A = arith.constant 0 : i32
      %dma_start3A_14 = arith.constant 0 : i32
      %dma_start3A_15 = tpu.memref_slice %arg5[%arg0, %dma_start3A, %dma_start3A_14] : memref<2x10112x128xf32, #tpu.memory_space<hbm>> -> memref<1x10112x128xf32, #tpu.memory_space<hbm>>
      %dma_start3A_16 = tpu.memref_squeeze %dma_start3A_15 : memref<1x10112x128xf32, #tpu.memory_space<hbm>> -> memref<10112x128xf32, #tpu.memory_space<hbm>>
      %dma_start3A_17 = arith.constant 0 : i32
      %dma_start3A_18 = tpu.memref_slice %dma_start3A_16[%mul3A_13, %dma_start3A_17] : memref<10112x128xf32, #tpu.memory_space<hbm>> -> memref<632x128xf32, #tpu.memory_space<hbm>>
      %dma_start3A_19 = arith.constant 0 : i32
      %dma_start3A_20 = tpu.memref_slice %arg16[%mul3A_11, %dma_start3A_19] : memref<10112x128xf32, #tpu.memory_space<vmem_shared>> -> memref<632x128xf32, #tpu.memory_space<vmem_shared>>
      tpu.enqueue_dma source(%dma_start3A_20 : memref<632x128xf32, #tpu.memory_space<vmem_shared>>) target(%dma_start3A_18 : memref<632x128xf32, #tpu.memory_space<hbm>>) target_semaphore(%run_scoped3A : memref<!tpu.dma_semaphore, #tpu.memory_space<semaphore_mem>>)
      %dma_wait3A = arith.constant 0 : i32
      %dma_wait3A_21 = arith.constant 0 : i32
      %dma_wait3A_22 = tpu.memref_slice %arg5[%arg0, %dma_wait3A, %dma_wait3A_21] : memref<2x10112x128xf32, #tpu.memory_space<hbm>> -> memref<1x10112x128xf32, #tpu.memory_space<hbm>>
      %dma_wait3A_23 = tpu.memref_squeeze %dma_wait3A_22 : memref<1x10112x128xf32, #tpu.memory_space<hbm>> -> memref<10112x128xf32, #tpu.memory_space<hbm>>
      %dma_wait3A_24 = arith.constant 0 : i32
      %dma_wait3A_25 = tpu.memref_slice %dma_wait3A_23[%mul3A_13, %dma_wait3A_24] : memref<10112x128xf32, #tpu.memory_space<hbm>> -> memref<632x128xf32, #tpu.memory_space<hbm>>
      %dma_wait3A_26 = arith.constant 0 : i32
      %dma_wait3A_27 = tpu.memref_slice %arg16[%mul3A_11, %dma_wait3A_26] : memref<10112x128xf32, #tpu.memory_space<vmem_shared>> -> memref<632x128xf32, #tpu.memory_space<vmem_shared>>
      tpu.wait_dma2 semaphore(%run_scoped3A : memref<!tpu.dma_semaphore, #tpu.memory_space<semaphore_mem>>) src(%dma_wait3A_27 : memref<632x128xf32, #tpu.memory_space<vmem_shared>>) dst(%dma_wait3A_25 : memref<632x128xf32, #tpu.memory_space<hbm>>)
      tpu.yield
    }) : () -> ()
    return
  }
}

#map = affine_map<(d0, d1) -> (0, 0)>
module attributes {stable_mosaic.version = 14 : i64} {
  func.func @hist_kernel(%arg0: i32, %arg1: i32, %arg2: memref<32x10000xi32, #tpu.memory_space<hbm>>, %arg3: memref<32x10000xf32, #tpu.memory_space<hbm>>, %arg4: memref<10000xi32, #tpu.memory_space<vmem>>, %arg5: memref<10000xf32, #tpu.memory_space<vmem>>) attributes {dimension_semantics = [#tpu.dimension_semantics<core_parallel>, #tpu.dimension_semantics<subcore_parallel>], iteration_bounds = array<i64: 2, 16>, scalar_prefetch = 0 : i64, scratch_operands = 2 : i64, tpu.core_type = #tpu.core_type<sc_vector_subcore>, window_params = [{transform_indices = #map}, {transform_indices = #map}]} {
    %mul3A = arith.constant 2 : i32
    %mul3A_0 = arith.muli %arg1, %mul3A : i32
    %add3A = arith.addi %mul3A_0, %arg0 : i32
    "tpu.region"() ({
      %run_scoped3A = tpu.sem_alloc : memref<!tpu.dma_semaphore, #tpu.memory_space<semaphore_mem>>
      %dma_start3A = arith.constant 0 : i32
      %dma_start3A_13 = tpu.memref_slice %arg2[%add3A, %dma_start3A] : memref<32x10000xi32, #tpu.memory_space<hbm>> -> memref<1x10000xi32, #tpu.memory_space<hbm>>
      %dma_start3A_14 = tpu.memref_squeeze %dma_start3A_13 : memref<1x10000xi32, #tpu.memory_space<hbm>> -> memref<10000xi32, #tpu.memory_space<hbm>>
      %dma_start3A_15 = arith.constant 0 : i32
      %dma_start3A_16 = tpu.memref_slice %arg2[%add3A, %dma_start3A_15] : memref<32x10000xi32, #tpu.memory_space<hbm>> -> memref<1x10000xi32, #tpu.memory_space<hbm>>
      %dma_start3A_17 = tpu.memref_squeeze %dma_start3A_16 : memref<1x10000xi32, #tpu.memory_space<hbm>> -> memref<10000xi32, #tpu.memory_space<hbm>>
      tpu.enqueue_dma source(%dma_start3A_17 : memref<10000xi32, #tpu.memory_space<hbm>>) target(%arg4 : memref<10000xi32, #tpu.memory_space<vmem>>) target_semaphore(%run_scoped3A : memref<!tpu.dma_semaphore, #tpu.memory_space<semaphore_mem>>)
      %dma_wait3A = arith.constant 0 : i32
      %dma_wait3A_18 = tpu.memref_slice %arg2[%add3A, %dma_wait3A] : memref<32x10000xi32, #tpu.memory_space<hbm>> -> memref<1x10000xi32, #tpu.memory_space<hbm>>
      %dma_wait3A_19 = tpu.memref_squeeze %dma_wait3A_18 : memref<1x10000xi32, #tpu.memory_space<hbm>> -> memref<10000xi32, #tpu.memory_space<hbm>>
      %dma_wait3A_20 = arith.constant 0 : i32
      %dma_wait3A_21 = tpu.memref_slice %arg2[%add3A, %dma_wait3A_20] : memref<32x10000xi32, #tpu.memory_space<hbm>> -> memref<1x10000xi32, #tpu.memory_space<hbm>>
      %dma_wait3A_22 = tpu.memref_squeeze %dma_wait3A_21 : memref<1x10000xi32, #tpu.memory_space<hbm>> -> memref<10000xi32, #tpu.memory_space<hbm>>
      tpu.wait_dma2 semaphore(%run_scoped3A : memref<!tpu.dma_semaphore, #tpu.memory_space<semaphore_mem>>) src(%dma_wait3A_22 : memref<10000xi32, #tpu.memory_space<hbm>>) dst(%arg4 : memref<10000xi32, #tpu.memory_space<vmem>>)
      tpu.yield
    }) : () -> ()
    %broadcast_in_dim3A = arith.constant 0.000000e+00 : f32
    %broadcast_in_dim3A_1 = vector.broadcast %broadcast_in_dim3A : f32 to vector<16xf32>
    %scan3A = arith.constant 0 : i32
    %scan3A_2 = arith.constant 625 : i32
    %scan3A_3 = arith.addi %scan3A, %scan3A_2 : i32
    %scan3A_4 = arith.constant 1 : i32
    scf.for %scan3A_13 = %scan3A to %scan3A_3 step %scan3A_4  : i32 {
      %mul3A_14 = arith.constant 1 : i32
      %mul3A_15 = arith.muli %scan3A_13, %mul3A_14 : i32
      %add3A_16 = arith.constant 0 : i32
      %add3A_17 = arith.addi %add3A_16, %mul3A_15 : i32
      %mul3A_18 = arith.constant 16 : i32
      %mul3A_19 = arith.muli %add3A_17, %mul3A_18 : i32
      %swap3A = arith.index_cast %mul3A_19 : i32 to index
      %swap3A_20 = tpu.vector_load %arg5[%swap3A] {strides = array<i32>} : memref<10000xf32, #tpu.memory_space<vmem>>, vector<16xf32>,
      tpu.vector_store %arg5[%swap3A], %broadcast_in_dim3A_1 {strides = array<i32>} : memref<10000xf32, #tpu.memory_space<vmem>>, vector<16xf32>,
    }
    %scan3A_5 = arith.constant 625 : i32
    %broadcast_in_dim3A_6 = arith.constant 1.000000e+00 : f32
    %broadcast_in_dim3A_7 = vector.broadcast %broadcast_in_dim3A_6 : f32 to vector<16xf32>
    %scan3A_8 = arith.constant 0 : i32
    %scan3A_9 = arith.constant 625 : i32
    %scan3A_10 = arith.addi %scan3A_8, %scan3A_9 : i32
    %scan3A_11 = arith.constant 1 : i32
    scf.for %scan3A_13 = %scan3A_8 to %scan3A_10 step %scan3A_11  : i32 {
      %mul3A_14 = arith.constant 1 : i32
      %mul3A_15 = arith.muli %scan3A_13, %mul3A_14 : i32
      %add3A_16 = arith.constant 0 : i32
      %add3A_17 = arith.addi %add3A_16, %mul3A_15 : i32
      %mul3A_18 = arith.constant 16 : i32
      %mul3A_19 = arith.muli %add3A_17, %mul3A_18 : i32
      %get3A = arith.index_cast %mul3A_19 : i32 to index
      %get3A_20 = tpu.vector_load %arg4[%get3A] {strides = array<i32>} : memref<10000xi32, #tpu.memory_space<vmem>>, vector<16xi32>,
      tpu.vector_store_idx %arg5[%get3A_20], %broadcast_in_dim3A_7 {add = true} : memref<10000xf32, #tpu.memory_space<vmem>>[vector<16xi32>], vector<16xf32>,
    }
    %scan3A_12 = arith.constant 625 : i32
    "tpu.region"() ({
      %run_scoped3A = tpu.sem_alloc : memref<!tpu.dma_semaphore, #tpu.memory_space<semaphore_mem>>
      %dma_start3A = arith.constant 0 : i32
      %dma_start3A_13 = tpu.memref_slice %arg3[%add3A, %dma_start3A] : memref<32x10000xf32, #tpu.memory_space<hbm>> -> memref<1x10000xf32, #tpu.memory_space<hbm>>
      %dma_start3A_14 = tpu.memref_squeeze %dma_start3A_13 : memref<1x10000xf32, #tpu.memory_space<hbm>> -> memref<10000xf32, #tpu.memory_space<hbm>>
      %dma_start3A_15 = arith.constant 0 : i32
      %dma_start3A_16 = tpu.memref_slice %arg3[%add3A, %dma_start3A_15] : memref<32x10000xf32, #tpu.memory_space<hbm>> -> memref<1x10000xf32, #tpu.memory_space<hbm>>
      %dma_start3A_17 = tpu.memref_squeeze %dma_start3A_16 : memref<1x10000xf32, #tpu.memory_space<hbm>> -> memref<10000xf32, #tpu.memory_space<hbm>>
      tpu.enqueue_dma source(%arg5 : memref<10000xf32, #tpu.memory_space<vmem>>) target(%dma_start3A_17 : memref<10000xf32, #tpu.memory_space<hbm>>) target_semaphore(%run_scoped3A : memref<!tpu.dma_semaphore, #tpu.memory_space<semaphore_mem>>)
      %dma_wait3A = arith.constant 0 : i32
      %dma_wait3A_18 = tpu.memref_slice %arg3[%add3A, %dma_wait3A] : memref<32x10000xf32, #tpu.memory_space<hbm>> -> memref<1x10000xf32, #tpu.memory_space<hbm>>
      %dma_wait3A_19 = tpu.memref_squeeze %dma_wait3A_18 : memref<1x10000xf32, #tpu.memory_space<hbm>> -> memref<10000xf32, #tpu.memory_space<hbm>>
      %dma_wait3A_20 = arith.constant 0 : i32
      %dma_wait3A_21 = tpu.memref_slice %arg3[%add3A, %dma_wait3A_20] : memref<32x10000xf32, #tpu.memory_space<hbm>> -> memref<1x10000xf32, #tpu.memory_space<hbm>>
      %dma_wait3A_22 = tpu.memref_squeeze %dma_wait3A_21 : memref<1x10000xf32, #tpu.memory_space<hbm>> -> memref<10000xf32, #tpu.memory_space<hbm>>
      tpu.wait_dma2 semaphore(%run_scoped3A : memref<!tpu.dma_semaphore, #tpu.memory_space<semaphore_mem>>) src(%arg5 : memref<10000xf32, #tpu.memory_space<vmem>>) dst(%dma_wait3A_22 : memref<10000xf32, #tpu.memory_space<hbm>>)
      tpu.yield
    }) : () -> ()
    return
  }
}

#map = affine_map<(d0, d1) -> (0, 0)>
#map1 = affine_map<(d0, d1) -> (0, 0, 0, 0, 0)>
#map2 = affine_map<(d0, d1) -> (0, 0, 0)>
module attributes {stable_mosaic.version = 14 : i64} {
  func.func @scat_kernel(%arg0: i32, %arg1: i32, %arg2: memref<10000x128xf32, #tpu.memory_space<hbm>>, %arg3: memref<32x8x16x2x80xi32, #tpu.memory_space<hbm>>, %arg4: memref<10112x128xf32, #tpu.memory_space<hbm>>, %arg5: memref<2x10112x128xf32, #tpu.memory_space<hbm>>, %arg6: memref<16x2x80xi32, #tpu.memory_space<vmem>>, %arg7: memref<80x128xf32, #tpu.memory_space<vmem>>, %arg8: memref<80x128xf32, #tpu.memory_space<vmem>>, %arg9: memref<80x128xf32, #tpu.memory_space<vmem>>, %arg10: memref<80x128xf32, #tpu.memory_space<vmem>>, %arg11: memref<!tpu.dma_semaphore, #tpu.memory_space<semaphore_mem>>, %arg12: memref<!tpu.dma_semaphore, #tpu.memory_space<semaphore_mem>>, %arg13: memref<!tpu.dma_semaphore, #tpu.memory_space<semaphore_mem>>, %arg14: memref<!tpu.dma_semaphore, #tpu.memory_space<semaphore_mem>>, %arg15: memref<!tpu.dma_semaphore, #tpu.memory_space<semaphore_mem>>, %arg16: memref<10112x128xf32, #tpu.memory_space<vmem_shared>>) attributes {dimension_semantics = [#tpu.dimension_semantics<core_parallel>, #tpu.dimension_semantics<subcore_parallel>], iteration_bounds = array<i64: 2, 16>, scalar_prefetch = 0 : i64, scratch_operands = 11 : i64, tpu.core_type = #tpu.core_type<sc_vector_subcore>, window_params = [{transform_indices = #map}, {transform_indices = #map1}, {transform_indices = #map}, {transform_indices = #map2}]} {
    %mul3A = arith.constant 2 : i32
    %mul3A_0 = arith.muli %arg1, %mul3A : i32
    %add3A = arith.addi %mul3A_0, %arg0 : i32
    %mul3A_1 = arith.constant 632 : i32
    %mul3A_2 = arith.muli %arg1, %mul3A_1 : i32
    %mul3A_3 = arith.constant 632 : i32
    %mul3A_4 = arith.muli %arg1, %mul3A_3 : i32
    "tpu.region"() ({
      %run_scoped3A = tpu.sem_alloc : memref<!tpu.dma_semaphore, #tpu.memory_space<semaphore_mem>>
      %dma_start3A = arith.constant 0 : i32
      %dma_start3A_14 = tpu.memref_slice %arg16[%mul3A_4, %dma_start3A] : memref<10112x128xf32, #tpu.memory_space<vmem_shared>> -> memref<632x128xf32, #tpu.memory_space<vmem_shared>>
      %dma_start3A_15 = arith.constant 0 : i32
      %dma_start3A_16 = tpu.memref_slice %arg4[%mul3A_2, %dma_start3A_15] : memref<10112x128xf32, #tpu.memory_space<hbm>> -> memref<632x128xf32, #tpu.memory_space<hbm>>
      tpu.enqueue_dma source(%dma_start3A_16 : memref<632x128xf32, #tpu.memory_space<hbm>>) target(%dma_start3A_14 : memref<632x128xf32, #tpu.memory_space<vmem_shared>>) target_semaphore(%run_scoped3A : memref<!tpu.dma_semaphore, #tpu.memory_space<semaphore_mem>>)
      %dma_wait3A = arith.constant 0 : i32
      %dma_wait3A_17 = tpu.memref_slice %arg16[%mul3A_4, %dma_wait3A] : memref<10112x128xf32, #tpu.memory_space<vmem_shared>> -> memref<632x128xf32, #tpu.memory_space<vmem_shared>>
      %dma_wait3A_18 = arith.constant 0 : i32
      %dma_wait3A_19 = tpu.memref_slice %arg4[%mul3A_2, %dma_wait3A_18] : memref<10112x128xf32, #tpu.memory_space<hbm>> -> memref<632x128xf32, #tpu.memory_space<hbm>>
      tpu.wait_dma2 semaphore(%run_scoped3A : memref<!tpu.dma_semaphore, #tpu.memory_space<semaphore_mem>>) src(%dma_wait3A_19 : memref<632x128xf32, #tpu.memory_space<hbm>>) dst(%dma_wait3A_17 : memref<632x128xf32, #tpu.memory_space<vmem_shared>>)
      tpu.yield
    }) : () -> ()
    %barrier3A = arith.constant 0 : index
    tpu.barrier barrier_id(%barrier3A)
    %scan3A = arith.constant 0 : i32
    %scan3A_5 = arith.constant 8 : i32
    %scan3A_6 = arith.addi %scan3A, %scan3A_5 : i32
    %scan3A_7 = arith.constant 1 : i32
    scf.for %scan3A_14 = %scan3A to %scan3A_6 step %scan3A_7  : i32 {
      %mul3A_15 = arith.constant 1 : i32
      %mul3A_16 = arith.muli %scan3A_14, %mul3A_15 : i32
      %add3A_17 = arith.constant 0 : i32
      %add3A_18 = arith.addi %add3A_17, %mul3A_16 : i32
      "tpu.region"() ({
        %run_scoped3A = tpu.sem_alloc : memref<!tpu.dma_semaphore, #tpu.memory_space<semaphore_mem>>
        %dma_start3A_529 = arith.constant 0 : i32
        %dma_start3A_530 = arith.constant 0 : i32
        %dma_start3A_531 = arith.constant 0 : i32
        %dma_start3A_532 = tpu.memref_slice %arg3[%add3A, %add3A_18, %dma_start3A_529, %dma_start3A_530, %dma_start3A_531] : memref<32x8x16x2x80xi32, #tpu.memory_space<hbm>> -> memref<1x1x16x2x80xi32, #tpu.memory_space<hbm>>
        %dma_start3A_533 = tpu.memref_squeeze %dma_start3A_532 : memref<1x1x16x2x80xi32, #tpu.memory_space<hbm>> -> memref<16x2x80xi32, #tpu.memory_space<hbm>>
        %dma_start3A_534 = arith.constant 0 : i32
        %dma_start3A_535 = arith.constant 0 : i32
        %dma_start3A_536 = arith.constant 0 : i32
        %dma_start3A_537 = tpu.memref_slice %arg3[%add3A, %add3A_18, %dma_start3A_534, %dma_start3A_535, %dma_start3A_536] : memref<32x8x16x2x80xi32, #tpu.memory_space<hbm>> -> memref<1x1x16x2x80xi32, #tpu.memory_space<hbm>>
        %dma_start3A_538 = tpu.memref_squeeze %dma_start3A_537 : memref<1x1x16x2x80xi32, #tpu.memory_space<hbm>> -> memref<16x2x80xi32, #tpu.memory_space<hbm>>
        tpu.enqueue_dma source(%dma_start3A_538 : memref<16x2x80xi32, #tpu.memory_space<hbm>>) target(%arg6 : memref<16x2x80xi32, #tpu.memory_space<vmem>>) target_semaphore(%run_scoped3A : memref<!tpu.dma_semaphore, #tpu.memory_space<semaphore_mem>>)
        %dma_wait3A_539 = arith.constant 0 : i32
        %dma_wait3A_540 = arith.constant 0 : i32
        %dma_wait3A_541 = arith.constant 0 : i32
        %dma_wait3A_542 = tpu.memref_slice %arg3[%add3A, %add3A_18, %dma_wait3A_539, %dma_wait3A_540, %dma_wait3A_541] : memref<32x8x16x2x80xi32, #tpu.memory_space<hbm>> -> memref<1x1x16x2x80xi32, #tpu.memory_space<hbm>>
        %dma_wait3A_543 = tpu.memref_squeeze %dma_wait3A_542 : memref<1x1x16x2x80xi32, #tpu.memory_space<hbm>> -> memref<16x2x80xi32, #tpu.memory_space<hbm>>
        %dma_wait3A_544 = arith.constant 0 : i32
        %dma_wait3A_545 = arith.constant 0 : i32
        %dma_wait3A_546 = arith.constant 0 : i32
        %dma_wait3A_547 = tpu.memref_slice %arg3[%add3A, %add3A_18, %dma_wait3A_544, %dma_wait3A_545, %dma_wait3A_546] : memref<32x8x16x2x80xi32, #tpu.memory_space<hbm>> -> memref<1x1x16x2x80xi32, #tpu.memory_space<hbm>>
        %dma_wait3A_548 = tpu.memref_squeeze %dma_wait3A_547 : memref<1x1x16x2x80xi32, #tpu.memory_space<hbm>> -> memref<16x2x80xi32, #tpu.memory_space<hbm>>
        tpu.wait_dma2 semaphore(%run_scoped3A : memref<!tpu.dma_semaphore, #tpu.memory_space<semaphore_mem>>) src(%dma_wait3A_548 : memref<16x2x80xi32, #tpu.memory_space<hbm>>) dst(%arg6 : memref<16x2x80xi32, #tpu.memory_space<vmem>>)
        tpu.yield
      }) : () -> ()
      %dma_start3A = arith.constant 0 : i32
      %dma_start3A_19 = arith.constant 0 : i32
      %dma_start3A_20 = arith.constant 0 : i32
      %dma_start3A_21 = tpu.memref_slice %arg6[%dma_start3A, %dma_start3A_19, %dma_start3A_20] : memref<16x2x80xi32, #tpu.memory_space<vmem>> -> memref<1x1x80xi32, #tpu.memory_space<vmem>>
      %dma_start3A_22 = tpu.memref_squeeze %dma_start3A_21 : memref<1x1x80xi32, #tpu.memory_space<vmem>> -> memref<80xi32, #tpu.memory_space<vmem>>
      %dma_start3A_23 = arith.constant 0 : i32
      %dma_start3A_24 = arith.constant 0 : i32
      %dma_start3A_25 = tpu.memref_slice %arg2[%dma_start3A_23, %dma_start3A_24] : memref<10000x128xf32, #tpu.memory_space<hbm>> -> memref<10000x128xf32, #tpu.memory_space<hbm>>
      tpu.enqueue_indirect_dma source(%dma_start3A_25 : memref<10000x128xf32, #tpu.memory_space<hbm>>) target(%arg7 : memref<80x128xf32, #tpu.memory_space<vmem>>) offsets(%dma_start3A_22 : memref<80xi32, #tpu.memory_space<vmem>>) semaphore(%arg11 : memref<!tpu.dma_semaphore, #tpu.memory_space<semaphore_mem>>)
      %dma_start3A_26 = arith.constant 1 : i32
      %dma_start3A_27 = arith.constant 0 : i32
      %dma_start3A_28 = arith.constant 0 : i32
      %dma_start3A_29 = tpu.memref_slice %arg6[%dma_start3A_26, %dma_start3A_27, %dma_start3A_28] : memref<16x2x80xi32, #tpu.memory_space<vmem>> -> memref<1x1x80xi32, #tpu.memory_space<vmem>>
      %dma_start3A_30 = tpu.memref_squeeze %dma_start3A_29 : memref<1x1x80xi32, #tpu.memory_space<vmem>> -> memref<80xi32, #tpu.memory_space<vmem>>
      %dma_start3A_31 = arith.constant 0 : i32
      %dma_start3A_32 = arith.constant 0 : i32
      %dma_start3A_33 = tpu.memref_slice %arg2[%dma_start3A_31, %dma_start3A_32] : memref<10000x128xf32, #tpu.memory_space<hbm>> -> memref<10000x128xf32, #tpu.memory_space<hbm>>
      tpu.enqueue_indirect_dma source(%dma_start3A_33 : memref<10000x128xf32, #tpu.memory_space<hbm>>) target(%arg8 : memref<80x128xf32, #tpu.memory_space<vmem>>) offsets(%dma_start3A_30 : memref<80xi32, #tpu.memory_space<vmem>>) semaphore(%arg12 : memref<!tpu.dma_semaphore, #tpu.memory_space<semaphore_mem>>)
      %dma_start3A_34 = arith.constant 2 : i32
      %dma_start3A_35 = arith.constant 0 : i32
      %dma_start3A_36 = arith.constant 0 : i32
      %dma_start3A_37 = tpu.memref_slice %arg6[%dma_start3A_34, %dma_start3A_35, %dma_start3A_36] : memref<16x2x80xi32, #tpu.memory_space<vmem>> -> memref<1x1x80xi32, #tpu.memory_space<vmem>>
      %dma_start3A_38 = tpu.memref_squeeze %dma_start3A_37 : memref<1x1x80xi32, #tpu.memory_space<vmem>> -> memref<80xi32, #tpu.memory_space<vmem>>
      %dma_start3A_39 = arith.constant 0 : i32
      %dma_start3A_40 = arith.constant 0 : i32
      %dma_start3A_41 = tpu.memref_slice %arg2[%dma_start3A_39, %dma_start3A_40] : memref<10000x128xf32, #tpu.memory_space<hbm>> -> memref<10000x128xf32, #tpu.memory_space<hbm>>
      tpu.enqueue_indirect_dma source(%dma_start3A_41 : memref<10000x128xf32, #tpu.memory_space<hbm>>) target(%arg9 : memref<80x128xf32, #tpu.memory_space<vmem>>) offsets(%dma_start3A_38 : memref<80xi32, #tpu.memory_space<vmem>>) semaphore(%arg13 : memref<!tpu.dma_semaphore, #tpu.memory_space<semaphore_mem>>)
      %dma_start3A_42 = arith.constant 3 : i32
      %dma_start3A_43 = arith.constant 0 : i32
      %dma_start3A_44 = arith.constant 0 : i32
      %dma_start3A_45 = tpu.memref_slice %arg6[%dma_start3A_42, %dma_start3A_43, %dma_start3A_44] : memref<16x2x80xi32, #tpu.memory_space<vmem>> -> memref<1x1x80xi32, #tpu.memory_space<vmem>>
      %dma_start3A_46 = tpu.memref_squeeze %dma_start3A_45 : memref<1x1x80xi32, #tpu.memory_space<vmem>> -> memref<80xi32, #tpu.memory_space<vmem>>
      %dma_start3A_47 = arith.constant 0 : i32
      %dma_start3A_48 = arith.constant 0 : i32
      %dma_start3A_49 = tpu.memref_slice %arg2[%dma_start3A_47, %dma_start3A_48] : memref<10000x128xf32, #tpu.memory_space<hbm>> -> memref<10000x128xf32, #tpu.memory_space<hbm>>
      tpu.enqueue_indirect_dma source(%dma_start3A_49 : memref<10000x128xf32, #tpu.memory_space<hbm>>) target(%arg10 : memref<80x128xf32, #tpu.memory_space<vmem>>) offsets(%dma_start3A_46 : memref<80xi32, #tpu.memory_space<vmem>>) semaphore(%arg14 : memref<!tpu.dma_semaphore, #tpu.memory_space<semaphore_mem>>)
      %dma_wait3A = arith.constant 0 : i32
      %dma_wait3A_50 = arith.constant 0 : i32
      %dma_wait3A_51 = arith.constant 0 : i32
      %dma_wait3A_52 = tpu.memref_slice %arg6[%dma_wait3A, %dma_wait3A_50, %dma_wait3A_51] : memref<16x2x80xi32, #tpu.memory_space<vmem>> -> memref<1x1x80xi32, #tpu.memory_space<vmem>>
      %dma_wait3A_53 = tpu.memref_squeeze %dma_wait3A_52 : memref<1x1x80xi32, #tpu.memory_space<vmem>> -> memref<80xi32, #tpu.memory_space<vmem>>
      %dma_wait3A_54 = arith.constant 0 : i32
      %dma_wait3A_55 = arith.constant 0 : i32
      %dma_wait3A_56 = tpu.memref_slice %arg2[%dma_wait3A_54, %dma_wait3A_55] : memref<10000x128xf32, #tpu.memory_space<hbm>> -> memref<10000x128xf32, #tpu.memory_space<hbm>>
      tpu.wait_indirect_dma semaphore(%arg11 : memref<!tpu.dma_semaphore, #tpu.memory_space<semaphore_mem>>) src(%dma_wait3A_56 : memref<10000x128xf32, #tpu.memory_space<hbm>>) dst(%arg7 : memref<80x128xf32, #tpu.memory_space<vmem>>)
      %dma_start3A_57 = arith.constant 0 : i32
      %dma_start3A_58 = arith.constant 1 : i32
      %dma_start3A_59 = arith.constant 0 : i32
      %dma_start3A_60 = tpu.memref_slice %arg6[%dma_start3A_57, %dma_start3A_58, %dma_start3A_59] : memref<16x2x80xi32, #tpu.memory_space<vmem>> -> memref<1x1x80xi32, #tpu.memory_space<vmem>>
      %dma_start3A_61 = tpu.memref_squeeze %dma_start3A_60 : memref<1x1x80xi32, #tpu.memory_space<vmem>> -> memref<80xi32, #tpu.memory_space<vmem>>
      %dma_start3A_62 = arith.constant 0 : i32
      %dma_start3A_63 = arith.constant 0 : i32
      %dma_start3A_64 = tpu.memref_slice %arg16[%dma_start3A_62, %dma_start3A_63] : memref<10112x128xf32, #tpu.memory_space<vmem_shared>> -> memref<10112x128xf32, #tpu.memory_space<vmem_shared>>
      tpu.enqueue_indirect_dma source(%arg7 : memref<80x128xf32, #tpu.memory_space<vmem>>) target(%dma_start3A_64 : memref<10112x128xf32, #tpu.memory_space<vmem_shared>>) offsets(%dma_start3A_61 : memref<80xi32, #tpu.memory_space<vmem>>) semaphore(%arg15 : memref<!tpu.dma_semaphore, #tpu.memory_space<semaphore_mem>>) {add = true}
      %dma_wait3A_65 = arith.constant 0 : i32
      %dma_wait3A_66 = arith.constant 1 : i32
      %dma_wait3A_67 = arith.constant 0 : i32
      %dma_wait3A_68 = tpu.memref_slice %arg6[%dma_wait3A_65, %dma_wait3A_66, %dma_wait3A_67] : memref<16x2x80xi32, #tpu.memory_space<vmem>> -> memref<1x1x80xi32, #tpu.memory_space<vmem>>
      %dma_wait3A_69 = tpu.memref_squeeze %dma_wait3A_68 : memref<1x1x80xi32, #tpu.memory_space<vmem>> -> memref<80xi32, #tpu.memory_space<vmem>>
      %dma_wait3A_70 = arith.constant 0 : i32
      %dma_wait3A_71 = arith.constant 0 : i32
      %dma_wait3A_72 = tpu.memref_slice %arg16[%dma_wait3A_70, %dma_wait3A_71] : memref<10112x128xf32, #tpu.memory_space<vmem_shared>> -> memref<10112x128xf32, #tpu.memory_space<vmem_shared>>
      tpu.wait_indirect_dma semaphore(%arg15 : memref<!tpu.dma_semaphore, #tpu.memory_space<semaphore_mem>>) src(%arg7 : memref<80x128xf32, #tpu.memory_space<vmem>>) dst(%dma_wait3A_72 : memref<10112x128xf32, #tpu.memory_space<vmem_shared>>)
      %dma_start3A_73 = arith.constant 4 : i32
      %dma_start3A_74 = arith.constant 0 : i32
      %dma_start3A_75 = arith.constant 0 : i32
      %dma_start3A_76 = tpu.memref_slice %arg6[%dma_start3A_73, %dma_start3A_74, %dma_start3A_75] : memref<16x2x80xi32, #tpu.memory_space<vmem>> -> memref<1x1x80xi32, #tpu.memory_space<vmem>>
      %dma_start3A_77 = tpu.memref_squeeze %dma_start3A_76 : memref<1x1x80xi32, #tpu.memory_space<vmem>> -> memref<80xi32, #tpu.memory_space<vmem>>
      %dma_start3A_78 = arith.constant 0 : i32
      %dma_start3A_79 = arith.constant 0 : i32
      %dma_start3A_80 = tpu.memref_slice %arg2[%dma_start3A_78, %dma_start3A_79] : memref<10000x128xf32, #tpu.memory_space<hbm>> -> memref<10000x128xf32, #tpu.memory_space<hbm>>
      tpu.enqueue_indirect_dma source(%dma_start3A_80 : memref<10000x128xf32, #tpu.memory_space<hbm>>) target(%arg7 : memref<80x128xf32, #tpu.memory_space<vmem>>) offsets(%dma_start3A_77 : memref<80xi32, #tpu.memory_space<vmem>>) semaphore(%arg11 : memref<!tpu.dma_semaphore, #tpu.memory_space<semaphore_mem>>)
      %dma_wait3A_81 = arith.constant 1 : i32
      %dma_wait3A_82 = arith.constant 0 : i32
      %dma_wait3A_83 = arith.constant 0 : i32
      %dma_wait3A_84 = tpu.memref_slice %arg6[%dma_wait3A_81, %dma_wait3A_82, %dma_wait3A_83] : memref<16x2x80xi32, #tpu.memory_space<vmem>> -> memref<1x1x80xi32, #tpu.memory_space<vmem>>
      %dma_wait3A_85 = tpu.memref_squeeze %dma_wait3A_84 : memref<1x1x80xi32, #tpu.memory_space<vmem>> -> memref<80xi32, #tpu.memory_space<vmem>>
      %dma_wait3A_86 = arith.constant 0 : i32
      %dma_wait3A_87 = arith.constant 0 : i32
      %dma_wait3A_88 = tpu.memref_slice %arg2[%dma_wait3A_86, %dma_wait3A_87] : memref<10000x128xf32, #tpu.memory_space<hbm>> -> memref<10000x128xf32, #tpu.memory_space<hbm>>
      tpu.wait_indirect_dma semaphore(%arg12 : memref<!tpu.dma_semaphore, #tpu.memory_space<semaphore_mem>>) src(%dma_wait3A_88 : memref<10000x128xf32, #tpu.memory_space<hbm>>) dst(%arg8 : memref<80x128xf32, #tpu.memory_space<vmem>>)
      %dma_start3A_89 = arith.constant 1 : i32
      %dma_start3A_90 = arith.constant 1 : i32
      %dma_start3A_91 = arith.constant 0 : i32
      %dma_start3A_92 = tpu.memref_slice %arg6[%dma_start3A_89, %dma_start3A_90, %dma_start3A_91] : memref<16x2x80xi32, #tpu.memory_space<vmem>> -> memref<1x1x80xi32, #tpu.memory_space<vmem>>
      %dma_start3A_93 = tpu.memref_squeeze %dma_start3A_92 : memref<1x1x80xi32, #tpu.memory_space<vmem>> -> memref<80xi32, #tpu.memory_space<vmem>>
      %dma_start3A_94 = arith.constant 0 : i32
      %dma_start3A_95 = arith.constant 0 : i32
      %dma_start3A_96 = tpu.memref_slice %arg16[%dma_start3A_94, %dma_start3A_95] : memref<10112x128xf32, #tpu.memory_space<vmem_shared>> -> memref<10112x128xf32, #tpu.memory_space<vmem_shared>>
      tpu.enqueue_indirect_dma source(%arg8 : memref<80x128xf32, #tpu.memory_space<vmem>>) target(%dma_start3A_96 : memref<10112x128xf32, #tpu.memory_space<vmem_shared>>) offsets(%dma_start3A_93 : memref<80xi32, #tpu.memory_space<vmem>>) semaphore(%arg15 : memref<!tpu.dma_semaphore, #tpu.memory_space<semaphore_mem>>) {add = true}
      %dma_wait3A_97 = arith.constant 1 : i32
      %dma_wait3A_98 = arith.constant 1 : i32
      %dma_wait3A_99 = arith.constant 0 : i32
      %dma_wait3A_100 = tpu.memref_slice %arg6[%dma_wait3A_97, %dma_wait3A_98, %dma_wait3A_99] : memref<16x2x80xi32, #tpu.memory_space<vmem>> -> memref<1x1x80xi32, #tpu.memory_space<vmem>>
      %dma_wait3A_101 = tpu.memref_squeeze %dma_wait3A_100 : memref<1x1x80xi32, #tpu.memory_space<vmem>> -> memref<80xi32, #tpu.memory_space<vmem>>
      %dma_wait3A_102 = arith.constant 0 : i32
      %dma_wait3A_103 = arith.constant 0 : i32
      %dma_wait3A_104 = tpu.memref_slice %arg16[%dma_wait3A_102, %dma_wait3A_103] : memref<10112x128xf32, #tpu.memory_space<vmem_shared>> -> memref<10112x128xf32, #tpu.memory_space<vmem_shared>>
      tpu.wait_indirect_dma semaphore(%arg15 : memref<!tpu.dma_semaphore, #tpu.memory_space<semaphore_mem>>) src(%arg8 : memref<80x128xf32, #tpu.memory_space<vmem>>) dst(%dma_wait3A_104 : memref<10112x128xf32, #tpu.memory_space<vmem_shared>>)
      %dma_start3A_105 = arith.constant 5 : i32
      %dma_start3A_106 = arith.constant 0 : i32
      %dma_start3A_107 = arith.constant 0 : i32
      %dma_start3A_108 = tpu.memref_slice %arg6[%dma_start3A_105, %dma_start3A_106, %dma_start3A_107] : memref<16x2x80xi32, #tpu.memory_space<vmem>> -> memref<1x1x80xi32, #tpu.memory_space<vmem>>
      %dma_start3A_109 = tpu.memref_squeeze %dma_start3A_108 : memref<1x1x80xi32, #tpu.memory_space<vmem>> -> memref<80xi32, #tpu.memory_space<vmem>>
      %dma_start3A_110 = arith.constant 0 : i32
      %dma_start3A_111 = arith.constant 0 : i32
      %dma_start3A_112 = tpu.memref_slice %arg2[%dma_start3A_110, %dma_start3A_111] : memref<10000x128xf32, #tpu.memory_space<hbm>> -> memref<10000x128xf32, #tpu.memory_space<hbm>>
      tpu.enqueue_indirect_dma source(%dma_start3A_112 : memref<10000x128xf32, #tpu.memory_space<hbm>>) target(%arg8 : memref<80x128xf32, #tpu.memory_space<vmem>>) offsets(%dma_start3A_109 : memref<80xi32, #tpu.memory_space<vmem>>) semaphore(%arg12 : memref<!tpu.dma_semaphore, #tpu.memory_space<semaphore_mem>>)
      %dma_wait3A_113 = arith.constant 2 : i32
      %dma_wait3A_114 = arith.constant 0 : i32
      %dma_wait3A_115 = arith.constant 0 : i32
      %dma_wait3A_116 = tpu.memref_slice %arg6[%dma_wait3A_113, %dma_wait3A_114, %dma_wait3A_115] : memref<16x2x80xi32, #tpu.memory_space<vmem>> -> memref<1x1x80xi32, #tpu.memory_space<vmem>>
      %dma_wait3A_117 = tpu.memref_squeeze %dma_wait3A_116 : memref<1x1x80xi32, #tpu.memory_space<vmem>> -> memref<80xi32, #tpu.memory_space<vmem>>
      %dma_wait3A_118 = arith.constant 0 : i32
      %dma_wait3A_119 = arith.constant 0 : i32
      %dma_wait3A_120 = tpu.memref_slice %arg2[%dma_wait3A_118, %dma_wait3A_119] : memref<10000x128xf32, #tpu.memory_space<hbm>> -> memref<10000x128xf32, #tpu.memory_space<hbm>>
      tpu.wait_indirect_dma semaphore(%arg13 : memref<!tpu.dma_semaphore, #tpu.memory_space<semaphore_mem>>) src(%dma_wait3A_120 : memref<10000x128xf32, #tpu.memory_space<hbm>>) dst(%arg9 : memref<80x128xf32, #tpu.memory_space<vmem>>)
      %dma_start3A_121 = arith.constant 2 : i32
      %dma_start3A_122 = arith.constant 1 : i32
      %dma_start3A_123 = arith.constant 0 : i32
      %dma_start3A_124 = tpu.memref_slice %arg6[%dma_start3A_121, %dma_start3A_122, %dma_start3A_123] : memref<16x2x80xi32, #tpu.memory_space<vmem>> -> memref<1x1x80xi32, #tpu.memory_space<vmem>>
      %dma_start3A_125 = tpu.memref_squeeze %dma_start3A_124 : memref<1x1x80xi32, #tpu.memory_space<vmem>> -> memref<80xi32, #tpu.memory_space<vmem>>
      %dma_start3A_126 = arith.constant 0 : i32
      %dma_start3A_127 = arith.constant 0 : i32
      %dma_start3A_128 = tpu.memref_slice %arg16[%dma_start3A_126, %dma_start3A_127] : memref<10112x128xf32, #tpu.memory_space<vmem_shared>> -> memref<10112x128xf32, #tpu.memory_space<vmem_shared>>
      tpu.enqueue_indirect_dma source(%arg9 : memref<80x128xf32, #tpu.memory_space<vmem>>) target(%dma_start3A_128 : memref<10112x128xf32, #tpu.memory_space<vmem_shared>>) offsets(%dma_start3A_125 : memref<80xi32, #tpu.memory_space<vmem>>) semaphore(%arg15 : memref<!tpu.dma_semaphore, #tpu.memory_space<semaphore_mem>>) {add = true}
      %dma_wait3A_129 = arith.constant 2 : i32
      %dma_wait3A_130 = arith.constant 1 : i32
      %dma_wait3A_131 = arith.constant 0 : i32
      %dma_wait3A_132 = tpu.memref_slice %arg6[%dma_wait3A_129, %dma_wait3A_130, %dma_wait3A_131] : memref<16x2x80xi32, #tpu.memory_space<vmem>> -> memref<1x1x80xi32, #tpu.memory_space<vmem>>
      %dma_wait3A_133 = tpu.memref_squeeze %dma_wait3A_132 : memref<1x1x80xi32, #tpu.memory_space<vmem>> -> memref<80xi32, #tpu.memory_space<vmem>>
      %dma_wait3A_134 = arith.constant 0 : i32
      %dma_wait3A_135 = arith.constant 0 : i32
      %dma_wait3A_136 = tpu.memref_slice %arg16[%dma_wait3A_134, %dma_wait3A_135] : memref<10112x128xf32, #tpu.memory_space<vmem_shared>> -> memref<10112x128xf32, #tpu.memory_space<vmem_shared>>
      tpu.wait_indirect_dma semaphore(%arg15 : memref<!tpu.dma_semaphore, #tpu.memory_space<semaphore_mem>>) src(%arg9 : memref<80x128xf32, #tpu.memory_space<vmem>>) dst(%dma_wait3A_136 : memref<10112x128xf32, #tpu.memory_space<vmem_shared>>)
      %dma_start3A_137 = arith.constant 6 : i32
      %dma_start3A_138 = arith.constant 0 : i32
      %dma_start3A_139 = arith.constant 0 : i32
      %dma_start3A_140 = tpu.memref_slice %arg6[%dma_start3A_137, %dma_start3A_138, %dma_start3A_139] : memref<16x2x80xi32, #tpu.memory_space<vmem>> -> memref<1x1x80xi32, #tpu.memory_space<vmem>>
      %dma_start3A_141 = tpu.memref_squeeze %dma_start3A_140 : memref<1x1x80xi32, #tpu.memory_space<vmem>> -> memref<80xi32, #tpu.memory_space<vmem>>
      %dma_start3A_142 = arith.constant 0 : i32
      %dma_start3A_143 = arith.constant 0 : i32
      %dma_start3A_144 = tpu.memref_slice %arg2[%dma_start3A_142, %dma_start3A_143] : memref<10000x128xf32, #tpu.memory_space<hbm>> -> memref<10000x128xf32, #tpu.memory_space<hbm>>
      tpu.enqueue_indirect_dma source(%dma_start3A_144 : memref<10000x128xf32, #tpu.memory_space<hbm>>) target(%arg9 : memref<80x128xf32, #tpu.memory_space<vmem>>) offsets(%dma_start3A_141 : memref<80xi32, #tpu.memory_space<vmem>>) semaphore(%arg13 : memref<!tpu.dma_semaphore, #tpu.memory_space<semaphore_mem>>)
      %dma_wait3A_145 = arith.constant 3 : i32
      %dma_wait3A_146 = arith.constant 0 : i32
      %dma_wait3A_147 = arith.constant 0 : i32
      %dma_wait3A_148 = tpu.memref_slice %arg6[%dma_wait3A_145, %dma_wait3A_146, %dma_wait3A_147] : memref<16x2x80xi32, #tpu.memory_space<vmem>> -> memref<1x1x80xi32, #tpu.memory_space<vmem>>
      %dma_wait3A_149 = tpu.memref_squeeze %dma_wait3A_148 : memref<1x1x80xi32, #tpu.memory_space<vmem>> -> memref<80xi32, #tpu.memory_space<vmem>>
      %dma_wait3A_150 = arith.constant 0 : i32
      %dma_wait3A_151 = arith.constant 0 : i32
      %dma_wait3A_152 = tpu.memref_slice %arg2[%dma_wait3A_150, %dma_wait3A_151] : memref<10000x128xf32, #tpu.memory_space<hbm>> -> memref<10000x128xf32, #tpu.memory_space<hbm>>
      tpu.wait_indirect_dma semaphore(%arg14 : memref<!tpu.dma_semaphore, #tpu.memory_space<semaphore_mem>>) src(%dma_wait3A_152 : memref<10000x128xf32, #tpu.memory_space<hbm>>) dst(%arg10 : memref<80x128xf32, #tpu.memory_space<vmem>>)
      %dma_start3A_153 = arith.constant 3 : i32
      %dma_start3A_154 = arith.constant 1 : i32
      %dma_start3A_155 = arith.constant 0 : i32
      %dma_start3A_156 = tpu.memref_slice %arg6[%dma_start3A_153, %dma_start3A_154, %dma_start3A_155] : memref<16x2x80xi32, #tpu.memory_space<vmem>> -> memref<1x1x80xi32, #tpu.memory_space<vmem>>
      %dma_start3A_157 = tpu.memref_squeeze %dma_start3A_156 : memref<1x1x80xi32, #tpu.memory_space<vmem>> -> memref<80xi32, #tpu.memory_space<vmem>>
      %dma_start3A_158 = arith.constant 0 : i32
      %dma_start3A_159 = arith.constant 0 : i32
      %dma_start3A_160 = tpu.memref_slice %arg16[%dma_start3A_158, %dma_start3A_159] : memref<10112x128xf32, #tpu.memory_space<vmem_shared>> -> memref<10112x128xf32, #tpu.memory_space<vmem_shared>>
      tpu.enqueue_indirect_dma source(%arg10 : memref<80x128xf32, #tpu.memory_space<vmem>>) target(%dma_start3A_160 : memref<10112x128xf32, #tpu.memory_space<vmem_shared>>) offsets(%dma_start3A_157 : memref<80xi32, #tpu.memory_space<vmem>>) semaphore(%arg15 : memref<!tpu.dma_semaphore, #tpu.memory_space<semaphore_mem>>) {add = true}
      %dma_wait3A_161 = arith.constant 3 : i32
      %dma_wait3A_162 = arith.constant 1 : i32
      %dma_wait3A_163 = arith.constant 0 : i32
      %dma_wait3A_164 = tpu.memref_slice %arg6[%dma_wait3A_161, %dma_wait3A_162, %dma_wait3A_163] : memref<16x2x80xi32, #tpu.memory_space<vmem>> -> memref<1x1x80xi32, #tpu.memory_space<vmem>>
      %dma_wait3A_165 = tpu.memref_squeeze %dma_wait3A_164 : memref<1x1x80xi32, #tpu.memory_space<vmem>> -> memref<80xi32, #tpu.memory_space<vmem>>
      %dma_wait3A_166 = arith.constant 0 : i32
      %dma_wait3A_167 = arith.constant 0 : i32
      %dma_wait3A_168 = tpu.memref_slice %arg16[%dma_wait3A_166, %dma_wait3A_167] : memref<10112x128xf32, #tpu.memory_space<vmem_shared>> -> memref<10112x128xf32, #tpu.memory_space<vmem_shared>>
      tpu.wait_indirect_dma semaphore(%arg15 : memref<!tpu.dma_semaphore, #tpu.memory_space<semaphore_mem>>) src(%arg10 : memref<80x128xf32, #tpu.memory_space<vmem>>) dst(%dma_wait3A_168 : memref<10112x128xf32, #tpu.memory_space<vmem_shared>>)
      %dma_start3A_169 = arith.constant 7 : i32
      %dma_start3A_170 = arith.constant 0 : i32
      %dma_start3A_171 = arith.constant 0 : i32
      %dma_start3A_172 = tpu.memref_slice %arg6[%dma_start3A_169, %dma_start3A_170, %dma_start3A_171] : memref<16x2x80xi32, #tpu.memory_space<vmem>> -> memref<1x1x80xi32, #tpu.memory_space<vmem>>
      %dma_start3A_173 = tpu.memref_squeeze %dma_start3A_172 : memref<1x1x80xi32, #tpu.memory_space<vmem>> -> memref<80xi32, #tpu.memory_space<vmem>>
      %dma_start3A_174 = arith.constant 0 : i32
      %dma_start3A_175 = arith.constant 0 : i32
      %dma_start3A_176 = tpu.memref_slice %arg2[%dma_start3A_174, %dma_start3A_175] : memref<10000x128xf32, #tpu.memory_space<hbm>> -> memref<10000x128xf32, #tpu.memory_space<hbm>>
      tpu.enqueue_indirect_dma source(%dma_start3A_176 : memref<10000x128xf32, #tpu.memory_space<hbm>>) target(%arg10 : memref<80x128xf32, #tpu.memory_space<vmem>>) offsets(%dma_start3A_173 : memref<80xi32, #tpu.memory_space<vmem>>) semaphore(%arg14 : memref<!tpu.dma_semaphore, #tpu.memory_space<semaphore_mem>>)
      %dma_wait3A_177 = arith.constant 4 : i32
      %dma_wait3A_178 = arith.constant 0 : i32
      %dma_wait3A_179 = arith.constant 0 : i32
      %dma_wait3A_180 = tpu.memref_slice %arg6[%dma_wait3A_177, %dma_wait3A_178, %dma_wait3A_179] : memref<16x2x80xi32, #tpu.memory_space<vmem>> -> memref<1x1x80xi32, #tpu.memory_space<vmem>>
      %dma_wait3A_181 = tpu.memref_squeeze %dma_wait3A_180 : memref<1x1x80xi32, #tpu.memory_space<vmem>> -> memref<80xi32, #tpu.memory_space<vmem>>
      %dma_wait3A_182 = arith.constant 0 : i32
      %dma_wait3A_183 = arith.constant 0 : i32
      %dma_wait3A_184 = tpu.memref_slice %arg2[%dma_wait3A_182, %dma_wait3A_183] : memref<10000x128xf32, #tpu.memory_space<hbm>> -> memref<10000x128xf32, #tpu.memory_space<hbm>>
      tpu.wait_indirect_dma semaphore(%arg11 : memref<!tpu.dma_semaphore, #tpu.memory_space<semaphore_mem>>) src(%dma_wait3A_184 : memref<10000x128xf32, #tpu.memory_space<hbm>>) dst(%arg7 : memref<80x128xf32, #tpu.memory_space<vmem>>)
      %dma_start3A_185 = arith.constant 4 : i32
      %dma_start3A_186 = arith.constant 1 : i32
      %dma_start3A_187 = arith.constant 0 : i32
      %dma_start3A_188 = tpu.memref_slice %arg6[%dma_start3A_185, %dma_start3A_186, %dma_start3A_187] : memref<16x2x80xi32, #tpu.memory_space<vmem>> -> memref<1x1x80xi32, #tpu.memory_space<vmem>>
      %dma_start3A_189 = tpu.memref_squeeze %dma_start3A_188 : memref<1x1x80xi32, #tpu.memory_space<vmem>> -> memref<80xi32, #tpu.memory_space<vmem>>
      %dma_start3A_190 = arith.constant 0 : i32
      %dma_start3A_191 = arith.constant 0 : i32
      %dma_start3A_192 = tpu.memref_slice %arg16[%dma_start3A_190, %dma_start3A_191] : memref<10112x128xf32, #tpu.memory_space<vmem_shared>> -> memref<10112x128xf32, #tpu.memory_space<vmem_shared>>
      tpu.enqueue_indirect_dma source(%arg7 : memref<80x128xf32, #tpu.memory_space<vmem>>) target(%dma_start3A_192 : memref<10112x128xf32, #tpu.memory_space<vmem_shared>>) offsets(%dma_start3A_189 : memref<80xi32, #tpu.memory_space<vmem>>) semaphore(%arg15 : memref<!tpu.dma_semaphore, #tpu.memory_space<semaphore_mem>>) {add = true}
      %dma_wait3A_193 = arith.constant 4 : i32
      %dma_wait3A_194 = arith.constant 1 : i32
      %dma_wait3A_195 = arith.constant 0 : i32
      %dma_wait3A_196 = tpu.memref_slice %arg6[%dma_wait3A_193, %dma_wait3A_194, %dma_wait3A_195] : memref<16x2x80xi32, #tpu.memory_space<vmem>> -> memref<1x1x80xi32, #tpu.memory_space<vmem>>
      %dma_wait3A_197 = tpu.memref_squeeze %dma_wait3A_196 : memref<1x1x80xi32, #tpu.memory_space<vmem>> -> memref<80xi32, #tpu.memory_space<vmem>>
      %dma_wait3A_198 = arith.constant 0 : i32
      %dma_wait3A_199 = arith.constant 0 : i32
      %dma_wait3A_200 = tpu.memref_slice %arg16[%dma_wait3A_198, %dma_wait3A_199] : memref<10112x128xf32, #tpu.memory_space<vmem_shared>> -> memref<10112x128xf32, #tpu.memory_space<vmem_shared>>
      tpu.wait_indirect_dma semaphore(%arg15 : memref<!tpu.dma_semaphore, #tpu.memory_space<semaphore_mem>>) src(%arg7 : memref<80x128xf32, #tpu.memory_space<vmem>>) dst(%dma_wait3A_200 : memref<10112x128xf32, #tpu.memory_space<vmem_shared>>)
      %dma_start3A_201 = arith.constant 8 : i32
      %dma_start3A_202 = arith.constant 0 : i32
      %dma_start3A_203 = arith.constant 0 : i32
      %dma_start3A_204 = tpu.memref_slice %arg6[%dma_start3A_201, %dma_start3A_202, %dma_start3A_203] : memref<16x2x80xi32, #tpu.memory_space<vmem>> -> memref<1x1x80xi32, #tpu.memory_space<vmem>>
      %dma_start3A_205 = tpu.memref_squeeze %dma_start3A_204 : memref<1x1x80xi32, #tpu.memory_space<vmem>> -> memref<80xi32, #tpu.memory_space<vmem>>
      %dma_start3A_206 = arith.constant 0 : i32
      %dma_start3A_207 = arith.constant 0 : i32
      %dma_start3A_208 = tpu.memref_slice %arg2[%dma_start3A_206, %dma_start3A_207] : memref<10000x128xf32, #tpu.memory_space<hbm>> -> memref<10000x128xf32, #tpu.memory_space<hbm>>
      tpu.enqueue_indirect_dma source(%dma_start3A_208 : memref<10000x128xf32, #tpu.memory_space<hbm>>) target(%arg7 : memref<80x128xf32, #tpu.memory_space<vmem>>) offsets(%dma_start3A_205 : memref<80xi32, #tpu.memory_space<vmem>>) semaphore(%arg11 : memref<!tpu.dma_semaphore, #tpu.memory_space<semaphore_mem>>)
      %dma_wait3A_209 = arith.constant 5 : i32
      %dma_wait3A_210 = arith.constant 0 : i32
      %dma_wait3A_211 = arith.constant 0 : i32
      %dma_wait3A_212 = tpu.memref_slice %arg6[%dma_wait3A_209, %dma_wait3A_210, %dma_wait3A_211] : memref<16x2x80xi32, #tpu.memory_space<vmem>> -> memref<1x1x80xi32, #tpu.memory_space<vmem>>
      %dma_wait3A_213 = tpu.memref_squeeze %dma_wait3A_212 : memref<1x1x80xi32, #tpu.memory_space<vmem>> -> memref<80xi32, #tpu.memory_space<vmem>>
      %dma_wait3A_214 = arith.constant 0 : i32
      %dma_wait3A_215 = arith.constant 0 : i32
      %dma_wait3A_216 = tpu.memref_slice %arg2[%dma_wait3A_214, %dma_wait3A_215] : memref<10000x128xf32, #tpu.memory_space<hbm>> -> memref<10000x128xf32, #tpu.memory_space<hbm>>
      tpu.wait_indirect_dma semaphore(%arg12 : memref<!tpu.dma_semaphore, #tpu.memory_space<semaphore_mem>>) src(%dma_wait3A_216 : memref<10000x128xf32, #tpu.memory_space<hbm>>) dst(%arg8 : memref<80x128xf32, #tpu.memory_space<vmem>>)
      %dma_start3A_217 = arith.constant 5 : i32
      %dma_start3A_218 = arith.constant 1 : i32
      %dma_start3A_219 = arith.constant 0 : i32
      %dma_start3A_220 = tpu.memref_slice %arg6[%dma_start3A_217, %dma_start3A_218, %dma_start3A_219] : memref<16x2x80xi32, #tpu.memory_space<vmem>> -> memref<1x1x80xi32, #tpu.memory_space<vmem>>
      %dma_start3A_221 = tpu.memref_squeeze %dma_start3A_220 : memref<1x1x80xi32, #tpu.memory_space<vmem>> -> memref<80xi32, #tpu.memory_space<vmem>>
      %dma_start3A_222 = arith.constant 0 : i32
      %dma_start3A_223 = arith.constant 0 : i32
      %dma_start3A_224 = tpu.memref_slice %arg16[%dma_start3A_222, %dma_start3A_223] : memref<10112x128xf32, #tpu.memory_space<vmem_shared>> -> memref<10112x128xf32, #tpu.memory_space<vmem_shared>>
      tpu.enqueue_indirect_dma source(%arg8 : memref<80x128xf32, #tpu.memory_space<vmem>>) target(%dma_start3A_224 : memref<10112x128xf32, #tpu.memory_space<vmem_shared>>) offsets(%dma_start3A_221 : memref<80xi32, #tpu.memory_space<vmem>>) semaphore(%arg15 : memref<!tpu.dma_semaphore, #tpu.memory_space<semaphore_mem>>) {add = true}
      %dma_wait3A_225 = arith.constant 5 : i32
      %dma_wait3A_226 = arith.constant 1 : i32
      %dma_wait3A_227 = arith.constant 0 : i32
      %dma_wait3A_228 = tpu.memref_slice %arg6[%dma_wait3A_225, %dma_wait3A_226, %dma_wait3A_227] : memref<16x2x80xi32, #tpu.memory_space<vmem>> -> memref<1x1x80xi32, #tpu.memory_space<vmem>>
      %dma_wait3A_229 = tpu.memref_squeeze %dma_wait3A_228 : memref<1x1x80xi32, #tpu.memory_space<vmem>> -> memref<80xi32, #tpu.memory_space<vmem>>
      %dma_wait3A_230 = arith.constant 0 : i32
      %dma_wait3A_231 = arith.constant 0 : i32
      %dma_wait3A_232 = tpu.memref_slice %arg16[%dma_wait3A_230, %dma_wait3A_231] : memref<10112x128xf32, #tpu.memory_space<vmem_shared>> -> memref<10112x128xf32, #tpu.memory_space<vmem_shared>>
      tpu.wait_indirect_dma semaphore(%arg15 : memref<!tpu.dma_semaphore, #tpu.memory_space<semaphore_mem>>) src(%arg8 : memref<80x128xf32, #tpu.memory_space<vmem>>) dst(%dma_wait3A_232 : memref<10112x128xf32, #tpu.memory_space<vmem_shared>>)
      %dma_start3A_233 = arith.constant 9 : i32
      %dma_start3A_234 = arith.constant 0 : i32
      %dma_start3A_235 = arith.constant 0 : i32
      %dma_start3A_236 = tpu.memref_slice %arg6[%dma_start3A_233, %dma_start3A_234, %dma_start3A_235] : memref<16x2x80xi32, #tpu.memory_space<vmem>> -> memref<1x1x80xi32, #tpu.memory_space<vmem>>
      %dma_start3A_237 = tpu.memref_squeeze %dma_start3A_236 : memref<1x1x80xi32, #tpu.memory_space<vmem>> -> memref<80xi32, #tpu.memory_space<vmem>>
      %dma_start3A_238 = arith.constant 0 : i32
      %dma_start3A_239 = arith.constant 0 : i32
      %dma_start3A_240 = tpu.memref_slice %arg2[%dma_start3A_238, %dma_start3A_239] : memref<10000x128xf32, #tpu.memory_space<hbm>> -> memref<10000x128xf32, #tpu.memory_space<hbm>>
      tpu.enqueue_indirect_dma source(%dma_start3A_240 : memref<10000x128xf32, #tpu.memory_space<hbm>>) target(%arg8 : memref<80x128xf32, #tpu.memory_space<vmem>>) offsets(%dma_start3A_237 : memref<80xi32, #tpu.memory_space<vmem>>) semaphore(%arg12 : memref<!tpu.dma_semaphore, #tpu.memory_space<semaphore_mem>>)
      %dma_wait3A_241 = arith.constant 6 : i32
      %dma_wait3A_242 = arith.constant 0 : i32
      %dma_wait3A_243 = arith.constant 0 : i32
      %dma_wait3A_244 = tpu.memref_slice %arg6[%dma_wait3A_241, %dma_wait3A_242, %dma_wait3A_243] : memref<16x2x80xi32, #tpu.memory_space<vmem>> -> memref<1x1x80xi32, #tpu.memory_space<vmem>>
      %dma_wait3A_245 = tpu.memref_squeeze %dma_wait3A_244 : memref<1x1x80xi32, #tpu.memory_space<vmem>> -> memref<80xi32, #tpu.memory_space<vmem>>
      %dma_wait3A_246 = arith.constant 0 : i32
      %dma_wait3A_247 = arith.constant 0 : i32
      %dma_wait3A_248 = tpu.memref_slice %arg2[%dma_wait3A_246, %dma_wait3A_247] : memref<10000x128xf32, #tpu.memory_space<hbm>> -> memref<10000x128xf32, #tpu.memory_space<hbm>>
      tpu.wait_indirect_dma semaphore(%arg13 : memref<!tpu.dma_semaphore, #tpu.memory_space<semaphore_mem>>) src(%dma_wait3A_248 : memref<10000x128xf32, #tpu.memory_space<hbm>>) dst(%arg9 : memref<80x128xf32, #tpu.memory_space<vmem>>)
      %dma_start3A_249 = arith.constant 6 : i32
      %dma_start3A_250 = arith.constant 1 : i32
      %dma_start3A_251 = arith.constant 0 : i32
      %dma_start3A_252 = tpu.memref_slice %arg6[%dma_start3A_249, %dma_start3A_250, %dma_start3A_251] : memref<16x2x80xi32, #tpu.memory_space<vmem>> -> memref<1x1x80xi32, #tpu.memory_space<vmem>>
      %dma_start3A_253 = tpu.memref_squeeze %dma_start3A_252 : memref<1x1x80xi32, #tpu.memory_space<vmem>> -> memref<80xi32, #tpu.memory_space<vmem>>
      %dma_start3A_254 = arith.constant 0 : i32
      %dma_start3A_255 = arith.constant 0 : i32
      %dma_start3A_256 = tpu.memref_slice %arg16[%dma_start3A_254, %dma_start3A_255] : memref<10112x128xf32, #tpu.memory_space<vmem_shared>> -> memref<10112x128xf32, #tpu.memory_space<vmem_shared>>
      tpu.enqueue_indirect_dma source(%arg9 : memref<80x128xf32, #tpu.memory_space<vmem>>) target(%dma_start3A_256 : memref<10112x128xf32, #tpu.memory_space<vmem_shared>>) offsets(%dma_start3A_253 : memref<80xi32, #tpu.memory_space<vmem>>) semaphore(%arg15 : memref<!tpu.dma_semaphore, #tpu.memory_space<semaphore_mem>>) {add = true}
      %dma_wait3A_257 = arith.constant 6 : i32
      %dma_wait3A_258 = arith.constant 1 : i32
      %dma_wait3A_259 = arith.constant 0 : i32
      %dma_wait3A_260 = tpu.memref_slice %arg6[%dma_wait3A_257, %dma_wait3A_258, %dma_wait3A_259] : memref<16x2x80xi32, #tpu.memory_space<vmem>> -> memref<1x1x80xi32, #tpu.memory_space<vmem>>
      %dma_wait3A_261 = tpu.memref_squeeze %dma_wait3A_260 : memref<1x1x80xi32, #tpu.memory_space<vmem>> -> memref<80xi32, #tpu.memory_space<vmem>>
      %dma_wait3A_262 = arith.constant 0 : i32
      %dma_wait3A_263 = arith.constant 0 : i32
      %dma_wait3A_264 = tpu.memref_slice %arg16[%dma_wait3A_262, %dma_wait3A_263] : memref<10112x128xf32, #tpu.memory_space<vmem_shared>> -> memref<10112x128xf32, #tpu.memory_space<vmem_shared>>
      tpu.wait_indirect_dma semaphore(%arg15 : memref<!tpu.dma_semaphore, #tpu.memory_space<semaphore_mem>>) src(%arg9 : memref<80x128xf32, #tpu.memory_space<vmem>>) dst(%dma_wait3A_264 : memref<10112x128xf32, #tpu.memory_space<vmem_shared>>)
      %dma_start3A_265 = arith.constant 10 : i32
      %dma_start3A_266 = arith.constant 0 : i32
      %dma_start3A_267 = arith.constant 0 : i32
      %dma_start3A_268 = tpu.memref_slice %arg6[%dma_start3A_265, %dma_start3A_266, %dma_start3A_267] : memref<16x2x80xi32, #tpu.memory_space<vmem>> -> memref<1x1x80xi32, #tpu.memory_space<vmem>>
      %dma_start3A_269 = tpu.memref_squeeze %dma_start3A_268 : memref<1x1x80xi32, #tpu.memory_space<vmem>> -> memref<80xi32, #tpu.memory_space<vmem>>
      %dma_start3A_270 = arith.constant 0 : i32
      %dma_start3A_271 = arith.constant 0 : i32
      %dma_start3A_272 = tpu.memref_slice %arg2[%dma_start3A_270, %dma_start3A_271] : memref<10000x128xf32, #tpu.memory_space<hbm>> -> memref<10000x128xf32, #tpu.memory_space<hbm>>
      tpu.enqueue_indirect_dma source(%dma_start3A_272 : memref<10000x128xf32, #tpu.memory_space<hbm>>) target(%arg9 : memref<80x128xf32, #tpu.memory_space<vmem>>) offsets(%dma_start3A_269 : memref<80xi32, #tpu.memory_space<vmem>>) semaphore(%arg13 : memref<!tpu.dma_semaphore, #tpu.memory_space<semaphore_mem>>)
      %dma_wait3A_273 = arith.constant 7 : i32
      %dma_wait3A_274 = arith.constant 0 : i32
      %dma_wait3A_275 = arith.constant 0 : i32
      %dma_wait3A_276 = tpu.memref_slice %arg6[%dma_wait3A_273, %dma_wait3A_274, %dma_wait3A_275] : memref<16x2x80xi32, #tpu.memory_space<vmem>> -> memref<1x1x80xi32, #tpu.memory_space<vmem>>
      %dma_wait3A_277 = tpu.memref_squeeze %dma_wait3A_276 : memref<1x1x80xi32, #tpu.memory_space<vmem>> -> memref<80xi32, #tpu.memory_space<vmem>>
      %dma_wait3A_278 = arith.constant 0 : i32
      %dma_wait3A_279 = arith.constant 0 : i32
      %dma_wait3A_280 = tpu.memref_slice %arg2[%dma_wait3A_278, %dma_wait3A_279] : memref<10000x128xf32, #tpu.memory_space<hbm>> -> memref<10000x128xf32, #tpu.memory_space<hbm>>
      tpu.wait_indirect_dma semaphore(%arg14 : memref<!tpu.dma_semaphore, #tpu.memory_space<semaphore_mem>>) src(%dma_wait3A_280 : memref<10000x128xf32, #tpu.memory_space<hbm>>) dst(%arg10 : memref<80x128xf32, #tpu.memory_space<vmem>>)
      %dma_start3A_281 = arith.constant 7 : i32
      %dma_start3A_282 = arith.constant 1 : i32
      %dma_start3A_283 = arith.constant 0 : i32
      %dma_start3A_284 = tpu.memref_slice %arg6[%dma_start3A_281, %dma_start3A_282, %dma_start3A_283] : memref<16x2x80xi32, #tpu.memory_space<vmem>> -> memref<1x1x80xi32, #tpu.memory_space<vmem>>
      %dma_start3A_285 = tpu.memref_squeeze %dma_start3A_284 : memref<1x1x80xi32, #tpu.memory_space<vmem>> -> memref<80xi32, #tpu.memory_space<vmem>>
      %dma_start3A_286 = arith.constant 0 : i32
      %dma_start3A_287 = arith.constant 0 : i32
      %dma_start3A_288 = tpu.memref_slice %arg16[%dma_start3A_286, %dma_start3A_287] : memref<10112x128xf32, #tpu.memory_space<vmem_shared>> -> memref<10112x128xf32, #tpu.memory_space<vmem_shared>>
      tpu.enqueue_indirect_dma source(%arg10 : memref<80x128xf32, #tpu.memory_space<vmem>>) target(%dma_start3A_288 : memref<10112x128xf32, #tpu.memory_space<vmem_shared>>) offsets(%dma_start3A_285 : memref<80xi32, #tpu.memory_space<vmem>>) semaphore(%arg15 : memref<!tpu.dma_semaphore, #tpu.memory_space<semaphore_mem>>) {add = true}
      %dma_wait3A_289 = arith.constant 7 : i32
      %dma_wait3A_290 = arith.constant 1 : i32
      %dma_wait3A_291 = arith.constant 0 : i32
      %dma_wait3A_292 = tpu.memref_slice %arg6[%dma_wait3A_289, %dma_wait3A_290, %dma_wait3A_291] : memref<16x2x80xi32, #tpu.memory_space<vmem>> -> memref<1x1x80xi32, #tpu.memory_space<vmem>>
      %dma_wait3A_293 = tpu.memref_squeeze %dma_wait3A_292 : memref<1x1x80xi32, #tpu.memory_space<vmem>> -> memref<80xi32, #tpu.memory_space<vmem>>
      %dma_wait3A_294 = arith.constant 0 : i32
      %dma_wait3A_295 = arith.constant 0 : i32
      %dma_wait3A_296 = tpu.memref_slice %arg16[%dma_wait3A_294, %dma_wait3A_295] : memref<10112x128xf32, #tpu.memory_space<vmem_shared>> -> memref<10112x128xf32, #tpu.memory_space<vmem_shared>>
      tpu.wait_indirect_dma semaphore(%arg15 : memref<!tpu.dma_semaphore, #tpu.memory_space<semaphore_mem>>) src(%arg10 : memref<80x128xf32, #tpu.memory_space<vmem>>) dst(%dma_wait3A_296 : memref<10112x128xf32, #tpu.memory_space<vmem_shared>>)
      %dma_start3A_297 = arith.constant 11 : i32
      %dma_start3A_298 = arith.constant 0 : i32
      %dma_start3A_299 = arith.constant 0 : i32
      %dma_start3A_300 = tpu.memref_slice %arg6[%dma_start3A_297, %dma_start3A_298, %dma_start3A_299] : memref<16x2x80xi32, #tpu.memory_space<vmem>> -> memref<1x1x80xi32, #tpu.memory_space<vmem>>
      %dma_start3A_301 = tpu.memref_squeeze %dma_start3A_300 : memref<1x1x80xi32, #tpu.memory_space<vmem>> -> memref<80xi32, #tpu.memory_space<vmem>>
      %dma_start3A_302 = arith.constant 0 : i32
      %dma_start3A_303 = arith.constant 0 : i32
      %dma_start3A_304 = tpu.memref_slice %arg2[%dma_start3A_302, %dma_start3A_303] : memref<10000x128xf32, #tpu.memory_space<hbm>> -> memref<10000x128xf32, #tpu.memory_space<hbm>>
      tpu.enqueue_indirect_dma source(%dma_start3A_304 : memref<10000x128xf32, #tpu.memory_space<hbm>>) target(%arg10 : memref<80x128xf32, #tpu.memory_space<vmem>>) offsets(%dma_start3A_301 : memref<80xi32, #tpu.memory_space<vmem>>) semaphore(%arg14 : memref<!tpu.dma_semaphore, #tpu.memory_space<semaphore_mem>>)
      %dma_wait3A_305 = arith.constant 8 : i32
      %dma_wait3A_306 = arith.constant 0 : i32
      %dma_wait3A_307 = arith.constant 0 : i32
      %dma_wait3A_308 = tpu.memref_slice %arg6[%dma_wait3A_305, %dma_wait3A_306, %dma_wait3A_307] : memref<16x2x80xi32, #tpu.memory_space<vmem>> -> memref<1x1x80xi32, #tpu.memory_space<vmem>>
      %dma_wait3A_309 = tpu.memref_squeeze %dma_wait3A_308 : memref<1x1x80xi32, #tpu.memory_space<vmem>> -> memref<80xi32, #tpu.memory_space<vmem>>
      %dma_wait3A_310 = arith.constant 0 : i32
      %dma_wait3A_311 = arith.constant 0 : i32
      %dma_wait3A_312 = tpu.memref_slice %arg2[%dma_wait3A_310, %dma_wait3A_311] : memref<10000x128xf32, #tpu.memory_space<hbm>> -> memref<10000x128xf32, #tpu.memory_space<hbm>>
      tpu.wait_indirect_dma semaphore(%arg11 : memref<!tpu.dma_semaphore, #tpu.memory_space<semaphore_mem>>) src(%dma_wait3A_312 : memref<10000x128xf32, #tpu.memory_space<hbm>>) dst(%arg7 : memref<80x128xf32, #tpu.memory_space<vmem>>)
      %dma_start3A_313 = arith.constant 8 : i32
      %dma_start3A_314 = arith.constant 1 : i32
      %dma_start3A_315 = arith.constant 0 : i32
      %dma_start3A_316 = tpu.memref_slice %arg6[%dma_start3A_313, %dma_start3A_314, %dma_start3A_315] : memref<16x2x80xi32, #tpu.memory_space<vmem>> -> memref<1x1x80xi32, #tpu.memory_space<vmem>>
      %dma_start3A_317 = tpu.memref_squeeze %dma_start3A_316 : memref<1x1x80xi32, #tpu.memory_space<vmem>> -> memref<80xi32, #tpu.memory_space<vmem>>
      %dma_start3A_318 = arith.constant 0 : i32
      %dma_start3A_319 = arith.constant 0 : i32
      %dma_start3A_320 = tpu.memref_slice %arg16[%dma_start3A_318, %dma_start3A_319] : memref<10112x128xf32, #tpu.memory_space<vmem_shared>> -> memref<10112x128xf32, #tpu.memory_space<vmem_shared>>
      tpu.enqueue_indirect_dma source(%arg7 : memref<80x128xf32, #tpu.memory_space<vmem>>) target(%dma_start3A_320 : memref<10112x128xf32, #tpu.memory_space<vmem_shared>>) offsets(%dma_start3A_317 : memref<80xi32, #tpu.memory_space<vmem>>) semaphore(%arg15 : memref<!tpu.dma_semaphore, #tpu.memory_space<semaphore_mem>>) {add = true}
      %dma_wait3A_321 = arith.constant 8 : i32
      %dma_wait3A_322 = arith.constant 1 : i32
      %dma_wait3A_323 = arith.constant 0 : i32
      %dma_wait3A_324 = tpu.memref_slice %arg6[%dma_wait3A_321, %dma_wait3A_322, %dma_wait3A_323] : memref<16x2x80xi32, #tpu.memory_space<vmem>> -> memref<1x1x80xi32, #tpu.memory_space<vmem>>
      %dma_wait3A_325 = tpu.memref_squeeze %dma_wait3A_324 : memref<1x1x80xi32, #tpu.memory_space<vmem>> -> memref<80xi32, #tpu.memory_space<vmem>>
      %dma_wait3A_326 = arith.constant 0 : i32
      %dma_wait3A_327 = arith.constant 0 : i32
      %dma_wait3A_328 = tpu.memref_slice %arg16[%dma_wait3A_326, %dma_wait3A_327] : memref<10112x128xf32, #tpu.memory_space<vmem_shared>> -> memref<10112x128xf32, #tpu.memory_space<vmem_shared>>
      tpu.wait_indirect_dma semaphore(%arg15 : memref<!tpu.dma_semaphore, #tpu.memory_space<semaphore_mem>>) src(%arg7 : memref<80x128xf32, #tpu.memory_space<vmem>>) dst(%dma_wait3A_328 : memref<10112x128xf32, #tpu.memory_space<vmem_shared>>)
      %dma_start3A_329 = arith.constant 12 : i32
      %dma_start3A_330 = arith.constant 0 : i32
      %dma_start3A_331 = arith.constant 0 : i32
      %dma_start3A_332 = tpu.memref_slice %arg6[%dma_start3A_329, %dma_start3A_330, %dma_start3A_331] : memref<16x2x80xi32, #tpu.memory_space<vmem>> -> memref<1x1x80xi32, #tpu.memory_space<vmem>>
      %dma_start3A_333 = tpu.memref_squeeze %dma_start3A_332 : memref<1x1x80xi32, #tpu.memory_space<vmem>> -> memref<80xi32, #tpu.memory_space<vmem>>
      %dma_start3A_334 = arith.constant 0 : i32
      %dma_start3A_335 = arith.constant 0 : i32
      %dma_start3A_336 = tpu.memref_slice %arg2[%dma_start3A_334, %dma_start3A_335] : memref<10000x128xf32, #tpu.memory_space<hbm>> -> memref<10000x128xf32, #tpu.memory_space<hbm>>
      tpu.enqueue_indirect_dma source(%dma_start3A_336 : memref<10000x128xf32, #tpu.memory_space<hbm>>) target(%arg7 : memref<80x128xf32, #tpu.memory_space<vmem>>) offsets(%dma_start3A_333 : memref<80xi32, #tpu.memory_space<vmem>>) semaphore(%arg11 : memref<!tpu.dma_semaphore, #tpu.memory_space<semaphore_mem>>)
      %dma_wait3A_337 = arith.constant 9 : i32
      %dma_wait3A_338 = arith.constant 0 : i32
      %dma_wait3A_339 = arith.constant 0 : i32
      %dma_wait3A_340 = tpu.memref_slice %arg6[%dma_wait3A_337, %dma_wait3A_338, %dma_wait3A_339] : memref<16x2x80xi32, #tpu.memory_space<vmem>> -> memref<1x1x80xi32, #tpu.memory_space<vmem>>
      %dma_wait3A_341 = tpu.memref_squeeze %dma_wait3A_340 : memref<1x1x80xi32, #tpu.memory_space<vmem>> -> memref<80xi32, #tpu.memory_space<vmem>>
      %dma_wait3A_342 = arith.constant 0 : i32
      %dma_wait3A_343 = arith.constant 0 : i32
      %dma_wait3A_344 = tpu.memref_slice %arg2[%dma_wait3A_342, %dma_wait3A_343] : memref<10000x128xf32, #tpu.memory_space<hbm>> -> memref<10000x128xf32, #tpu.memory_space<hbm>>
      tpu.wait_indirect_dma semaphore(%arg12 : memref<!tpu.dma_semaphore, #tpu.memory_space<semaphore_mem>>) src(%dma_wait3A_344 : memref<10000x128xf32, #tpu.memory_space<hbm>>) dst(%arg8 : memref<80x128xf32, #tpu.memory_space<vmem>>)
      %dma_start3A_345 = arith.constant 9 : i32
      %dma_start3A_346 = arith.constant 1 : i32
      %dma_start3A_347 = arith.constant 0 : i32
      %dma_start3A_348 = tpu.memref_slice %arg6[%dma_start3A_345, %dma_start3A_346, %dma_start3A_347] : memref<16x2x80xi32, #tpu.memory_space<vmem>> -> memref<1x1x80xi32, #tpu.memory_space<vmem>>
      %dma_start3A_349 = tpu.memref_squeeze %dma_start3A_348 : memref<1x1x80xi32, #tpu.memory_space<vmem>> -> memref<80xi32, #tpu.memory_space<vmem>>
      %dma_start3A_350 = arith.constant 0 : i32
      %dma_start3A_351 = arith.constant 0 : i32
      %dma_start3A_352 = tpu.memref_slice %arg16[%dma_start3A_350, %dma_start3A_351] : memref<10112x128xf32, #tpu.memory_space<vmem_shared>> -> memref<10112x128xf32, #tpu.memory_space<vmem_shared>>
      tpu.enqueue_indirect_dma source(%arg8 : memref<80x128xf32, #tpu.memory_space<vmem>>) target(%dma_start3A_352 : memref<10112x128xf32, #tpu.memory_space<vmem_shared>>) offsets(%dma_start3A_349 : memref<80xi32, #tpu.memory_space<vmem>>) semaphore(%arg15 : memref<!tpu.dma_semaphore, #tpu.memory_space<semaphore_mem>>) {add = true}
      %dma_wait3A_353 = arith.constant 9 : i32
      %dma_wait3A_354 = arith.constant 1 : i32
      %dma_wait3A_355 = arith.constant 0 : i32
      %dma_wait3A_356 = tpu.memref_slice %arg6[%dma_wait3A_353, %dma_wait3A_354, %dma_wait3A_355] : memref<16x2x80xi32, #tpu.memory_space<vmem>> -> memref<1x1x80xi32, #tpu.memory_space<vmem>>
      %dma_wait3A_357 = tpu.memref_squeeze %dma_wait3A_356 : memref<1x1x80xi32, #tpu.memory_space<vmem>> -> memref<80xi32, #tpu.memory_space<vmem>>
      %dma_wait3A_358 = arith.constant 0 : i32
      %dma_wait3A_359 = arith.constant 0 : i32
      %dma_wait3A_360 = tpu.memref_slice %arg16[%dma_wait3A_358, %dma_wait3A_359] : memref<10112x128xf32, #tpu.memory_space<vmem_shared>> -> memref<10112x128xf32, #tpu.memory_space<vmem_shared>>
      tpu.wait_indirect_dma semaphore(%arg15 : memref<!tpu.dma_semaphore, #tpu.memory_space<semaphore_mem>>) src(%arg8 : memref<80x128xf32, #tpu.memory_space<vmem>>) dst(%dma_wait3A_360 : memref<10112x128xf32, #tpu.memory_space<vmem_shared>>)
      %dma_start3A_361 = arith.constant 13 : i32
      %dma_start3A_362 = arith.constant 0 : i32
      %dma_start3A_363 = arith.constant 0 : i32
      %dma_start3A_364 = tpu.memref_slice %arg6[%dma_start3A_361, %dma_start3A_362, %dma_start3A_363] : memref<16x2x80xi32, #tpu.memory_space<vmem>> -> memref<1x1x80xi32, #tpu.memory_space<vmem>>
      %dma_start3A_365 = tpu.memref_squeeze %dma_start3A_364 : memref<1x1x80xi32, #tpu.memory_space<vmem>> -> memref<80xi32, #tpu.memory_space<vmem>>
      %dma_start3A_366 = arith.constant 0 : i32
      %dma_start3A_367 = arith.constant 0 : i32
      %dma_start3A_368 = tpu.memref_slice %arg2[%dma_start3A_366, %dma_start3A_367] : memref<10000x128xf32, #tpu.memory_space<hbm>> -> memref<10000x128xf32, #tpu.memory_space<hbm>>
      tpu.enqueue_indirect_dma source(%dma_start3A_368 : memref<10000x128xf32, #tpu.memory_space<hbm>>) target(%arg8 : memref<80x128xf32, #tpu.memory_space<vmem>>) offsets(%dma_start3A_365 : memref<80xi32, #tpu.memory_space<vmem>>) semaphore(%arg12 : memref<!tpu.dma_semaphore, #tpu.memory_space<semaphore_mem>>)
      %dma_wait3A_369 = arith.constant 10 : i32
      %dma_wait3A_370 = arith.constant 0 : i32
      %dma_wait3A_371 = arith.constant 0 : i32
      %dma_wait3A_372 = tpu.memref_slice %arg6[%dma_wait3A_369, %dma_wait3A_370, %dma_wait3A_371] : memref<16x2x80xi32, #tpu.memory_space<vmem>> -> memref<1x1x80xi32, #tpu.memory_space<vmem>>
      %dma_wait3A_373 = tpu.memref_squeeze %dma_wait3A_372 : memref<1x1x80xi32, #tpu.memory_space<vmem>> -> memref<80xi32, #tpu.memory_space<vmem>>
      %dma_wait3A_374 = arith.constant 0 : i32
      %dma_wait3A_375 = arith.constant 0 : i32
      %dma_wait3A_376 = tpu.memref_slice %arg2[%dma_wait3A_374, %dma_wait3A_375] : memref<10000x128xf32, #tpu.memory_space<hbm>> -> memref<10000x128xf32, #tpu.memory_space<hbm>>
      tpu.wait_indirect_dma semaphore(%arg13 : memref<!tpu.dma_semaphore, #tpu.memory_space<semaphore_mem>>) src(%dma_wait3A_376 : memref<10000x128xf32, #tpu.memory_space<hbm>>) dst(%arg9 : memref<80x128xf32, #tpu.memory_space<vmem>>)
      %dma_start3A_377 = arith.constant 10 : i32
      %dma_start3A_378 = arith.constant 1 : i32
      %dma_start3A_379 = arith.constant 0 : i32
      %dma_start3A_380 = tpu.memref_slice %arg6[%dma_start3A_377, %dma_start3A_378, %dma_start3A_379] : memref<16x2x80xi32, #tpu.memory_space<vmem>> -> memref<1x1x80xi32, #tpu.memory_space<vmem>>
      %dma_start3A_381 = tpu.memref_squeeze %dma_start3A_380 : memref<1x1x80xi32, #tpu.memory_space<vmem>> -> memref<80xi32, #tpu.memory_space<vmem>>
      %dma_start3A_382 = arith.constant 0 : i32
      %dma_start3A_383 = arith.constant 0 : i32
      %dma_start3A_384 = tpu.memref_slice %arg16[%dma_start3A_382, %dma_start3A_383] : memref<10112x128xf32, #tpu.memory_space<vmem_shared>> -> memref<10112x128xf32, #tpu.memory_space<vmem_shared>>
      tpu.enqueue_indirect_dma source(%arg9 : memref<80x128xf32, #tpu.memory_space<vmem>>) target(%dma_start3A_384 : memref<10112x128xf32, #tpu.memory_space<vmem_shared>>) offsets(%dma_start3A_381 : memref<80xi32, #tpu.memory_space<vmem>>) semaphore(%arg15 : memref<!tpu.dma_semaphore, #tpu.memory_space<semaphore_mem>>) {add = true}
      %dma_wait3A_385 = arith.constant 10 : i32
      %dma_wait3A_386 = arith.constant 1 : i32
      %dma_wait3A_387 = arith.constant 0 : i32
      %dma_wait3A_388 = tpu.memref_slice %arg6[%dma_wait3A_385, %dma_wait3A_386, %dma_wait3A_387] : memref<16x2x80xi32, #tpu.memory_space<vmem>> -> memref<1x1x80xi32, #tpu.memory_space<vmem>>
      %dma_wait3A_389 = tpu.memref_squeeze %dma_wait3A_388 : memref<1x1x80xi32, #tpu.memory_space<vmem>> -> memref<80xi32, #tpu.memory_space<vmem>>
      %dma_wait3A_390 = arith.constant 0 : i32
      %dma_wait3A_391 = arith.constant 0 : i32
      %dma_wait3A_392 = tpu.memref_slice %arg16[%dma_wait3A_390, %dma_wait3A_391] : memref<10112x128xf32, #tpu.memory_space<vmem_shared>> -> memref<10112x128xf32, #tpu.memory_space<vmem_shared>>
      tpu.wait_indirect_dma semaphore(%arg15 : memref<!tpu.dma_semaphore, #tpu.memory_space<semaphore_mem>>) src(%arg9 : memref<80x128xf32, #tpu.memory_space<vmem>>) dst(%dma_wait3A_392 : memref<10112x128xf32, #tpu.memory_space<vmem_shared>>)
      %dma_start3A_393 = arith.constant 14 : i32
      %dma_start3A_394 = arith.constant 0 : i32
      %dma_start3A_395 = arith.constant 0 : i32
      %dma_start3A_396 = tpu.memref_slice %arg6[%dma_start3A_393, %dma_start3A_394, %dma_start3A_395] : memref<16x2x80xi32, #tpu.memory_space<vmem>> -> memref<1x1x80xi32, #tpu.memory_space<vmem>>
      %dma_start3A_397 = tpu.memref_squeeze %dma_start3A_396 : memref<1x1x80xi32, #tpu.memory_space<vmem>> -> memref<80xi32, #tpu.memory_space<vmem>>
      %dma_start3A_398 = arith.constant 0 : i32
      %dma_start3A_399 = arith.constant 0 : i32
      %dma_start3A_400 = tpu.memref_slice %arg2[%dma_start3A_398, %dma_start3A_399] : memref<10000x128xf32, #tpu.memory_space<hbm>> -> memref<10000x128xf32, #tpu.memory_space<hbm>>
      tpu.enqueue_indirect_dma source(%dma_start3A_400 : memref<10000x128xf32, #tpu.memory_space<hbm>>) target(%arg9 : memref<80x128xf32, #tpu.memory_space<vmem>>) offsets(%dma_start3A_397 : memref<80xi32, #tpu.memory_space<vmem>>) semaphore(%arg13 : memref<!tpu.dma_semaphore, #tpu.memory_space<semaphore_mem>>)
      %dma_wait3A_401 = arith.constant 11 : i32
      %dma_wait3A_402 = arith.constant 0 : i32
      %dma_wait3A_403 = arith.constant 0 : i32
      %dma_wait3A_404 = tpu.memref_slice %arg6[%dma_wait3A_401, %dma_wait3A_402, %dma_wait3A_403] : memref<16x2x80xi32, #tpu.memory_space<vmem>> -> memref<1x1x80xi32, #tpu.memory_space<vmem>>
      %dma_wait3A_405 = tpu.memref_squeeze %dma_wait3A_404 : memref<1x1x80xi32, #tpu.memory_space<vmem>> -> memref<80xi32, #tpu.memory_space<vmem>>
      %dma_wait3A_406 = arith.constant 0 : i32
      %dma_wait3A_407 = arith.constant 0 : i32
      %dma_wait3A_408 = tpu.memref_slice %arg2[%dma_wait3A_406, %dma_wait3A_407] : memref<10000x128xf32, #tpu.memory_space<hbm>> -> memref<10000x128xf32, #tpu.memory_space<hbm>>
      tpu.wait_indirect_dma semaphore(%arg14 : memref<!tpu.dma_semaphore, #tpu.memory_space<semaphore_mem>>) src(%dma_wait3A_408 : memref<10000x128xf32, #tpu.memory_space<hbm>>) dst(%arg10 : memref<80x128xf32, #tpu.memory_space<vmem>>)
      %dma_start3A_409 = arith.constant 11 : i32
      %dma_start3A_410 = arith.constant 1 : i32
      %dma_start3A_411 = arith.constant 0 : i32
      %dma_start3A_412 = tpu.memref_slice %arg6[%dma_start3A_409, %dma_start3A_410, %dma_start3A_411] : memref<16x2x80xi32, #tpu.memory_space<vmem>> -> memref<1x1x80xi32, #tpu.memory_space<vmem>>
      %dma_start3A_413 = tpu.memref_squeeze %dma_start3A_412 : memref<1x1x80xi32, #tpu.memory_space<vmem>> -> memref<80xi32, #tpu.memory_space<vmem>>
      %dma_start3A_414 = arith.constant 0 : i32
      %dma_start3A_415 = arith.constant 0 : i32
      %dma_start3A_416 = tpu.memref_slice %arg16[%dma_start3A_414, %dma_start3A_415] : memref<10112x128xf32, #tpu.memory_space<vmem_shared>> -> memref<10112x128xf32, #tpu.memory_space<vmem_shared>>
      tpu.enqueue_indirect_dma source(%arg10 : memref<80x128xf32, #tpu.memory_space<vmem>>) target(%dma_start3A_416 : memref<10112x128xf32, #tpu.memory_space<vmem_shared>>) offsets(%dma_start3A_413 : memref<80xi32, #tpu.memory_space<vmem>>) semaphore(%arg15 : memref<!tpu.dma_semaphore, #tpu.memory_space<semaphore_mem>>) {add = true}
      %dma_wait3A_417 = arith.constant 11 : i32
      %dma_wait3A_418 = arith.constant 1 : i32
      %dma_wait3A_419 = arith.constant 0 : i32
      %dma_wait3A_420 = tpu.memref_slice %arg6[%dma_wait3A_417, %dma_wait3A_418, %dma_wait3A_419] : memref<16x2x80xi32, #tpu.memory_space<vmem>> -> memref<1x1x80xi32, #tpu.memory_space<vmem>>
      %dma_wait3A_421 = tpu.memref_squeeze %dma_wait3A_420 : memref<1x1x80xi32, #tpu.memory_space<vmem>> -> memref<80xi32, #tpu.memory_space<vmem>>
      %dma_wait3A_422 = arith.constant 0 : i32
      %dma_wait3A_423 = arith.constant 0 : i32
      %dma_wait3A_424 = tpu.memref_slice %arg16[%dma_wait3A_422, %dma_wait3A_423] : memref<10112x128xf32, #tpu.memory_space<vmem_shared>> -> memref<10112x128xf32, #tpu.memory_space<vmem_shared>>
      tpu.wait_indirect_dma semaphore(%arg15 : memref<!tpu.dma_semaphore, #tpu.memory_space<semaphore_mem>>) src(%arg10 : memref<80x128xf32, #tpu.memory_space<vmem>>) dst(%dma_wait3A_424 : memref<10112x128xf32, #tpu.memory_space<vmem_shared>>)
      %dma_start3A_425 = arith.constant 15 : i32
      %dma_start3A_426 = arith.constant 0 : i32
      %dma_start3A_427 = arith.constant 0 : i32
      %dma_start3A_428 = tpu.memref_slice %arg6[%dma_start3A_425, %dma_start3A_426, %dma_start3A_427] : memref<16x2x80xi32, #tpu.memory_space<vmem>> -> memref<1x1x80xi32, #tpu.memory_space<vmem>>
      %dma_start3A_429 = tpu.memref_squeeze %dma_start3A_428 : memref<1x1x80xi32, #tpu.memory_space<vmem>> -> memref<80xi32, #tpu.memory_space<vmem>>
      %dma_start3A_430 = arith.constant 0 : i32
      %dma_start3A_431 = arith.constant 0 : i32
      %dma_start3A_432 = tpu.memref_slice %arg2[%dma_start3A_430, %dma_start3A_431] : memref<10000x128xf32, #tpu.memory_space<hbm>> -> memref<10000x128xf32, #tpu.memory_space<hbm>>
      tpu.enqueue_indirect_dma source(%dma_start3A_432 : memref<10000x128xf32, #tpu.memory_space<hbm>>) target(%arg10 : memref<80x128xf32, #tpu.memory_space<vmem>>) offsets(%dma_start3A_429 : memref<80xi32, #tpu.memory_space<vmem>>) semaphore(%arg14 : memref<!tpu.dma_semaphore, #tpu.memory_space<semaphore_mem>>)
      %dma_wait3A_433 = arith.constant 12 : i32
      %dma_wait3A_434 = arith.constant 0 : i32
      %dma_wait3A_435 = arith.constant 0 : i32
      %dma_wait3A_436 = tpu.memref_slice %arg6[%dma_wait3A_433, %dma_wait3A_434, %dma_wait3A_435] : memref<16x2x80xi32, #tpu.memory_space<vmem>> -> memref<1x1x80xi32, #tpu.memory_space<vmem>>
      %dma_wait3A_437 = tpu.memref_squeeze %dma_wait3A_436 : memref<1x1x80xi32, #tpu.memory_space<vmem>> -> memref<80xi32, #tpu.memory_space<vmem>>
      %dma_wait3A_438 = arith.constant 0 : i32
      %dma_wait3A_439 = arith.constant 0 : i32
      %dma_wait3A_440 = tpu.memref_slice %arg2[%dma_wait3A_438, %dma_wait3A_439] : memref<10000x128xf32, #tpu.memory_space<hbm>> -> memref<10000x128xf32, #tpu.memory_space<hbm>>
      tpu.wait_indirect_dma semaphore(%arg11 : memref<!tpu.dma_semaphore, #tpu.memory_space<semaphore_mem>>) src(%dma_wait3A_440 : memref<10000x128xf32, #tpu.memory_space<hbm>>) dst(%arg7 : memref<80x128xf32, #tpu.memory_space<vmem>>)
      %dma_start3A_441 = arith.constant 12 : i32
      %dma_start3A_442 = arith.constant 1 : i32
      %dma_start3A_443 = arith.constant 0 : i32
      %dma_start3A_444 = tpu.memref_slice %arg6[%dma_start3A_441, %dma_start3A_442, %dma_start3A_443] : memref<16x2x80xi32, #tpu.memory_space<vmem>> -> memref<1x1x80xi32, #tpu.memory_space<vmem>>
      %dma_start3A_445 = tpu.memref_squeeze %dma_start3A_444 : memref<1x1x80xi32, #tpu.memory_space<vmem>> -> memref<80xi32, #tpu.memory_space<vmem>>
      %dma_start3A_446 = arith.constant 0 : i32
      %dma_start3A_447 = arith.constant 0 : i32
      %dma_start3A_448 = tpu.memref_slice %arg16[%dma_start3A_446, %dma_start3A_447] : memref<10112x128xf32, #tpu.memory_space<vmem_shared>> -> memref<10112x128xf32, #tpu.memory_space<vmem_shared>>
      tpu.enqueue_indirect_dma source(%arg7 : memref<80x128xf32, #tpu.memory_space<vmem>>) target(%dma_start3A_448 : memref<10112x128xf32, #tpu.memory_space<vmem_shared>>) offsets(%dma_start3A_445 : memref<80xi32, #tpu.memory_space<vmem>>) semaphore(%arg15 : memref<!tpu.dma_semaphore, #tpu.memory_space<semaphore_mem>>) {add = true}
      %dma_wait3A_449 = arith.constant 13 : i32
      %dma_wait3A_450 = arith.constant 0 : i32
      %dma_wait3A_451 = arith.constant 0 : i32
      %dma_wait3A_452 = tpu.memref_slice %arg6[%dma_wait3A_449, %dma_wait3A_450, %dma_wait3A_451] : memref<16x2x80xi32, #tpu.memory_space<vmem>> -> memref<1x1x80xi32, #tpu.memory_space<vmem>>
      %dma_wait3A_453 = tpu.memref_squeeze %dma_wait3A_452 : memref<1x1x80xi32, #tpu.memory_space<vmem>> -> memref<80xi32, #tpu.memory_space<vmem>>
      %dma_wait3A_454 = arith.constant 0 : i32
      %dma_wait3A_455 = arith.constant 0 : i32
      %dma_wait3A_456 = tpu.memref_slice %arg2[%dma_wait3A_454, %dma_wait3A_455] : memref<10000x128xf32, #tpu.memory_space<hbm>> -> memref<10000x128xf32, #tpu.memory_space<hbm>>
      tpu.wait_indirect_dma semaphore(%arg12 : memref<!tpu.dma_semaphore, #tpu.memory_space<semaphore_mem>>) src(%dma_wait3A_456 : memref<10000x128xf32, #tpu.memory_space<hbm>>) dst(%arg8 : memref<80x128xf32, #tpu.memory_space<vmem>>)
      %dma_start3A_457 = arith.constant 13 : i32
      %dma_start3A_458 = arith.constant 1 : i32
      %dma_start3A_459 = arith.constant 0 : i32
      %dma_start3A_460 = tpu.memref_slice %arg6[%dma_start3A_457, %dma_start3A_458, %dma_start3A_459] : memref<16x2x80xi32, #tpu.memory_space<vmem>> -> memref<1x1x80xi32, #tpu.memory_space<vmem>>
      %dma_start3A_461 = tpu.memref_squeeze %dma_start3A_460 : memref<1x1x80xi32, #tpu.memory_space<vmem>> -> memref<80xi32, #tpu.memory_space<vmem>>
      %dma_start3A_462 = arith.constant 0 : i32
      %dma_start3A_463 = arith.constant 0 : i32
      %dma_start3A_464 = tpu.memref_slice %arg16[%dma_start3A_462, %dma_start3A_463] : memref<10112x128xf32, #tpu.memory_space<vmem_shared>> -> memref<10112x128xf32, #tpu.memory_space<vmem_shared>>
      tpu.enqueue_indirect_dma source(%arg8 : memref<80x128xf32, #tpu.memory_space<vmem>>) target(%dma_start3A_464 : memref<10112x128xf32, #tpu.memory_space<vmem_shared>>) offsets(%dma_start3A_461 : memref<80xi32, #tpu.memory_space<vmem>>) semaphore(%arg15 : memref<!tpu.dma_semaphore, #tpu.memory_space<semaphore_mem>>) {add = true}
      %dma_wait3A_465 = arith.constant 14 : i32
      %dma_wait3A_466 = arith.constant 0 : i32
      %dma_wait3A_467 = arith.constant 0 : i32
      %dma_wait3A_468 = tpu.memref_slice %arg6[%dma_wait3A_465, %dma_wait3A_466, %dma_wait3A_467] : memref<16x2x80xi32, #tpu.memory_space<vmem>> -> memref<1x1x80xi32, #tpu.memory_space<vmem>>
      %dma_wait3A_469 = tpu.memref_squeeze %dma_wait3A_468 : memref<1x1x80xi32, #tpu.memory_space<vmem>> -> memref<80xi32, #tpu.memory_space<vmem>>
      %dma_wait3A_470 = arith.constant 0 : i32
      %dma_wait3A_471 = arith.constant 0 : i32
      %dma_wait3A_472 = tpu.memref_slice %arg2[%dma_wait3A_470, %dma_wait3A_471] : memref<10000x128xf32, #tpu.memory_space<hbm>> -> memref<10000x128xf32, #tpu.memory_space<hbm>>
      tpu.wait_indirect_dma semaphore(%arg13 : memref<!tpu.dma_semaphore, #tpu.memory_space<semaphore_mem>>) src(%dma_wait3A_472 : memref<10000x128xf32, #tpu.memory_space<hbm>>) dst(%arg9 : memref<80x128xf32, #tpu.memory_space<vmem>>)
      %dma_start3A_473 = arith.constant 14 : i32
      %dma_start3A_474 = arith.constant 1 : i32
      %dma_start3A_475 = arith.constant 0 : i32
      %dma_start3A_476 = tpu.memref_slice %arg6[%dma_start3A_473, %dma_start3A_474, %dma_start3A_475] : memref<16x2x80xi32, #tpu.memory_space<vmem>> -> memref<1x1x80xi32, #tpu.memory_space<vmem>>
      %dma_start3A_477 = tpu.memref_squeeze %dma_start3A_476 : memref<1x1x80xi32, #tpu.memory_space<vmem>> -> memref<80xi32, #tpu.memory_space<vmem>>
      %dma_start3A_478 = arith.constant 0 : i32
      %dma_start3A_479 = arith.constant 0 : i32
      %dma_start3A_480 = tpu.memref_slice %arg16[%dma_start3A_478, %dma_start3A_479] : memref<10112x128xf32, #tpu.memory_space<vmem_shared>> -> memref<10112x128xf32, #tpu.memory_space<vmem_shared>>
      tpu.enqueue_indirect_dma source(%arg9 : memref<80x128xf32, #tpu.memory_space<vmem>>) target(%dma_start3A_480 : memref<10112x128xf32, #tpu.memory_space<vmem_shared>>) offsets(%dma_start3A_477 : memref<80xi32, #tpu.memory_space<vmem>>) semaphore(%arg15 : memref<!tpu.dma_semaphore, #tpu.memory_space<semaphore_mem>>) {add = true}
      %dma_wait3A_481 = arith.constant 15 : i32
      %dma_wait3A_482 = arith.constant 0 : i32
      %dma_wait3A_483 = arith.constant 0 : i32
      %dma_wait3A_484 = tpu.memref_slice %arg6[%dma_wait3A_481, %dma_wait3A_482, %dma_wait3A_483] : memref<16x2x80xi32, #tpu.memory_space<vmem>> -> memref<1x1x80xi32, #tpu.memory_space<vmem>>
      %dma_wait3A_485 = tpu.memref_squeeze %dma_wait3A_484 : memref<1x1x80xi32, #tpu.memory_space<vmem>> -> memref<80xi32, #tpu.memory_space<vmem>>
      %dma_wait3A_486 = arith.constant 0 : i32
      %dma_wait3A_487 = arith.constant 0 : i32
      %dma_wait3A_488 = tpu.memref_slice %arg2[%dma_wait3A_486, %dma_wait3A_487] : memref<10000x128xf32, #tpu.memory_space<hbm>> -> memref<10000x128xf32, #tpu.memory_space<hbm>>
      tpu.wait_indirect_dma semaphore(%arg14 : memref<!tpu.dma_semaphore, #tpu.memory_space<semaphore_mem>>) src(%dma_wait3A_488 : memref<10000x128xf32, #tpu.memory_space<hbm>>) dst(%arg10 : memref<80x128xf32, #tpu.memory_space<vmem>>)
      %dma_start3A_489 = arith.constant 15 : i32
      %dma_start3A_490 = arith.constant 1 : i32
      %dma_start3A_491 = arith.constant 0 : i32
      %dma_start3A_492 = tpu.memref_slice %arg6[%dma_start3A_489, %dma_start3A_490, %dma_start3A_491] : memref<16x2x80xi32, #tpu.memory_space<vmem>> -> memref<1x1x80xi32, #tpu.memory_space<vmem>>
      %dma_start3A_493 = tpu.memref_squeeze %dma_start3A_492 : memref<1x1x80xi32, #tpu.memory_space<vmem>> -> memref<80xi32, #tpu.memory_space<vmem>>
      %dma_start3A_494 = arith.constant 0 : i32
      %dma_start3A_495 = arith.constant 0 : i32
      %dma_start3A_496 = tpu.memref_slice %arg16[%dma_start3A_494, %dma_start3A_495] : memref<10112x128xf32, #tpu.memory_space<vmem_shared>> -> memref<10112x128xf32, #tpu.memory_space<vmem_shared>>
      tpu.enqueue_indirect_dma source(%arg10 : memref<80x128xf32, #tpu.memory_space<vmem>>) target(%dma_start3A_496 : memref<10112x128xf32, #tpu.memory_space<vmem_shared>>) offsets(%dma_start3A_493 : memref<80xi32, #tpu.memory_space<vmem>>) semaphore(%arg15 : memref<!tpu.dma_semaphore, #tpu.memory_space<semaphore_mem>>) {add = true}
      %dma_wait3A_497 = arith.constant 12 : i32
      %dma_wait3A_498 = arith.constant 1 : i32
      %dma_wait3A_499 = arith.constant 0 : i32
      %dma_wait3A_500 = tpu.memref_slice %arg6[%dma_wait3A_497, %dma_wait3A_498, %dma_wait3A_499] : memref<16x2x80xi32, #tpu.memory_space<vmem>> -> memref<1x1x80xi32, #tpu.memory_space<vmem>>
      %dma_wait3A_501 = tpu.memref_squeeze %dma_wait3A_500 : memref<1x1x80xi32, #tpu.memory_space<vmem>> -> memref<80xi32, #tpu.memory_space<vmem>>
      %dma_wait3A_502 = arith.constant 0 : i32
      %dma_wait3A_503 = arith.constant 0 : i32
      %dma_wait3A_504 = tpu.memref_slice %arg16[%dma_wait3A_502, %dma_wait3A_503] : memref<10112x128xf32, #tpu.memory_space<vmem_shared>> -> memref<10112x128xf32, #tpu.memory_space<vmem_shared>>
      tpu.wait_indirect_dma semaphore(%arg15 : memref<!tpu.dma_semaphore, #tpu.memory_space<semaphore_mem>>) src(%arg7 : memref<80x128xf32, #tpu.memory_space<vmem>>) dst(%dma_wait3A_504 : memref<10112x128xf32, #tpu.memory_space<vmem_shared>>)
      %dma_wait3A_505 = arith.constant 13 : i32
      %dma_wait3A_506 = arith.constant 1 : i32
      %dma_wait3A_507 = arith.constant 0 : i32
      %dma_wait3A_508 = tpu.memref_slice %arg6[%dma_wait3A_505, %dma_wait3A_506, %dma_wait3A_507] : memref<16x2x80xi32, #tpu.memory_space<vmem>> -> memref<1x1x80xi32, #tpu.memory_space<vmem>>
      %dma_wait3A_509 = tpu.memref_squeeze %dma_wait3A_508 : memref<1x1x80xi32, #tpu.memory_space<vmem>> -> memref<80xi32, #tpu.memory_space<vmem>>
      %dma_wait3A_510 = arith.constant 0 : i32
      %dma_wait3A_511 = arith.constant 0 : i32
      %dma_wait3A_512 = tpu.memref_slice %arg16[%dma_wait3A_510, %dma_wait3A_511] : memref<10112x128xf32, #tpu.memory_space<vmem_shared>> -> memref<10112x128xf32, #tpu.memory_space<vmem_shared>>
      tpu.wait_indirect_dma semaphore(%arg15 : memref<!tpu.dma_semaphore, #tpu.memory_space<semaphore_mem>>) src(%arg8 : memref<80x128xf32, #tpu.memory_space<vmem>>) dst(%dma_wait3A_512 : memref<10112x128xf32, #tpu.memory_space<vmem_shared>>)
      %dma_wait3A_513 = arith.constant 14 : i32
      %dma_wait3A_514 = arith.constant 1 : i32
      %dma_wait3A_515 = arith.constant 0 : i32
      %dma_wait3A_516 = tpu.memref_slice %arg6[%dma_wait3A_513, %dma_wait3A_514, %dma_wait3A_515] : memref<16x2x80xi32, #tpu.memory_space<vmem>> -> memref<1x1x80xi32, #tpu.memory_space<vmem>>
      %dma_wait3A_517 = tpu.memref_squeeze %dma_wait3A_516 : memref<1x1x80xi32, #tpu.memory_space<vmem>> -> memref<80xi32, #tpu.memory_space<vmem>>
      %dma_wait3A_518 = arith.constant 0 : i32
      %dma_wait3A_519 = arith.constant 0 : i32
      %dma_wait3A_520 = tpu.memref_slice %arg16[%dma_wait3A_518, %dma_wait3A_519] : memref<10112x128xf32, #tpu.memory_space<vmem_shared>> -> memref<10112x128xf32, #tpu.memory_space<vmem_shared>>
      tpu.wait_indirect_dma semaphore(%arg15 : memref<!tpu.dma_semaphore, #tpu.memory_space<semaphore_mem>>) src(%arg9 : memref<80x128xf32, #tpu.memory_space<vmem>>) dst(%dma_wait3A_520 : memref<10112x128xf32, #tpu.memory_space<vmem_shared>>)
      %dma_wait3A_521 = arith.constant 15 : i32
      %dma_wait3A_522 = arith.constant 1 : i32
      %dma_wait3A_523 = arith.constant 0 : i32
      %dma_wait3A_524 = tpu.memref_slice %arg6[%dma_wait3A_521, %dma_wait3A_522, %dma_wait3A_523] : memref<16x2x80xi32, #tpu.memory_space<vmem>> -> memref<1x1x80xi32, #tpu.memory_space<vmem>>
      %dma_wait3A_525 = tpu.memref_squeeze %dma_wait3A_524 : memref<1x1x80xi32, #tpu.memory_space<vmem>> -> memref<80xi32, #tpu.memory_space<vmem>>
      %dma_wait3A_526 = arith.constant 0 : i32
      %dma_wait3A_527 = arith.constant 0 : i32
      %dma_wait3A_528 = tpu.memref_slice %arg16[%dma_wait3A_526, %dma_wait3A_527] : memref<10112x128xf32, #tpu.memory_space<vmem_shared>> -> memref<10112x128xf32, #tpu.memory_space<vmem_shared>>
      tpu.wait_indirect_dma semaphore(%arg15 : memref<!tpu.dma_semaphore, #tpu.memory_space<semaphore_mem>>) src(%arg10 : memref<80x128xf32, #tpu.memory_space<vmem>>) dst(%dma_wait3A_528 : memref<10112x128xf32, #tpu.memory_space<vmem_shared>>)
    }
    %scan3A_8 = arith.constant 8 : i32
    %barrier3A_9 = arith.constant 0 : index
    tpu.barrier barrier_id(%barrier3A_9)
    %mul3A_10 = arith.constant 632 : i32
    %mul3A_11 = arith.muli %arg1, %mul3A_10 : i32
    %mul3A_12 = arith.constant 632 : i32
    %mul3A_13 = arith.muli %arg1, %mul3A_12 : i32
    "tpu.region"() ({
      %run_scoped3A = tpu.sem_alloc : memref<!tpu.dma_semaphore, #tpu.memory_space<semaphore_mem>>
      %dma_start3A = arith.constant 0 : i32
      %dma_start3A_14 = arith.constant 0 : i32
      %dma_start3A_15 = tpu.memref_slice %arg5[%arg0, %dma_start3A, %dma_start3A_14] : memref<2x10112x128xf32, #tpu.memory_space<hbm>> -> memref<1x10112x128xf32, #tpu.memory_space<hbm>>
      %dma_start3A_16 = tpu.memref_squeeze %dma_start3A_15 : memref<1x10112x128xf32, #tpu.memory_space<hbm>> -> memref<10112x128xf32, #tpu.memory_space<hbm>>
      %dma_start3A_17 = arith.constant 0 : i32
      %dma_start3A_18 = tpu.memref_slice %dma_start3A_16[%mul3A_13, %dma_start3A_17] : memref<10112x128xf32, #tpu.memory_space<hbm>> -> memref<632x128xf32, #tpu.memory_space<hbm>>
      %dma_start3A_19 = arith.constant 0 : i32
      %dma_start3A_20 = tpu.memref_slice %arg16[%mul3A_11, %dma_start3A_19] : memref<10112x128xf32, #tpu.memory_space<vmem_shared>> -> memref<632x128xf32, #tpu.memory_space<vmem_shared>>
      tpu.enqueue_dma source(%dma_start3A_20 : memref<632x128xf32, #tpu.memory_space<vmem_shared>>) target(%dma_start3A_18 : memref<632x128xf32, #tpu.memory_space<hbm>>) target_semaphore(%run_scoped3A : memref<!tpu.dma_semaphore, #tpu.memory_space<semaphore_mem>>)
      %dma_wait3A = arith.constant 0 : i32
      %dma_wait3A_21 = arith.constant 0 : i32
      %dma_wait3A_22 = tpu.memref_slice %arg5[%arg0, %dma_wait3A, %dma_wait3A_21] : memref<2x10112x128xf32, #tpu.memory_space<hbm>> -> memref<1x10112x128xf32, #tpu.memory_space<hbm>>
      %dma_wait3A_23 = tpu.memref_squeeze %dma_wait3A_22 : memref<1x10112x128xf32, #tpu.memory_space<hbm>> -> memref<10112x128xf32, #tpu.memory_space<hbm>>
      %dma_wait3A_24 = arith.constant 0 : i32
      %dma_wait3A_25 = tpu.memref_slice %dma_wait3A_23[%mul3A_13, %dma_wait3A_24] : memref<10112x128xf32, #tpu.memory_space<hbm>> -> memref<632x128xf32, #tpu.memory_space<hbm>>
      %dma_wait3A_26 = arith.constant 0 : i32
      %dma_wait3A_27 = tpu.memref_slice %arg16[%mul3A_11, %dma_wait3A_26] : memref<10112x128xf32, #tpu.memory_space<vmem_shared>> -> memref<632x128xf32, #tpu.memory_space<vmem_shared>>
      tpu.wait_dma2 semaphore(%run_scoped3A : memref<!tpu.dma_semaphore, #tpu.memory_space<semaphore_mem>>) src(%dma_wait3A_27 : memref<632x128xf32, #tpu.memory_space<vmem_shared>>) dst(%dma_wait3A_25 : memref<632x128xf32, #tpu.memory_space<hbm>>)
      tpu.yield
    }) : () -> ()
    return
  }
}

module attributes {stable_mosaic.version = 14 : i64} {
  func.func @_dinv_body(%arg0: memref<32x10000xf32, #tpu.memory_space<vmem>>, %arg1: memref<10000x1xf32, #tpu.memory_space<vmem>>) attributes {dimension_semantics = [], scalar_prefetch = 0 : i64, scratch_operands = 0 : i64, tpu.core_type = #tpu.core_type<tc>} {
    %get3A = arith.constant 0 : index
    %get3A_0 = arith.constant 0 : index
    %get3A_1 = vector.load %arg0[%get3A, %get3A_0] : memref<32x10000xf32, #tpu.memory_space<vmem>>, vector<32x10000xf32>
    %broadcast_in_dim3A = arith.constant 1.000000e+00 : f32
    %broadcast_in_dim3A_2 = vector.broadcast %broadcast_in_dim3A : f32 to vector<32x1xf32>
    %dot_general3A = arith.constant dense<0.000000e+00> : vector<10000x1xf32>
    %dot_general3A_3 = tpu.matmul %get3A_1, %broadcast_in_dim3A_2, %dot_general3A {dimension_numbers = #tpu.dot_dimension_numbers<[0], [0], [1], [1], [0, 1, 1, 1], [], []>, precision = #tpu.contract_precision<fp32>, transpose_lhs_hint = false} : vector<32x10000xf32>, vector<32x1xf32>, vector<10000x1xf32> -> vector<10000x1xf32>
    %add3A = arith.constant 1.000000e+00 : f32
    %add3A_4 = vector.broadcast %add3A : f32 to vector<10000x1xf32>
    %add3A_5 = arith.addf %add3A_4, %dot_general3A_3 : vector<10000x1xf32>
    %rsqrt3A = math.rsqrt %add3A_5 : vector<10000x1xf32>
    %swap3A = arith.constant 0 : index
    %swap3A_6 = arith.constant 0 : index
    %swap3A_7 = vector.load %arg1[%swap3A, %swap3A_6] : memref<10000x1xf32, #tpu.memory_space<vmem>>, vector<10000x1xf32>
    tpu.vector_store %arg1[%swap3A, %swap3A_6], %rsqrt3A {strides = array<i32>} : memref<10000x1xf32, #tpu.memory_space<vmem>>, vector<10000x1xf32>,
    return
  }
}

module attributes {stable_mosaic.version = 14 : i64} {
  func.func @_prep0_body(%arg0: i32, %arg1: memref<1000x128xf32, #tpu.memory_space<vmem>>, %arg2: memref<128x128xf32, #tpu.memory_space<vmem>>, %arg3: memref<1000x1xf32, #tpu.memory_space<vmem>>, %arg4: memref<1000x128xf32, #tpu.memory_space<vmem>>) attributes {dimension_semantics = [#tpu.dimension_semantics<arbitrary>], iteration_bounds = array<i64: 10>, scalar_prefetch = 0 : i64, scratch_operands = 0 : i64, tpu.core_type = #tpu.core_type<tc>, window_params = [{transform_indices = @transform_0, window_bounds = array<i64: 1000, 128>}, {pipeline_mode = #tpu.pipeline_mode<synchronous>, transform_indices = @transform_1, window_bounds = array<i64: 128, 128>}, {transform_indices = @transform_2, window_bounds = array<i64: 1000, 1>}, {transform_indices = @transform_3, window_bounds = array<i64: 1000, 128>}]} {
    %get3A = arith.constant 0 : index
    %get3A_0 = arith.constant 0 : index
    %get3A_1 = vector.load %arg1[%get3A, %get3A_0] : memref<1000x128xf32, #tpu.memory_space<vmem>>, vector<1000x128xf32>
    %get3A_2 = arith.constant 0 : index
    %get3A_3 = arith.constant 0 : index
    %get3A_4 = vector.load %arg2[%get3A_2, %get3A_3] : memref<128x128xf32, #tpu.memory_space<vmem>>, vector<128x128xf32>
    %convert_element_type3A = arith.truncf %get3A_1 : vector<1000x128xf32> to vector<1000x128xbf16>
    %convert_element_type3A_5 = arith.truncf %get3A_4 : vector<128x128xf32> to vector<128x128xbf16>
    %dot_general3A = arith.constant dense<0.000000e+00> : vector<1000x128xf32>
    %dot_general3A_6 = tpu.matmul %convert_element_type3A, %convert_element_type3A_5, %dot_general3A {dimension_numbers = #tpu.dot_dimension_numbers<[1], [0], [0], [1], [0, 0, 1, 1], [], []>, transpose_lhs_hint = false} : vector<1000x128xbf16>, vector<128x128xbf16>, vector<1000x128xf32> -> vector<1000x128xf32>
    %get3A_7 = arith.constant 0 : index
    %get3A_8 = arith.constant 0 : index
    %get3A_9 = vector.load %arg3[%get3A_7, %get3A_8] : memref<1000x1xf32, #tpu.memory_space<vmem>>, vector<1000x1xf32>
    %mul3A = vector.broadcast %get3A_9 : vector<1000x1xf32> to vector<1000x128xf32>
    %mul3A_10 = arith.mulf %dot_general3A_6, %mul3A : vector<1000x128xf32>
    %swap3A = arith.constant 0 : index
    %swap3A_11 = arith.constant 0 : index
    %swap3A_12 = vector.load %arg4[%swap3A, %swap3A_11] : memref<1000x128xf32, #tpu.memory_space<vmem>>, vector<1000x128xf32>
    tpu.vector_store %arg4[%swap3A, %swap3A_11], %mul3A_10 {strides = array<i32>} : memref<1000x128xf32, #tpu.memory_space<vmem>>, vector<1000x128xf32>,
    return
  }
  func.func @transform_0(%arg0: i32) -> (i32, i32) {
    %c0_i32 = arith.constant 0 : i32
    %c0_i32_0 = arith.constant 0 : i32
    return %arg0, %c0_i32 : i32, i32
  }
  func.func @transform_1(%arg0: i32) -> (i32, i32) {
    %c0_i32 = arith.constant 0 : i32
    %c0_i32_0 = arith.constant 0 : i32
    %c0_i32_1 = arith.constant 0 : i32
    return %c0_i32, %c0_i32_0 : i32, i32
  }
  func.func @transform_2(%arg0: i32) -> (i32, i32) {
    %c0_i32 = arith.constant 0 : i32
    %c0_i32_0 = arith.constant 0 : i32
    return %arg0, %c0_i32 : i32, i32
  }
  func.func @transform_3(%arg0: i32) -> (i32, i32) {
    %c0_i32 = arith.constant 0 : i32
    %c0_i32_0 = arith.constant 0 : i32
    return %arg0, %c0_i32 : i32, i32
  }
}

module attributes {stable_mosaic.version = 14 : i64} {
  func.func @_layer_body(%arg0: i32, %arg1: memref<2x1000x128xf32, #tpu.memory_space<vmem>>, %arg2: memref<1000x128xf32, #tpu.memory_space<vmem>>, %arg3: memref<1000x1xf32, #tpu.memory_space<vmem>>, %arg4: memref<1x128xf32, #tpu.memory_space<vmem>>, %arg5: memref<128x128xf32, #tpu.memory_space<vmem>>, %arg6: memref<1000x128xf32, #tpu.memory_space<vmem>>) attributes {dimension_semantics = [#tpu.dimension_semantics<arbitrary>], iteration_bounds = array<i64: 10>, scalar_prefetch = 0 : i64, scratch_operands = 0 : i64, tpu.core_type = #tpu.core_type<tc>, window_params = [{transform_indices = @transform_0, window_bounds = array<i64: 2, 1000, 128>}, {transform_indices = @transform_1, window_bounds = array<i64: 1000, 128>}, {transform_indices = @transform_2, window_bounds = array<i64: 1000, 1>}, {pipeline_mode = #tpu.pipeline_mode<synchronous>, transform_indices = @transform_3, window_bounds = array<i64: 1, 128>}, {pipeline_mode = #tpu.pipeline_mode<synchronous>, transform_indices = @transform_4, window_bounds = array<i64: 128, 128>}, {transform_indices = @transform_5, window_bounds = array<i64: 1000, 128>}]} {
    %get3A = arith.constant 0 : index
    %get3A_0 = arith.constant 0 : index
    %get3A_1 = vector.load %arg3[%get3A, %get3A_0] : memref<1000x1xf32, #tpu.memory_space<vmem>>, vector<1000x1xf32>
    %get3A_2 = arith.constant 0 : index
    %get3A_3 = arith.constant 0 : index
    %get3A_4 = arith.constant 0 : index
    %get3A_5 = vector.load %arg1[%get3A_2, %get3A_3, %get3A_4] : memref<2x1000x128xf32, #tpu.memory_space<vmem>>, vector<1x1000x128xf32>
    %get3A_6 = vector.shape_cast %get3A_5 : vector<1x1000x128xf32> to vector<1000x128xf32>
    %get3A_7 = arith.constant 1 : index
    %get3A_8 = arith.constant 0 : index
    %get3A_9 = arith.constant 0 : index
    %get3A_10 = vector.load %arg1[%get3A_7, %get3A_8, %get3A_9] : memref<2x1000x128xf32, #tpu.memory_space<vmem>>, vector<1x1000x128xf32>
    %get3A_11 = vector.shape_cast %get3A_10 : vector<1x1000x128xf32> to vector<1000x128xf32>
    %add3A = arith.addf %get3A_6, %get3A_11 : vector<1000x128xf32>
    %get3A_12 = arith.constant 0 : index
    %get3A_13 = arith.constant 0 : index
    %get3A_14 = vector.load %arg2[%get3A_12, %get3A_13] : memref<1000x128xf32, #tpu.memory_space<vmem>>, vector<1000x128xf32>
    %add3A_15 = arith.addf %add3A, %get3A_14 : vector<1000x128xf32>
    %mul3A = vector.broadcast %get3A_1 : vector<1000x1xf32> to vector<1000x128xf32>
    %mul3A_16 = arith.mulf %mul3A, %add3A_15 : vector<1000x128xf32>
    %get3A_17 = arith.constant 0 : index
    %get3A_18 = arith.constant 0 : index
    %get3A_19 = vector.load %arg4[%get3A_17, %get3A_18] : memref<1x128xf32, #tpu.memory_space<vmem>>, vector<1x128xf32>
    %add3A_20 = vector.broadcast %get3A_19 : vector<1x128xf32> to vector<1000x128xf32>
    %add3A_21 = arith.addf %mul3A_16, %add3A_20 : vector<1000x128xf32>
    %max3A = arith.constant 0.000000e+00 : f32
    %max3A_22 = vector.broadcast %max3A : f32 to vector<1000x128xf32>
    %max3A_23 = arith.maximumf %add3A_21, %max3A_22 : vector<1000x128xf32>
    %get3A_24 = arith.constant 0 : index
    %get3A_25 = arith.constant 0 : index
    %get3A_26 = vector.load %arg5[%get3A_24, %get3A_25] : memref<128x128xf32, #tpu.memory_space<vmem>>, vector<128x128xf32>
    %convert_element_type3A = arith.truncf %max3A_23 : vector<1000x128xf32> to vector<1000x128xbf16>
    %convert_element_type3A_27 = arith.truncf %get3A_26 : vector<128x128xf32> to vector<128x128xbf16>
    %dot_general3A = arith.constant dense<0.000000e+00> : vector<1000x128xf32>
    %dot_general3A_28 = tpu.matmul %convert_element_type3A, %convert_element_type3A_27, %dot_general3A {dimension_numbers = #tpu.dot_dimension_numbers<[1], [0], [0], [1], [0, 0, 1, 1], [], []>, transpose_lhs_hint = false} : vector<1000x128xbf16>, vector<128x128xbf16>, vector<1000x128xf32> -> vector<1000x128xf32>
    %mul3A_29 = vector.broadcast %get3A_1 : vector<1000x1xf32> to vector<1000x128xf32>
    %mul3A_30 = arith.mulf %dot_general3A_28, %mul3A_29 : vector<1000x128xf32>
    %swap3A = arith.constant 0 : index
    %swap3A_31 = arith.constant 0 : index
    %swap3A_32 = vector.load %arg6[%swap3A, %swap3A_31] : memref<1000x128xf32, #tpu.memory_space<vmem>>, vector<1000x128xf32>
    tpu.vector_store %arg6[%swap3A, %swap3A_31], %mul3A_30 {strides = array<i32>} : memref<1000x128xf32, #tpu.memory_space<vmem>>, vector<1000x128xf32>,
    return
  }
  func.func @transform_0(%arg0: i32) -> (i32, i32, i32) {
    %c0_i32 = arith.constant 0 : i32
    %c0_i32_0 = arith.constant 0 : i32
    %c0_i32_1 = arith.constant 0 : i32
    return %c0_i32, %arg0, %c0_i32_0 : i32, i32, i32
  }
  func.func @transform_1(%arg0: i32) -> (i32, i32) {
    %c0_i32 = arith.constant 0 : i32
    %c0_i32_0 = arith.constant 0 : i32
    return %arg0, %c0_i32 : i32, i32
  }
  func.func @transform_2(%arg0: i32) -> (i32, i32) {
    %c0_i32 = arith.constant 0 : i32
    %c0_i32_0 = arith.constant 0 : i32
    return %arg0, %c0_i32 : i32, i32
  }
  func.func @transform_3(%arg0: i32) -> (i32, i32) {
    %c0_i32 = arith.constant 0 : i32
    %c0_i32_0 = arith.constant 0 : i32
    %c0_i32_1 = arith.constant 0 : i32
    return %c0_i32, %c0_i32_0 : i32, i32
  }
  func.func @transform_4(%arg0: i32) -> (i32, i32) {
    %c0_i32 = arith.constant 0 : i32
    %c0_i32_0 = arith.constant 0 : i32
    %c0_i32_1 = arith.constant 0 : i32
    return %c0_i32, %c0_i32_0 : i32, i32
  }
  func.func @transform_5(%arg0: i32) -> (i32, i32) {
    %c0_i32 = arith.constant 0 : i32
    %c0_i32_0 = arith.constant 0 : i32
    return %arg0, %c0_i32 : i32, i32
  }
}

module attributes {stable_mosaic.version = 14 : i64} {
  func.func @_final_body(%arg0: i32, %arg1: memref<2x1000x128xf32, #tpu.memory_space<vmem>>, %arg2: memref<1000x128xf32, #tpu.memory_space<vmem>>, %arg3: memref<1000x1xf32, #tpu.memory_space<vmem>>, %arg4: memref<1x128xf32, #tpu.memory_space<vmem>>, %arg5: memref<1x1x1000xi32, #tpu.memory_space<vmem>>, %arg6: memref<128x128xf32, #tpu.memory_space<vmem>>, %arg7: memref<1x128xf32, #tpu.memory_space<vmem>>, %arg8: memref<128x1xf32, #tpu.memory_space<vmem>>, %arg9: memref<1x1xf32, #tpu.memory_space<vmem>>, %arg10: memref<64x1xf32, #tpu.memory_space<vmem>>, %arg11: memref<64x128xf32, #tpu.memory_space<vmem>>, %arg12: memref<64x1xf32, #tpu.memory_space<vmem>>) attributes {dimension_semantics = [#tpu.dimension_semantics<arbitrary>], iteration_bounds = array<i64: 10>, scalar_prefetch = 0 : i64, scratch_operands = 2 : i64, tpu.core_type = #tpu.core_type<tc>, window_params = [{transform_indices = @transform_0, window_bounds = array<i64: 2, 1000, 128>}, {transform_indices = @transform_1, window_bounds = array<i64: 1000, 128>}, {transform_indices = @transform_2, window_bounds = array<i64: 1000, 1>}, {pipeline_mode = #tpu.pipeline_mode<synchronous>, transform_indices = @transform_3, window_bounds = array<i64: 1, 128>}, {transform_indices = @transform_4, window_bounds = array<i64: 1, 1, 1000>}, {pipeline_mode = #tpu.pipeline_mode<synchronous>, transform_indices = @transform_5, window_bounds = array<i64: 128, 128>}, {pipeline_mode = #tpu.pipeline_mode<synchronous>, transform_indices = @transform_6, window_bounds = array<i64: 1, 128>}, {pipeline_mode = #tpu.pipeline_mode<synchronous>, transform_indices = @transform_7, window_bounds = array<i64: 128, 1>}, {pipeline_mode = #tpu.pipeline_mode<synchronous>, transform_indices = @transform_8, window_bounds = array<i64: 1, 1>}, {pipeline_mode = #tpu.pipeline_mode<synchronous>, transform_indices = @transform_9, window_bounds = array<i64: 64, 1>}]} {
    %eq3A = arith.constant 0 : i32
    %eq3A_0 = arith.cmpi eq, %arg0, %eq3A : i32
    %convert_element_type3A = arith.extui %eq3A_0 : i1 to i32
    %cond3A = arith.constant 0 : i32
    %cond3A_1 = arith.cmpi ne, %convert_element_type3A, %cond3A : i32
    scf.if %cond3A_1 {
      %broadcast_in_dim3A_55 = arith.constant 0.000000e+00 : f32
      %broadcast_in_dim3A_56 = vector.broadcast %broadcast_in_dim3A_55 : f32 to vector<64x128xf32>
      %swap3A_57 = arith.constant 0 : index
      %swap3A_58 = arith.constant 0 : index
      %swap3A_59 = vector.load %arg11[%swap3A_57, %swap3A_58] : memref<64x128xf32, #tpu.memory_space<vmem>>, vector<64x128xf32>
      tpu.vector_store %arg11[%swap3A_57, %swap3A_58], %broadcast_in_dim3A_56 {strides = array<i32>} : memref<64x128xf32, #tpu.memory_space<vmem>>, vector<64x128xf32>,
      %broadcast_in_dim3A_60 = arith.constant 0.000000e+00 : f32
      %broadcast_in_dim3A_61 = vector.broadcast %broadcast_in_dim3A_60 : f32 to vector<64x1xf32>
      %swap3A_62 = arith.constant 0 : index
      %swap3A_63 = arith.constant 0 : index
      %swap3A_64 = vector.load %arg12[%swap3A_62, %swap3A_63] : memref<64x1xf32, #tpu.memory_space<vmem>>, vector<64x1xf32>
      tpu.vector_store %arg12[%swap3A_62, %swap3A_63], %broadcast_in_dim3A_61 {strides = array<i32>} : memref<64x1xf32, #tpu.memory_space<vmem>>, vector<64x1xf32>,
    } else {
    }
    %get3A = arith.constant 0 : index
    %get3A_2 = arith.constant 0 : index
    %get3A_3 = vector.load %arg3[%get3A, %get3A_2] : memref<1000x1xf32, #tpu.memory_space<vmem>>, vector<1000x1xf32>
    %get3A_4 = arith.constant 0 : index
    %get3A_5 = arith.constant 0 : index
    %get3A_6 = arith.constant 0 : index
    %get3A_7 = vector.load %arg1[%get3A_4, %get3A_5, %get3A_6] : memref<2x1000x128xf32, #tpu.memory_space<vmem>>, vector<1x1000x128xf32>
    %get3A_8 = vector.shape_cast %get3A_7 : vector<1x1000x128xf32> to vector<1000x128xf32>
    %get3A_9 = arith.constant 1 : index
    %get3A_10 = arith.constant 0 : index
    %get3A_11 = arith.constant 0 : index
    %get3A_12 = vector.load %arg1[%get3A_9, %get3A_10, %get3A_11] : memref<2x1000x128xf32, #tpu.memory_space<vmem>>, vector<1x1000x128xf32>
    %get3A_13 = vector.shape_cast %get3A_12 : vector<1x1000x128xf32> to vector<1000x128xf32>
    %add3A = arith.addf %get3A_8, %get3A_13 : vector<1000x128xf32>
    %get3A_14 = arith.constant 0 : index
    %get3A_15 = arith.constant 0 : index
    %get3A_16 = vector.load %arg2[%get3A_14, %get3A_15] : memref<1000x128xf32, #tpu.memory_space<vmem>>, vector<1000x128xf32>
    %add3A_17 = arith.addf %add3A, %get3A_16 : vector<1000x128xf32>
    %mul3A = vector.broadcast %get3A_3 : vector<1000x1xf32> to vector<1000x128xf32>
    %mul3A_18 = arith.mulf %mul3A, %add3A_17 : vector<1000x128xf32>
    %get3A_19 = arith.constant 0 : index
    %get3A_20 = arith.constant 0 : index
    %get3A_21 = vector.load %arg4[%get3A_19, %get3A_20] : memref<1x128xf32, #tpu.memory_space<vmem>>, vector<1x128xf32>
    %add3A_22 = vector.broadcast %get3A_21 : vector<1x128xf32> to vector<1000x128xf32>
    %add3A_23 = arith.addf %mul3A_18, %add3A_22 : vector<1000x128xf32>
    %max3A = arith.constant 0.000000e+00 : f32
    %max3A_24 = vector.broadcast %max3A : f32 to vector<1000x128xf32>
    %max3A_25 = arith.maximumf %add3A_23, %max3A_24 : vector<1000x128xf32>
    %get3A_26 = arith.constant 0 : index
    %get3A_27 = arith.constant 0 : index
    %get3A_28 = arith.constant 0 : index
    %get3A_29 = vector.load %arg5[%get3A_26, %get3A_27, %get3A_28] : memref<1x1x1000xi32, #tpu.memory_space<vmem>>, vector<1x1x1000xi32>
    %get3A_30 = vector.shape_cast %get3A_29 : vector<1x1x1000xi32> to vector<1x1000xi32>
    %iota3A = tpu.iota {dimensions = array<i32: 0>} : vector<64x1000xi32>
    %eq3A_31 = vector.broadcast %get3A_30 : vector<1x1000xi32> to vector<64x1000xi32>
    %eq3A_32 = arith.cmpi eq, %iota3A, %eq3A_31 : vector<64x1000xi32>
    %convert_element_type3A_33 = arith.extui %eq3A_32 : vector<64x1000xi1> to vector<64x1000xi32>
    %convert_element_type3A_34 = arith.sitofp %convert_element_type3A_33 : vector<64x1000xi32> to vector<64x1000xf32>
    %get3A_35 = arith.constant 0 : index
    %get3A_36 = arith.constant 0 : index
    %get3A_37 = vector.load %arg11[%get3A_35, %get3A_36] : memref<64x128xf32, #tpu.memory_space<vmem>>, vector<64x128xf32>
    %dot_general3A = arith.constant dense<0.000000e+00> : vector<64x128xf32>
    %dot_general3A_38 = tpu.matmul %convert_element_type3A_34, %max3A_25, %dot_general3A {dimension_numbers = #tpu.dot_dimension_numbers<[1], [0], [0], [1], [0, 0, 1, 1], [], []>, precision = #tpu.contract_precision<fp32>, transpose_lhs_hint = false} : vector<64x1000xf32>, vector<1000x128xf32>, vector<64x128xf32> -> vector<64x128xf32>
    %add3A_39 = arith.addf %get3A_37, %dot_general3A_38 : vector<64x128xf32>
    %swap3A = arith.constant 0 : index
    %swap3A_40 = arith.constant 0 : index
    %swap3A_41 = vector.load %arg11[%swap3A, %swap3A_40] : memref<64x128xf32, #tpu.memory_space<vmem>>, vector<64x128xf32>
    tpu.vector_store %arg11[%swap3A, %swap3A_40], %add3A_39 {strides = array<i32>} : memref<64x128xf32, #tpu.memory_space<vmem>>, vector<64x128xf32>,
    %get3A_42 = arith.constant 0 : index
    %get3A_43 = arith.constant 0 : index
    %get3A_44 = vector.load %arg12[%get3A_42, %get3A_43] : memref<64x1xf32, #tpu.memory_space<vmem>>, vector<64x1xf32>
    %reduce_sum3A = arith.constant dense<0.000000e+00> : vector<64xf32>
    %reduce_sum3A_45 = vector.multi_reduction <add>, %convert_element_type3A_34, %reduce_sum3A [1] : vector<64x1000xf32> to vector<64xf32>
    %broadcast_in_dim3A = vector.shape_cast %reduce_sum3A_45 : vector<64xf32> to vector<64x1xf32>
    %add3A_46 = arith.addf %get3A_44, %broadcast_in_dim3A : vector<64x1xf32>
    %swap3A_47 = arith.constant 0 : index
    %swap3A_48 = arith.constant 0 : index
    %swap3A_49 = vector.load %arg12[%swap3A_47, %swap3A_48] : memref<64x1xf32, #tpu.memory_space<vmem>>, vector<64x1xf32>
    tpu.vector_store %arg12[%swap3A_47, %swap3A_48], %add3A_46 {strides = array<i32>} : memref<64x1xf32, #tpu.memory_space<vmem>>, vector<64x1xf32>,
    %eq3A_50 = arith.constant 9 : i32
    %eq3A_51 = arith.cmpi eq, %arg0, %eq3A_50 : i32
    %convert_element_type3A_52 = arith.extui %eq3A_51 : i1 to i32
    %cond3A_53 = arith.constant 0 : i32
    %cond3A_54 = arith.cmpi ne, %convert_element_type3A_52, %cond3A_53 : i32
    scf.if %cond3A_54 {
      %get3A_55 = arith.constant 0 : index
      %get3A_56 = arith.constant 0 : index
      %get3A_57 = vector.load %arg11[%get3A_55, %get3A_56] : memref<64x128xf32, #tpu.memory_space<vmem>>, vector<64x128xf32>
      %get3A_58 = arith.constant 0 : index
      %get3A_59 = arith.constant 0 : index
      %get3A_60 = vector.load %arg12[%get3A_58, %get3A_59] : memref<64x1xf32, #tpu.memory_space<vmem>>, vector<64x1xf32>
      %max3A_61 = arith.constant 1.000000e+00 : f32
      %max3A_62 = vector.broadcast %max3A_61 : f32 to vector<64x1xf32>
      %max3A_63 = arith.maximumf %get3A_60, %max3A_62 : vector<64x1xf32>
      %div3A = vector.broadcast %max3A_63 : vector<64x1xf32> to vector<64x128xf32>
      %div3A_64 = arith.divf %get3A_57, %div3A : vector<64x128xf32>
      %get3A_65 = arith.constant 0 : index
      %get3A_66 = arith.constant 0 : index
      %get3A_67 = vector.load %arg6[%get3A_65, %get3A_66] : memref<128x128xf32, #tpu.memory_space<vmem>>, vector<128x128xf32>
      %convert_element_type3A_68 = arith.truncf %div3A_64 : vector<64x128xf32> to vector<64x128xbf16>
      %convert_element_type3A_69 = arith.truncf %get3A_67 : vector<128x128xf32> to vector<128x128xbf16>
      %dot_general3A_70 = arith.constant dense<0.000000e+00> : vector<64x128xf32>
      %dot_general3A_71 = tpu.matmul %convert_element_type3A_68, %convert_element_type3A_69, %dot_general3A_70 {dimension_numbers = #tpu.dot_dimension_numbers<[1], [0], [0], [1], [0, 0, 1, 1], [], []>, transpose_lhs_hint = false} : vector<64x128xbf16>, vector<128x128xbf16>, vector<64x128xf32> -> vector<64x128xf32>
      %get3A_72 = arith.constant 0 : index
      %get3A_73 = arith.constant 0 : index
      %get3A_74 = vector.load %arg7[%get3A_72, %get3A_73] : memref<1x128xf32, #tpu.memory_space<vmem>>, vector<1x128xf32>
      %add3A_75 = vector.broadcast %get3A_74 : vector<1x128xf32> to vector<64x128xf32>
      %add3A_76 = arith.addf %dot_general3A_71, %add3A_75 : vector<64x128xf32>
      %max3A_77 = arith.constant 0.000000e+00 : f32
      %max3A_78 = vector.broadcast %max3A_77 : f32 to vector<64x128xf32>
      %max3A_79 = arith.maximumf %add3A_76, %max3A_78 : vector<64x128xf32>
      %get3A_80 = arith.constant 0 : index
      %get3A_81 = arith.constant 0 : index
      %get3A_82 = vector.load %arg8[%get3A_80, %get3A_81] : memref<128x1xf32, #tpu.memory_space<vmem>>, vector<128x1xf32>
      %convert_element_type3A_83 = arith.truncf %max3A_79 : vector<64x128xf32> to vector<64x128xbf16>
      %convert_element_type3A_84 = arith.truncf %get3A_82 : vector<128x1xf32> to vector<128x1xbf16>
      %dot_general3A_85 = arith.constant dense<0.000000e+00> : vector<64x1xf32>
      %dot_general3A_86 = tpu.matmul %convert_element_type3A_83, %convert_element_type3A_84, %dot_general3A_85 {dimension_numbers = #tpu.dot_dimension_numbers<[1], [0], [0], [1], [0, 0, 1, 1], [], []>, transpose_lhs_hint = false} : vector<64x128xbf16>, vector<128x1xbf16>, vector<64x1xf32> -> vector<64x1xf32>
      %get3A_87 = arith.constant 0 : index
      %get3A_88 = arith.constant 0 : index
      %get3A_89 = vector.load %arg9[%get3A_87, %get3A_88] : memref<1x1xf32, #tpu.memory_space<vmem>>, vector<1x1xf32>
      %add3A_90 = vector.broadcast %get3A_89 : vector<1x1xf32> to vector<64x1xf32>
      %add3A_91 = arith.addf %dot_general3A_86, %add3A_90 : vector<64x1xf32>
      %swap3A_92 = arith.constant 0 : index
      %swap3A_93 = arith.constant 0 : index
      %swap3A_94 = vector.load %arg10[%swap3A_92, %swap3A_93] : memref<64x1xf32, #tpu.memory_space<vmem>>, vector<64x1xf32>
      tpu.vector_store %arg10[%swap3A_92, %swap3A_93], %add3A_91 {strides = array<i32>} : memref<64x1xf32, #tpu.memory_space<vmem>>, vector<64x1xf32>,
    } else {
    }
    return
  }
  func.func @transform_0(%arg0: i32) -> (i32, i32, i32) {
    %c0_i32 = arith.constant 0 : i32
    %c0_i32_0 = arith.constant 0 : i32
    %c0_i32_1 = arith.constant 0 : i32
    return %c0_i32, %arg0, %c0_i32_0 : i32, i32, i32
  }
  func.func @transform_1(%arg0: i32) -> (i32, i32) {
    %c0_i32 = arith.constant 0 : i32
    %c0_i32_0 = arith.constant 0 : i32
    return %arg0, %c0_i32 : i32, i32
  }
  func.func @transform_2(%arg0: i32) -> (i32, i32) {
    %c0_i32 = arith.constant 0 : i32
    %c0_i32_0 = arith.constant 0 : i32
    return %arg0, %c0_i32 : i32, i32
  }
  func.func @transform_3(%arg0: i32) -> (i32, i32) {
    %c0_i32 = arith.constant 0 : i32
    %c0_i32_0 = arith.constant 0 : i32
    %c0_i32_1 = arith.constant 0 : i32
    return %c0_i32, %c0_i32_0 : i32, i32
  }
  func.func @transform_4(%arg0: i32) -> (i32, i32, i32) {
    %c0_i32 = arith.constant 0 : i32
    %c0_i32_0 = arith.constant 0 : i32
    %c0_i32_1 = arith.constant 0 : i32
    return %arg0, %c0_i32, %c0_i32_0 : i32, i32, i32
  }
  func.func @transform_5(%arg0: i32) -> (i32, i32) {
    %c0_i32 = arith.constant 0 : i32
    %c0_i32_0 = arith.constant 0 : i32
    %c0_i32_1 = arith.constant 0 : i32
    return %c0_i32, %c0_i32_0 : i32, i32
  }
  func.func @transform_6(%arg0: i32) -> (i32, i32) {
    %c0_i32 = arith.constant 0 : i32
    %c0_i32_0 = arith.constant 0 : i32
    %c0_i32_1 = arith.constant 0 : i32
    return %c0_i32, %c0_i32_0 : i32, i32
  }
  func.func @transform_7(%arg0: i32) -> (i32, i32) {
    %c0_i32 = arith.constant 0 : i32
    %c0_i32_0 = arith.constant 0 : i32
    %c0_i32_1 = arith.constant 0 : i32
    return %c0_i32, %c0_i32_0 : i32, i32
  }
  func.func @transform_8(%arg0: i32) -> (i32, i32) {
    %c0_i32 = arith.constant 0 : i32
    %c0_i32_0 = arith.constant 0 : i32
    %c0_i32_1 = arith.constant 0 : i32
    return %c0_i32, %c0_i32_0 : i32, i32
  }
  func.func @transform_9(%arg0: i32) -> (i32, i32) {
    %c0_i32 = arith.constant 0 : i32
    %c0_i32_0 = arith.constant 0 : i32
    %c0_i32_1 = arith.constant 0 : i32
    return %c0_i32, %c0_i32_0 : i32, i32
  }
}

</mosaic_0001>

<sc_bundles>
// kernel: kernel.11.cloned.1.call-start
scs
__scs_entry_jumppad:
0x0: {  	(pc) =	sbr.rel $0x88, $3  }
0x1: {  	(tag) =	ssettag $0x0;
	lr =	simm.s32 $0x1  }
0x2: {  	[smem:$0x3F94] =	sst lr;
	_ =	strace $0xD0000000  }
0x3: {  	_ = 	snop  }
0x4: {  	_ = 	snop  }
0x5: {  	_ = 	snop  }
0x6: {  	_ = 	snop  }
0x7: {  	_ = 	snop  }
__scs_overlays_trampoline_lowered:
0x8: {  	[smem:$0x3FA3] =	sst s0  }
0x9: {  	[smem:$0x3FA4] =	sst s1  }
0xa: {  	[smem:$0x3FA5] =	sst s2  }
0xb: {  	[smem:$0x3FA6] =	sst s3  }
0xc: {  	[smem:$0x3FA7] =	sst s4  }
0xd: {  	[smem:$0x3FA8] =	sst s5  }
0xe: {  	[smem:$0x3FA9] =	sst s6  }
0xf: {  	[smem:$0x3FAA] =	sst s7  }
0x10: {  	[smem:$0x3FAB] =	sst s8  }
0x11: {  	[smem:$0x3FAC] =	sst s9;
	s0 =	simm.s32 @!p0 $0x0  }
0x12: {  	s1 =	sld [smem:$0x3F92];
	s0 =	simm.s32 @p0 $0x1  }
0x13: {  	[smem:$0x3FAD] =	sst s0;
	s0 =	simm.s32 @!p1 $0x0  }
0x14: {  	s2 =	sld [smem:$0x3F91];
	s0 =	simm.s32 @p1 $0x1  }
0x15: {  	[smem:$0x3FAE] =	sst s0;
	s0 =	simm.s32 @!p2 $0x0  }
0x16: {  	s3 =	sld [smem:$0x3FDB];
	s0 =	simm.s32 @p2 $0x1  }
0x17: {  	s4 =	simm.s32 $0x1BF5;
	[smem:$0x3FB0] =	sst s0  }
0x18: {  	s0 =	sld [smem:$0x3F93];
	_ =	swait.ge [sflag:s4], $0x0  }
0x19: {  	s7 =	sld [smem:$0x3F94]  }
0x1a: {  	s8 =	sadd.s32 $0xFFFFE003, lr  }
0x1b: {  	s9 =	sadd.s32 $0xFFFFFEF7, lr;
	s5 =	simm.s32 $0xFFFFFFFF;
	p2 =	slt.u32 s8, $0xFFFFF086  }
0x1c: {  	p1 =	slt.u32 s9, $0xF7A;
	s5 =	simm.s32 @!p2 $0x0  }
0x1d: {  	s5 =	simm.s32 @p1 $0x1;
	p0 =	seq.s32 s7, s2  }
0x1e: {  	s7 =	smul.u32 @!p0 $0xF7A, s2;
	p2 =	seq.s32 @!p0 s5, $0x0  }
0x1f: {  	s9 =	smul.u32 $0xF7A, s1;
	s8 =	simm.s32 @!p0 $0x1BF5;
	p2 =	por !p2, p0  }
0x20: {  	[sflag:s8] =	ssyncset.s32 @!p0 $0xFFFFF086;
	s6 =	sadd.s32 @!p0 s3, s7;
	s7 =	simm.s32 @!p0 $0x108  }
0x21: {  	s3 =	sadd.s32 s3, s9;
	s6 =	sadd.s32 @!p0 $0x88, s6;
	s7 =	simm.s32 @p2 $0x1082  }
0x22: {  	[simem:s7], [sflag:s8] =	dma.local @!p0 [hbm:s6], $0xF7A  }
0x23: {  	s9 =	sor.u32 $0xD0000000, s2;
	s6 =	simm.s32 $0x108;
	_ =	swait.ge @!p0 [sflag:s8], $0x0  }
0x24: {  	s3 =	sadd.s32 $0x88, s3;
	s6 =	simm.s32 @!p1 $0x1082;
	[sflag:s4] =	ssyncset.s32 $0xFFFFF086  }
0x25: {  	[simem:s6], [sflag:s4] =	dma.local [hbm:s3], $0xF7A  }
0x26: {  	[smem:$0x3F94] =	sst s1;
	(tag) =	ssettag s2;
	_ =	strace s9  }
0x27: {  	s1 =	sld [smem:$0x3FA4]  }
0x28: {  	s2 =	sld [smem:$0x3FA5]  }
0x29: {  	s4 =	sld [smem:$0x3FA7]  }
0x2a: {  	p0 =	seq.s32 s5, $0x0;
	s5 =	sld [smem:$0x3FA8]  }
0x2b: {  	s6 =	sld [smem:$0x3FA9]  }
0x2c: {  	s7 =	sld [smem:$0x3FAA]  }
0x2d: {  	s3 =	simm.s32 $0x108;
	s8 =	sld [smem:$0x3FAB]  }
0x2e: {  	s3 =	simm.s32 @!p0 $0x1082;
	s9 =	sld [smem:$0x3FAC]  }
0x2f: {  	lr =	sadd.s32 s0, s3;
	s0 =	sld [smem:$0x3FA3]  }
0x30: {  	s3 =	sld [smem:$0x3FA6]  }
0x31: {  	[smem:$0x3FAF] =	sst s10  }
0x32: {  	s10 =	sld [smem:$0x3FAD];
	_ =	sdelay $0x3  }
0x33: {  	p0 =	seq.s32 s10, $0x1;
	s10 =	sld [smem:$0x3FAF];
	_ =	sdelay $0x3  }
0x34: {  	[smem:$0x3FAF] =	sst s10  }
0x35: {  	s10 =	sld [smem:$0x3FAE];
	_ =	sdelay $0x3  }
0x36: {  	p1 =	seq.s32 s10, $0x1;
	s10 =	sld [smem:$0x3FAF];
	_ =	sdelay $0x3  }
0x37: {  	[smem:$0x3FAF] =	sst s10  }
0x38: {  	s10 =	sld [smem:$0x3FB0]  }
0x39: {  	_ = 	snop;
	(pc) =	sbr.ind lr, $3  }
0x3a: {  	_ = 	snop  }
0x3b: {  	_ = 	snop  }
0x3c: {  	p2 =	seq.s32 s10, $0x1;
	s10 =	sld [smem:$0x3FAF]  }
0x3d: {  	_ =	shalt  }
0x3e: {  	_ =	shalt  }
0x3f: {  	_ =	shalt  }
0x40: {  	_ =	shalt  }
0x41: {  	_ =	shalt  }
0x42: {  	_ =	shalt  }
0x43: {  	_ =	shalt  }
0x44: {  	_ =	shalt  }
0x45: {  	_ =	shalt  }
0x46: {  	_ =	shalt  }
0x47: {  	_ =	shalt  }
0x48: {  	_ =	shalt  }
0x49: {  	_ =	shalt  }
0x4a: {  	_ =	shalt  }
0x4b: {  	_ =	shalt  }
0x4c: {  	_ =	shalt  }
0x4d: {  	_ =	shalt  }
0x4e: {  	_ =	shalt  }
0x4f: {  	_ =	shalt  }
0x50: {  	_ =	shalt  }
0x51: {  	_ =	shalt  }
0x52: {  	_ =	shalt  }
0x53: {  	_ =	shalt  }
0x54: {  	_ =	shalt  }
0x55: {  	_ =	shalt  }
0x56: {  	_ =	shalt  }
0x57: {  	_ =	shalt  }
0x58: {  	_ =	shalt  }
0x59: {  	_ =	shalt  }
0x5a: {  	_ =	shalt  }
0x5b: {  	_ =	shalt  }
0x5c: {  	_ =	shalt  }
0x5d: {  	_ =	shalt  }
0x5e: {  	_ =	shalt  }
0x5f: {  	_ =	shalt  }
0x60: {  	_ =	shalt  }
0x61: {  	_ =	shalt  }
0x62: {  	_ =	shalt  }
0x63: {  	_ =	shalt  }
0x64: {  	_ =	shalt  }
0x65: {  	_ =	shalt  }
0x66: {  	_ =	shalt  }
0x67: {  	_ =	shalt  }
0x68: {  	_ =	shalt  }
0x69: {  	_ =	shalt  }
0x6a: {  	_ =	shalt  }
0x6b: {  	_ =	shalt  }
0x6c: {  	_ =	shalt  }
0x6d: {  	_ =	shalt  }
0x6e: {  	_ =	shalt  }
0x6f: {  	_ =	shalt  }
0x70: {  	_ =	shalt  }
0x71: {  	_ =	shalt  }
0x72: {  	_ =	shalt  }
0x73: {  	_ =	shalt  }
0x74: {  	_ =	shalt  }
0x75: {  	_ =	shalt  }
0x76: {  	_ =	shalt  }
0x77: {  	_ =	shalt  }
0x78: {  	_ =	shalt  }
0x79: {  	_ =	shalt  }
0x7a: {  	_ =	shalt  }
0x7b: {  	_ =	shalt  }
0x7c: {  	_ =	shalt  }
0x7d: {  	_ =	shalt  }
0x7e: {  	_ =	shalt  }
0x7f: {  	_ =	shalt  }
0x80: {  	_ =	shalt  }
0x81: {  	_ =	shalt  }
0x82: {  	_ =	shalt  }
0x83: {  	_ =	shalt  }
0x84: {  	_ =	shalt  }
0x85: {  	_ =	shalt  }
0x86: {  	_ =	shalt  }
0x87: {  	_ =	shalt  }
.Lfunc_end0:
.L_simem_size_0:
called_computation_lowered:
.L_overlay_start_0:
0x88: {  	s2 =	sld [smem:$0x3FD9]  }
0x89: {  	s3 =	sld [smem:$0x3FFE];
	_ =	sdelay $0x1  }
0x8a: {  	s1 =	srdreg.scid  }
0x8b: {  	s0 =	sand.u32 $0x1, s1  }
0x8c: {  	s16 =	sshll.u32 s0, $0xA;
	s2 =	sadd.s32 s3, s2  }
0x8d: {  	s2 =	sadd.s32 s2, s16  }
0x8e: {  	[smem:$0x3FBB] =	sst s2  }
0x8f: {  	_ = 	snop  }
0x90: {  	(tm) =	ssettm $0x1  }
0x91: {  	s17 =	sld [smem:$0x3FFB];
	_ =	sdelay $0x3  }
0x92: {  	_ =	strace s17  }
0x93: {  	s2 =	sld [smem:$0x3FFC];
	_ =	sdelay $0x3  }
0x94: {  	_ =	strace s2  }
0x95: {  	s2 =	sld [smem:$0x3FFD];
	_ =	sdelay $0x3  }
0x96: {  	_ =	strace s2  }
0x97: {  	_ =	strace $0x8FFFFFFF  }
0x98: {  	s18 =	sld [smem:$0x3FDB];
	_ =	sdelay $0x1  }
0x99: {  	s19 =	simm.s32 $_scs_section_size  }
0x9a: {  	s4 =	simm.s32 $_size__tile_overlayer_lowered;
	s5 =	simm.s32 $_tile_overlayer_lowered  }
0x9b: {  	s22 =	simm.s32 $0x1BFF;
	s21 =	sshll.u32 s5, $0x1;
	s2 =	sadd.s32 s19, s18  }
0x9c: {  	s6 =	simm.s32 $0x0;
	s20 =	sshll.u32 s4, $0x1;
	s4 =	sadd.s32 s21, s2  }
0x9d: {  	[timem:s6], [sflag:s22] =	dma.local [hbm:s4], s20  }
0x9e: {  	_ =	swait.ge [sflag:s22], s20  }
0x9f: {  	s3 =	ssub.s32 $0x0, s20;
	[sflag:s22] =	ssyncset.done $0x0  }
0xa0: {  	[sflag:s22] =	ssyncadd.s32 s3;
	_ =	sdelay $0x1  }
0xa1: {  	s23 =	simm.s32 $0x1B8B  }
0xa2: {  	_ =	swait.ge [sflag:s23], $0x1  }
0xa3: {  	[sflag:s23] =	ssyncset.done $0x0  }
0xa4: {  	s25 =	simm.s32 $0x1B8E;
	s24 =	sld [smem:$0x3FFE];
	[sflag:s23] =	ssyncadd.s32 $0xFFFFFFFF  }
0xa5: {  	s26 =	simm.s32 $execute0_lowered;
	[smem:$0x3FD2] =	sst s25  }
0xa6: {  	s4 =	sshll.u32 s26, $0x1;
	_ =	strace $0x80000046;
	[dreg:$0x1] =	wrdreg $0xFFFFFFFF  }
0xa7: {  	s28 =	simm.s32 $_size_execute0_lowered;
	s2 =	sadd.s32 s2, s4;
	[dreg:$0x0] =	wrdreg $0x0  }
0xa8: {  	s4 =	sshll.u32 s28, $0x1;
	[dreg:$0x2] =	wrdreg s2  }
0xa9: {  	[dreg:$0x3] =	wrdreg s4  }
0xaa: {  	[dreg:$0x4] =	wrdreg $0xC0  }
0xab: {  	_ =	task [dreg:s6], $0x5FFFF  }
0xac: {  	[dreg:$0x1] =	wrdreg $0xFFFFFFFF  }
0xad: {  	[dreg:$0x0] =	wrdreg $0x60  }
0xae: {  	[dreg:$0x2] =	wrdreg s24  }
0xaf: {  	[dreg:$0x3] =	wrdreg $0x9  }
0xb0: {  	_ =	task.clear_ibuf [dreg:s6], $0x4FFFF;
	_ =	strace $0x90000046  }
0xb1: {  	s29 =	simm.s32 $0x9;
	_ =	strace $0x80000048  }
0xb2: {  	_ =	swait.ge [sflag:s29], $0x1  }
0xb3: {  	[sflag:s29] =	ssyncadd.s32 $0xFFFFFFFF  }
0xb4: {  	_ =	strace $0x90000048  }
0xb5: {  	_ =	sfence  }
0xb6: {  	s30 =	sld [smem:$0x0];
	_ =	sdelay $0x2  }
0xb7: {  	s31 =	sshll.u32 s1, $0xD;
	s1 =	sshrl.u32 s1, $0x2  }
0xb8: {  	s3 =	sand.u32 $0x4000, s31;
	s1 =	sadd.s32 s1, s30  }
0xb9: {  	s0 =	sor.u32 s3, s0;
	s1 =	sshll.u32 s1, $0x11  }
0xba: {  	s0 =	sor.u32 s1, s0  }
0xbb: {  	s0 =	sadd.s32 $0x8F2B, s0  }
0xbc: {  	[sflag:s0] =	ssyncadd.remote.s32 $0x1  }
0xbd: {  	_ =	sfence.sel $0xFFFF  }
0xbe: {  	[dreg:$0x0] =	wrdreg $0xFFFFFFFF;
	(pc) =	sbr.abs _section_cstart, $3  }
0xbf: {  	[dreg:$0x1] =	wrdreg $0xFFFFFFFF  }
0xc0: {  	_ =	task.clear_ibuf [dreg:s6], $0x2FFFF;
	_ =	strace $0x9FFFFFFF  }
0xc1: {  	(tm) =	ssettm $0x7FFFFFFF  }
tec
execute0_lowered:
.L_overlay_start_1:
0x0: {  	(tag) =	ssettag $0x1  }
0x1: {  	s1 =	srdreg.scid  }
0x2: {  	s0 =	stileid.u32;
	s5 =	rddreg [dreg:$0x0];
	s7 =	simm.s32 $0x400  }
0x3: {  	s8 =	simm.s32 $0x1;
	s9 =	simm.s32 $0x2780;
	s10 =	simm.s32 $0x0  }
0x4: {  	s3 =	sand.u32 $0x1, s1;
	s29 =	sshrl.u32 s0, $0x2;
	s2 =	sshll.u32 s0, $0x8  }
0x5: {  	s4 =	smul.u32 $0x13C00, s29;
	s30 =	sshll.u32 s3, $0x7;
	s2 =	sand.u32 $0x300, s2  }
0x6: {  	s1 =	rddreg [dreg:$0x1];
	s3 =	ssub.s32 $0x2, s3;
	s6 =	sor.u32 s30, s2  }
0x7: {  	s2 =	simm.s32 $0x0;
	s31 =	sshrl.u32 s3, $0x1;
	s4 =	sor.u32 s4, s6  }
0x8: {  	[smem:$0x7FF] =	sst s2;
	s6 =	simm.s32 $0x80;
	s4 =	sshrl.u32 s4, $0x3  }
0x9: {  	_ =	strace $0x80000047;
	s4 =	sadd.s32 s4, s5;
	s5 =	ssub.s32 s3, s31  }
0xa: {  	v0 =	vimm.f32 $0.0e+00;
	v1 =	vimm.f32 $1.000000000e+00;
	s3 =	sadd.s32 $0x3600, s4;
	s4 =	sadd.s32 $0xD400, s4;
	s5 =	smax.u32 s5, $0x1  }
.LBB2_1:
0xb: {  	[tilespmem:s2], [sflag:$0x1] =	stream.strided.gather [hbm4b:s3+s6], $0x2780, s7, s6, $0x38;
	[tilespmem:$0x4F00] =	vst v63  }
0xc: {  	_ =	swait.ge [sflag:s8], $0x2780  }
0xd: {  	[sflag:s8] =	ssyncset.done $0x0  }
0xe: {  	s11 =	simm.s32 $0x0;
	[sflag:s8] =	ssyncadd.s32 $0xFFFFD880  }
.LBB2_2:
0xf: {  	p0 =	sne.s32 s11, $0x9C00  }
.Ltmp0:
0x10: {  	_ = 	snop;
	(pc) =	sbr.rel @p0 .LBB2_2-.Ltmp0, $3  }
0x11: {  	_ =	sdelay $0x1  }
0x12: {  	s12 =	sshra.s32 s11, $0x2  }
0x13: {  	s11 =	sadd.s32 $0x40, s11;
	[tilespmem:s12+$0x2780] =	vst v0  }
0x14: {  	s12 =	simm.s32 $0x0;
	s11 =	simm.s32 $0x40  }
.LBB2_4:
0x15: {  	p0 =	sne.s32 s11, $0x9C00;
	v2 =	vld [tilespmem:s12+$0x0];
	_ =	sdelay $0x3  }
.Ltmp1:
0x16: {  	(pc) =	sbr.rel @p0 .LBB2_4-.Ltmp1, $2  }
0x17: {  	_ =	sdelay $0x2  }
0x18: {  	s12 =	sshra.s32 s11, $0x2;
	s11 =	sadd.s32 $0x40, s11;
	[tilespmem:v2+s9+$0x0] =	vst.idx.add.f32.msk $0xffff, v1  }
0x19: {  	v2 =	vld [tilespmem:s12+$0x0];
	_ =	sdelay $0x5  }
0x1a: {  	s10 =	sadd.s32 $0x1, s10  }
0x1b: {  	p0 =	sne.s32 s10, s5  }
.Ltmp2:
0x1c: {  	[tilespmem:v2+s9+$0x0] =	vst.idx.add.f32.msk $0xffff, v1;
	(pc) =	sbr.rel @p0 .LBB2_1-.Ltmp2, $4  }
0x1d: {  	[hbm4b:s4+s6] =	stream.strided.scatter [tilespmem:s9], [sflag:$0x1], $0x2780, s7, s6, $0x38;
	[tilespmem:$0x4F00] =	vst v63  }
0x1e: {  	_ =	swait.ge [sflag:s8], $0x2780  }
0x1f: {  	[sflag:s8] =	ssyncset.done $0x0  }
0x20: {  	[sflag:s8] =	ssyncadd.s32 $0xFFFFD880  }
0x21: {  	_ =	sfence.sel $0x180000  }
0x22: {  	[bflag:$0x0] =	sbarrier.arrive $0xFFFF  }
0x23: {  	p0 =	sne.s32 s0, $0x0;
	_ =	strace $0x90000047  }
0x24: {  	s0 =	sadd.s32 @!p0 $0x100000, s1;
	[bflag:$0x2] =	sbarrier.arrive $0xFFFF  }
0x25: {  	[sflag:s0] =	ssyncadd.tile.s32 @!p0 $0x1;
	_ =	shalt  }
.Lfunc_end2:
_tile_overlayer_lowered:
.L_overlay_start_2:
0x26: {  	(tag) =	ssettag $0x2  }
0x27: {  	s0 =	rddreg [dreg:$0x0];
	s2 =	stileid.u32  }
0x28: {  	s1 =	rddreg [dreg:$0x1];
	p0 =	sne.s32 s2, $0x0  }
0x29: {  	s3 =	rddreg [dreg:$0x2];
	[bflag:$0x3] =	sbarrier.arrive $0xFFFF;
	s2 =	simm.s32 @!p0 $0x1C01  }
0x2a: {  	[timem:s3], [sflag:s2] =	dma.local @!p0 [hbm:s0], s1  }
0x2b: {  	s0 =	simm.s32 @!p0 $0x1  }
0x2c: {  	_ =	swait.ge @!p0 [sflag:s0], s1  }
0x2d: {  	s1 =	ssub.s32 @!p0 $0x0, s1;
	[sflag:s0] =	ssyncset.done @!p0 $0x0  }
0x2e: {  	[sflag:s0] =	ssyncadd.s32 @!p0 s1  }
0x2f: {  	[bflag:$0x3] =	sbarrier.arrive $0xFFFF  }
0x30: {  	_ =	shalt  }

// kernel: kernel.14.cloned.1.call-start
scs
__scs_entry_jumppad:
0x0: {  	(pc) =	sbr.rel $0x88, $3  }
0x1: {  	(tag) =	ssettag $0x0;
	lr =	simm.s32 $0x1  }
0x2: {  	[smem:$0x3F94] =	sst lr;
	_ =	strace $0xD0000000  }
0x3: {  	_ = 	snop  }
0x4: {  	_ = 	snop  }
0x5: {  	_ = 	snop  }
0x6: {  	_ = 	snop  }
0x7: {  	_ = 	snop  }
__scs_overlays_trampoline_lowered:
0x8: {  	[smem:$0x3FA3] =	sst s0  }
0x9: {  	[smem:$0x3FA4] =	sst s1  }
0xa: {  	[smem:$0x3FA5] =	sst s2  }
0xb: {  	[smem:$0x3FA6] =	sst s3  }
0xc: {  	[smem:$0x3FA7] =	sst s4  }
0xd: {  	[smem:$0x3FA8] =	sst s5  }
0xe: {  	[smem:$0x3FA9] =	sst s6  }
0xf: {  	[smem:$0x3FAA] =	sst s7  }
0x10: {  	[smem:$0x3FAB] =	sst s8  }
0x11: {  	[smem:$0x3FAC] =	sst s9;
	s0 =	simm.s32 @!p0 $0x0  }
0x12: {  	s1 =	sld [smem:$0x3F92];
	s0 =	simm.s32 @p0 $0x1  }
0x13: {  	[smem:$0x3FAD] =	sst s0;
	s0 =	simm.s32 @!p1 $0x0  }
0x14: {  	s2 =	sld [smem:$0x3F91];
	s0 =	simm.s32 @p1 $0x1  }
0x15: {  	[smem:$0x3FAE] =	sst s0;
	s0 =	simm.s32 @!p2 $0x0  }
0x16: {  	s3 =	sld [smem:$0x3FDB];
	s0 =	simm.s32 @p2 $0x1  }
0x17: {  	s4 =	simm.s32 $0x1BF5;
	[smem:$0x3FB0] =	sst s0  }
0x18: {  	s0 =	sld [smem:$0x3F93];
	_ =	swait.ge [sflag:s4], $0x0  }
0x19: {  	s7 =	sld [smem:$0x3F94]  }
0x1a: {  	s8 =	sadd.s32 $0xFFFFE003, lr  }
0x1b: {  	s9 =	sadd.s32 $0xFFFFFEF7, lr;
	s5 =	simm.s32 $0xFFFFFFFF;
	p2 =	slt.u32 s8, $0xFFFFF086  }
0x1c: {  	p1 =	slt.u32 s9, $0xF7A;
	s5 =	simm.s32 @!p2 $0x0  }
0x1d: {  	s5 =	simm.s32 @p1 $0x1;
	p0 =	seq.s32 s7, s2  }
0x1e: {  	s7 =	smul.u32 @!p0 $0xF7A, s2;
	p2 =	seq.s32 @!p0 s5, $0x0  }
0x1f: {  	s9 =	smul.u32 $0xF7A, s1;
	s8 =	simm.s32 @!p0 $0x1BF5;
	p2 =	por !p2, p0  }
0x20: {  	[sflag:s8] =	ssyncset.s32 @!p0 $0xFFFFF086;
	s6 =	sadd.s32 @!p0 s3, s7;
	s7 =	simm.s32 @!p0 $0x108  }
0x21: {  	s3 =	sadd.s32 s3, s9;
	s6 =	sadd.s32 @!p0 $0x88, s6;
	s7 =	simm.s32 @p2 $0x1082  }
0x22: {  	[simem:s7], [sflag:s8] =	dma.local @!p0 [hbm:s6], $0xF7A  }
0x23: {  	s9 =	sor.u32 $0xD0000000, s2;
	s6 =	simm.s32 $0x108;
	_ =	swait.ge @!p0 [sflag:s8], $0x0  }
0x24: {  	s3 =	sadd.s32 $0x88, s3;
	s6 =	simm.s32 @!p1 $0x1082;
	[sflag:s4] =	ssyncset.s32 $0xFFFFF086  }
0x25: {  	[simem:s6], [sflag:s4] =	dma.local [hbm:s3], $0xF7A  }
0x26: {  	[smem:$0x3F94] =	sst s1;
	(tag) =	ssettag s2;
	_ =	strace s9  }
0x27: {  	s1 =	sld [smem:$0x3FA4]  }
0x28: {  	s2 =	sld [smem:$0x3FA5]  }
0x29: {  	s4 =	sld [smem:$0x3FA7]  }
0x2a: {  	p0 =	seq.s32 s5, $0x0;
	s5 =	sld [smem:$0x3FA8]  }
0x2b: {  	s6 =	sld [smem:$0x3FA9]  }
0x2c: {  	s7 =	sld [smem:$0x3FAA]  }
0x2d: {  	s3 =	simm.s32 $0x108;
	s8 =	sld [smem:$0x3FAB]  }
0x2e: {  	s3 =	simm.s32 @!p0 $0x1082;
	s9 =	sld [smem:$0x3FAC]  }
0x2f: {  	lr =	sadd.s32 s0, s3;
	s0 =	sld [smem:$0x3FA3]  }
0x30: {  	s3 =	sld [smem:$0x3FA6]  }
0x31: {  	[smem:$0x3FAF] =	sst s10  }
0x32: {  	s10 =	sld [smem:$0x3FAD];
	_ =	sdelay $0x3  }
0x33: {  	p0 =	seq.s32 s10, $0x1;
	s10 =	sld [smem:$0x3FAF];
	_ =	sdelay $0x3  }
0x34: {  	[smem:$0x3FAF] =	sst s10  }
0x35: {  	s10 =	sld [smem:$0x3FAE];
	_ =	sdelay $0x3  }
0x36: {  	p1 =	seq.s32 s10, $0x1;
	s10 =	sld [smem:$0x3FAF];
	_ =	sdelay $0x3  }
0x37: {  	[smem:$0x3FAF] =	sst s10  }
0x38: {  	s10 =	sld [smem:$0x3FB0]  }
0x39: {  	_ = 	snop;
	(pc) =	sbr.ind lr, $3  }
0x3a: {  	_ = 	snop  }
0x3b: {  	_ = 	snop  }
0x3c: {  	p2 =	seq.s32 s10, $0x1;
	s10 =	sld [smem:$0x3FAF]  }
0x3d: {  	_ =	shalt  }
0x3e: {  	_ =	shalt  }
0x3f: {  	_ =	shalt  }
0x40: {  	_ =	shalt  }
0x41: {  	_ =	shalt  }
0x42: {  	_ =	shalt  }
0x43: {  	_ =	shalt  }
0x44: {  	_ =	shalt  }
0x45: {  	_ =	shalt  }
0x46: {  	_ =	shalt  }
0x47: {  	_ =	shalt  }
0x48: {  	_ =	shalt  }
0x49: {  	_ =	shalt  }
0x4a: {  	_ =	shalt  }
0x4b: {  	_ =	shalt  }
0x4c: {  	_ =	shalt  }
0x4d: {  	_ =	shalt  }
0x4e: {  	_ =	shalt  }
0x4f: {  	_ =	shalt  }
0x50: {  	_ =	shalt  }
0x51: {  	_ =	shalt  }
0x52: {  	_ =	shalt  }
0x53: {  	_ =	shalt  }
0x54: {  	_ =	shalt  }
0x55: {  	_ =	shalt  }
0x56: {  	_ =	shalt  }
0x57: {  	_ =	shalt  }
0x58: {  	_ =	shalt  }
0x59: {  	_ =	shalt  }
0x5a: {  	_ =	shalt  }
0x5b: {  	_ =	shalt  }
0x5c: {  	_ =	shalt  }
0x5d: {  	_ =	shalt  }
0x5e: {  	_ =	shalt  }
0x5f: {  	_ =	shalt  }
0x60: {  	_ =	shalt  }
0x61: {  	_ =	shalt  }
0x62: {  	_ =	shalt  }
0x63: {  	_ =	shalt  }
0x64: {  	_ =	shalt  }
0x65: {  	_ =	shalt  }
0x66: {  	_ =	shalt  }
0x67: {  	_ =	shalt  }
0x68: {  	_ =	shalt  }
0x69: {  	_ =	shalt  }
0x6a: {  	_ =	shalt  }
0x6b: {  	_ =	shalt  }
0x6c: {  	_ =	shalt  }
0x6d: {  	_ =	shalt  }
0x6e: {  	_ =	shalt  }
0x6f: {  	_ =	shalt  }
0x70: {  	_ =	shalt  }
0x71: {  	_ =	shalt  }
0x72: {  	_ =	shalt  }
0x73: {  	_ =	shalt  }
0x74: {  	_ =	shalt  }
0x75: {  	_ =	shalt  }
0x76: {  	_ =	shalt  }
0x77: {  	_ =	shalt  }
0x78: {  	_ =	shalt  }
0x79: {  	_ =	shalt  }
0x7a: {  	_ =	shalt  }
0x7b: {  	_ =	shalt  }
0x7c: {  	_ =	shalt  }
0x7d: {  	_ =	shalt  }
0x7e: {  	_ =	shalt  }
0x7f: {  	_ =	shalt  }
0x80: {  	_ =	shalt  }
0x81: {  	_ =	shalt  }
0x82: {  	_ =	shalt  }
0x83: {  	_ =	shalt  }
0x84: {  	_ =	shalt  }
0x85: {  	_ =	shalt  }
0x86: {  	_ =	shalt  }
0x87: {  	_ =	shalt  }
.Lfunc_end0:
.L_simem_size_0:
called_computation.1_lowered:
.L_overlay_start_0:
0x88: {  	s2 =	sld [smem:$0x3FD9]  }
0x89: {  	s3 =	sld [smem:$0x3FFE];
	_ =	sdelay $0x1  }
0x8a: {  	s1 =	srdreg.scid  }
0x8b: {  	s0 =	sand.u32 $0x1, s1  }
0x8c: {  	s16 =	sshll.u32 s0, $0xA;
	s2 =	sadd.s32 s3, s2  }
0x8d: {  	s2 =	sadd.s32 s2, s16  }
0x8e: {  	[smem:$0x3FBB] =	sst s2  }
0x8f: {  	_ = 	snop  }
0x90: {  	(tm) =	ssettm $0x1  }
0x91: {  	s17 =	sld [smem:$0x3FFB];
	_ =	sdelay $0x3  }
0x92: {  	_ =	strace s17  }
0x93: {  	s2 =	sld [smem:$0x3FFC];
	_ =	sdelay $0x3  }
0x94: {  	_ =	strace s2  }
0x95: {  	s2 =	sld [smem:$0x3FFD];
	_ =	sdelay $0x3  }
0x96: {  	_ =	strace s2  }
0x97: {  	_ =	strace $0x8FFFFFFF  }
0x98: {  	s18 =	sld [smem:$0x3FDB];
	_ =	sdelay $0x1  }
0x99: {  	s19 =	simm.s32 $_scs_section_size  }
0x9a: {  	s4 =	simm.s32 $_size__tile_overlayer_lowered;
	s5 =	simm.s32 $_tile_overlayer_lowered  }
0x9b: {  	s22 =	simm.s32 $0x1BFF;
	s21 =	sshll.u32 s5, $0x1;
	s2 =	sadd.s32 s19, s18  }
0x9c: {  	s6 =	simm.s32 $0x0;
	s20 =	sshll.u32 s4, $0x1;
	s4 =	sadd.s32 s21, s2  }
0x9d: {  	[timem:s6], [sflag:s22] =	dma.local [hbm:s4], s20  }
0x9e: {  	_ =	swait.ge [sflag:s22], s20  }
0x9f: {  	s3 =	ssub.s32 $0x0, s20;
	[sflag:s22] =	ssyncset.done $0x0  }
0xa0: {  	[sflag:s22] =	ssyncadd.s32 s3;
	_ =	sdelay $0x1  }
0xa1: {  	s23 =	simm.s32 $0x1B8B  }
0xa2: {  	_ =	swait.ge [sflag:s23], $0x1  }
0xa3: {  	[sflag:s23] =	ssyncset.done $0x0  }
0xa4: {  	s25 =	simm.s32 $0x1B8E;
	s24 =	sld [smem:$0x3FFE];
	[sflag:s23] =	ssyncadd.s32 $0xFFFFFFFF  }
0xa5: {  	s26 =	simm.s32 $execute0_lowered;
	[smem:$0x3FD2] =	sst s25  }
0xa6: {  	s4 =	sshll.u32 s26, $0x1;
	_ =	strace $0x80000049;
	[dreg:$0x1] =	wrdreg $0xFFFFFFFF  }
0xa7: {  	s28 =	simm.s32 $_size_execute0_lowered;
	s2 =	sadd.s32 s2, s4;
	[dreg:$0x0] =	wrdreg $0x0  }
0xa8: {  	s4 =	sshll.u32 s28, $0x1;
	[dreg:$0x2] =	wrdreg s2  }
0xa9: {  	[dreg:$0x3] =	wrdreg s4  }
0xaa: {  	[dreg:$0x4] =	wrdreg $0xC0  }
0xab: {  	_ =	task [dreg:s6], $0x5FFFF  }
0xac: {  	[dreg:$0x1] =	wrdreg $0xFFFFFFFF  }
0xad: {  	[dreg:$0x0] =	wrdreg $0x60  }
0xae: {  	[dreg:$0x2] =	wrdreg s24  }
0xaf: {  	[dreg:$0x3] =	wrdreg $0xB0000  }
0xb0: {  	[dreg:$0x4] =	wrdreg $0x9  }
0xb1: {  	_ =	task.clear_ibuf [dreg:s6], $0x5FFFF;
	_ =	strace $0x90000049  }
0xb2: {  	s29 =	simm.s32 $0x9;
	_ =	strace $0x8000004B  }
0xb3: {  	_ =	swait.ge [sflag:s29], $0x1  }
0xb4: {  	[sflag:s29] =	ssyncadd.s32 $0xFFFFFFFF  }
0xb5: {  	_ =	strace $0x9000004B  }
0xb6: {  	_ =	sfence  }
0xb7: {  	s30 =	sld [smem:$0x0];
	_ =	sdelay $0x2  }
0xb8: {  	s31 =	sshll.u32 s1, $0xD;
	s1 =	sshrl.u32 s1, $0x2  }
0xb9: {  	s3 =	sand.u32 $0x4000, s31;
	s1 =	sadd.s32 s1, s30  }
0xba: {  	s0 =	sor.u32 s3, s0;
	s1 =	sshll.u32 s1, $0x11  }
0xbb: {  	s0 =	sor.u32 s1, s0  }
0xbc: {  	s0 =	sadd.s32 $0x8F2B, s0  }
0xbd: {  	[sflag:s0] =	ssyncadd.remote.s32 $0x1  }
0xbe: {  	_ =	sfence.sel $0xFFFF  }
0xbf: {  	[dreg:$0x0] =	wrdreg $0xFFFFFFFF;
	(pc) =	sbr.abs _section_cstart, $3  }
0xc0: {  	[dreg:$0x1] =	wrdreg $0xFFFFFFFF  }
0xc1: {  	_ =	task.clear_ibuf [dreg:s6], $0x2FFFF;
	_ =	strace $0x9FFFFFFF  }
0xc2: {  	(tm) =	ssettm $0x7FFFFFFF  }
0xc3: {  	_ =	shalt  }
tec
execute0_lowered:
.L_overlay_start_1:
0x0: {  	(tag) =	ssettag $0x1  }
0x1: {  	s1 =	rddreg [dreg:$0x0]  }
0x2: {  	s2 =	rddreg [dreg:$0x1];
	s3 =	simm.s32 $0x0  }
0x3: {  	s11 =	stileid.u32;
	s5 =	srdreg.scid;
	s26 =	simm.s32 $0x100  }
0x4: {  	s12 =	simm.s32 $0x80;
	s13 =	simm.s32 $0x400;
	s14 =	simm.s32 $0x180  }
0x5: {  	s15 =	simm.s32 $0x500;
	s16 =	simm.s32 $0x280;
	s17 =	simm.s32 $0x600  }
0x6: {  	s18 =	simm.s32 $0x380;
	s19 =	simm.s32 $0x700;
	[smem:$0x7FF] =	sst s3  }
0x7: {  	s21 =	simm.s32 $0x480;
	_ =	strace $0x8000004A;
	[dreg:$0x4] =	wrdreg s26  }
0x8: {  	s22 =	simm.s32 $0x800;
	s28 =	simm.s32 $0xA80;
	[dreg:$0x7] =	wrdreg s12  }
0x9: {  	s29 =	simm.s32 $0xE00;
	s30 =	simm.s32 $0xB80;
	[dreg:$0x8] =	wrdreg s13  }
0xa: {  	s31 =	simm.s32 $0xF00;
	s0 =	smul.u32 $0x2780, s11;
	[dreg:$0x9] =	wrdreg s14  }
0xb: {  	s4 =	sadd.s32 $0x37200, s1;
	s6 =	sshll.u32 s11, $0xD;
	[dreg:$0xa] =	wrdreg s15  }
0xc: {  	s5 =	sand.u32 $0x1, s5;
	s10 =	smul.u32 $0x4F000, s11;
	[dreg:$0xb] =	wrdreg s16  }
0xd: {  	s6 =	sadd.s32 s6, s1;
	s8 =	smul.u32 $0x27800, s5;
	[dreg:$0xc] =	wrdreg s17  }
0xe: {  	s9 =	ssub.s32 $0x2, s5;
	s5 =	sshll.u32 s5, $0xC;
	[dreg:$0xd] =	wrdreg s18  }
0xf: {  	s12 =	simm.s32 $0x3800;
	s13 =	simm.s32 $0x6000;
	[dreg:$0xe] =	wrdreg s19  }
0x10: {  	s14 =	simm.s32 $0x8800;
	[dreg:$0xf] =	wrdreg s21;
	s15 =	simm.s32 $0x1  }
0x11: {  	[dreg:$0x10] =	wrdreg s22;
	s16 =	simm.s32 $0x5;
	s17 =	simm.s32 $0x2  }
0x12: {  	s18 =	simm.s32 $0x3;
	s26 =	simm.s32 $0xA00;
	s19 =	simm.s32 $0x4  }
0x13: {  	s21 =	simm.s32 $0xB00;
	s22 =	simm.s32 $0x880;
	s7 =	sadd.s32 s0, s1  }
0x14: {  	s23 =	sshrl.u32 s9, $0x1;
	s5 =	sadd.s32 s5, s6;
	s25 =	sshrl.u32 s10, $0x2  }
0x15: {  	s10 =	sshll.u32 s11, $0x6;
	s11 =	simm.s32 $0x300;
	[dreg:$0x14] =	wrdreg s26  }
0x16: {  	s26 =	simm.s32 $0xD00;
	s1 =	sadd.s32 s8, s1;
	s24 =	ssub.s32 s9, s23  }
0x17: {  	s5 =	sadd.s32 $0x17200, s5;
	s8 =	sadd.s32 s25, s2;
	[dreg:$0x6] =	wrdreg s11  }
0x18: {  	s7 =	sadd.s32 $0x5E400, s7;
	s9 =	simm.s32 $0x200;
	[dreg:$0x3] =	wrdreg s5  }
0x19: {  	s20 =	sor.u32 $0x1C06, s10;
	s10 =	simm.s32 $0x50;
	[dreg:$0x15] =	wrdreg s7  }
0x1a: {  	s11 =	simm.s32 $0x1000;
	s23 =	simm.s32 $0x580;
	[dreg:$0x5] =	wrdreg s9  }
0x1b: {  	s25 =	simm.s32 $0x680;
	s1 =	sadd.s32 $0x85C00, s1;
	[dreg:$0x11] =	wrdreg s23  }
0x1c: {  	s6 =	smax.u32 s24, $0x1;
	s8 =	sshrl.u32 s8, $0x3;
	[dreg:$0x13] =	wrdreg s25  }
0x1d: {  	s9 =	simm.s32 $0x6;
	s24 =	simm.s32 $0x900;
	[dreg:$0x16] =	wrdreg s20  }
0x1e: {  	s23 =	simm.s32 $0xC00;
	s25 =	simm.s32 $0x980;
	[dreg:$0x17] =	wrdreg s6  }
0x1f: {  	s5 =	simm.s32 $0xE80;
	s7 =	simm.s32 $0xF80;
	[dreg:$0x12] =	wrdreg s24  }
0x20: {  	s0 =	sadd.s32 s0, s1;
	s1 =	simm.s32 $0xD80;
	[dreg:$0x18] =	wrdreg s8  }
0x21: {  	s24 =	simm.s32 $0x0;
	[dreg:$0x19] =	wrdreg s0;
	s0 =	simm.s32 $0xC80  }
.LBB2_1:
0x22: {  	[dreg:$0x1a] =	wrdreg s24  }
0x23: {  	s6 =	rddreg [dreg:$0x15]  }
0x24: {  	[spmem:s8], [sflag:s20] =	dma.local [hbm:s6], $0x2780  }
0x25: {  	_ =	swait.ge [sflag:s9], $0x2780  }
0x26: {  	[sflag:s9] =	ssyncset.done $0x0  }
0x27: {  	[sflag:s9] =	ssyncadd.s32 $0xFFFFD880  }
0x28: {  	[bflag:$0x0] =	sbarrier.arrive $0xFFFF  }
0x29: {  	s24 =	rddreg [dreg:$0x3]  }
0x2a: {  	s6 =	sadd.s32 $0x0, s24  }
0x2b: {  	[tilespmem:s3], [sflag:$0x6] =	stream.linear.gather [hbm4b:s6+s3], $0x1000, $0x38;
	[tilespmem:$0x1EC00] =	vst v63  }
0x2c: {  	_ =	swait.ge [sflag:s9], $0x1000  }
0x2d: {  	[sflag:s9] =	ssyncset.done $0x0  }
0x2e: {  	[sflag:s9] =	ssyncadd.s32 $0xFFFFF000  }
0x2f: {  	[tilespmem:s11], [sflag:$0x1] =	stream.indirect.gather [hbm4b:s4+s10], $0x80, s3, s10, $0xb8;
	[tilespmem:$0x1EC00] =	vst v63  }
0x30: {  	s8 =	rddreg [dreg:$0x4]  }
0x31: {  	[tilespmem:s12], [sflag:$0x2] =	stream.indirect.gather [hbm4b:s4+s10], $0x80, s8, s10, $0xb8;
	[tilespmem:$0x1EC00] =	vst v63  }
0x32: {  	s20 =	rddreg [dreg:$0x5]  }
0x33: {  	[tilespmem:s13], [sflag:$0x3] =	stream.indirect.gather [hbm4b:s4+s10], $0x80, s20, s10, $0xb8;
	[tilespmem:$0x1EC00] =	vst v63  }
0x34: {  	s24 =	rddreg [dreg:$0x6]  }
0x35: {  	[tilespmem:s14], [sflag:$0x4] =	stream.indirect.gather [hbm4b:s4+s10], $0x80, s24, s10, $0xb8;
	[tilespmem:$0x1EC00] =	vst v63  }
0x36: {  	_ =	swait.ge [sflag:s15], $0x2800  }
0x37: {  	[sflag:s15] =	ssyncset.done $0x0  }
0x38: {  	s8 =	rddreg [dreg:$0x7];
	[sflag:s15] =	ssyncadd.s32 $0xFFFFD800  }
0x39: {  	[spmem:s2] =	stream.indirect.scatter.add.f32 [tilespmem:s11], [sflag:$0x5], $0x80, s8, s10, $0xb8;
	[tilespmem:$0x1EC00] =	vst v63  }
0x3a: {  	_ =	swait.ge [sflag:s16], $0x2800  }
0x3b: {  	[sflag:s16] =	ssyncset.done $0x0  }
0x3c: {  	s20 =	rddreg [dreg:$0x8];
	[sflag:s16] =	ssyncadd.s32 $0xFFFFD800  }
0x3d: {  	[tilespmem:s11], [sflag:$0x1] =	stream.indirect.gather [hbm4b:s4+s10], $0x80, s20, s10, $0xb8;
	[tilespmem:$0x1EC00] =	vst v63  }
0x3e: {  	_ =	swait.ge [sflag:s17], $0x2800  }
0x3f: {  	[sflag:s17] =	ssyncset.done $0x0  }
0x40: {  	s24 =	rddreg [dreg:$0x9];
	[sflag:s17] =	ssyncadd.s32 $0xFFFFD800  }
0x41: {  	[spmem:s2] =	stream.indirect.scatter.add.f32 [tilespmem:s12], [sflag:$0x5], $0x80, s24, s10, $0xb8;
	[tilespmem:$0x1EC00] =	vst v63  }
0x42: {  	_ =	swait.ge [sflag:s16], $0x2800  }
0x43: {  	[sflag:s16] =	ssyncset.done $0x0  }
0x44: {  	s8 =	rddreg [dreg:$0xa];
	[sflag:s16] =	ssyncadd.s32 $0xFFFFD800  }
0x45: {  	[tilespmem:s12], [sflag:$0x2] =	stream.indirect.gather [hbm4b:s4+s10], $0x80, s8, s10, $0xb8;
	[tilespmem:$0x1EC00] =	vst v63  }
0x46: {  	_ =	swait.ge [sflag:s18], $0x2800  }
0x47: {  	[sflag:s18] =	ssyncset.done $0x0  }
0x48: {  	s20 =	rddreg [dreg:$0xb];
	[sflag:s18] =	ssyncadd.s32 $0xFFFFD800  }
0x49: {  	[spmem:s2] =	stream.indirect.scatter.add.f32 [tilespmem:s13], [sflag:$0x5], $0x80, s20, s10, $0xb8;
	[tilespmem:$0x1EC00] =	vst v63  }
0x4a: {  	_ =	swait.ge [sflag:s16], $0x2800  }
0x4b: {  	[sflag:s16] =	ssyncset.done $0x0  }
0x4c: {  	s24 =	rddreg [dreg:$0xc];
	[sflag:s16] =	ssyncadd.s32 $0xFFFFD800  }
0x4d: {  	[tilespmem:s13], [sflag:$0x3] =	stream.indirect.gather [hbm4b:s4+s10], $0x80, s24, s10, $0xb8;
	[tilespmem:$0x1EC00] =	vst v63  }
0x4e: {  	_ =	swait.ge [sflag:s19], $0x2800  }
0x4f: {  	[sflag:s19] =	ssyncset.done $0x0  }
0x50: {  	s8 =	rddreg [dreg:$0xd];
	[sflag:s19] =	ssyncadd.s32 $0xFFFFD800  }
0x51: {  	[spmem:s2] =	stream.indirect.scatter.add.f32 [tilespmem:s14], [sflag:$0x5], $0x80, s8, s10, $0xb8;
	[tilespmem:$0x1EC00] =	vst v63  }
0x52: {  	_ =	swait.ge [sflag:s16], $0x2800  }
0x53: {  	[sflag:s16] =	ssyncset.done $0x0  }
0x54: {  	s20 =	rddreg [dreg:$0xe];
	[sflag:s16] =	ssyncadd.s32 $0xFFFFD800  }
0x55: {  	[tilespmem:s14], [sflag:$0x4] =	stream.indirect.gather [hbm4b:s4+s10], $0x80, s20, s10, $0xb8;
	[tilespmem:$0x1EC00] =	vst v63  }
0x56: {  	_ =	swait.ge [sflag:s15], $0x2800  }
0x57: {  	[sflag:s15] =	ssyncset.done $0x0  }
0x58: {  	s24 =	rddreg [dreg:$0xf];
	[sflag:s15] =	ssyncadd.s32 $0xFFFFD800  }
0x59: {  	[spmem:s2] =	stream.indirect.scatter.add.f32 [tilespmem:s11], [sflag:$0x5], $0x80, s24, s10, $0xb8;
	[tilespmem:$0x1EC00] =	vst v63  }
0x5a: {  	_ =	swait.ge [sflag:s16], $0x2800  }
0x5b: {  	[sflag:s16] =	ssyncset.done $0x0  }
0x5c: {  	s8 =	rddreg [dreg:$0x10];
	[sflag:s16] =	ssyncadd.s32 $0xFFFFD800  }
0x5d: {  	[tilespmem:s11], [sflag:$0x1] =	stream.indirect.gather [hbm4b:s4+s10], $0x80, s8, s10, $0xb8;
	[tilespmem:$0x1EC00] =	vst v63  }
0x5e: {  	_ =	swait.ge [sflag:s17], $0x2800  }
0x5f: {  	[sflag:s17] =	ssyncset.done $0x0  }
0x60: {  	s20 =	rddreg [dreg:$0x11];
	[sflag:s17] =	ssyncadd.s32 $0xFFFFD800  }
0x61: {  	[spmem:s2] =	stream.indirect.scatter.add.f32 [tilespmem:s12], [sflag:$0x5], $0x80, s20, s10, $0xb8;
	[tilespmem:$0x1EC00] =	vst v63  }
0x62: {  	_ =	swait.ge [sflag:s16], $0x2800  }
0x63: {  	[sflag:s16] =	ssyncset.done $0x0  }
0x64: {  	s24 =	rddreg [dreg:$0x12];
	[sflag:s16] =	ssyncadd.s32 $0xFFFFD800  }
0x65: {  	[tilespmem:s12], [sflag:$0x2] =	stream.indirect.gather [hbm4b:s4+s10], $0x80, s24, s10, $0xb8;
	[tilespmem:$0x1EC00] =	vst v63  }
0x66: {  	_ =	swait.ge [sflag:s18], $0x2800  }
0x67: {  	[sflag:s18] =	ssyncset.done $0x0  }
0x68: {  	s8 =	rddreg [dreg:$0x13];
	[sflag:s18] =	ssyncadd.s32 $0xFFFFD800  }
0x69: {  	[spmem:s2] =	stream.indirect.scatter.add.f32 [tilespmem:s13], [sflag:$0x5], $0x80, s8, s10, $0xb8;
	[tilespmem:$0x1EC00] =	vst v63  }
0x6a: {  	_ =	swait.ge [sflag:s16], $0x2800  }
0x6b: {  	[sflag:s16] =	ssyncset.done $0x0  }
0x6c: {  	s20 =	rddreg [dreg:$0x14];
	[sflag:s16] =	ssyncadd.s32 $0xFFFFD800  }
0x6d: {  	[tilespmem:s13], [sflag:$0x3] =	stream.indirect.gather [hbm4b:s4+s10], $0x80, s20, s10, $0xb8;
	[tilespmem:$0x1EC00] =	vst v63  }
0x6e: {  	_ =	swait.ge [sflag:s19], $0x2800  }
0x6f: {  	[sflag:s19] =	ssyncset.done $0x0  }
0x70: {  	s24 =	simm.s32 $0x780;
	[sflag:s19] =	ssyncadd.s32 $0xFFFFD800  }
0x71: {  	[spmem:s2] =	stream.indirect.scatter.add.f32 [tilespmem:s14], [sflag:$0x5], $0x80, s24, s10, $0xb8;
	[tilespmem:$0x1EC00] =	vst v63  }
0x72: {  	_ =	swait.ge [sflag:s16], $0x2800  }
0x73: {  	[sflag:s16] =	ssyncset.done $0x0  }
0x74: {  	[sflag:s16] =	ssyncadd.s32 $0xFFFFD800  }
0x75: {  	[tilespmem:s14], [sflag:$0x4] =	stream.indirect.gather [hbm4b:s4+s10], $0x80, s21, s10, $0xb8;
	[tilespmem:$0x1EC00] =	vst v63  }
0x76: {  	_ =	swait.ge [sflag:s15], $0x2800  }
0x77: {  	[sflag:s15] =	ssyncset.done $0x0  }
0x78: {  	[sflag:s15] =	ssyncadd.s32 $0xFFFFD800  }
0x79: {  	[spmem:s2] =	stream.indirect.scatter.add.f32 [tilespmem:s11], [sflag:$0x5], $0x80, s22, s10, $0xb8;
	[tilespmem:$0x1EC00] =	vst v63  }
0x7a: {  	_ =	swait.ge [sflag:s16], $0x2800  }
0x7b: {  	[sflag:s16] =	ssyncset.done $0x0  }
0x7c: {  	[sflag:s16] =	ssyncadd.s32 $0xFFFFD800  }
0x7d: {  	[tilespmem:s11], [sflag:$0x1] =	stream.indirect.gather [hbm4b:s4+s10], $0x80, s23, s10, $0xb8;
	[tilespmem:$0x1EC00] =	vst v63  }
0x7e: {  	_ =	swait.ge [sflag:s17], $0x2800  }
0x7f: {  	[sflag:s17] =	ssyncset.done $0x0  }
0x80: {  	[sflag:s17] =	ssyncadd.s32 $0xFFFFD800  }
0x81: {  	[spmem:s2] =	stream.indirect.scatter.add.f32 [tilespmem:s12], [sflag:$0x5], $0x80, s25, s10, $0xb8;
	[tilespmem:$0x1EC00] =	vst v63  }
0x82: {  	_ =	swait.ge [sflag:s16], $0x2800  }
0x83: {  	[sflag:s16] =	ssyncset.done $0x0  }
0x84: {  	[sflag:s16] =	ssyncadd.s32 $0xFFFFD800  }
0x85: {  	[tilespmem:s12], [sflag:$0x2] =	stream.indirect.gather [hbm4b:s4+s10], $0x80, s26, s10, $0xb8;
	[tilespmem:$0x1EC00] =	vst v63  }
0x86: {  	_ =	swait.ge [sflag:s18], $0x2800  }
0x87: {  	[sflag:s18] =	ssyncset.done $0x0  }
0x88: {  	[sflag:s18] =	ssyncadd.s32 $0xFFFFD800  }
0x89: {  	[spmem:s2] =	stream.indirect.scatter.add.f32 [tilespmem:s13], [sflag:$0x5], $0x80, s28, s10, $0xb8;
	[tilespmem:$0x1EC00] =	vst v63  }
0x8a: {  	_ =	swait.ge [sflag:s16], $0x2800  }
0x8b: {  	[sflag:s16] =	ssyncset.done $0x0  }
0x8c: {  	[sflag:s16] =	ssyncadd.s32 $0xFFFFD800  }
0x8d: {  	[tilespmem:s13], [sflag:$0x3] =	stream.indirect.gather [hbm4b:s4+s10], $0x80, s29, s10, $0xb8;
	[tilespmem:$0x1EC00] =	vst v63  }
0x8e: {  	_ =	swait.ge [sflag:s19], $0x2800  }
0x8f: {  	[sflag:s19] =	ssyncset.done $0x0  }
0x90: {  	[sflag:s19] =	ssyncadd.s32 $0xFFFFD800  }
0x91: {  	[spmem:s2] =	stream.indirect.scatter.add.f32 [tilespmem:s14], [sflag:$0x5], $0x80, s30, s10, $0xb8;
	[tilespmem:$0x1EC00] =	vst v63  }
0x92: {  	_ =	swait.ge [sflag:s16], $0x2800  }
0x93: {  	[sflag:s16] =	ssyncset.done $0x0  }
0x94: {  	[sflag:s16] =	ssyncadd.s32 $0xFFFFD800  }
0x95: {  	[tilespmem:s14], [sflag:$0x4] =	stream.indirect.gather [hbm4b:s4+s10], $0x80, s31, s10, $0xb8;
	[tilespmem:$0x1EC00] =	vst v63  }
0x96: {  	_ =	swait.ge [sflag:s15], $0x2800  }
0x97: {  	[sflag:s15] =	ssyncset.done $0x0  }
0x98: {  	[sflag:s15] =	ssyncadd.s32 $0xFFFFD800  }
0x99: {  	[spmem:s2] =	stream.indirect.scatter.add.f32 [tilespmem:s11], [sflag:$0x5], $0x80, s0, s10, $0xb8;
	[tilespmem:$0x1EC00] =	vst v63  }
0x9a: {  	_ =	swait.ge [sflag:s17], $0x2800  }
0x9b: {  	[sflag:s17] =	ssyncset.done $0x0  }
0x9c: {  	[sflag:s17] =	ssyncadd.s32 $0xFFFFD800  }
0x9d: {  	[spmem:s2] =	stream.indirect.scatter.add.f32 [tilespmem:s12], [sflag:$0x5], $0x80, s1, s10, $0xb8;
	[tilespmem:$0x1EC00] =	vst v63  }
0x9e: {  	_ =	swait.ge [sflag:s18], $0x2800  }
0x9f: {  	[sflag:s18] =	ssyncset.done $0x0  }
0xa0: {  	[sflag:s18] =	ssyncadd.s32 $0xFFFFD800  }
0xa1: {  	[spmem:s2] =	stream.indirect.scatter.add.f32 [tilespmem:s13], [sflag:$0x5], $0x80, s5, s10, $0xb8;
	[tilespmem:$0x1EC00] =	vst v63  }
0xa2: {  	_ =	swait.ge [sflag:s19], $0x2800  }
0xa3: {  	[sflag:s19] =	ssyncset.done $0x0  }
0xa4: {  	[sflag:s19] =	ssyncadd.s32 $0xFFFFD800  }
0xa5: {  	[spmem:s2] =	stream.indirect.scatter.add.f32 [tilespmem:s14], [sflag:$0x5], $0x80, s7, s10, $0xb8;
	[tilespmem:$0x1EC00] =	vst v63  }
0xa6: {  	_ =	swait.ge [sflag:s16], $0x2800  }
0xa7: {  	[sflag:s16] =	ssyncset.done $0x0  }
0xa8: {  	[sflag:s16] =	ssyncadd.s32 $0xFFFFD800  }
0xa9: {  	_ =	swait.ge [sflag:s16], $0x2800  }
0xaa: {  	[sflag:s16] =	ssyncset.done $0x0  }
0xab: {  	[sflag:s16] =	ssyncadd.s32 $0xFFFFD800  }
0xac: {  	_ =	swait.ge [sflag:s16], $0x2800  }
0xad: {  	[sflag:s16] =	ssyncset.done $0x0  }
0xae: {  	[sflag:s16] =	ssyncadd.s32 $0xFFFFD800  }
0xaf: {  	s6 =	simm.s32 $0x200;
	_ =	swait.ge [sflag:s16], $0x2800  }
0xb0: {  	s8 =	simm.s32 $0x400;
	s24 =	rddreg [dreg:$0x3];
	[sflag:s16] =	ssyncset.done $0x0  }
.LBB2_2:
0xb1: {  	[sflag:s16] =	ssyncadd.s32 $0xFFFFD800;
	s24 =	sadd.s32 s6, s24  }
0xb2: {  	[tilespmem:s3], [sflag:$0x6] =	stream.linear.gather [hbm4b:s24+s3], $0x1000, $0x38;
	[tilespmem:$0x1EC00] =	vst v63  }
0xb3: {  	_ =	swait.ge [sflag:s9], $0x1000  }
0xb4: {  	[sflag:s9] =	ssyncset.done $0x0  }
0xb5: {  	s20 =	smov.u32 s8;
	[sflag:s9] =	ssyncadd.s32 $0xFFFFF000  }
0xb6: {  	[tilespmem:s11], [sflag:$0x1] =	stream.indirect.gather [hbm4b:s4+s10], $0x80, s3, s10, $0xb8;
	[tilespmem:$0x1EC00] =	vst v63  }
0xb7: {  	s6 =	smov.u32 s20;
	s20 =	rddreg [dreg:$0x4]  }
0xb8: {  	[tilespmem:s12], [sflag:$0x2] =	stream.indirect.gather [hbm4b:s4+s10], $0x80, s20, s10, $0xb8;
	[tilespmem:$0x1EC00] =	vst v63  }
0xb9: {  	s24 =	rddreg [dreg:$0x5]  }
0xba: {  	[tilespmem:s13], [sflag:$0x3] =	stream.indirect.gather [hbm4b:s4+s10], $0x80, s24, s10, $0xb8;
	[tilespmem:$0x1EC00] =	vst v63  }
0xbb: {  	s20 =	rddreg [dreg:$0x6]  }
0xbc: {  	[tilespmem:s14], [sflag:$0x4] =	stream.indirect.gather [hbm4b:s4+s10], $0x80, s20, s10, $0xb8;
	[tilespmem:$0x1EC00] =	vst v63  }
0xbd: {  	_ =	swait.ge [sflag:s15], $0x2800  }
0xbe: {  	[sflag:s15] =	ssyncset.done $0x0  }
0xbf: {  	s24 =	rddreg [dreg:$0x7];
	[sflag:s15] =	ssyncadd.s32 $0xFFFFD800  }
0xc0: {  	[spmem:s2] =	stream.indirect.scatter.add.f32 [tilespmem:s11], [sflag:$0x5], $0x80, s24, s10, $0xb8;
	[tilespmem:$0x1EC00] =	vst v63  }
0xc1: {  	_ =	swait.ge [sflag:s16], $0x2800  }
0xc2: {  	[sflag:s16] =	ssyncset.done $0x0  }
0xc3: {  	s24 =	rddreg [dreg:$0x8];
	[sflag:s16] =	ssyncadd.s32 $0xFFFFD800  }
0xc4: {  	[tilespmem:s11], [sflag:$0x1] =	stream.indirect.gather [hbm4b:s4+s10], $0x80, s24, s10, $0xb8;
	[tilespmem:$0x1EC00] =	vst v63  }
0xc5: {  	_ =	swait.ge [sflag:s17], $0x2800  }
0xc6: {  	[sflag:s17] =	ssyncset.done $0x0  }
0xc7: {  	s24 =	rddreg [dreg:$0x9];
	[sflag:s17] =	ssyncadd.s32 $0xFFFFD800  }
0xc8: {  	[spmem:s2] =	stream.indirect.scatter.add.f32 [tilespmem:s12], [sflag:$0x5], $0x80, s24, s10, $0xb8;
	[tilespmem:$0x1EC00] =	vst v63  }
0xc9: {  	_ =	swait.ge [sflag:s16], $0x2800  }
0xca: {  	[sflag:s16] =	ssyncset.done $0x0  }
0xcb: {  	s24 =	rddreg [dreg:$0xa];
	[sflag:s16] =	ssyncadd.s32 $0xFFFFD800  }
0xcc: {  	[tilespmem:s12], [sflag:$0x2] =	stream.indirect.gather [hbm4b:s4+s10], $0x80, s24, s10, $0xb8;
	[tilespmem:$0x1EC00] =	vst v63  }
0xcd: {  	_ =	swait.ge [sflag:s18], $0x2800  }
0xce: {  	[sflag:s18] =	ssyncset.done $0x0  }
0xcf: {  	s24 =	rddreg [dreg:$0xb];
	[sflag:s18] =	ssyncadd.s32 $0xFFFFD800  }
0xd0: {  	[spmem:s2] =	stream.indirect.scatter.add.f32 [tilespmem:s13], [sflag:$0x5], $0x80, s24, s10, $0xb8;
	[tilespmem:$0x1EC00] =	vst v63  }
0xd1: {  	_ =	swait.ge [sflag:s16], $0x2800  }
0xd2: {  	[sflag:s16] =	ssyncset.done $0x0  }
0xd3: {  	s24 =	rddreg [dreg:$0xc];
	[sflag:s16] =	ssyncadd.s32 $0xFFFFD800  }
0xd4: {  	[tilespmem:s13], [sflag:$0x3] =	stream.indirect.gather [hbm4b:s4+s10], $0x80, s24, s10, $0xb8;
	[tilespmem:$0x1EC00] =	vst v63  }
0xd5: {  	_ =	swait.ge [sflag:s19], $0x2800  }
0xd6: {  	[sflag:s19] =	ssyncset.done $0x0  }
0xd7: {  	s24 =	rddreg [dreg:$0xd];
	[sflag:s19] =	ssyncadd.s32 $0xFFFFD800  }
0xd8: {  	[spmem:s2] =	stream.indirect.scatter.add.f32 [tilespmem:s14], [sflag:$0x5], $0x80, s24, s10, $0xb8;
	[tilespmem:$0x1EC00] =	vst v63  }
0xd9: {  	_ =	swait.ge [sflag:s16], $0x2800  }
0xda: {  	[sflag:s16] =	ssyncset.done $0x0  }
0xdb: {  	s24 =	rddreg [dreg:$0xe];
	[sflag:s16] =	ssyncadd.s32 $0xFFFFD800  }
0xdc: {  	[tilespmem:s14], [sflag:$0x4] =	stream.indirect.gather [hbm4b:s4+s10], $0x80, s24, s10, $0xb8;
	[tilespmem:$0x1EC00] =	vst v63  }
0xdd: {  	_ =	swait.ge [sflag:s15], $0x2800  }
0xde: {  	[sflag:s15] =	ssyncset.done $0x0  }
0xdf: {  	s24 =	rddreg [dreg:$0xf];
	[sflag:s15] =	ssyncadd.s32 $0xFFFFD800  }
0xe0: {  	[spmem:s2] =	stream.indirect.scatter.add.f32 [tilespmem:s11], [sflag:$0x5], $0x80, s24, s10, $0xb8;
	[tilespmem:$0x1EC00] =	vst v63  }
0xe1: {  	_ =	swait.ge [sflag:s16], $0x2800  }
0xe2: {  	[sflag:s16] =	ssyncset.done $0x0  }
0xe3: {  	s24 =	rddreg [dreg:$0x10];
	[sflag:s16] =	ssyncadd.s32 $0xFFFFD800  }
0xe4: {  	[tilespmem:s11], [sflag:$0x1] =	stream.indirect.gather [hbm4b:s4+s10], $0x80, s24, s10, $0xb8;
	[tilespmem:$0x1EC00] =	vst v63  }
0xe5: {  	_ =	swait.ge [sflag:s17], $0x2800  }
0xe6: {  	[sflag:s17] =	ssyncset.done $0x0  }
0xe7: {  	s24 =	rddreg [dreg:$0x11];
	[sflag:s17] =	ssyncadd.s32 $0xFFFFD800  }
0xe8: {  	[spmem:s2] =	stream.indirect.scatter.add.f32 [tilespmem:s12], [sflag:$0x5], $0x80, s24, s10, $0xb8;
	[tilespmem:$0x1EC00] =	vst v63  }
0xe9: {  	_ =	swait.ge [sflag:s16], $0x2800  }
0xea: {  	[sflag:s16] =	ssyncset.done $0x0  }
0xeb: {  	s24 =	rddreg [dreg:$0x12];
	[sflag:s16] =	ssyncadd.s32 $0xFFFFD800  }
0xec: {  	[tilespmem:s12], [sflag:$0x2] =	stream.indirect.gather [hbm4b:s4+s10], $0x80, s24, s10, $0xb8;
	[tilespmem:$0x1EC00] =	vst v63  }
0xed: {  	_ =	swait.ge [sflag:s18], $0x2800  }
0xee: {  	[sflag:s18] =	ssyncset.done $0x0  }
0xef: {  	s24 =	rddreg [dreg:$0x13];
	[sflag:s18] =	ssyncadd.s32 $0xFFFFD800  }
0xf0: {  	[spmem:s2] =	stream.indirect.scatter.add.f32 [tilespmem:s13], [sflag:$0x5], $0x80, s24, s10, $0xb8;
	[tilespmem:$0x1EC00] =	vst v63  }
0xf1: {  	_ =	swait.ge [sflag:s16], $0x2800  }
0xf2: {  	[sflag:s16] =	ssyncset.done $0x0  }
0xf3: {  	s24 =	rddreg [dreg:$0x14];
	[sflag:s16] =	ssyncadd.s32 $0xFFFFD800  }
0xf4: {  	[tilespmem:s13], [sflag:$0x3] =	stream.indirect.gather [hbm4b:s4+s10], $0x80, s24, s10, $0xb8;
	[tilespmem:$0x1EC00] =	vst v63  }
0xf5: {  	_ =	swait.ge [sflag:s19], $0x2800  }
0xf6: {  	[sflag:s19] =	ssyncset.done $0x0  }
0xf7: {  	s24 =	simm.s32 $0x780;
	[sflag:s19] =	ssyncadd.s32 $0xFFFFD800  }
0xf8: {  	[spmem:s2] =	stream.indirect.scatter.add.f32 [tilespmem:s14], [sflag:$0x5], $0x80, s24, s10, $0xb8;
	[tilespmem:$0x1EC00] =	vst v63  }
0xf9: {  	_ =	swait.ge [sflag:s16], $0x2800  }
0xfa: {  	[sflag:s16] =	ssyncset.done $0x0  }
0xfb: {  	[sflag:s16] =	ssyncadd.s32 $0xFFFFD800  }
0xfc: {  	[tilespmem:s14], [sflag:$0x4] =	stream.indirect.gather [hbm4b:s4+s10], $0x80, s21, s10, $0xb8;
	[tilespmem:$0x1EC00] =	vst v63  }
0xfd: {  	_ =	swait.ge [sflag:s15], $0x2800  }
0xfe: {  	[sflag:s15] =	ssyncset.done $0x0  }
0xff: {  	[sflag:s15] =	ssyncadd.s32 $0xFFFFD800  }
0x100: {  	[spmem:s2] =	stream.indirect.scatter.add.f32 [tilespmem:s11], [sflag:$0x5], $0x80, s22, s10, $0xb8;
	[tilespmem:$0x1EC00] =	vst v63  }
0x101: {  	_ =	swait.ge [sflag:s16], $0x2800  }
0x102: {  	[sflag:s16] =	ssyncset.done $0x0  }
0x103: {  	[sflag:s16] =	ssyncadd.s32 $0xFFFFD800  }
0x104: {  	[tilespmem:s11], [sflag:$0x1] =	stream.indirect.gather [hbm4b:s4+s10], $0x80, s23, s10, $0xb8;
	[tilespmem:$0x1EC00] =	vst v63  }
0x105: {  	_ =	swait.ge [sflag:s17], $0x2800  }
0x106: {  	[sflag:s17] =	ssyncset.done $0x0  }
0x107: {  	[sflag:s17] =	ssyncadd.s32 $0xFFFFD800  }
0x108: {  	[spmem:s2] =	stream.indirect.scatter.add.f32 [tilespmem:s12], [sflag:$0x5], $0x80, s25, s10, $0xb8;
	[tilespmem:$0x1EC00] =	vst v63  }
0x109: {  	_ =	swait.ge [sflag:s16], $0x2800  }
0x10a: {  	[sflag:s16] =	ssyncset.done $0x0  }
0x10b: {  	[sflag:s16] =	ssyncadd.s32 $0xFFFFD800  }
0x10c: {  	[tilespmem:s12], [sflag:$0x2] =	stream.indirect.gather [hbm4b:s4+s10], $0x80, s26, s10, $0xb8;
	[tilespmem:$0x1EC00] =	vst v63  }
0x10d: {  	_ =	swait.ge [sflag:s18], $0x2800  }
0x10e: {  	[sflag:s18] =	ssyncset.done $0x0  }
0x10f: {  	[sflag:s18] =	ssyncadd.s32 $0xFFFFD800  }
0x110: {  	[spmem:s2] =	stream.indirect.scatter.add.f32 [tilespmem:s13], [sflag:$0x5], $0x80, s28, s10, $0xb8;
	[tilespmem:$0x1EC00] =	vst v63  }
0x111: {  	_ =	swait.ge [sflag:s16], $0x2800  }
0x112: {  	[sflag:s16] =	ssyncset.done $0x0  }
0x113: {  	[sflag:s16] =	ssyncadd.s32 $0xFFFFD800  }
0x114: {  	[tilespmem:s13], [sflag:$0x3] =	stream.indirect.gather [hbm4b:s4+s10], $0x80, s29, s10, $0xb8;
	[tilespmem:$0x1EC00] =	vst v63  }
0x115: {  	_ =	swait.ge [sflag:s19], $0x2800  }
0x116: {  	[sflag:s19] =	ssyncset.done $0x0  }
0x117: {  	[sflag:s19] =	ssyncadd.s32 $0xFFFFD800  }
0x118: {  	[spmem:s2] =	stream.indirect.scatter.add.f32 [tilespmem:s14], [sflag:$0x5], $0x80, s30, s10, $0xb8;
	[tilespmem:$0x1EC00] =	vst v63  }
0x119: {  	_ =	swait.ge [sflag:s16], $0x2800  }
0x11a: {  	[sflag:s16] =	ssyncset.done $0x0  }
0x11b: {  	[sflag:s16] =	ssyncadd.s32 $0xFFFFD800  }
0x11c: {  	[tilespmem:s14], [sflag:$0x4] =	stream.indirect.gather [hbm4b:s4+s10], $0x80, s31, s10, $0xb8;
	[tilespmem:$0x1EC00] =	vst v63  }
0x11d: {  	_ =	swait.ge [sflag:s15], $0x2800  }
0x11e: {  	[sflag:s15] =	ssyncset.done $0x0  }
0x11f: {  	[sflag:s15] =	ssyncadd.s32 $0xFFFFD800  }
0x120: {  	[spmem:s2] =	stream.indirect.scatter.add.f32 [tilespmem:s11], [sflag:$0x5], $0x80, s0, s10, $0xb8;
	[tilespmem:$0x1EC00] =	vst v63  }
0x121: {  	_ =	swait.ge [sflag:s17], $0x2800  }
0x122: {  	[sflag:s17] =	ssyncset.done $0x0  }
0x123: {  	[sflag:s17] =	ssyncadd.s32 $0xFFFFD800  }
0x124: {  	[spmem:s2] =	stream.indirect.scatter.add.f32 [tilespmem:s12], [sflag:$0x5], $0x80, s1, s10, $0xb8;
	[tilespmem:$0x1EC00] =	vst v63  }
0x125: {  	_ =	swait.ge [sflag:s18], $0x2800  }
0x126: {  	[sflag:s18] =	ssyncset.done $0x0  }
0x127: {  	[sflag:s18] =	ssyncadd.s32 $0xFFFFD800  }
0x128: {  	[spmem:s2] =	stream.indirect.scatter.add.f32 [tilespmem:s13], [sflag:$0x5], $0x80, s5, s10, $0xb8;
	[tilespmem:$0x1EC00] =	vst v63  }
0x129: {  	_ =	swait.ge [sflag:s19], $0x2800  }
0x12a: {  	[sflag:s19] =	ssyncset.done $0x0  }
0x12b: {  	[sflag:s19] =	ssyncadd.s32 $0xFFFFD800  }
0x12c: {  	[spmem:s2] =	stream.indirect.scatter.add.f32 [tilespmem:s14], [sflag:$0x5], $0x80, s7, s10, $0xb8;
	[tilespmem:$0x1EC00] =	vst v63  }
0x12d: {  	_ =	swait.ge [sflag:s16], $0x2800  }
0x12e: {  	[sflag:s16] =	ssyncset.done $0x0  }
0x12f: {  	[sflag:s16] =	ssyncadd.s32 $0xFFFFD800  }
0x130: {  	_ =	swait.ge [sflag:s16], $0x2800  }
0x131: {  	[sflag:s16] =	ssyncset.done $0x0  }
0x132: {  	p0 =	sne.s32 s8, $0xE00;
	[sflag:s16] =	ssyncadd.s32 $0xFFFFD800  }
.Ltmp0:
0x133: {  	_ =	swait.ge [sflag:s16], $0x2800;
	(pc) =	sbr.rel @p0 .LBB2_2-.Ltmp0, $4  }
0x134: {  	[sflag:s16] =	ssyncset.done $0x0  }
0x135: {  	[sflag:s16] =	ssyncadd.s32 $0xFFFFD800  }
0x136: {  	_ =	swait.ge [sflag:s16], $0x2800  }
0x137: {  	s8 =	sadd.s32 $0x200, s8;
	s24 =	rddreg [dreg:$0x3];
	[sflag:s16] =	ssyncset.done $0x0  }
0x138: {  	[sflag:s16] =	ssyncadd.s32 $0xFFFFD800;
	s6 =	sadd.s32 s6, s24  }
0x139: {  	[tilespmem:s3], [sflag:$0x6] =	stream.linear.gather [hbm4b:s6+s3], $0x1000, $0x38;
	[tilespmem:$0x1EC00] =	vst v63  }
0x13a: {  	_ =	swait.ge [sflag:s9], $0x1000  }
0x13b: {  	[sflag:s9] =	ssyncset.done $0x0  }
0x13c: {  	[sflag:s9] =	ssyncadd.s32 $0xFFFFF000  }
0x13d: {  	[tilespmem:s11], [sflag:$0x1] =	stream.indirect.gather [hbm4b:s4+s10], $0x80, s3, s10, $0xb8;
	[tilespmem:$0x1EC00] =	vst v63  }
0x13e: {  	s24 =	rddreg [dreg:$0x4]  }
0x13f: {  	[tilespmem:s12], [sflag:$0x2] =	stream.indirect.gather [hbm4b:s4+s10], $0x80, s24, s10, $0xb8;
	[tilespmem:$0x1EC00] =	vst v63  }
0x140: {  	s8 =	rddreg [dreg:$0x5]  }
0x141: {  	[tilespmem:s13], [sflag:$0x3] =	stream.indirect.gather [hbm4b:s4+s10], $0x80, s8, s10, $0xb8;
	[tilespmem:$0x1EC00] =	vst v63  }
0x142: {  	s20 =	rddreg [dreg:$0x6]  }
0x143: {  	[tilespmem:s14], [sflag:$0x4] =	stream.indirect.gather [hbm4b:s4+s10], $0x80, s20, s10, $0xb8;
	[tilespmem:$0x1EC00] =	vst v63  }
0x144: {  	_ =	swait.ge [sflag:s15], $0x2800  }
0x145: {  	[sflag:s15] =	ssyncset.done $0x0  }
0x146: {  	s24 =	rddreg [dreg:$0x7];
	[sflag:s15] =	ssyncadd.s32 $0xFFFFD800  }
0x147: {  	[spmem:s2] =	stream.indirect.scatter.add.f32 [tilespmem:s11], [sflag:$0x5], $0x80, s24, s10, $0xb8;
	[tilespmem:$0x1EC00] =	vst v63  }
0x148: {  	_ =	swait.ge [sflag:s16], $0x2800  }
0x149: {  	[sflag:s16] =	ssyncset.done $0x0  }
0x14a: {  	s8 =	rddreg [dreg:$0x8];
	[sflag:s16] =	ssyncadd.s32 $0xFFFFD800  }
0x14b: {  	[tilespmem:s11], [sflag:$0x1] =	stream.indirect.gather [hbm4b:s4+s10], $0x80, s8, s10, $0xb8;
	[tilespmem:$0x1EC00] =	vst v63  }
0x14c: {  	_ =	swait.ge [sflag:s17], $0x2800  }
0x14d: {  	[sflag:s17] =	ssyncset.done $0x0  }
0x14e: {  	s20 =	rddreg [dreg:$0x9];
	[sflag:s17] =	ssyncadd.s32 $0xFFFFD800  }
0x14f: {  	[spmem:s2] =	stream.indirect.scatter.add.f32 [tilespmem:s12], [sflag:$0x5], $0x80, s20, s10, $0xb8;
	[tilespmem:$0x1EC00] =	vst v63  }
0x150: {  	_ =	swait.ge [sflag:s16], $0x2800  }
0x151: {  	[sflag:s16] =	ssyncset.done $0x0  }
0x152: {  	s24 =	rddreg [dreg:$0xa];
	[sflag:s16] =	ssyncadd.s32 $0xFFFFD800  }
0x153: {  	[tilespmem:s12], [sflag:$0x2] =	stream.indirect.gather [hbm4b:s4+s10], $0x80, s24, s10, $0xb8;
	[tilespmem:$0x1EC00] =	vst v63  }
0x154: {  	_ =	swait.ge [sflag:s18], $0x2800  }
0x155: {  	[sflag:s18] =	ssyncset.done $0x0  }
0x156: {  	s8 =	rddreg [dreg:$0xb];
	[sflag:s18] =	ssyncadd.s32 $0xFFFFD800  }
0x157: {  	[spmem:s2] =	stream.indirect.scatter.add.f32 [tilespmem:s13], [sflag:$0x5], $0x80, s8, s10, $0xb8;
	[tilespmem:$0x1EC00] =	vst v63  }
0x158: {  	_ =	swait.ge [sflag:s16], $0x2800  }
0x159: {  	[sflag:s16] =	ssyncset.done $0x0  }
0x15a: {  	s20 =	rddreg [dreg:$0xc];
	[sflag:s16] =	ssyncadd.s32 $0xFFFFD800  }
0x15b: {  	[tilespmem:s13], [sflag:$0x3] =	stream.indirect.gather [hbm4b:s4+s10], $0x80, s20, s10, $0xb8;
	[tilespmem:$0x1EC00] =	vst v63  }
0x15c: {  	_ =	swait.ge [sflag:s19], $0x2800  }
0x15d: {  	[sflag:s19] =	ssyncset.done $0x0  }
0x15e: {  	s24 =	rddreg [dreg:$0xd];
	[sflag:s19] =	ssyncadd.s32 $0xFFFFD800  }
0x15f: {  	[spmem:s2] =	stream.indirect.scatter.add.f32 [tilespmem:s14], [sflag:$0x5], $0x80, s24, s10, $0xb8;
	[tilespmem:$0x1EC00] =	vst v63  }
0x160: {  	_ =	swait.ge [sflag:s16], $0x2800  }
0x161: {  	[sflag:s16] =	ssyncset.done $0x0  }
0x162: {  	s8 =	rddreg [dreg:$0xe];
	[sflag:s16] =	ssyncadd.s32 $0xFFFFD800  }
0x163: {  	[tilespmem:s14], [sflag:$0x4] =	stream.indirect.gather [hbm4b:s4+s10], $0x80, s8, s10, $0xb8;
	[tilespmem:$0x1EC00] =	vst v63  }
0x164: {  	_ =	swait.ge [sflag:s15], $0x2800  }
0x165: {  	[sflag:s15] =	ssyncset.done $0x0  }
0x166: {  	s20 =	rddreg [dreg:$0xf];
	[sflag:s15] =	ssyncadd.s32 $0xFFFFD800  }
0x167: {  	[spmem:s2] =	stream.indirect.scatter.add.f32 [tilespmem:s11], [sflag:$0x5], $0x80, s20, s10, $0xb8;
	[tilespmem:$0x1EC00] =	vst v63  }
0x168: {  	_ =	swait.ge [sflag:s16], $0x2800  }
0x169: {  	[sflag:s16] =	ssyncset.done $0x0  }
0x16a: {  	s24 =	rddreg [dreg:$0x10];
	[sflag:s16] =	ssyncadd.s32 $0xFFFFD800  }
0x16b: {  	[tilespmem:s11], [sflag:$0x1] =	stream.indirect.gather [hbm4b:s4+s10], $0x80, s24, s10, $0xb8;
	[tilespmem:$0x1EC00] =	vst v63  }
0x16c: {  	_ =	swait.ge [sflag:s17], $0x2800  }
0x16d: {  	[sflag:s17] =	ssyncset.done $0x0  }
0x16e: {  	s8 =	rddreg [dreg:$0x11];
	[sflag:s17] =	ssyncadd.s32 $0xFFFFD800  }
0x16f: {  	[spmem:s2] =	stream.indirect.scatter.add.f32 [tilespmem:s12], [sflag:$0x5], $0x80, s8, s10, $0xb8;
	[tilespmem:$0x1EC00] =	vst v63  }
0x170: {  	_ =	swait.ge [sflag:s16], $0x2800  }
0x171: {  	[sflag:s16] =	ssyncset.done $0x0  }
0x172: {  	s20 =	rddreg [dreg:$0x12];
	[sflag:s16] =	ssyncadd.s32 $0xFFFFD800  }
0x173: {  	[tilespmem:s12], [sflag:$0x2] =	stream.indirect.gather [hbm4b:s4+s10], $0x80, s20, s10, $0xb8;
	[tilespmem:$0x1EC00] =	vst v63  }
0x174: {  	_ =	swait.ge [sflag:s18], $0x2800  }
0x175: {  	[sflag:s18] =	ssyncset.done $0x0  }
0x176: {  	s24 =	rddreg [dreg:$0x13];
	[sflag:s18] =	ssyncadd.s32 $0xFFFFD800  }
0x177: {  	[spmem:s2] =	stream.indirect.scatter.add.f32 [tilespmem:s13], [sflag:$0x5], $0x80, s24, s10, $0xb8;
	[tilespmem:$0x1EC00] =	vst v63  }
0x178: {  	_ =	swait.ge [sflag:s16], $0x2800  }
0x179: {  	[sflag:s16] =	ssyncset.done $0x0  }
0x17a: {  	s8 =	rddreg [dreg:$0x14];
	[sflag:s16] =	ssyncadd.s32 $0xFFFFD800  }
0x17b: {  	[tilespmem:s13], [sflag:$0x3] =	stream.indirect.gather [hbm4b:s4+s10], $0x80, s8, s10, $0xb8;
	[tilespmem:$0x1EC00] =	vst v63  }
0x17c: {  	_ =	swait.ge [sflag:s19], $0x2800  }
0x17d: {  	[sflag:s19] =	ssyncset.done $0x0  }
0x17e: {  	s20 =	simm.s32 $0x780;
	[sflag:s19] =	ssyncadd.s32 $0xFFFFD800  }
0x17f: {  	[spmem:s2] =	stream.indirect.scatter.add.f32 [tilespmem:s14], [sflag:$0x5], $0x80, s20, s10, $0xb8;
	[tilespmem:$0x1EC00] =	vst v63  }
0x180: {  	_ =	swait.ge [sflag:s16], $0x2800  }
0x181: {  	[sflag:s16] =	ssyncset.done $0x0  }
0x182: {  	[sflag:s16] =	ssyncadd.s32 $0xFFFFD800  }
0x183: {  	[tilespmem:s14], [sflag:$0x4] =	stream.indirect.gather [hbm4b:s4+s10], $0x80, s21, s10, $0xb8;
	[tilespmem:$0x1EC00] =	vst v63  }
0x184: {  	_ =	swait.ge [sflag:s15], $0x2800  }
0x185: {  	[sflag:s15] =	ssyncset.done $0x0  }
0x186: {  	[sflag:s15] =	ssyncadd.s32 $0xFFFFD800  }
0x187: {  	[spmem:s2] =	stream.indirect.scatter.add.f32 [tilespmem:s11], [sflag:$0x5], $0x80, s22, s10, $0xb8;
	[tilespmem:$0x1EC00] =	vst v63  }
0x188: {  	_ =	swait.ge [sflag:s16], $0x2800  }
0x189: {  	[sflag:s16] =	ssyncset.done $0x0  }
0x18a: {  	[sflag:s16] =	ssyncadd.s32 $0xFFFFD800  }
0x18b: {  	[tilespmem:s11], [sflag:$0x1] =	stream.indirect.gather [hbm4b:s4+s10], $0x80, s23, s10, $0xb8;
	[tilespmem:$0x1EC00] =	vst v63  }
0x18c: {  	_ =	swait.ge [sflag:s17], $0x2800  }
0x18d: {  	[sflag:s17] =	ssyncset.done $0x0  }
0x18e: {  	[sflag:s17] =	ssyncadd.s32 $0xFFFFD800  }
0x18f: {  	[spmem:s2] =	stream.indirect.scatter.add.f32 [tilespmem:s12], [sflag:$0x5], $0x80, s25, s10, $0xb8;
	[tilespmem:$0x1EC00] =	vst v63  }
0x190: {  	_ =	swait.ge [sflag:s16], $0x2800  }
0x191: {  	[sflag:s16] =	ssyncset.done $0x0  }
0x192: {  	[sflag:s16] =	ssyncadd.s32 $0xFFFFD800  }
0x193: {  	[tilespmem:s12], [sflag:$0x2] =	stream.indirect.gather [hbm4b:s4+s10], $0x80, s26, s10, $0xb8;
	[tilespmem:$0x1EC00] =	vst v63  }
0x194: {  	_ =	swait.ge [sflag:s18], $0x2800  }
0x195: {  	[sflag:s18] =	ssyncset.done $0x0  }
0x196: {  	[sflag:s18] =	ssyncadd.s32 $0xFFFFD800  }
0x197: {  	[spmem:s2] =	stream.indirect.scatter.add.f32 [tilespmem:s13], [sflag:$0x5], $0x80, s28, s10, $0xb8;
	[tilespmem:$0x1EC00] =	vst v63  }
0x198: {  	_ =	swait.ge [sflag:s16], $0x2800  }
0x199: {  	[sflag:s16] =	ssyncset.done $0x0  }
0x19a: {  	[sflag:s16] =	ssyncadd.s32 $0xFFFFD800  }
0x19b: {  	[tilespmem:s13], [sflag:$0x3] =	stream.indirect.gather [hbm4b:s4+s10], $0x80, s29, s10, $0xb8;
	[tilespmem:$0x1EC00] =	vst v63  }
0x19c: {  	_ =	swait.ge [sflag:s19], $0x2800  }
0x19d: {  	[sflag:s19] =	ssyncset.done $0x0  }
0x19e: {  	[sflag:s19] =	ssyncadd.s32 $0xFFFFD800  }
0x19f: {  	[spmem:s2] =	stream.indirect.scatter.add.f32 [tilespmem:s14], [sflag:$0x5], $0x80, s30, s10, $0xb8;
	[tilespmem:$0x1EC00] =	vst v63  }
0x1a0: {  	_ =	swait.ge [sflag:s16], $0x2800  }
0x1a1: {  	[sflag:s16] =	ssyncset.done $0x0  }
0x1a2: {  	[sflag:s16] =	ssyncadd.s32 $0xFFFFD800  }
0x1a3: {  	[tilespmem:s14], [sflag:$0x4] =	stream.indirect.gather [hbm4b:s4+s10], $0x80, s31, s10, $0xb8;
	[tilespmem:$0x1EC00] =	vst v63  }
0x1a4: {  	_ =	swait.ge [sflag:s15], $0x2800  }
0x1a5: {  	[sflag:s15] =	ssyncset.done $0x0  }
0x1a6: {  	[sflag:s15] =	ssyncadd.s32 $0xFFFFD800  }
0x1a7: {  	[spmem:s2] =	stream.indirect.scatter.add.f32 [tilespmem:s11], [sflag:$0x5], $0x80, s0, s10, $0xb8;
	[tilespmem:$0x1EC00] =	vst v63  }
0x1a8: {  	_ =	swait.ge [sflag:s17], $0x2800  }
0x1a9: {  	[sflag:s17] =	ssyncset.done $0x0  }
0x1aa: {  	[sflag:s17] =	ssyncadd.s32 $0xFFFFD800  }
0x1ab: {  	[spmem:s2] =	stream.indirect.scatter.add.f32 [tilespmem:s12], [sflag:$0x5], $0x80, s1, s10, $0xb8;
	[tilespmem:$0x1EC00] =	vst v63  }
0x1ac: {  	_ =	swait.ge [sflag:s18], $0x2800  }
0x1ad: {  	[sflag:s18] =	ssyncset.done $0x0  }
0x1ae: {  	[sflag:s18] =	ssyncadd.s32 $0xFFFFD800  }
0x1af: {  	[spmem:s2] =	stream.indirect.scatter.add.f32 [tilespmem:s13], [sflag:$0x5], $0x80, s5, s10, $0xb8;
	[tilespmem:$0x1EC00] =	vst v63  }
0x1b0: {  	_ =	swait.ge [sflag:s19], $0x2800  }
0x1b1: {  	[sflag:s19] =	ssyncset.done $0x0  }
0x1b2: {  	[sflag:s19] =	ssyncadd.s32 $0xFFFFD800  }
0x1b3: {  	[spmem:s2] =	stream.indirect.scatter.add.f32 [tilespmem:s14], [sflag:$0x5], $0x80, s7, s10, $0xb8;
	[tilespmem:$0x1EC00] =	vst v63  }
0x1b4: {  	_ =	swait.ge [sflag:s16], $0x2800  }
0x1b5: {  	[sflag:s16] =	ssyncset.done $0x0  }
0x1b6: {  	[sflag:s16] =	ssyncadd.s32 $0xFFFFD800  }
0x1b7: {  	_ =	swait.ge [sflag:s16], $0x2800  }
0x1b8: {  	[sflag:s16] =	ssyncset.done $0x0  }
0x1b9: {  	[sflag:s16] =	ssyncadd.s32 $0xFFFFD800  }
0x1ba: {  	_ =	swait.ge [sflag:s16], $0x2800  }
0x1bb: {  	[sflag:s16] =	ssyncset.done $0x0  }
0x1bc: {  	[sflag:s16] =	ssyncadd.s32 $0xFFFFD800  }
0x1bd: {  	_ =	swait.ge [sflag:s16], $0x2800  }
0x1be: {  	[sflag:s16] =	ssyncset.done $0x0  }
0x1bf: {  	[sflag:s16] =	ssyncadd.s32 $0xFFFFD800  }
0x1c0: {  	[bflag:$0x0] =	sbarrier.arrive $0xFFFF  }
0x1c1: {  	s20 =	rddreg [dreg:$0x16]  }
0x1c2: {  	s8 =	rddreg [dreg:$0x18]  }
0x1c3: {  	s24 =	rddreg [dreg:$0x19]  }
0x1c4: {  	[hbm:s24], [sflag:s20] =	dma.local [spmem:s8], $0x2780  }
0x1c5: {  	_ =	swait.ge [sflag:s9], $0x2780  }
0x1c6: {  	s6 =	rddreg [dreg:$0x1a]  }
0x1c7: {  	s24 =	sadd.s32 $0x1, s6;
	s6 =	rddreg [dreg:$0x17]  }
0x1c8: {  	p0 =	sne.s32 s24, s6  }
.Ltmp1:
0x1c9: {  	_ = 	snop;
	(pc) =	sbr.rel @p0 .LBB2_1-.Ltmp1, $3  }
0x1ca: {  	_ =	sdelay $0x1  }
0x1cb: {  	[sflag:s9] =	ssyncset.done $0x0  }
0x1cc: {  	[sflag:s9] =	ssyncadd.s32 $0xFFFFD880  }
0x1cd: {  	_ =	sfence.sel $0x180000  }
0x1ce: {  	[bflag:$0x0] =	sbarrier.arrive $0xFFFF  }
0x1cf: {  	_ =	strace $0x9000004A  }
0x1d0: {  	s0 =	stileid.u32;
	[bflag:$0x2] =	sbarrier.arrive $0xFFFF  }
0x1d1: {  	p0 =	sne.s32 s0, $0x0;
	s0 =	rddreg [dreg:$0x2]  }
0x1d2: {  	s0 =	sadd.s32 @!p0 $0x100000, s0  }
0x1d3: {  	[sflag:s0] =	ssyncadd.tile.s32 @!p0 $0x1;
	_ =	shalt  }
.Lfunc_end2:
_tile_overlayer_lowered:
.L_overlay_start_2:
0x1d4: {  	(tag) =	ssettag $0x2  }
0x1d5: {  	s0 =	rddreg [dreg:$0x0];
	s2 =	stileid.u32  }
0x1d6: {  	s1 =	rddreg [dreg:$0x1];
	p0 =	sne.s32 s2, $0x0  }
0x1d7: {  	s3 =	rddreg [dreg:$0x2];
	[bflag:$0x3] =	sbarrier.arrive $0xFFFF;
	s2 =	simm.s32 @!p0 $0x1C06  }
0x1d8: {  	[timem:s3], [sflag:s2] =	dma.local @!p0 [hbm:s0], s1  }
0x1d9: {  	s0 =	simm.s32 @!p0 $0x6  }
0x1da: {  	_ =	swait.ge @!p0 [sflag:s0], s1  }
0x1db: {  	s1 =	ssub.s32 @!p0 $0x0, s1;
	[sflag:s0] =	ssyncset.done @!p0 $0x0  }
0x1dc: {  	[sflag:s0] =	ssyncadd.s32 @!p0 s1  }
0x1dd: {  	[bflag:$0x3] =	sbarrier.arrive $0xFFFF  }
0x1de: {  	_ =	shalt  }

// kernel: kernel.17.cloned.1.call-start
scs
__scs_entry_jumppad:
0x0: {  	(pc) =	sbr.rel $0x88, $3  }
0x1: {  	(tag) =	ssettag $0x0;
	lr =	simm.s32 $0x1  }
0x2: {  	[smem:$0x3F94] =	sst lr;
	_ =	strace $0xD0000000  }
0x3: {  	_ = 	snop  }
0x4: {  	_ = 	snop  }
0x5: {  	_ = 	snop  }
0x6: {  	_ = 	snop  }
0x7: {  	_ = 	snop  }
__scs_overlays_trampoline_lowered:
0x8: {  	[smem:$0x3FA3] =	sst s0  }
0x9: {  	[smem:$0x3FA4] =	sst s1  }
0xa: {  	[smem:$0x3FA5] =	sst s2  }
0xb: {  	[smem:$0x3FA6] =	sst s3  }
0xc: {  	[smem:$0x3FA7] =	sst s4  }
0xd: {  	[smem:$0x3FA8] =	sst s5  }
0xe: {  	[smem:$0x3FA9] =	sst s6  }
0xf: {  	[smem:$0x3FAA] =	sst s7  }
0x10: {  	[smem:$0x3FAB] =	sst s8  }
0x11: {  	[smem:$0x3FAC] =	sst s9;
	s0 =	simm.s32 @!p0 $0x0  }
0x12: {  	s1 =	sld [smem:$0x3F92];
	s0 =	simm.s32 @p0 $0x1  }
0x13: {  	[smem:$0x3FAD] =	sst s0;
	s0 =	simm.s32 @!p1 $0x0  }
0x14: {  	s2 =	sld [smem:$0x3F91];
	s0 =	simm.s32 @p1 $0x1  }
0x15: {  	[smem:$0x3FAE] =	sst s0;
	s0 =	simm.s32 @!p2 $0x0  }
0x16: {  	s3 =	sld [smem:$0x3FDB];
	s0 =	simm.s32 @p2 $0x1  }
0x17: {  	s4 =	simm.s32 $0x1BF5;
	[smem:$0x3FB0] =	sst s0  }
0x18: {  	s0 =	sld [smem:$0x3F93];
	_ =	swait.ge [sflag:s4], $0x0  }
0x19: {  	s7 =	sld [smem:$0x3F94]  }
0x1a: {  	s8 =	sadd.s32 $0xFFFFE003, lr  }
0x1b: {  	s9 =	sadd.s32 $0xFFFFFEF7, lr;
	s5 =	simm.s32 $0xFFFFFFFF;
	p2 =	slt.u32 s8, $0xFFFFF086  }
0x1c: {  	p1 =	slt.u32 s9, $0xF7A;
	s5 =	simm.s32 @!p2 $0x0  }
0x1d: {  	s5 =	simm.s32 @p1 $0x1;
	p0 =	seq.s32 s7, s2  }
0x1e: {  	s7 =	smul.u32 @!p0 $0xF7A, s2;
	p2 =	seq.s32 @!p0 s5, $0x0  }
0x1f: {  	s9 =	smul.u32 $0xF7A, s1;
	s8 =	simm.s32 @!p0 $0x1BF5;
	p2 =	por !p2, p0  }
0x20: {  	[sflag:s8] =	ssyncset.s32 @!p0 $0xFFFFF086;
	s6 =	sadd.s32 @!p0 s3, s7;
	s7 =	simm.s32 @!p0 $0x108  }
0x21: {  	s3 =	sadd.s32 s3, s9;
	s6 =	sadd.s32 @!p0 $0x88, s6;
	s7 =	simm.s32 @p2 $0x1082  }
0x22: {  	[simem:s7], [sflag:s8] =	dma.local @!p0 [hbm:s6], $0xF7A  }
0x23: {  	s9 =	sor.u32 $0xD0000000, s2;
	s6 =	simm.s32 $0x108;
	_ =	swait.ge @!p0 [sflag:s8], $0x0  }
0x24: {  	s3 =	sadd.s32 $0x88, s3;
	s6 =	simm.s32 @!p1 $0x1082;
	[sflag:s4] =	ssyncset.s32 $0xFFFFF086  }
0x25: {  	[simem:s6], [sflag:s4] =	dma.local [hbm:s3], $0xF7A  }
0x26: {  	[smem:$0x3F94] =	sst s1;
	(tag) =	ssettag s2;
	_ =	strace s9  }
0x27: {  	s1 =	sld [smem:$0x3FA4]  }
0x28: {  	s2 =	sld [smem:$0x3FA5]  }
0x29: {  	s4 =	sld [smem:$0x3FA7]  }
0x2a: {  	p0 =	seq.s32 s5, $0x0;
	s5 =	sld [smem:$0x3FA8]  }
0x2b: {  	s6 =	sld [smem:$0x3FA9]  }
0x2c: {  	s7 =	sld [smem:$0x3FAA]  }
0x2d: {  	s3 =	simm.s32 $0x108;
	s8 =	sld [smem:$0x3FAB]  }
0x2e: {  	s3 =	simm.s32 @!p0 $0x1082;
	s9 =	sld [smem:$0x3FAC]  }
0x2f: {  	lr =	sadd.s32 s0, s3;
	s0 =	sld [smem:$0x3FA3]  }
0x30: {  	s3 =	sld [smem:$0x3FA6]  }
0x31: {  	[smem:$0x3FAF] =	sst s10  }
0x32: {  	s10 =	sld [smem:$0x3FAD];
	_ =	sdelay $0x3  }
0x33: {  	p0 =	seq.s32 s10, $0x1;
	s10 =	sld [smem:$0x3FAF];
	_ =	sdelay $0x3  }
0x34: {  	[smem:$0x3FAF] =	sst s10  }
0x35: {  	s10 =	sld [smem:$0x3FAE];
	_ =	sdelay $0x3  }
0x36: {  	p1 =	seq.s32 s10, $0x1;
	s10 =	sld [smem:$0x3FAF];
	_ =	sdelay $0x3  }
0x37: {  	[smem:$0x3FAF] =	sst s10  }
0x38: {  	s10 =	sld [smem:$0x3FB0]  }
0x39: {  	_ = 	snop;
	(pc) =	sbr.ind lr, $3  }
0x3a: {  	_ = 	snop  }
0x3b: {  	_ = 	snop  }
0x3c: {  	p2 =	seq.s32 s10, $0x1;
	s10 =	sld [smem:$0x3FAF]  }
0x3d: {  	_ =	shalt  }
0x3e: {  	_ =	shalt  }
0x3f: {  	_ =	shalt  }
0x40: {  	_ =	shalt  }
0x41: {  	_ =	shalt  }
0x42: {  	_ =	shalt  }
0x43: {  	_ =	shalt  }
0x44: {  	_ =	shalt  }
0x45: {  	_ =	shalt  }
0x46: {  	_ =	shalt  }
0x47: {  	_ =	shalt  }
0x48: {  	_ =	shalt  }
0x49: {  	_ =	shalt  }
0x4a: {  	_ =	shalt  }
0x4b: {  	_ =	shalt  }
0x4c: {  	_ =	shalt  }
0x4d: {  	_ =	shalt  }
0x4e: {  	_ =	shalt  }
0x4f: {  	_ =	shalt  }
0x50: {  	_ =	shalt  }
0x51: {  	_ =	shalt  }
0x52: {  	_ =	shalt  }
0x53: {  	_ =	shalt  }
0x54: {  	_ =	shalt  }
0x55: {  	_ =	shalt  }
0x56: {  	_ =	shalt  }
0x57: {  	_ =	shalt  }
0x58: {  	_ =	shalt  }
0x59: {  	_ =	shalt  }
0x5a: {  	_ =	shalt  }
0x5b: {  	_ =	shalt  }
0x5c: {  	_ =	shalt  }
0x5d: {  	_ =	shalt  }
0x5e: {  	_ =	shalt  }
0x5f: {  	_ =	shalt  }
0x60: {  	_ =	shalt  }
0x61: {  	_ =	shalt  }
0x62: {  	_ =	shalt  }
0x63: {  	_ =	shalt  }
0x64: {  	_ =	shalt  }
0x65: {  	_ =	shalt  }
0x66: {  	_ =	shalt  }
0x67: {  	_ =	shalt  }
0x68: {  	_ =	shalt  }
0x69: {  	_ =	shalt  }
0x6a: {  	_ =	shalt  }
0x6b: {  	_ =	shalt  }
0x6c: {  	_ =	shalt  }
0x6d: {  	_ =	shalt  }
0x6e: {  	_ =	shalt  }
0x6f: {  	_ =	shalt  }
0x70: {  	_ =	shalt  }
0x71: {  	_ =	shalt  }
0x72: {  	_ =	shalt  }
0x73: {  	_ =	shalt  }
0x74: {  	_ =	shalt  }
0x75: {  	_ =	shalt  }
0x76: {  	_ =	shalt  }
0x77: {  	_ =	shalt  }
0x78: {  	_ =	shalt  }
0x79: {  	_ =	shalt  }
0x7a: {  	_ =	shalt  }
0x7b: {  	_ =	shalt  }
0x7c: {  	_ =	shalt  }
0x7d: {  	_ =	shalt  }
0x7e: {  	_ =	shalt  }
0x7f: {  	_ =	shalt  }
0x80: {  	_ =	shalt  }
0x81: {  	_ =	shalt  }
0x82: {  	_ =	shalt  }
0x83: {  	_ =	shalt  }
0x84: {  	_ =	shalt  }
0x85: {  	_ =	shalt  }
0x86: {  	_ =	shalt  }
0x87: {  	_ =	shalt  }
.Lfunc_end0:
.L_simem_size_0:
called_computation.2_lowered:
.L_overlay_start_0:
0x88: {  	s2 =	sld [smem:$0x3FD9]  }
0x89: {  	s3 =	sld [smem:$0x3FFE];
	_ =	sdelay $0x1  }
0x8a: {  	s1 =	srdreg.scid  }
0x8b: {  	s0 =	sand.u32 $0x1, s1  }
0x8c: {  	s16 =	sshll.u32 s0, $0xA;
	s2 =	sadd.s32 s3, s2  }
0x8d: {  	s2 =	sadd.s32 s2, s16  }
0x8e: {  	[smem:$0x3FBB] =	sst s2  }
0x8f: {  	_ = 	snop  }
0x90: {  	(tm) =	ssettm $0x1  }
0x91: {  	s17 =	sld [smem:$0x3FFB];
	_ =	sdelay $0x3  }
0x92: {  	_ =	strace s17  }
0x93: {  	s2 =	sld [smem:$0x3FFC];
	_ =	sdelay $0x3  }
0x94: {  	_ =	strace s2  }
0x95: {  	s2 =	sld [smem:$0x3FFD];
	_ =	sdelay $0x3  }
0x96: {  	_ =	strace s2  }
0x97: {  	_ =	strace $0x8FFFFFFF  }
0x98: {  	s18 =	sld [smem:$0x3FDB];
	_ =	sdelay $0x1  }
0x99: {  	s19 =	simm.s32 $_scs_section_size  }
0x9a: {  	s4 =	simm.s32 $_size__tile_overlayer_lowered;
	s5 =	simm.s32 $_tile_overlayer_lowered  }
0x9b: {  	s22 =	simm.s32 $0x1BFF;
	s21 =	sshll.u32 s5, $0x1;
	s2 =	sadd.s32 s19, s18  }
0x9c: {  	s6 =	simm.s32 $0x0;
	s20 =	sshll.u32 s4, $0x1;
	s4 =	sadd.s32 s21, s2  }
0x9d: {  	[timem:s6], [sflag:s22] =	dma.local [hbm:s4], s20  }
0x9e: {  	_ =	swait.ge [sflag:s22], s20  }
0x9f: {  	s3 =	ssub.s32 $0x0, s20;
	[sflag:s22] =	ssyncset.done $0x0  }
0xa0: {  	[sflag:s22] =	ssyncadd.s32 s3;
	_ =	sdelay $0x1  }
0xa1: {  	s23 =	simm.s32 $0x1B8B  }
0xa2: {  	_ =	swait.ge [sflag:s23], $0x1  }
0xa3: {  	[sflag:s23] =	ssyncset.done $0x0  }
0xa4: {  	s25 =	simm.s32 $0x1B8E;
	s24 =	sld [smem:$0x3FFE];
	[sflag:s23] =	ssyncadd.s32 $0xFFFFFFFF  }
0xa5: {  	s26 =	simm.s32 $execute0_lowered;
	[smem:$0x3FD2] =	sst s25  }
0xa6: {  	s4 =	sshll.u32 s26, $0x1;
	_ =	strace $0x8000004C;
	[dreg:$0x1] =	wrdreg $0xFFFFFFFF  }
0xa7: {  	s28 =	simm.s32 $_size_execute0_lowered;
	s2 =	sadd.s32 s2, s4;
	[dreg:$0x0] =	wrdreg $0x0  }
0xa8: {  	s4 =	sshll.u32 s28, $0x1;
	[dreg:$0x2] =	wrdreg s2  }
0xa9: {  	[dreg:$0x3] =	wrdreg s4  }
0xaa: {  	[dreg:$0x4] =	wrdreg $0xC0  }
0xab: {  	_ =	task [dreg:s6], $0x5FFFF  }
0xac: {  	[dreg:$0x1] =	wrdreg $0xFFFFFFFF  }
0xad: {  	[dreg:$0x0] =	wrdreg $0x60  }
0xae: {  	[dreg:$0x2] =	wrdreg s24  }
0xaf: {  	[dreg:$0x3] =	wrdreg $0xB0000  }
0xb0: {  	[dreg:$0x4] =	wrdreg $0x9  }
0xb1: {  	_ =	task.clear_ibuf [dreg:s6], $0x5FFFF;
	_ =	strace $0x9000004C  }
0xb2: {  	s29 =	simm.s32 $0x9;
	_ =	strace $0x8000004E  }
0xb3: {  	_ =	swait.ge [sflag:s29], $0x1  }
0xb4: {  	[sflag:s29] =	ssyncadd.s32 $0xFFFFFFFF  }
0xb5: {  	_ =	strace $0x9000004E  }
0xb6: {  	_ =	sfence  }
0xb7: {  	s30 =	sld [smem:$0x0];
	_ =	sdelay $0x2  }
0xb8: {  	s31 =	sshll.u32 s1, $0xD;
	s1 =	sshrl.u32 s1, $0x2  }
0xb9: {  	s3 =	sand.u32 $0x4000, s31;
	s1 =	sadd.s32 s1, s30  }
0xba: {  	s0 =	sor.u32 s3, s0;
	s1 =	sshll.u32 s1, $0x11  }
0xbb: {  	s0 =	sor.u32 s1, s0  }
0xbc: {  	s0 =	sadd.s32 $0x8F2B, s0  }
0xbd: {  	[sflag:s0] =	ssyncadd.remote.s32 $0x1  }
0xbe: {  	_ =	sfence.sel $0xFFFF  }
0xbf: {  	[dreg:$0x0] =	wrdreg $0xFFFFFFFF;
	(pc) =	sbr.abs _section_cstart, $3  }
0xc0: {  	[dreg:$0x1] =	wrdreg $0xFFFFFFFF  }
0xc1: {  	_ =	task.clear_ibuf [dreg:s6], $0x2FFFF;
	_ =	strace $0x9FFFFFFF  }
0xc2: {  	(tm) =	ssettm $0x7FFFFFFF  }
0xc3: {  	_ =	shalt  }
tec
execute0_lowered:
.L_overlay_start_1:
0x0: {  	(tag) =	ssettag $0x1  }
0x1: {  	s1 =	rddreg [dreg:$0x0]  }
0x2: {  	s2 =	rddreg [dreg:$0x1];
	s3 =	simm.s32 $0x0  }
0x3: {  	s11 =	stileid.u32;
	s5 =	srdreg.scid;
	s26 =	simm.s32 $0x100  }
0x4: {  	s12 =	simm.s32 $0x80;
	s13 =	simm.s32 $0x400;
	s14 =	simm.s32 $0x180  }
0x5: {  	s15 =	simm.s32 $0x500;
	s16 =	simm.s32 $0x280;
	s17 =	simm.s32 $0x600  }
0x6: {  	s18 =	simm.s32 $0x380;
	s19 =	simm.s32 $0x700;
	[smem:$0x7FF] =	sst s3  }
0x7: {  	s21 =	simm.s32 $0x480;
	_ =	strace $0x8000004D;
	[dreg:$0x4] =	wrdreg s26  }
0x8: {  	s22 =	simm.s32 $0x800;
	s28 =	simm.s32 $0xA80;
	[dreg:$0x7] =	wrdreg s12  }
0x9: {  	s29 =	simm.s32 $0xE00;
	s30 =	simm.s32 $0xB80;
	[dreg:$0x8] =	wrdreg s13  }
0xa: {  	s31 =	simm.s32 $0xF00;
	s0 =	smul.u32 $0x2780, s11;
	[dreg:$0x9] =	wrdreg s14  }
0xb: {  	s4 =	sadd.s32 $0x37200, s1;
	s6 =	sshll.u32 s11, $0xD;
	[dreg:$0xa] =	wrdreg s15  }
0xc: {  	s5 =	sand.u32 $0x1, s5;
	s10 =	smul.u32 $0x4F000, s11;
	[dreg:$0xb] =	wrdreg s16  }
0xd: {  	s6 =	sadd.s32 s6, s1;
	s8 =	smul.u32 $0x27800, s5;
	[dreg:$0xc] =	wrdreg s17  }
0xe: {  	s9 =	ssub.s32 $0x2, s5;
	s5 =	sshll.u32 s5, $0xC;
	[dreg:$0xd] =	wrdreg s18  }
0xf: {  	s12 =	simm.s32 $0x3800;
	s13 =	simm.s32 $0x6000;
	[dreg:$0xe] =	wrdreg s19  }
0x10: {  	s14 =	simm.s32 $0x8800;
	[dreg:$0xf] =	wrdreg s21;
	s15 =	simm.s32 $0x1  }
0x11: {  	[dreg:$0x10] =	wrdreg s22;
	s16 =	simm.s32 $0x5;
	s17 =	simm.s32 $0x2  }
0x12: {  	s18 =	simm.s32 $0x3;
	s26 =	simm.s32 $0xA00;
	s19 =	simm.s32 $0x4  }
0x13: {  	s21 =	simm.s32 $0xB00;
	s22 =	simm.s32 $0x880;
	s7 =	sadd.s32 s0, s1  }
0x14: {  	s23 =	sshrl.u32 s9, $0x1;
	s5 =	sadd.s32 s5, s6;
	s25 =	sshrl.u32 s10, $0x2  }
0x15: {  	s10 =	sshll.u32 s11, $0x6;
	s11 =	simm.s32 $0x300;
	[dreg:$0x14] =	wrdreg s26  }
0x16: {  	s26 =	simm.s32 $0xD00;
	s1 =	sadd.s32 s8, s1;
	s24 =	ssub.s32 s9, s23  }
0x17: {  	s5 =	sadd.s32 $0x17200, s5;
	s8 =	sadd.s32 s25, s2;
	[dreg:$0x6] =	wrdreg s11  }
0x18: {  	s7 =	sadd.s32 $0x5E400, s7;
	s9 =	simm.s32 $0x200;
	[dreg:$0x3] =	wrdreg s5  }
0x19: {  	s20 =	sor.u32 $0x1C06, s10;
	s10 =	simm.s32 $0x50;
	[dreg:$0x15] =	wrdreg s7  }
0x1a: {  	s11 =	simm.s32 $0x1000;
	s23 =	simm.s32 $0x580;
	[dreg:$0x5] =	wrdreg s9  }
0x1b: {  	s25 =	simm.s32 $0x680;
	s1 =	sadd.s32 $0x85C00, s1;
	[dreg:$0x11] =	wrdreg s23  }
0x1c: {  	s6 =	smax.u32 s24, $0x1;
	s8 =	sshrl.u32 s8, $0x3;
	[dreg:$0x13] =	wrdreg s25  }
0x1d: {  	s9 =	simm.s32 $0x6;
	s24 =	simm.s32 $0x900;
	[dreg:$0x16] =	wrdreg s20  }
0x1e: {  	s23 =	simm.s32 $0xC00;
	s25 =	simm.s32 $0x980;
	[dreg:$0x17] =	wrdreg s6  }
0x1f: {  	s5 =	simm.s32 $0xE80;
	s7 =	simm.s32 $0xF80;
	[dreg:$0x12] =	wrdreg s24  }
0x20: {  	s0 =	sadd.s32 s0, s1;
	s1 =	simm.s32 $0xD80;
	[dreg:$0x18] =	wrdreg s8  }
0x21: {  	s24 =	simm.s32 $0x0;
	[dreg:$0x19] =	wrdreg s0;
	s0 =	simm.s32 $0xC80  }
.LBB2_1:
0x22: {  	[dreg:$0x1a] =	wrdreg s24  }
0x23: {  	s6 =	rddreg [dreg:$0x15]  }
0x24: {  	[spmem:s8], [sflag:s20] =	dma.local [hbm:s6], $0x2780  }
0x25: {  	_ =	swait.ge [sflag:s9], $0x2780  }
0x26: {  	[sflag:s9] =	ssyncset.done $0x0  }
0x27: {  	[sflag:s9] =	ssyncadd.s32 $0xFFFFD880  }
0x28: {  	[bflag:$0x0] =	sbarrier.arrive $0xFFFF  }
0x29: {  	s24 =	rddreg [dreg:$0x3]  }
0x2a: {  	s6 =	sadd.s32 $0x0, s24  }
0x2b: {  	[tilespmem:s3], [sflag:$0x6] =	stream.linear.gather [hbm4b:s6+s3], $0x1000, $0x38;
	[tilespmem:$0x1EC00] =	vst v63  }
0x2c: {  	_ =	swait.ge [sflag:s9], $0x1000  }
0x2d: {  	[sflag:s9] =	ssyncset.done $0x0  }
0x2e: {  	[sflag:s9] =	ssyncadd.s32 $0xFFFFF000  }
0x2f: {  	[tilespmem:s11], [sflag:$0x1] =	stream.indirect.gather [hbm4b:s4+s10], $0x80, s3, s10, $0xb8;
	[tilespmem:$0x1EC00] =	vst v63  }
0x30: {  	s8 =	rddreg [dreg:$0x4]  }
0x31: {  	[tilespmem:s12], [sflag:$0x2] =	stream.indirect.gather [hbm4b:s4+s10], $0x80, s8, s10, $0xb8;
	[tilespmem:$0x1EC00] =	vst v63  }
0x32: {  	s20 =	rddreg [dreg:$0x5]  }
0x33: {  	[tilespmem:s13], [sflag:$0x3] =	stream.indirect.gather [hbm4b:s4+s10], $0x80, s20, s10, $0xb8;
	[tilespmem:$0x1EC00] =	vst v63  }
0x34: {  	s24 =	rddreg [dreg:$0x6]  }
0x35: {  	[tilespmem:s14], [sflag:$0x4] =	stream.indirect.gather [hbm4b:s4+s10], $0x80, s24, s10, $0xb8;
	[tilespmem:$0x1EC00] =	vst v63  }
0x36: {  	_ =	swait.ge [sflag:s15], $0x2800  }
0x37: {  	[sflag:s15] =	ssyncset.done $0x0  }
0x38: {  	s8 =	rddreg [dreg:$0x7];
	[sflag:s15] =	ssyncadd.s32 $0xFFFFD800  }
0x39: {  	[spmem:s2] =	stream.indirect.scatter.add.f32 [tilespmem:s11], [sflag:$0x5], $0x80, s8, s10, $0xb8;
	[tilespmem:$0x1EC00] =	vst v63  }
0x3a: {  	_ =	swait.ge [sflag:s16], $0x2800  }
0x3b: {  	[sflag:s16] =	ssyncset.done $0x0  }
0x3c: {  	s20 =	rddreg [dreg:$0x8];
	[sflag:s16] =	ssyncadd.s32 $0xFFFFD800  }
0x3d: {  	[tilespmem:s11], [sflag:$0x1] =	stream.indirect.gather [hbm4b:s4+s10], $0x80, s20, s10, $0xb8;
	[tilespmem:$0x1EC00] =	vst v63  }
0x3e: {  	_ =	swait.ge [sflag:s17], $0x2800  }
0x3f: {  	[sflag:s17] =	ssyncset.done $0x0  }
0x40: {  	s24 =	rddreg [dreg:$0x9];
	[sflag:s17] =	ssyncadd.s32 $0xFFFFD800  }
0x41: {  	[spmem:s2] =	stream.indirect.scatter.add.f32 [tilespmem:s12], [sflag:$0x5], $0x80, s24, s10, $0xb8;
	[tilespmem:$0x1EC00] =	vst v63  }
0x42: {  	_ =	swait.ge [sflag:s16], $0x2800  }
0x43: {  	[sflag:s16] =	ssyncset.done $0x0  }
0x44: {  	s8 =	rddreg [dreg:$0xa];
	[sflag:s16] =	ssyncadd.s32 $0xFFFFD800  }
0x45: {  	[tilespmem:s12], [sflag:$0x2] =	stream.indirect.gather [hbm4b:s4+s10], $0x80, s8, s10, $0xb8;
	[tilespmem:$0x1EC00] =	vst v63  }
0x46: {  	_ =	swait.ge [sflag:s18], $0x2800  }
0x47: {  	[sflag:s18] =	ssyncset.done $0x0  }
0x48: {  	s20 =	rddreg [dreg:$0xb];
	[sflag:s18] =	ssyncadd.s32 $0xFFFFD800  }
0x49: {  	[spmem:s2] =	stream.indirect.scatter.add.f32 [tilespmem:s13], [sflag:$0x5], $0x80, s20, s10, $0xb8;
	[tilespmem:$0x1EC00] =	vst v63  }
0x4a: {  	_ =	swait.ge [sflag:s16], $0x2800  }
0x4b: {  	[sflag:s16] =	ssyncset.done $0x0  }
0x4c: {  	s24 =	rddreg [dreg:$0xc];
	[sflag:s16] =	ssyncadd.s32 $0xFFFFD800  }
0x4d: {  	[tilespmem:s13], [sflag:$0x3] =	stream.indirect.gather [hbm4b:s4+s10], $0x80, s24, s10, $0xb8;
	[tilespmem:$0x1EC00] =	vst v63  }
0x4e: {  	_ =	swait.ge [sflag:s19], $0x2800  }
0x4f: {  	[sflag:s19] =	ssyncset.done $0x0  }
0x50: {  	s8 =	rddreg [dreg:$0xd];
	[sflag:s19] =	ssyncadd.s32 $0xFFFFD800  }
0x51: {  	[spmem:s2] =	stream.indirect.scatter.add.f32 [tilespmem:s14], [sflag:$0x5], $0x80, s8, s10, $0xb8;
	[tilespmem:$0x1EC00] =	vst v63  }
0x52: {  	_ =	swait.ge [sflag:s16], $0x2800  }
0x53: {  	[sflag:s16] =	ssyncset.done $0x0  }
0x54: {  	s20 =	rddreg [dreg:$0xe];
	[sflag:s16] =	ssyncadd.s32 $0xFFFFD800  }
0x55: {  	[tilespmem:s14], [sflag:$0x4] =	stream.indirect.gather [hbm4b:s4+s10], $0x80, s20, s10, $0xb8;
	[tilespmem:$0x1EC00] =	vst v63  }
0x56: {  	_ =	swait.ge [sflag:s15], $0x2800  }
0x57: {  	[sflag:s15] =	ssyncset.done $0x0  }
0x58: {  	s24 =	rddreg [dreg:$0xf];
	[sflag:s15] =	ssyncadd.s32 $0xFFFFD800  }
0x59: {  	[spmem:s2] =	stream.indirect.scatter.add.f32 [tilespmem:s11], [sflag:$0x5], $0x80, s24, s10, $0xb8;
	[tilespmem:$0x1EC00] =	vst v63  }
0x5a: {  	_ =	swait.ge [sflag:s16], $0x2800  }
0x5b: {  	[sflag:s16] =	ssyncset.done $0x0  }
0x5c: {  	s8 =	rddreg [dreg:$0x10];
	[sflag:s16] =	ssyncadd.s32 $0xFFFFD800  }
0x5d: {  	[tilespmem:s11], [sflag:$0x1] =	stream.indirect.gather [hbm4b:s4+s10], $0x80, s8, s10, $0xb8;
	[tilespmem:$0x1EC00] =	vst v63  }
0x5e: {  	_ =	swait.ge [sflag:s17], $0x2800  }
0x5f: {  	[sflag:s17] =	ssyncset.done $0x0  }
0x60: {  	s20 =	rddreg [dreg:$0x11];
	[sflag:s17] =	ssyncadd.s32 $0xFFFFD800  }
0x61: {  	[spmem:s2] =	stream.indirect.scatter.add.f32 [tilespmem:s12], [sflag:$0x5], $0x80, s20, s10, $0xb8;
	[tilespmem:$0x1EC00] =	vst v63  }
0x62: {  	_ =	swait.ge [sflag:s16], $0x2800  }
0x63: {  	[sflag:s16] =	ssyncset.done $0x0  }
0x64: {  	s24 =	rddreg [dreg:$0x12];
	[sflag:s16] =	ssyncadd.s32 $0xFFFFD800  }
0x65: {  	[tilespmem:s12], [sflag:$0x2] =	stream.indirect.gather [hbm4b:s4+s10], $0x80, s24, s10, $0xb8;
	[tilespmem:$0x1EC00] =	vst v63  }
0x66: {  	_ =	swait.ge [sflag:s18], $0x2800  }
0x67: {  	[sflag:s18] =	ssyncset.done $0x0  }
0x68: {  	s8 =	rddreg [dreg:$0x13];
	[sflag:s18] =	ssyncadd.s32 $0xFFFFD800  }
0x69: {  	[spmem:s2] =	stream.indirect.scatter.add.f32 [tilespmem:s13], [sflag:$0x5], $0x80, s8, s10, $0xb8;
	[tilespmem:$0x1EC00] =	vst v63  }
0x6a: {  	_ =	swait.ge [sflag:s16], $0x2800  }
0x6b: {  	[sflag:s16] =	ssyncset.done $0x0  }
0x6c: {  	s20 =	rddreg [dreg:$0x14];
	[sflag:s16] =	ssyncadd.s32 $0xFFFFD800  }
0x6d: {  	[tilespmem:s13], [sflag:$0x3] =	stream.indirect.gather [hbm4b:s4+s10], $0x80, s20, s10, $0xb8;
	[tilespmem:$0x1EC00] =	vst v63  }
0x6e: {  	_ =	swait.ge [sflag:s19], $0x2800  }
0x6f: {  	[sflag:s19] =	ssyncset.done $0x0  }
0x70: {  	s24 =	simm.s32 $0x780;
	[sflag:s19] =	ssyncadd.s32 $0xFFFFD800  }
0x71: {  	[spmem:s2] =	stream.indirect.scatter.add.f32 [tilespmem:s14], [sflag:$0x5], $0x80, s24, s10, $0xb8;
	[tilespmem:$0x1EC00] =	vst v63  }
0x72: {  	_ =	swait.ge [sflag:s16], $0x2800  }
0x73: {  	[sflag:s16] =	ssyncset.done $0x0  }
0x74: {  	[sflag:s16] =	ssyncadd.s32 $0xFFFFD800  }
0x75: {  	[tilespmem:s14], [sflag:$0x4] =	stream.indirect.gather [hbm4b:s4+s10], $0x80, s21, s10, $0xb8;
	[tilespmem:$0x1EC00] =	vst v63  }
0x76: {  	_ =	swait.ge [sflag:s15], $0x2800  }
0x77: {  	[sflag:s15] =	ssyncset.done $0x0  }
0x78: {  	[sflag:s15] =	ssyncadd.s32 $0xFFFFD800  }
0x79: {  	[spmem:s2] =	stream.indirect.scatter.add.f32 [tilespmem:s11], [sflag:$0x5], $0x80, s22, s10, $0xb8;
	[tilespmem:$0x1EC00] =	vst v63  }
0x7a: {  	_ =	swait.ge [sflag:s16], $0x2800  }
0x7b: {  	[sflag:s16] =	ssyncset.done $0x0  }
0x7c: {  	[sflag:s16] =	ssyncadd.s32 $0xFFFFD800  }
0x7d: {  	[tilespmem:s11], [sflag:$0x1] =	stream.indirect.gather [hbm4b:s4+s10], $0x80, s23, s10, $0xb8;
	[tilespmem:$0x1EC00] =	vst v63  }
0x7e: {  	_ =	swait.ge [sflag:s17], $0x2800  }
0x7f: {  	[sflag:s17] =	ssyncset.done $0x0  }
0x80: {  	[sflag:s17] =	ssyncadd.s32 $0xFFFFD800  }
0x81: {  	[spmem:s2] =	stream.indirect.scatter.add.f32 [tilespmem:s12], [sflag:$0x5], $0x80, s25, s10, $0xb8;
	[tilespmem:$0x1EC00] =	vst v63  }
0x82: {  	_ =	swait.ge [sflag:s16], $0x2800  }
0x83: {  	[sflag:s16] =	ssyncset.done $0x0  }
0x84: {  	[sflag:s16] =	ssyncadd.s32 $0xFFFFD800  }
0x85: {  	[tilespmem:s12], [sflag:$0x2] =	stream.indirect.gather [hbm4b:s4+s10], $0x80, s26, s10, $0xb8;
	[tilespmem:$0x1EC00] =	vst v63  }
0x86: {  	_ =	swait.ge [sflag:s18], $0x2800  }
0x87: {  	[sflag:s18] =	ssyncset.done $0x0  }
0x88: {  	[sflag:s18] =	ssyncadd.s32 $0xFFFFD800  }
0x89: {  	[spmem:s2] =	stream.indirect.scatter.add.f32 [tilespmem:s13], [sflag:$0x5], $0x80, s28, s10, $0xb8;
	[tilespmem:$0x1EC00] =	vst v63  }
0x8a: {  	_ =	swait.ge [sflag:s16], $0x2800  }
0x8b: {  	[sflag:s16] =	ssyncset.done $0x0  }
0x8c: {  	[sflag:s16] =	ssyncadd.s32 $0xFFFFD800  }
0x8d: {  	[tilespmem:s13], [sflag:$0x3] =	stream.indirect.gather [hbm4b:s4+s10], $0x80, s29, s10, $0xb8;
	[tilespmem:$0x1EC00] =	vst v63  }
0x8e: {  	_ =	swait.ge [sflag:s19], $0x2800  }
0x8f: {  	[sflag:s19] =	ssyncset.done $0x0  }
0x90: {  	[sflag:s19] =	ssyncadd.s32 $0xFFFFD800  }
0x91: {  	[spmem:s2] =	stream.indirect.scatter.add.f32 [tilespmem:s14], [sflag:$0x5], $0x80, s30, s10, $0xb8;
	[tilespmem:$0x1EC00] =	vst v63  }
0x92: {  	_ =	swait.ge [sflag:s16], $0x2800  }
0x93: {  	[sflag:s16] =	ssyncset.done $0x0  }
0x94: {  	[sflag:s16] =	ssyncadd.s32 $0xFFFFD800  }
0x95: {  	[tilespmem:s14], [sflag:$0x4] =	stream.indirect.gather [hbm4b:s4+s10], $0x80, s31, s10, $0xb8;
	[tilespmem:$0x1EC00] =	vst v63  }
0x96: {  	_ =	swait.ge [sflag:s15], $0x2800  }
0x97: {  	[sflag:s15] =	ssyncset.done $0x0  }
0x98: {  	[sflag:s15] =	ssyncadd.s32 $0xFFFFD800  }
0x99: {  	[spmem:s2] =	stream.indirect.scatter.add.f32 [tilespmem:s11], [sflag:$0x5], $0x80, s0, s10, $0xb8;
	[tilespmem:$0x1EC00] =	vst v63  }
0x9a: {  	_ =	swait.ge [sflag:s17], $0x2800  }
0x9b: {  	[sflag:s17] =	ssyncset.done $0x0  }
0x9c: {  	[sflag:s17] =	ssyncadd.s32 $0xFFFFD800  }
0x9d: {  	[spmem:s2] =	stream.indirect.scatter.add.f32 [tilespmem:s12], [sflag:$0x5], $0x80, s1, s10, $0xb8;
	[tilespmem:$0x1EC00] =	vst v63  }
0x9e: {  	_ =	swait.ge [sflag:s18], $0x2800  }
0x9f: {  	[sflag:s18] =	ssyncset.done $0x0  }
0xa0: {  	[sflag:s18] =	ssyncadd.s32 $0xFFFFD800  }
0xa1: {  	[spmem:s2] =	stream.indirect.scatter.add.f32 [tilespmem:s13], [sflag:$0x5], $0x80, s5, s10, $0xb8;
	[tilespmem:$0x1EC00] =	vst v63  }
0xa2: {  	_ =	swait.ge [sflag:s19], $0x2800  }
0xa3: {  	[sflag:s19] =	ssyncset.done $0x0  }
0xa4: {  	[sflag:s19] =	ssyncadd.s32 $0xFFFFD800  }
0xa5: {  	[spmem:s2] =	stream.indirect.scatter.add.f32 [tilespmem:s14], [sflag:$0x5], $0x80, s7, s10, $0xb8;
	[tilespmem:$0x1EC00] =	vst v63  }
0xa6: {  	_ =	swait.ge [sflag:s16], $0x2800  }
0xa7: {  	[sflag:s16] =	ssyncset.done $0x0  }
0xa8: {  	[sflag:s16] =	ssyncadd.s32 $0xFFFFD800  }
0xa9: {  	_ =	swait.ge [sflag:s16], $0x2800  }
0xaa: {  	[sflag:s16] =	ssyncset.done $0x0  }
0xab: {  	[sflag:s16] =	ssyncadd.s32 $0xFFFFD800  }
0xac: {  	_ =	swait.ge [sflag:s16], $0x2800  }
0xad: {  	[sflag:s16] =	ssyncset.done $0x0  }
0xae: {  	[sflag:s16] =	ssyncadd.s32 $0xFFFFD800  }
0xaf: {  	s6 =	simm.s32 $0x200;
	_ =	swait.ge [sflag:s16], $0x2800  }
0xb0: {  	s8 =	simm.s32 $0x400;
	s24 =	rddreg [dreg:$0x3];
	[sflag:s16] =	ssyncset.done $0x0  }
.LBB2_2:
0xb1: {  	[sflag:s16] =	ssyncadd.s32 $0xFFFFD800;
	s24 =	sadd.s32 s6, s24  }
0xb2: {  	[tilespmem:s3], [sflag:$0x6] =	stream.linear.gather [hbm4b:s24+s3], $0x1000, $0x38;
	[tilespmem:$0x1EC00] =	vst v63  }
0xb3: {  	_ =	swait.ge [sflag:s9], $0x1000  }
0xb4: {  	[sflag:s9] =	ssyncset.done $0x0  }
0xb5: {  	s20 =	smov.u32 s8;
	[sflag:s9] =	ssyncadd.s32 $0xFFFFF000  }
0xb6: {  	[tilespmem:s11], [sflag:$0x1] =	stream.indirect.gather [hbm4b:s4+s10], $0x80, s3, s10, $0xb8;
	[tilespmem:$0x1EC00] =	vst v63  }
0xb7: {  	s6 =	smov.u32 s20;
	s20 =	rddreg [dreg:$0x4]  }
0xb8: {  	[tilespmem:s12], [sflag:$0x2] =	stream.indirect.gather [hbm4b:s4+s10], $0x80, s20, s10, $0xb8;
	[tilespmem:$0x1EC00] =	vst v63  }
0xb9: {  	s24 =	rddreg [dreg:$0x5]  }
0xba: {  	[tilespmem:s13], [sflag:$0x3] =	stream.indirect.gather [hbm4b:s4+s10], $0x80, s24, s10, $0xb8;
	[tilespmem:$0x1EC00] =	vst v63  }
0xbb: {  	s20 =	rddreg [dreg:$0x6]  }
0xbc: {  	[tilespmem:s14], [sflag:$0x4] =	stream.indirect.gather [hbm4b:s4+s10], $0x80, s20, s10, $0xb8;
	[tilespmem:$0x1EC00] =	vst v63  }
0xbd: {  	_ =	swait.ge [sflag:s15], $0x2800  }
0xbe: {  	[sflag:s15] =	ssyncset.done $0x0  }
0xbf: {  	s24 =	rddreg [dreg:$0x7];
	[sflag:s15] =	ssyncadd.s32 $0xFFFFD800  }
0xc0: {  	[spmem:s2] =	stream.indirect.scatter.add.f32 [tilespmem:s11], [sflag:$0x5], $0x80, s24, s10, $0xb8;
	[tilespmem:$0x1EC00] =	vst v63  }
0xc1: {  	_ =	swait.ge [sflag:s16], $0x2800  }
0xc2: {  	[sflag:s16] =	ssyncset.done $0x0  }
0xc3: {  	s24 =	rddreg [dreg:$0x8];
	[sflag:s16] =	ssyncadd.s32 $0xFFFFD800  }
0xc4: {  	[tilespmem:s11], [sflag:$0x1] =	stream.indirect.gather [hbm4b:s4+s10], $0x80, s24, s10, $0xb8;
	[tilespmem:$0x1EC00] =	vst v63  }
0xc5: {  	_ =	swait.ge [sflag:s17], $0x2800  }
0xc6: {  	[sflag:s17] =	ssyncset.done $0x0  }
0xc7: {  	s24 =	rddreg [dreg:$0x9];
	[sflag:s17] =	ssyncadd.s32 $0xFFFFD800  }
0xc8: {  	[spmem:s2] =	stream.indirect.scatter.add.f32 [tilespmem:s12], [sflag:$0x5], $0x80, s24, s10, $0xb8;
	[tilespmem:$0x1EC00] =	vst v63  }
0xc9: {  	_ =	swait.ge [sflag:s16], $0x2800  }
0xca: {  	[sflag:s16] =	ssyncset.done $0x0  }
0xcb: {  	s24 =	rddreg [dreg:$0xa];
	[sflag:s16] =	ssyncadd.s32 $0xFFFFD800  }
0xcc: {  	[tilespmem:s12], [sflag:$0x2] =	stream.indirect.gather [hbm4b:s4+s10], $0x80, s24, s10, $0xb8;
	[tilespmem:$0x1EC00] =	vst v63  }
0xcd: {  	_ =	swait.ge [sflag:s18], $0x2800  }
0xce: {  	[sflag:s18] =	ssyncset.done $0x0  }
0xcf: {  	s24 =	rddreg [dreg:$0xb];
	[sflag:s18] =	ssyncadd.s32 $0xFFFFD800  }
0xd0: {  	[spmem:s2] =	stream.indirect.scatter.add.f32 [tilespmem:s13], [sflag:$0x5], $0x80, s24, s10, $0xb8;
	[tilespmem:$0x1EC00] =	vst v63  }
0xd1: {  	_ =	swait.ge [sflag:s16], $0x2800  }
0xd2: {  	[sflag:s16] =	ssyncset.done $0x0  }
0xd3: {  	s24 =	rddreg [dreg:$0xc];
	[sflag:s16] =	ssyncadd.s32 $0xFFFFD800  }
0xd4: {  	[tilespmem:s13], [sflag:$0x3] =	stream.indirect.gather [hbm4b:s4+s10], $0x80, s24, s10, $0xb8;
	[tilespmem:$0x1EC00] =	vst v63  }
0xd5: {  	_ =	swait.ge [sflag:s19], $0x2800  }
0xd6: {  	[sflag:s19] =	ssyncset.done $0x0  }
0xd7: {  	s24 =	rddreg [dreg:$0xd];
	[sflag:s19] =	ssyncadd.s32 $0xFFFFD800  }
0xd8: {  	[spmem:s2] =	stream.indirect.scatter.add.f32 [tilespmem:s14], [sflag:$0x5], $0x80, s24, s10, $0xb8;
	[tilespmem:$0x1EC00] =	vst v63  }
0xd9: {  	_ =	swait.ge [sflag:s16], $0x2800  }
0xda: {  	[sflag:s16] =	ssyncset.done $0x0  }
0xdb: {  	s24 =	rddreg [dreg:$0xe];
	[sflag:s16] =	ssyncadd.s32 $0xFFFFD800  }
0xdc: {  	[tilespmem:s14], [sflag:$0x4] =	stream.indirect.gather [hbm4b:s4+s10], $0x80, s24, s10, $0xb8;
	[tilespmem:$0x1EC00] =	vst v63  }
0xdd: {  	_ =	swait.ge [sflag:s15], $0x2800  }
0xde: {  	[sflag:s15] =	ssyncset.done $0x0  }
0xdf: {  	s24 =	rddreg [dreg:$0xf];
	[sflag:s15] =	ssyncadd.s32 $0xFFFFD800  }
0xe0: {  	[spmem:s2] =	stream.indirect.scatter.add.f32 [tilespmem:s11], [sflag:$0x5], $0x80, s24, s10, $0xb8;
	[tilespmem:$0x1EC00] =	vst v63  }
0xe1: {  	_ =	swait.ge [sflag:s16], $0x2800  }
0xe2: {  	[sflag:s16] =	ssyncset.done $0x0  }
0xe3: {  	s24 =	rddreg [dreg:$0x10];
	[sflag:s16] =	ssyncadd.s32 $0xFFFFD800  }
0xe4: {  	[tilespmem:s11], [sflag:$0x1] =	stream.indirect.gather [hbm4b:s4+s10], $0x80, s24, s10, $0xb8;
	[tilespmem:$0x1EC00] =	vst v63  }
0xe5: {  	_ =	swait.ge [sflag:s17], $0x2800  }
0xe6: {  	[sflag:s17] =	ssyncset.done $0x0  }
0xe7: {  	s24 =	rddreg [dreg:$0x11];
	[sflag:s17] =	ssyncadd.s32 $0xFFFFD800  }
0xe8: {  	[spmem:s2] =	stream.indirect.scatter.add.f32 [tilespmem:s12], [sflag:$0x5], $0x80, s24, s10, $0xb8;
	[tilespmem:$0x1EC00] =	vst v63  }
0xe9: {  	_ =	swait.ge [sflag:s16], $0x2800  }
0xea: {  	[sflag:s16] =	ssyncset.done $0x0  }
0xeb: {  	s24 =	rddreg [dreg:$0x12];
	[sflag:s16] =	ssyncadd.s32 $0xFFFFD800  }
0xec: {  	[tilespmem:s12], [sflag:$0x2] =	stream.indirect.gather [hbm4b:s4+s10], $0x80, s24, s10, $0xb8;
	[tilespmem:$0x1EC00] =	vst v63  }
0xed: {  	_ =	swait.ge [sflag:s18], $0x2800  }
0xee: {  	[sflag:s18] =	ssyncset.done $0x0  }
0xef: {  	s24 =	rddreg [dreg:$0x13];
	[sflag:s18] =	ssyncadd.s32 $0xFFFFD800  }
0xf0: {  	[spmem:s2] =	stream.indirect.scatter.add.f32 [tilespmem:s13], [sflag:$0x5], $0x80, s24, s10, $0xb8;
	[tilespmem:$0x1EC00] =	vst v63  }
0xf1: {  	_ =	swait.ge [sflag:s16], $0x2800  }
0xf2: {  	[sflag:s16] =	ssyncset.done $0x0  }
0xf3: {  	s24 =	rddreg [dreg:$0x14];
	[sflag:s16] =	ssyncadd.s32 $0xFFFFD800  }
0xf4: {  	[tilespmem:s13], [sflag:$0x3] =	stream.indirect.gather [hbm4b:s4+s10], $0x80, s24, s10, $0xb8;
	[tilespmem:$0x1EC00] =	vst v63  }
0xf5: {  	_ =	swait.ge [sflag:s19], $0x2800  }
0xf6: {  	[sflag:s19] =	ssyncset.done $0x0  }
0xf7: {  	s24 =	simm.s32 $0x780;
	[sflag:s19] =	ssyncadd.s32 $0xFFFFD800  }
0xf8: {  	[spmem:s2] =	stream.indirect.scatter.add.f32 [tilespmem:s14], [sflag:$0x5], $0x80, s24, s10, $0xb8;
	[tilespmem:$0x1EC00] =	vst v63  }
0xf9: {  	_ =	swait.ge [sflag:s16], $0x2800  }
0xfa: {  	[sflag:s16] =	ssyncset.done $0x0  }
0xfb: {  	[sflag:s16] =	ssyncadd.s32 $0xFFFFD800  }
0xfc: {  	[tilespmem:s14], [sflag:$0x4] =	stream.indirect.gather [hbm4b:s4+s10], $0x80, s21, s10, $0xb8;
	[tilespmem:$0x1EC00] =	vst v63  }
0xfd: {  	_ =	swait.ge [sflag:s15], $0x2800  }
0xfe: {  	[sflag:s15] =	ssyncset.done $0x0  }
0xff: {  	[sflag:s15] =	ssyncadd.s32 $0xFFFFD800  }
0x100: {  	[spmem:s2] =	stream.indirect.scatter.add.f32 [tilespmem:s11], [sflag:$0x5], $0x80, s22, s10, $0xb8;
	[tilespmem:$0x1EC00] =	vst v63  }
0x101: {  	_ =	swait.ge [sflag:s16], $0x2800  }
0x102: {  	[sflag:s16] =	ssyncset.done $0x0  }
0x103: {  	[sflag:s16] =	ssyncadd.s32 $0xFFFFD800  }
0x104: {  	[tilespmem:s11], [sflag:$0x1] =	stream.indirect.gather [hbm4b:s4+s10], $0x80, s23, s10, $0xb8;
	[tilespmem:$0x1EC00] =	vst v63  }
0x105: {  	_ =	swait.ge [sflag:s17], $0x2800  }
0x106: {  	[sflag:s17] =	ssyncset.done $0x0  }
0x107: {  	[sflag:s17] =	ssyncadd.s32 $0xFFFFD800  }
0x108: {  	[spmem:s2] =	stream.indirect.scatter.add.f32 [tilespmem:s12], [sflag:$0x5], $0x80, s25, s10, $0xb8;
	[tilespmem:$0x1EC00] =	vst v63  }
0x109: {  	_ =	swait.ge [sflag:s16], $0x2800  }
0x10a: {  	[sflag:s16] =	ssyncset.done $0x0  }
0x10b: {  	[sflag:s16] =	ssyncadd.s32 $0xFFFFD800  }
0x10c: {  	[tilespmem:s12], [sflag:$0x2] =	stream.indirect.gather [hbm4b:s4+s10], $0x80, s26, s10, $0xb8;
	[tilespmem:$0x1EC00] =	vst v63  }
0x10d: {  	_ =	swait.ge [sflag:s18], $0x2800  }
0x10e: {  	[sflag:s18] =	ssyncset.done $0x0  }
0x10f: {  	[sflag:s18] =	ssyncadd.s32 $0xFFFFD800  }
0x110: {  	[spmem:s2] =	stream.indirect.scatter.add.f32 [tilespmem:s13], [sflag:$0x5], $0x80, s28, s10, $0xb8;
	[tilespmem:$0x1EC00] =	vst v63  }
0x111: {  	_ =	swait.ge [sflag:s16], $0x2800  }
0x112: {  	[sflag:s16] =	ssyncset.done $0x0  }
0x113: {  	[sflag:s16] =	ssyncadd.s32 $0xFFFFD800  }
0x114: {  	[tilespmem:s13], [sflag:$0x3] =	stream.indirect.gather [hbm4b:s4+s10], $0x80, s29, s10, $0xb8;
	[tilespmem:$0x1EC00] =	vst v63  }
0x115: {  	_ =	swait.ge [sflag:s19], $0x2800  }
0x116: {  	[sflag:s19] =	ssyncset.done $0x0  }
0x117: {  	[sflag:s19] =	ssyncadd.s32 $0xFFFFD800  }
0x118: {  	[spmem:s2] =	stream.indirect.scatter.add.f32 [tilespmem:s14], [sflag:$0x5], $0x80, s30, s10, $0xb8;
	[tilespmem:$0x1EC00] =	vst v63  }
0x119: {  	_ =	swait.ge [sflag:s16], $0x2800  }
0x11a: {  	[sflag:s16] =	ssyncset.done $0x0  }
0x11b: {  	[sflag:s16] =	ssyncadd.s32 $0xFFFFD800  }
0x11c: {  	[tilespmem:s14], [sflag:$0x4] =	stream.indirect.gather [hbm4b:s4+s10], $0x80, s31, s10, $0xb8;
	[tilespmem:$0x1EC00] =	vst v63  }
0x11d: {  	_ =	swait.ge [sflag:s15], $0x2800  }
0x11e: {  	[sflag:s15] =	ssyncset.done $0x0  }
0x11f: {  	[sflag:s15] =	ssyncadd.s32 $0xFFFFD800  }
0x120: {  	[spmem:s2] =	stream.indirect.scatter.add.f32 [tilespmem:s11], [sflag:$0x5], $0x80, s0, s10, $0xb8;
	[tilespmem:$0x1EC00] =	vst v63  }
0x121: {  	_ =	swait.ge [sflag:s17], $0x2800  }
0x122: {  	[sflag:s17] =	ssyncset.done $0x0  }
0x123: {  	[sflag:s17] =	ssyncadd.s32 $0xFFFFD800  }
0x124: {  	[spmem:s2] =	stream.indirect.scatter.add.f32 [tilespmem:s12], [sflag:$0x5], $0x80, s1, s10, $0xb8;
	[tilespmem:$0x1EC00] =	vst v63  }
0x125: {  	_ =	swait.ge [sflag:s18], $0x2800  }
0x126: {  	[sflag:s18] =	ssyncset.done $0x0  }
0x127: {  	[sflag:s18] =	ssyncadd.s32 $0xFFFFD800  }
0x128: {  	[spmem:s2] =	stream.indirect.scatter.add.f32 [tilespmem:s13], [sflag:$0x5], $0x80, s5, s10, $0xb8;
	[tilespmem:$0x1EC00] =	vst v63  }
0x129: {  	_ =	swait.ge [sflag:s19], $0x2800  }
0x12a: {  	[sflag:s19] =	ssyncset.done $0x0  }
0x12b: {  	[sflag:s19] =	ssyncadd.s32 $0xFFFFD800  }
0x12c: {  	[spmem:s2] =	stream.indirect.scatter.add.f32 [tilespmem:s14], [sflag:$0x5], $0x80, s7, s10, $0xb8;
	[tilespmem:$0x1EC00] =	vst v63  }
0x12d: {  	_ =	swait.ge [sflag:s16], $0x2800  }
0x12e: {  	[sflag:s16] =	ssyncset.done $0x0  }
0x12f: {  	[sflag:s16] =	ssyncadd.s32 $0xFFFFD800  }
0x130: {  	_ =	swait.ge [sflag:s16], $0x2800  }
0x131: {  	[sflag:s16] =	ssyncset.done $0x0  }
0x132: {  	p0 =	sne.s32 s8, $0xE00;
	[sflag:s16] =	ssyncadd.s32 $0xFFFFD800  }
.Ltmp0:
0x133: {  	_ =	swait.ge [sflag:s16], $0x2800;
	(pc) =	sbr.rel @p0 .LBB2_2-.Ltmp0, $4  }
0x134: {  	[sflag:s16] =	ssyncset.done $0x0  }
0x135: {  	[sflag:s16] =	ssyncadd.s32 $0xFFFFD800  }
0x136: {  	_ =	swait.ge [sflag:s16], $0x2800  }
0x137: {  	s8 =	sadd.s32 $0x200, s8;
	s24 =	rddreg [dreg:$0x3];
	[sflag:s16] =	ssyncset.done $0x0  }
0x138: {  	[sflag:s16] =	ssyncadd.s32 $0xFFFFD800;
	s6 =	sadd.s32 s6, s24  }
0x139: {  	[tilespmem:s3], [sflag:$0x6] =	stream.linear.gather [hbm4b:s6+s3], $0x1000, $0x38;
	[tilespmem:$0x1EC00] =	vst v63  }
0x13a: {  	_ =	swait.ge [sflag:s9], $0x1000  }
0x13b: {  	[sflag:s9] =	ssyncset.done $0x0  }
0x13c: {  	[sflag:s9] =	ssyncadd.s32 $0xFFFFF000  }
0x13d: {  	[tilespmem:s11], [sflag:$0x1] =	stream.indirect.gather [hbm4b:s4+s10], $0x80, s3, s10, $0xb8;
	[tilespmem:$0x1EC00] =	vst v63  }
0x13e: {  	s24 =	rddreg [dreg:$0x4]  }
0x13f: {  	[tilespmem:s12], [sflag:$0x2] =	stream.indirect.gather [hbm4b:s4+s10], $0x80, s24, s10, $0xb8;
	[tilespmem:$0x1EC00] =	vst v63  }
0x140: {  	s8 =	rddreg [dreg:$0x5]  }
0x141: {  	[tilespmem:s13], [sflag:$0x3] =	stream.indirect.gather [hbm4b:s4+s10], $0x80, s8, s10, $0xb8;
	[tilespmem:$0x1EC00] =	vst v63  }
0x142: {  	s20 =	rddreg [dreg:$0x6]  }
0x143: {  	[tilespmem:s14], [sflag:$0x4] =	stream.indirect.gather [hbm4b:s4+s10], $0x80, s20, s10, $0xb8;
	[tilespmem:$0x1EC00] =	vst v63  }
0x144: {  	_ =	swait.ge [sflag:s15], $0x2800  }
0x145: {  	[sflag:s15] =	ssyncset.done $0x0  }
0x146: {  	s24 =	rddreg [dreg:$0x7];
	[sflag:s15] =	ssyncadd.s32 $0xFFFFD800  }
0x147: {  	[spmem:s2] =	stream.indirect.scatter.add.f32 [tilespmem:s11], [sflag:$0x5], $0x80, s24, s10, $0xb8;
	[tilespmem:$0x1EC00] =	vst v63  }
0x148: {  	_ =	swait.ge [sflag:s16], $0x2800  }
0x149: {  	[sflag:s16] =	ssyncset.done $0x0  }
0x14a: {  	s8 =	rddreg [dreg:$0x8];
	[sflag:s16] =	ssyncadd.s32 $0xFFFFD800  }
0x14b: {  	[tilespmem:s11], [sflag:$0x1] =	stream.indirect.gather [hbm4b:s4+s10], $0x80, s8, s10, $0xb8;
	[tilespmem:$0x1EC00] =	vst v63  }
0x14c: {  	_ =	swait.ge [sflag:s17], $0x2800  }
0x14d: {  	[sflag:s17] =	ssyncset.done $0x0  }
0x14e: {  	s20 =	rddreg [dreg:$0x9];
	[sflag:s17] =	ssyncadd.s32 $0xFFFFD800  }
0x14f: {  	[spmem:s2] =	stream.indirect.scatter.add.f32 [tilespmem:s12], [sflag:$0x5], $0x80, s20, s10, $0xb8;
	[tilespmem:$0x1EC00] =	vst v63  }
0x150: {  	_ =	swait.ge [sflag:s16], $0x2800  }
0x151: {  	[sflag:s16] =	ssyncset.done $0x0  }
0x152: {  	s24 =	rddreg [dreg:$0xa];
	[sflag:s16] =	ssyncadd.s32 $0xFFFFD800  }
0x153: {  	[tilespmem:s12], [sflag:$0x2] =	stream.indirect.gather [hbm4b:s4+s10], $0x80, s24, s10, $0xb8;
	[tilespmem:$0x1EC00] =	vst v63  }
0x154: {  	_ =	swait.ge [sflag:s18], $0x2800  }
0x155: {  	[sflag:s18] =	ssyncset.done $0x0  }
0x156: {  	s8 =	rddreg [dreg:$0xb];
	[sflag:s18] =	ssyncadd.s32 $0xFFFFD800  }
0x157: {  	[spmem:s2] =	stream.indirect.scatter.add.f32 [tilespmem:s13], [sflag:$0x5], $0x80, s8, s10, $0xb8;
	[tilespmem:$0x1EC00] =	vst v63  }
0x158: {  	_ =	swait.ge [sflag:s16], $0x2800  }
0x159: {  	[sflag:s16] =	ssyncset.done $0x0  }
0x15a: {  	s20 =	rddreg [dreg:$0xc];
	[sflag:s16] =	ssyncadd.s32 $0xFFFFD800  }
0x15b: {  	[tilespmem:s13], [sflag:$0x3] =	stream.indirect.gather [hbm4b:s4+s10], $0x80, s20, s10, $0xb8;
	[tilespmem:$0x1EC00] =	vst v63  }
0x15c: {  	_ =	swait.ge [sflag:s19], $0x2800  }
0x15d: {  	[sflag:s19] =	ssyncset.done $0x0  }
0x15e: {  	s24 =	rddreg [dreg:$0xd];
	[sflag:s19] =	ssyncadd.s32 $0xFFFFD800  }
0x15f: {  	[spmem:s2] =	stream.indirect.scatter.add.f32 [tilespmem:s14], [sflag:$0x5], $0x80, s24, s10, $0xb8;
	[tilespmem:$0x1EC00] =	vst v63  }
0x160: {  	_ =	swait.ge [sflag:s16], $0x2800  }
0x161: {  	[sflag:s16] =	ssyncset.done $0x0  }
0x162: {  	s8 =	rddreg [dreg:$0xe];
	[sflag:s16] =	ssyncadd.s32 $0xFFFFD800  }
0x163: {  	[tilespmem:s14], [sflag:$0x4] =	stream.indirect.gather [hbm4b:s4+s10], $0x80, s8, s10, $0xb8;
	[tilespmem:$0x1EC00] =	vst v63  }
0x164: {  	_ =	swait.ge [sflag:s15], $0x2800  }
0x165: {  	[sflag:s15] =	ssyncset.done $0x0  }
0x166: {  	s20 =	rddreg [dreg:$0xf];
	[sflag:s15] =	ssyncadd.s32 $0xFFFFD800  }
0x167: {  	[spmem:s2] =	stream.indirect.scatter.add.f32 [tilespmem:s11], [sflag:$0x5], $0x80, s20, s10, $0xb8;
	[tilespmem:$0x1EC00] =	vst v63  }
0x168: {  	_ =	swait.ge [sflag:s16], $0x2800  }
0x169: {  	[sflag:s16] =	ssyncset.done $0x0  }
0x16a: {  	s24 =	rddreg [dreg:$0x10];
	[sflag:s16] =	ssyncadd.s32 $0xFFFFD800  }
0x16b: {  	[tilespmem:s11], [sflag:$0x1] =	stream.indirect.gather [hbm4b:s4+s10], $0x80, s24, s10, $0xb8;
	[tilespmem:$0x1EC00] =	vst v63  }
0x16c: {  	_ =	swait.ge [sflag:s17], $0x2800  }
0x16d: {  	[sflag:s17] =	ssyncset.done $0x0  }
0x16e: {  	s8 =	rddreg [dreg:$0x11];
	[sflag:s17] =	ssyncadd.s32 $0xFFFFD800  }
0x16f: {  	[spmem:s2] =	stream.indirect.scatter.add.f32 [tilespmem:s12], [sflag:$0x5], $0x80, s8, s10, $0xb8;
	[tilespmem:$0x1EC00] =	vst v63  }
0x170: {  	_ =	swait.ge [sflag:s16], $0x2800  }
0x171: {  	[sflag:s16] =	ssyncset.done $0x0  }
0x172: {  	s20 =	rddreg [dreg:$0x12];
	[sflag:s16] =	ssyncadd.s32 $0xFFFFD800  }
0x173: {  	[tilespmem:s12], [sflag:$0x2] =	stream.indirect.gather [hbm4b:s4+s10], $0x80, s20, s10, $0xb8;
	[tilespmem:$0x1EC00] =	vst v63  }
0x174: {  	_ =	swait.ge [sflag:s18], $0x2800  }
0x175: {  	[sflag:s18] =	ssyncset.done $0x0  }
0x176: {  	s24 =	rddreg [dreg:$0x13];
	[sflag:s18] =	ssyncadd.s32 $0xFFFFD800  }
0x177: {  	[spmem:s2] =	stream.indirect.scatter.add.f32 [tilespmem:s13], [sflag:$0x5], $0x80, s24, s10, $0xb8;
	[tilespmem:$0x1EC00] =	vst v63  }
0x178: {  	_ =	swait.ge [sflag:s16], $0x2800  }
0x179: {  	[sflag:s16] =	ssyncset.done $0x0  }
0x17a: {  	s8 =	rddreg [dreg:$0x14];
	[sflag:s16] =	ssyncadd.s32 $0xFFFFD800  }
0x17b: {  	[tilespmem:s13], [sflag:$0x3] =	stream.indirect.gather [hbm4b:s4+s10], $0x80, s8, s10, $0xb8;
	[tilespmem:$0x1EC00] =	vst v63  }
0x17c: {  	_ =	swait.ge [sflag:s19], $0x2800  }
0x17d: {  	[sflag:s19] =	ssyncset.done $0x0  }
0x17e: {  	s20 =	simm.s32 $0x780;
	[sflag:s19] =	ssyncadd.s32 $0xFFFFD800  }
0x17f: {  	[spmem:s2] =	stream.indirect.scatter.add.f32 [tilespmem:s14], [sflag:$0x5], $0x80, s20, s10, $0xb8;
	[tilespmem:$0x1EC00] =	vst v63  }
0x180: {  	_ =	swait.ge [sflag:s16], $0x2800  }
0x181: {  	[sflag:s16] =	ssyncset.done $0x0  }
0x182: {  	[sflag:s16] =	ssyncadd.s32 $0xFFFFD800  }
0x183: {  	[tilespmem:s14], [sflag:$0x4] =	stream.indirect.gather [hbm4b:s4+s10], $0x80, s21, s10, $0xb8;
	[tilespmem:$0x1EC00] =	vst v63  }
0x184: {  	_ =	swait.ge [sflag:s15], $0x2800  }
0x185: {  	[sflag:s15] =	ssyncset.done $0x0  }
0x186: {  	[sflag:s15] =	ssyncadd.s32 $0xFFFFD800  }
0x187: {  	[spmem:s2] =	stream.indirect.scatter.add.f32 [tilespmem:s11], [sflag:$0x5], $0x80, s22, s10, $0xb8;
	[tilespmem:$0x1EC00] =	vst v63  }
0x188: {  	_ =	swait.ge [sflag:s16], $0x2800  }
0x189: {  	[sflag:s16] =	ssyncset.done $0x0  }
0x18a: {  	[sflag:s16] =	ssyncadd.s32 $0xFFFFD800  }
0x18b: {  	[tilespmem:s11], [sflag:$0x1] =	stream.indirect.gather [hbm4b:s4+s10], $0x80, s23, s10, $0xb8;
	[tilespmem:$0x1EC00] =	vst v63  }
0x18c: {  	_ =	swait.ge [sflag:s17], $0x2800  }
0x18d: {  	[sflag:s17] =	ssyncset.done $0x0  }
0x18e: {  	[sflag:s17] =	ssyncadd.s32 $0xFFFFD800  }
0x18f: {  	[spmem:s2] =	stream.indirect.scatter.add.f32 [tilespmem:s12], [sflag:$0x5], $0x80, s25, s10, $0xb8;
	[tilespmem:$0x1EC00] =	vst v63  }
0x190: {  	_ =	swait.ge [sflag:s16], $0x2800  }
0x191: {  	[sflag:s16] =	ssyncset.done $0x0  }
0x192: {  	[sflag:s16] =	ssyncadd.s32 $0xFFFFD800  }
0x193: {  	[tilespmem:s12], [sflag:$0x2] =	stream.indirect.gather [hbm4b:s4+s10], $0x80, s26, s10, $0xb8;
	[tilespmem:$0x1EC00] =	vst v63  }
0x194: {  	_ =	swait.ge [sflag:s18], $0x2800  }
0x195: {  	[sflag:s18] =	ssyncset.done $0x0  }
0x196: {  	[sflag:s18] =	ssyncadd.s32 $0xFFFFD800  }
0x197: {  	[spmem:s2] =	stream.indirect.scatter.add.f32 [tilespmem:s13], [sflag:$0x5], $0x80, s28, s10, $0xb8;
	[tilespmem:$0x1EC00] =	vst v63  }
0x198: {  	_ =	swait.ge [sflag:s16], $0x2800  }
0x199: {  	[sflag:s16] =	ssyncset.done $0x0  }
0x19a: {  	[sflag:s16] =	ssyncadd.s32 $0xFFFFD800  }
0x19b: {  	[tilespmem:s13], [sflag:$0x3] =	stream.indirect.gather [hbm4b:s4+s10], $0x80, s29, s10, $0xb8;
	[tilespmem:$0x1EC00] =	vst v63  }
0x19c: {  	_ =	swait.ge [sflag:s19], $0x2800  }
0x19d: {  	[sflag:s19] =	ssyncset.done $0x0  }
0x19e: {  	[sflag:s19] =	ssyncadd.s32 $0xFFFFD800  }
0x19f: {  	[spmem:s2] =	stream.indirect.scatter.add.f32 [tilespmem:s14], [sflag:$0x5], $0x80, s30, s10, $0xb8;
	[tilespmem:$0x1EC00] =	vst v63  }
0x1a0: {  	_ =	swait.ge [sflag:s16], $0x2800  }
0x1a1: {  	[sflag:s16] =	ssyncset.done $0x0  }
0x1a2: {  	[sflag:s16] =	ssyncadd.s32 $0xFFFFD800  }
0x1a3: {  	[tilespmem:s14], [sflag:$0x4] =	stream.indirect.gather [hbm4b:s4+s10], $0x80, s31, s10, $0xb8;
	[tilespmem:$0x1EC00] =	vst v63  }
0x1a4: {  	_ =	swait.ge [sflag:s15], $0x2800  }
0x1a5: {  	[sflag:s15] =	ssyncset.done $0x0  }
0x1a6: {  	[sflag:s15] =	ssyncadd.s32 $0xFFFFD800  }
0x1a7: {  	[spmem:s2] =	stream.indirect.scatter.add.f32 [tilespmem:s11], [sflag:$0x5], $0x80, s0, s10, $0xb8;
	[tilespmem:$0x1EC00] =	vst v63  }
0x1a8: {  	_ =	swait.ge [sflag:s17], $0x2800  }
0x1a9: {  	[sflag:s17] =	ssyncset.done $0x0  }
0x1aa: {  	[sflag:s17] =	ssyncadd.s32 $0xFFFFD800  }
0x1ab: {  	[spmem:s2] =	stream.indirect.scatter.add.f32 [tilespmem:s12], [sflag:$0x5], $0x80, s1, s10, $0xb8;
	[tilespmem:$0x1EC00] =	vst v63  }
0x1ac: {  	_ =	swait.ge [sflag:s18], $0x2800  }
0x1ad: {  	[sflag:s18] =	ssyncset.done $0x0  }
0x1ae: {  	[sflag:s18] =	ssyncadd.s32 $0xFFFFD800  }
0x1af: {  	[spmem:s2] =	stream.indirect.scatter.add.f32 [tilespmem:s13], [sflag:$0x5], $0x80, s5, s10, $0xb8;
	[tilespmem:$0x1EC00] =	vst v63  }
0x1b0: {  	_ =	swait.ge [sflag:s19], $0x2800  }
0x1b1: {  	[sflag:s19] =	ssyncset.done $0x0  }
0x1b2: {  	[sflag:s19] =	ssyncadd.s32 $0xFFFFD800  }
0x1b3: {  	[spmem:s2] =	stream.indirect.scatter.add.f32 [tilespmem:s14], [sflag:$0x5], $0x80, s7, s10, $0xb8;
	[tilespmem:$0x1EC00] =	vst v63  }
0x1b4: {  	_ =	swait.ge [sflag:s16], $0x2800  }
0x1b5: {  	[sflag:s16] =	ssyncset.done $0x0  }
0x1b6: {  	[sflag:s16] =	ssyncadd.s32 $0xFFFFD800  }
0x1b7: {  	_ =	swait.ge [sflag:s16], $0x2800  }
0x1b8: {  	[sflag:s16] =	ssyncset.done $0x0  }
0x1b9: {  	[sflag:s16] =	ssyncadd.s32 $0xFFFFD800  }
0x1ba: {  	_ =	swait.ge [sflag:s16], $0x2800  }
0x1bb: {  	[sflag:s16] =	ssyncset.done $0x0  }
0x1bc: {  	[sflag:s16] =	ssyncadd.s32 $0xFFFFD800  }
0x1bd: {  	_ =	swait.ge [sflag:s16], $0x2800  }
0x1be: {  	[sflag:s16] =	ssyncset.done $0x0  }
0x1bf: {  	[sflag:s16] =	ssyncadd.s32 $0xFFFFD800  }
0x1c0: {  	[bflag:$0x0] =	sbarrier.arrive $0xFFFF  }
0x1c1: {  	s20 =	rddreg [dreg:$0x16]  }
0x1c2: {  	s8 =	rddreg [dreg:$0x18]  }
0x1c3: {  	s24 =	rddreg [dreg:$0x19]  }
0x1c4: {  	[hbm:s24], [sflag:s20] =	dma.local [spmem:s8], $0x2780  }
0x1c5: {  	_ =	swait.ge [sflag:s9], $0x2780  }
0x1c6: {  	s6 =	rddreg [dreg:$0x1a]  }
0x1c7: {  	s24 =	sadd.s32 $0x1, s6;
	s6 =	rddreg [dreg:$0x17]  }
0x1c8: {  	p0 =	sne.s32 s24, s6  }
.Ltmp1:
0x1c9: {  	_ = 	snop;
	(pc) =	sbr.rel @p0 .LBB2_1-.Ltmp1, $3  }
0x1ca: {  	_ =	sdelay $0x1  }
0x1cb: {  	[sflag:s9] =	ssyncset.done $0x0  }
0x1cc: {  	[sflag:s9] =	ssyncadd.s32 $0xFFFFD880  }
0x1cd: {  	_ =	sfence.sel $0x180000  }
0x1ce: {  	[bflag:$0x0] =	sbarrier.arrive $0xFFFF  }
0x1cf: {  	_ =	strace $0x9000004D  }
0x1d0: {  	s0 =	stileid.u32;
	[bflag:$0x2] =	sbarrier.arrive $0xFFFF  }
0x1d1: {  	p0 =	sne.s32 s0, $0x0;
	s0 =	rddreg [dreg:$0x2]  }
0x1d2: {  	s0 =	sadd.s32 @!p0 $0x100000, s0  }
0x1d3: {  	[sflag:s0] =	ssyncadd.tile.s32 @!p0 $0x1;
	_ =	shalt  }
.Lfunc_end2:
_tile_overlayer_lowered:
.L_overlay_start_2:
0x1d4: {  	(tag) =	ssettag $0x2  }
0x1d5: {  	s0 =	rddreg [dreg:$0x0];
	s2 =	stileid.u32  }
0x1d6: {  	s1 =	rddreg [dreg:$0x1];
	p0 =	sne.s32 s2, $0x0  }
0x1d7: {  	s3 =	rddreg [dreg:$0x2];
	[bflag:$0x3] =	sbarrier.arrive $0xFFFF;
	s2 =	simm.s32 @!p0 $0x1C06  }
0x1d8: {  	[timem:s3], [sflag:s2] =	dma.local @!p0 [hbm:s0], s1  }
0x1d9: {  	s0 =	simm.s32 @!p0 $0x6  }
0x1da: {  	_ =	swait.ge @!p0 [sflag:s0], s1  }
0x1db: {  	s1 =	ssub.s32 @!p0 $0x0, s1;
	[sflag:s0] =	ssyncset.done @!p0 $0x0  }
0x1dc: {  	[sflag:s0] =	ssyncadd.s32 @!p0 s1  }
0x1dd: {  	[bflag:$0x3] =	sbarrier.arrive $0xFFFF  }
0x1de: {  	_ =	shalt  }

// kernel: kernel.20.cloned.1.call-start
scs
__scs_entry_jumppad:
0x0: {  	(pc) =	sbr.rel $0x88, $3  }
0x1: {  	(tag) =	ssettag $0x0;
	lr =	simm.s32 $0x1  }
0x2: {  	[smem:$0x3F94] =	sst lr;
	_ =	strace $0xD0000000  }
0x3: {  	_ = 	snop  }
0x4: {  	_ = 	snop  }
0x5: {  	_ = 	snop  }
0x6: {  	_ = 	snop  }
0x7: {  	_ = 	snop  }
__scs_overlays_trampoline_lowered:
0x8: {  	[smem:$0x3FA3] =	sst s0  }
0x9: {  	[smem:$0x3FA4] =	sst s1  }
0xa: {  	[smem:$0x3FA5] =	sst s2  }
0xb: {  	[smem:$0x3FA6] =	sst s3  }
0xc: {  	[smem:$0x3FA7] =	sst s4  }
0xd: {  	[smem:$0x3FA8] =	sst s5  }
0xe: {  	[smem:$0x3FA9] =	sst s6  }
0xf: {  	[smem:$0x3FAA] =	sst s7  }
0x10: {  	[smem:$0x3FAB] =	sst s8  }
0x11: {  	[smem:$0x3FAC] =	sst s9;
	s0 =	simm.s32 @!p0 $0x0  }
0x12: {  	s1 =	sld [smem:$0x3F92];
	s0 =	simm.s32 @p0 $0x1  }
0x13: {  	[smem:$0x3FAD] =	sst s0;
	s0 =	simm.s32 @!p1 $0x0  }
0x14: {  	s2 =	sld [smem:$0x3F91];
	s0 =	simm.s32 @p1 $0x1  }
0x15: {  	[smem:$0x3FAE] =	sst s0;
	s0 =	simm.s32 @!p2 $0x0  }
0x16: {  	s3 =	sld [smem:$0x3FDB];
	s0 =	simm.s32 @p2 $0x1  }
0x17: {  	s4 =	simm.s32 $0x1BF5;
	[smem:$0x3FB0] =	sst s0  }
0x18: {  	s0 =	sld [smem:$0x3F93];
	_ =	swait.ge [sflag:s4], $0x0  }
0x19: {  	s7 =	sld [smem:$0x3F94]  }
0x1a: {  	s8 =	sadd.s32 $0xFFFFE003, lr  }
0x1b: {  	s9 =	sadd.s32 $0xFFFFFEF7, lr;
	s5 =	simm.s32 $0xFFFFFFFF;
	p2 =	slt.u32 s8, $0xFFFFF086  }
0x1c: {  	p1 =	slt.u32 s9, $0xF7A;
	s5 =	simm.s32 @!p2 $0x0  }
0x1d: {  	s5 =	simm.s32 @p1 $0x1;
	p0 =	seq.s32 s7, s2  }
0x1e: {  	s7 =	smul.u32 @!p0 $0xF7A, s2;
	p2 =	seq.s32 @!p0 s5, $0x0  }
0x1f: {  	s9 =	smul.u32 $0xF7A, s1;
	s8 =	simm.s32 @!p0 $0x1BF5;
	p2 =	por !p2, p0  }
0x20: {  	[sflag:s8] =	ssyncset.s32 @!p0 $0xFFFFF086;
	s6 =	sadd.s32 @!p0 s3, s7;
	s7 =	simm.s32 @!p0 $0x108  }
0x21: {  	s3 =	sadd.s32 s3, s9;
	s6 =	sadd.s32 @!p0 $0x88, s6;
	s7 =	simm.s32 @p2 $0x1082  }
0x22: {  	[simem:s7], [sflag:s8] =	dma.local @!p0 [hbm:s6], $0xF7A  }
0x23: {  	s9 =	sor.u32 $0xD0000000, s2;
	s6 =	simm.s32 $0x108;
	_ =	swait.ge @!p0 [sflag:s8], $0x0  }
0x24: {  	s3 =	sadd.s32 $0x88, s3;
	s6 =	simm.s32 @!p1 $0x1082;
	[sflag:s4] =	ssyncset.s32 $0xFFFFF086  }
0x25: {  	[simem:s6], [sflag:s4] =	dma.local [hbm:s3], $0xF7A  }
0x26: {  	[smem:$0x3F94] =	sst s1;
	(tag) =	ssettag s2;
	_ =	strace s9  }
0x27: {  	s1 =	sld [smem:$0x3FA4]  }
0x28: {  	s2 =	sld [smem:$0x3FA5]  }
0x29: {  	s4 =	sld [smem:$0x3FA7]  }
0x2a: {  	p0 =	seq.s32 s5, $0x0;
	s5 =	sld [smem:$0x3FA8]  }
0x2b: {  	s6 =	sld [smem:$0x3FA9]  }
0x2c: {  	s7 =	sld [smem:$0x3FAA]  }
0x2d: {  	s3 =	simm.s32 $0x108;
	s8 =	sld [smem:$0x3FAB]  }
0x2e: {  	s3 =	simm.s32 @!p0 $0x1082;
	s9 =	sld [smem:$0x3FAC]  }
0x2f: {  	lr =	sadd.s32 s0, s3;
	s0 =	sld [smem:$0x3FA3]  }
0x30: {  	s3 =	sld [smem:$0x3FA6]  }
0x31: {  	[smem:$0x3FAF] =	sst s10  }
0x32: {  	s10 =	sld [smem:$0x3FAD];
	_ =	sdelay $0x3  }
0x33: {  	p0 =	seq.s32 s10, $0x1;
	s10 =	sld [smem:$0x3FAF];
	_ =	sdelay $0x3  }
0x34: {  	[smem:$0x3FAF] =	sst s10  }
0x35: {  	s10 =	sld [smem:$0x3FAE];
	_ =	sdelay $0x3  }
0x36: {  	p1 =	seq.s32 s10, $0x1;
	s10 =	sld [smem:$0x3FAF];
	_ =	sdelay $0x3  }
0x37: {  	[smem:$0x3FAF] =	sst s10  }
0x38: {  	s10 =	sld [smem:$0x3FB0]  }
0x39: {  	_ = 	snop;
	(pc) =	sbr.ind lr, $3  }
0x3a: {  	_ = 	snop  }
0x3b: {  	_ = 	snop  }
0x3c: {  	p2 =	seq.s32 s10, $0x1;
	s10 =	sld [smem:$0x3FAF]  }
0x3d: {  	_ =	shalt  }
0x3e: {  	_ =	shalt  }
0x3f: {  	_ =	shalt  }
0x40: {  	_ =	shalt  }
0x41: {  	_ =	shalt  }
0x42: {  	_ =	shalt  }
0x43: {  	_ =	shalt  }
0x44: {  	_ =	shalt  }
0x45: {  	_ =	shalt  }
0x46: {  	_ =	shalt  }
0x47: {  	_ =	shalt  }
0x48: {  	_ =	shalt  }
0x49: {  	_ =	shalt  }
0x4a: {  	_ =	shalt  }
0x4b: {  	_ =	shalt  }
0x4c: {  	_ =	shalt  }
0x4d: {  	_ =	shalt  }
0x4e: {  	_ =	shalt  }
0x4f: {  	_ =	shalt  }
0x50: {  	_ =	shalt  }
0x51: {  	_ =	shalt  }
0x52: {  	_ =	shalt  }
0x53: {  	_ =	shalt  }
0x54: {  	_ =	shalt  }
0x55: {  	_ =	shalt  }
0x56: {  	_ =	shalt  }
0x57: {  	_ =	shalt  }
0x58: {  	_ =	shalt  }
0x59: {  	_ =	shalt  }
0x5a: {  	_ =	shalt  }
0x5b: {  	_ =	shalt  }
0x5c: {  	_ =	shalt  }
0x5d: {  	_ =	shalt  }
0x5e: {  	_ =	shalt  }
0x5f: {  	_ =	shalt  }
0x60: {  	_ =	shalt  }
0x61: {  	_ =	shalt  }
0x62: {  	_ =	shalt  }
0x63: {  	_ =	shalt  }
0x64: {  	_ =	shalt  }
0x65: {  	_ =	shalt  }
0x66: {  	_ =	shalt  }
0x67: {  	_ =	shalt  }
0x68: {  	_ =	shalt  }
0x69: {  	_ =	shalt  }
0x6a: {  	_ =	shalt  }
0x6b: {  	_ =	shalt  }
0x6c: {  	_ =	shalt  }
0x6d: {  	_ =	shalt  }
0x6e: {  	_ =	shalt  }
0x6f: {  	_ =	shalt  }
0x70: {  	_ =	shalt  }
0x71: {  	_ =	shalt  }
0x72: {  	_ =	shalt  }
0x73: {  	_ =	shalt  }
0x74: {  	_ =	shalt  }
0x75: {  	_ =	shalt  }
0x76: {  	_ =	shalt  }
0x77: {  	_ =	shalt  }
0x78: {  	_ =	shalt  }
0x79: {  	_ =	shalt  }
0x7a: {  	_ =	shalt  }
0x7b: {  	_ =	shalt  }
0x7c: {  	_ =	shalt  }
0x7d: {  	_ =	shalt  }
0x7e: {  	_ =	shalt  }
0x7f: {  	_ =	shalt  }
0x80: {  	_ =	shalt  }
0x81: {  	_ =	shalt  }
0x82: {  	_ =	shalt  }
0x83: {  	_ =	shalt  }
0x84: {  	_ =	shalt  }
0x85: {  	_ =	shalt  }
0x86: {  	_ =	shalt  }
0x87: {  	_ =	shalt  }
.Lfunc_end0:
.L_simem_size_0:
called_computation.3_lowered:
.L_overlay_start_0:
0x88: {  	s2 =	sld [smem:$0x3FD9]  }
0x89: {  	s3 =	sld [smem:$0x3FFE];
	_ =	sdelay $0x1  }
0x8a: {  	s1 =	srdreg.scid  }
0x8b: {  	s0 =	sand.u32 $0x1, s1  }
0x8c: {  	s16 =	sshll.u32 s0, $0xA;
	s2 =	sadd.s32 s3, s2  }
0x8d: {  	s2 =	sadd.s32 s2, s16  }
0x8e: {  	[smem:$0x3FBB] =	sst s2  }
0x8f: {  	_ = 	snop  }
0x90: {  	(tm) =	ssettm $0x1  }
0x91: {  	s17 =	sld [smem:$0x3FFB];
	_ =	sdelay $0x3  }
0x92: {  	_ =	strace s17  }
0x93: {  	s2 =	sld [smem:$0x3FFC];
	_ =	sdelay $0x3  }
0x94: {  	_ =	strace s2  }
0x95: {  	s2 =	sld [smem:$0x3FFD];
	_ =	sdelay $0x3  }
0x96: {  	_ =	strace s2  }
0x97: {  	_ =	strace $0x8FFFFFFF  }
0x98: {  	s18 =	sld [smem:$0x3FDB];
	_ =	sdelay $0x1  }
0x99: {  	s19 =	simm.s32 $_scs_section_size  }
0x9a: {  	s4 =	simm.s32 $_size__tile_overlayer_lowered;
	s5 =	simm.s32 $_tile_overlayer_lowered  }
0x9b: {  	s22 =	simm.s32 $0x1BFF;
	s21 =	sshll.u32 s5, $0x1;
	s2 =	sadd.s32 s19, s18  }
0x9c: {  	s6 =	simm.s32 $0x0;
	s20 =	sshll.u32 s4, $0x1;
	s4 =	sadd.s32 s21, s2  }
0x9d: {  	[timem:s6], [sflag:s22] =	dma.local [hbm:s4], s20  }
0x9e: {  	_ =	swait.ge [sflag:s22], s20  }
0x9f: {  	s3 =	ssub.s32 $0x0, s20;
	[sflag:s22] =	ssyncset.done $0x0  }
0xa0: {  	[sflag:s22] =	ssyncadd.s32 s3;
	_ =	sdelay $0x1  }
0xa1: {  	s23 =	simm.s32 $0x1B8B  }
0xa2: {  	_ =	swait.ge [sflag:s23], $0x1  }
0xa3: {  	[sflag:s23] =	ssyncset.done $0x0  }
0xa4: {  	s25 =	simm.s32 $0x1B8E;
	s24 =	sld [smem:$0x3FFE];
	[sflag:s23] =	ssyncadd.s32 $0xFFFFFFFF  }
0xa5: {  	s26 =	simm.s32 $execute0_lowered;
	[smem:$0x3FD2] =	sst s25  }
0xa6: {  	s4 =	sshll.u32 s26, $0x1;
	_ =	strace $0x8000004F;
	[dreg:$0x1] =	wrdreg $0xFFFFFFFF  }
0xa7: {  	s28 =	simm.s32 $_size_execute0_lowered;
	s2 =	sadd.s32 s2, s4;
	[dreg:$0x0] =	wrdreg $0x0  }
0xa8: {  	s4 =	sshll.u32 s28, $0x1;
	[dreg:$0x2] =	wrdreg s2  }
0xa9: {  	[dreg:$0x3] =	wrdreg s4  }
0xaa: {  	[dreg:$0x4] =	wrdreg $0xC0  }
0xab: {  	_ =	task [dreg:s6], $0x5FFFF  }
0xac: {  	[dreg:$0x1] =	wrdreg $0xFFFFFFFF  }
0xad: {  	[dreg:$0x0] =	wrdreg $0x60  }
0xae: {  	[dreg:$0x2] =	wrdreg s24  }
0xaf: {  	[dreg:$0x3] =	wrdreg $0xB0000  }
0xb0: {  	[dreg:$0x4] =	wrdreg $0x9  }
0xb1: {  	_ =	task.clear_ibuf [dreg:s6], $0x5FFFF;
	_ =	strace $0x9000004F  }
0xb2: {  	s29 =	simm.s32 $0x9;
	_ =	strace $0x80000051  }
0xb3: {  	_ =	swait.ge [sflag:s29], $0x1  }
0xb4: {  	[sflag:s29] =	ssyncadd.s32 $0xFFFFFFFF  }
0xb5: {  	_ =	strace $0x90000051  }
0xb6: {  	_ =	sfence  }
0xb7: {  	s30 =	sld [smem:$0x0];
	_ =	sdelay $0x2  }
0xb8: {  	s31 =	sshll.u32 s1, $0xD;
	s1 =	sshrl.u32 s1, $0x2  }
0xb9: {  	s3 =	sand.u32 $0x4000, s31;
	s1 =	sadd.s32 s1, s30  }
0xba: {  	s0 =	sor.u32 s3, s0;
	s1 =	sshll.u32 s1, $0x11  }
0xbb: {  	s0 =	sor.u32 s1, s0  }
0xbc: {  	s0 =	sadd.s32 $0x8F2B, s0  }
0xbd: {  	[sflag:s0] =	ssyncadd.remote.s32 $0x1  }
0xbe: {  	_ =	sfence.sel $0xFFFF  }
0xbf: {  	[dreg:$0x0] =	wrdreg $0xFFFFFFFF;
	(pc) =	sbr.abs _section_cstart, $3  }
0xc0: {  	[dreg:$0x1] =	wrdreg $0xFFFFFFFF  }
0xc1: {  	_ =	task.clear_ibuf [dreg:s6], $0x2FFFF;
	_ =	strace $0x9FFFFFFF  }
0xc2: {  	(tm) =	ssettm $0x7FFFFFFF  }
0xc3: {  	_ =	shalt  }
tec
execute0_lowered:
.L_overlay_start_1:
0x0: {  	(tag) =	ssettag $0x1  }
0x1: {  	s1 =	rddreg [dreg:$0x0]  }
0x2: {  	s2 =	rddreg [dreg:$0x1];
	s3 =	simm.s32 $0x0  }
0x3: {  	s11 =	stileid.u32;
	s5 =	srdreg.scid;
	s26 =	simm.s32 $0x100  }
0x4: {  	s12 =	simm.s32 $0x80;
	s13 =	simm.s32 $0x400;
	s14 =	simm.s32 $0x180  }
0x5: {  	s15 =	simm.s32 $0x500;
	s16 =	simm.s32 $0x280;
	s17 =	simm.s32 $0x600  }
0x6: {  	s18 =	simm.s32 $0x380;
	s19 =	simm.s32 $0x700;
	[smem:$0x7FF] =	sst s3  }
0x7: {  	s21 =	simm.s32 $0x480;
	_ =	strace $0x80000050;
	[dreg:$0x4] =	wrdreg s26  }
0x8: {  	s22 =	simm.s32 $0x800;
	s28 =	simm.s32 $0xA80;
	[dreg:$0x7] =	wrdreg s12  }
0x9: {  	s29 =	simm.s32 $0xE00;
	s30 =	simm.s32 $0xB80;
	[dreg:$0x8] =	wrdreg s13  }
0xa: {  	s31 =	simm.s32 $0xF00;
	s0 =	smul.u32 $0x2780, s11;
	[dreg:$0x9] =	wrdreg s14  }
0xb: {  	s4 =	sadd.s32 $0x37200, s1;
	s6 =	sshll.u32 s11, $0xD;
	[dreg:$0xa] =	wrdreg s15  }
0xc: {  	s5 =	sand.u32 $0x1, s5;
	s10 =	smul.u32 $0x4F000, s11;
	[dreg:$0xb] =	wrdreg s16  }
0xd: {  	s6 =	sadd.s32 s6, s1;
	s8 =	smul.u32 $0x27800, s5;
	[dreg:$0xc] =	wrdreg s17  }
0xe: {  	s9 =	ssub.s32 $0x2, s5;
	s5 =	sshll.u32 s5, $0xC;
	[dreg:$0xd] =	wrdreg s18  }
0xf: {  	s12 =	simm.s32 $0x3800;
	s13 =	simm.s32 $0x6000;
	[dreg:$0xe] =	wrdreg s19  }
0x10: {  	s14 =	simm.s32 $0x8800;
	[dreg:$0xf] =	wrdreg s21;
	s15 =	simm.s32 $0x1  }
0x11: {  	[dreg:$0x10] =	wrdreg s22;
	s16 =	simm.s32 $0x5;
	s17 =	simm.s32 $0x2  }
0x12: {  	s18 =	simm.s32 $0x3;
	s26 =	simm.s32 $0xA00;
	s19 =	simm.s32 $0x4  }
0x13: {  	s21 =	simm.s32 $0xB00;
	s22 =	simm.s32 $0x880;
	s7 =	sadd.s32 s0, s1  }
0x14: {  	s23 =	sshrl.u32 s9, $0x1;
	s5 =	sadd.s32 s5, s6;
	s25 =	sshrl.u32 s10, $0x2  }
0x15: {  	s10 =	sshll.u32 s11, $0x6;
	s11 =	simm.s32 $0x300;
	[dreg:$0x14] =	wrdreg s26  }
0x16: {  	s26 =	simm.s32 $0xD00;
	s1 =	sadd.s32 s8, s1;
	s24 =	ssub.s32 s9, s23  }
0x17: {  	s5 =	sadd.s32 $0x17200, s5;
	s8 =	sadd.s32 s25, s2;
	[dreg:$0x6] =	wrdreg s11  }
0x18: {  	s7 =	sadd.s32 $0x5E400, s7;
	s9 =	simm.s32 $0x200;
	[dreg:$0x3] =	wrdreg s5  }
0x19: {  	s20 =	sor.u32 $0x1C06, s10;
	s10 =	simm.s32 $0x50;
	[dreg:$0x15] =	wrdreg s7  }
0x1a: {  	s11 =	simm.s32 $0x1000;
	s23 =	simm.s32 $0x580;
	[dreg:$0x5] =	wrdreg s9  }
0x1b: {  	s25 =	simm.s32 $0x680;
	s1 =	sadd.s32 $0x85C00, s1;
	[dreg:$0x11] =	wrdreg s23  }
0x1c: {  	s6 =	smax.u32 s24, $0x1;
	s8 =	sshrl.u32 s8, $0x3;
	[dreg:$0x13] =	wrdreg s25  }
0x1d: {  	s9 =	simm.s32 $0x6;
	s24 =	simm.s32 $0x900;
	[dreg:$0x16] =	wrdreg s20  }
0x1e: {  	s23 =	simm.s32 $0xC00;
	s25 =	simm.s32 $0x980;
	[dreg:$0x17] =	wrdreg s6  }
0x1f: {  	s5 =	simm.s32 $0xE80;
	s7 =	simm.s32 $0xF80;
	[dreg:$0x12] =	wrdreg s24  }
0x20: {  	s0 =	sadd.s32 s0, s1;
	s1 =	simm.s32 $0xD80;
	[dreg:$0x18] =	wrdreg s8  }
0x21: {  	s24 =	simm.s32 $0x0;
	[dreg:$0x19] =	wrdreg s0;
	s0 =	simm.s32 $0xC80  }
.LBB2_1:
0x22: {  	[dreg:$0x1a] =	wrdreg s24  }
0x23: {  	s6 =	rddreg [dreg:$0x15]  }
0x24: {  	[spmem:s8], [sflag:s20] =	dma.local [hbm:s6], $0x2780  }
0x25: {  	_ =	swait.ge [sflag:s9], $0x2780  }
0x26: {  	[sflag:s9] =	ssyncset.done $0x0  }
0x27: {  	[sflag:s9] =	ssyncadd.s32 $0xFFFFD880  }
0x28: {  	[bflag:$0x0] =	sbarrier.arrive $0xFFFF  }
0x29: {  	s24 =	rddreg [dreg:$0x3]  }
0x2a: {  	s6 =	sadd.s32 $0x0, s24  }
0x2b: {  	[tilespmem:s3], [sflag:$0x6] =	stream.linear.gather [hbm4b:s6+s3], $0x1000, $0x38;
	[tilespmem:$0x1EC00] =	vst v63  }
0x2c: {  	_ =	swait.ge [sflag:s9], $0x1000  }
0x2d: {  	[sflag:s9] =	ssyncset.done $0x0  }
0x2e: {  	[sflag:s9] =	ssyncadd.s32 $0xFFFFF000  }
0x2f: {  	[tilespmem:s11], [sflag:$0x1] =	stream.indirect.gather [hbm4b:s4+s10], $0x80, s3, s10, $0xb8;
	[tilespmem:$0x1EC00] =	vst v63  }
0x30: {  	s8 =	rddreg [dreg:$0x4]  }
0x31: {  	[tilespmem:s12], [sflag:$0x2] =	stream.indirect.gather [hbm4b:s4+s10], $0x80, s8, s10, $0xb8;
	[tilespmem:$0x1EC00] =	vst v63  }
0x32: {  	s20 =	rddreg [dreg:$0x5]  }
0x33: {  	[tilespmem:s13], [sflag:$0x3] =	stream.indirect.gather [hbm4b:s4+s10], $0x80, s20, s10, $0xb8;
	[tilespmem:$0x1EC00] =	vst v63  }
0x34: {  	s24 =	rddreg [dreg:$0x6]  }
0x35: {  	[tilespmem:s14], [sflag:$0x4] =	stream.indirect.gather [hbm4b:s4+s10], $0x80, s24, s10, $0xb8;
	[tilespmem:$0x1EC00] =	vst v63  }
0x36: {  	_ =	swait.ge [sflag:s15], $0x2800  }
0x37: {  	[sflag:s15] =	ssyncset.done $0x0  }
0x38: {  	s8 =	rddreg [dreg:$0x7];
	[sflag:s15] =	ssyncadd.s32 $0xFFFFD800  }
0x39: {  	[spmem:s2] =	stream.indirect.scatter.add.f32 [tilespmem:s11], [sflag:$0x5], $0x80, s8, s10, $0xb8;
	[tilespmem:$0x1EC00] =	vst v63  }
0x3a: {  	_ =	swait.ge [sflag:s16], $0x2800  }
0x3b: {  	[sflag:s16] =	ssyncset.done $0x0  }
0x3c: {  	s20 =	rddreg [dreg:$0x8];
	[sflag:s16] =	ssyncadd.s32 $0xFFFFD800  }
0x3d: {  	[tilespmem:s11], [sflag:$0x1] =	stream.indirect.gather [hbm4b:s4+s10], $0x80, s20, s10, $0xb8;
	[tilespmem:$0x1EC00] =	vst v63  }
0x3e: {  	_ =	swait.ge [sflag:s17], $0x2800  }
0x3f: {  	[sflag:s17] =	ssyncset.done $0x0  }
0x40: {  	s24 =	rddreg [dreg:$0x9];
	[sflag:s17] =	ssyncadd.s32 $0xFFFFD800  }
0x41: {  	[spmem:s2] =	stream.indirect.scatter.add.f32 [tilespmem:s12], [sflag:$0x5], $0x80, s24, s10, $0xb8;
	[tilespmem:$0x1EC00] =	vst v63  }
0x42: {  	_ =	swait.ge [sflag:s16], $0x2800  }
0x43: {  	[sflag:s16] =	ssyncset.done $0x0  }
0x44: {  	s8 =	rddreg [dreg:$0xa];
	[sflag:s16] =	ssyncadd.s32 $0xFFFFD800  }
0x45: {  	[tilespmem:s12], [sflag:$0x2] =	stream.indirect.gather [hbm4b:s4+s10], $0x80, s8, s10, $0xb8;
	[tilespmem:$0x1EC00] =	vst v63  }
0x46: {  	_ =	swait.ge [sflag:s18], $0x2800  }
0x47: {  	[sflag:s18] =	ssyncset.done $0x0  }
0x48: {  	s20 =	rddreg [dreg:$0xb];
	[sflag:s18] =	ssyncadd.s32 $0xFFFFD800  }
0x49: {  	[spmem:s2] =	stream.indirect.scatter.add.f32 [tilespmem:s13], [sflag:$0x5], $0x80, s20, s10, $0xb8;
	[tilespmem:$0x1EC00] =	vst v63  }
0x4a: {  	_ =	swait.ge [sflag:s16], $0x2800  }
0x4b: {  	[sflag:s16] =	ssyncset.done $0x0  }
0x4c: {  	s24 =	rddreg [dreg:$0xc];
	[sflag:s16] =	ssyncadd.s32 $0xFFFFD800  }
0x4d: {  	[tilespmem:s13], [sflag:$0x3] =	stream.indirect.gather [hbm4b:s4+s10], $0x80, s24, s10, $0xb8;
	[tilespmem:$0x1EC00] =	vst v63  }
0x4e: {  	_ =	swait.ge [sflag:s19], $0x2800  }
0x4f: {  	[sflag:s19] =	ssyncset.done $0x0  }
0x50: {  	s8 =	rddreg [dreg:$0xd];
	[sflag:s19] =	ssyncadd.s32 $0xFFFFD800  }
0x51: {  	[spmem:s2] =	stream.indirect.scatter.add.f32 [tilespmem:s14], [sflag:$0x5], $0x80, s8, s10, $0xb8;
	[tilespmem:$0x1EC00] =	vst v63  }
0x52: {  	_ =	swait.ge [sflag:s16], $0x2800  }
0x53: {  	[sflag:s16] =	ssyncset.done $0x0  }
0x54: {  	s20 =	rddreg [dreg:$0xe];
	[sflag:s16] =	ssyncadd.s32 $0xFFFFD800  }
0x55: {  	[tilespmem:s14], [sflag:$0x4] =	stream.indirect.gather [hbm4b:s4+s10], $0x80, s20, s10, $0xb8;
	[tilespmem:$0x1EC00] =	vst v63  }
0x56: {  	_ =	swait.ge [sflag:s15], $0x2800  }
0x57: {  	[sflag:s15] =	ssyncset.done $0x0  }
0x58: {  	s24 =	rddreg [dreg:$0xf];
	[sflag:s15] =	ssyncadd.s32 $0xFFFFD800  }
0x59: {  	[spmem:s2] =	stream.indirect.scatter.add.f32 [tilespmem:s11], [sflag:$0x5], $0x80, s24, s10, $0xb8;
	[tilespmem:$0x1EC00] =	vst v63  }
0x5a: {  	_ =	swait.ge [sflag:s16], $0x2800  }
0x5b: {  	[sflag:s16] =	ssyncset.done $0x0  }
0x5c: {  	s8 =	rddreg [dreg:$0x10];
	[sflag:s16] =	ssyncadd.s32 $0xFFFFD800  }
0x5d: {  	[tilespmem:s11], [sflag:$0x1] =	stream.indirect.gather [hbm4b:s4+s10], $0x80, s8, s10, $0xb8;
	[tilespmem:$0x1EC00] =	vst v63  }
0x5e: {  	_ =	swait.ge [sflag:s17], $0x2800  }
0x5f: {  	[sflag:s17] =	ssyncset.done $0x0  }
0x60: {  	s20 =	rddreg [dreg:$0x11];
	[sflag:s17] =	ssyncadd.s32 $0xFFFFD800  }
0x61: {  	[spmem:s2] =	stream.indirect.scatter.add.f32 [tilespmem:s12], [sflag:$0x5], $0x80, s20, s10, $0xb8;
	[tilespmem:$0x1EC00] =	vst v63  }
0x62: {  	_ =	swait.ge [sflag:s16], $0x2800  }
0x63: {  	[sflag:s16] =	ssyncset.done $0x0  }
0x64: {  	s24 =	rddreg [dreg:$0x12];
	[sflag:s16] =	ssyncadd.s32 $0xFFFFD800  }
0x65: {  	[tilespmem:s12], [sflag:$0x2] =	stream.indirect.gather [hbm4b:s4+s10], $0x80, s24, s10, $0xb8;
	[tilespmem:$0x1EC00] =	vst v63  }
0x66: {  	_ =	swait.ge [sflag:s18], $0x2800  }
0x67: {  	[sflag:s18] =	ssyncset.done $0x0  }
0x68: {  	s8 =	rddreg [dreg:$0x13];
	[sflag:s18] =	ssyncadd.s32 $0xFFFFD800  }
0x69: {  	[spmem:s2] =	stream.indirect.scatter.add.f32 [tilespmem:s13], [sflag:$0x5], $0x80, s8, s10, $0xb8;
	[tilespmem:$0x1EC00] =	vst v63  }
0x6a: {  	_ =	swait.ge [sflag:s16], $0x2800  }
0x6b: {  	[sflag:s16] =	ssyncset.done $0x0  }
0x6c: {  	s20 =	rddreg [dreg:$0x14];
	[sflag:s16] =	ssyncadd.s32 $0xFFFFD800  }
0x6d: {  	[tilespmem:s13], [sflag:$0x3] =	stream.indirect.gather [hbm4b:s4+s10], $0x80, s20, s10, $0xb8;
	[tilespmem:$0x1EC00] =	vst v63  }
0x6e: {  	_ =	swait.ge [sflag:s19], $0x2800  }
0x6f: {  	[sflag:s19] =	ssyncset.done $0x0  }
0x70: {  	s24 =	simm.s32 $0x780;
	[sflag:s19] =	ssyncadd.s32 $0xFFFFD800  }
0x71: {  	[spmem:s2] =	stream.indirect.scatter.add.f32 [tilespmem:s14], [sflag:$0x5], $0x80, s24, s10, $0xb8;
	[tilespmem:$0x1EC00] =	vst v63  }
0x72: {  	_ =	swait.ge [sflag:s16], $0x2800  }
0x73: {  	[sflag:s16] =	ssyncset.done $0x0  }
0x74: {  	[sflag:s16] =	ssyncadd.s32 $0xFFFFD800  }
0x75: {  	[tilespmem:s14], [sflag:$0x4] =	stream.indirect.gather [hbm4b:s4+s10], $0x80, s21, s10, $0xb8;
	[tilespmem:$0x1EC00] =	vst v63  }
0x76: {  	_ =	swait.ge [sflag:s15], $0x2800  }
0x77: {  	[sflag:s15] =	ssyncset.done $0x0  }
0x78: {  	[sflag:s15] =	ssyncadd.s32 $0xFFFFD800  }
0x79: {  	[spmem:s2] =	stream.indirect.scatter.add.f32 [tilespmem:s11], [sflag:$0x5], $0x80, s22, s10, $0xb8;
	[tilespmem:$0x1EC00] =	vst v63  }
0x7a: {  	_ =	swait.ge [sflag:s16], $0x2800  }
0x7b: {  	[sflag:s16] =	ssyncset.done $0x0  }
0x7c: {  	[sflag:s16] =	ssyncadd.s32 $0xFFFFD800  }
0x7d: {  	[tilespmem:s11], [sflag:$0x1] =	stream.indirect.gather [hbm4b:s4+s10], $0x80, s23, s10, $0xb8;
	[tilespmem:$0x1EC00] =	vst v63  }
0x7e: {  	_ =	swait.ge [sflag:s17], $0x2800  }
0x7f: {  	[sflag:s17] =	ssyncset.done $0x0  }
0x80: {  	[sflag:s17] =	ssyncadd.s32 $0xFFFFD800  }
0x81: {  	[spmem:s2] =	stream.indirect.scatter.add.f32 [tilespmem:s12], [sflag:$0x5], $0x80, s25, s10, $0xb8;
	[tilespmem:$0x1EC00] =	vst v63  }
0x82: {  	_ =	swait.ge [sflag:s16], $0x2800  }
0x83: {  	[sflag:s16] =	ssyncset.done $0x0  }
0x84: {  	[sflag:s16] =	ssyncadd.s32 $0xFFFFD800  }
0x85: {  	[tilespmem:s12], [sflag:$0x2] =	stream.indirect.gather [hbm4b:s4+s10], $0x80, s26, s10, $0xb8;
	[tilespmem:$0x1EC00] =	vst v63  }
0x86: {  	_ =	swait.ge [sflag:s18], $0x2800  }
0x87: {  	[sflag:s18] =	ssyncset.done $0x0  }
0x88: {  	[sflag:s18] =	ssyncadd.s32 $0xFFFFD800  }
0x89: {  	[spmem:s2] =	stream.indirect.scatter.add.f32 [tilespmem:s13], [sflag:$0x5], $0x80, s28, s10, $0xb8;
	[tilespmem:$0x1EC00] =	vst v63  }
0x8a: {  	_ =	swait.ge [sflag:s16], $0x2800  }
0x8b: {  	[sflag:s16] =	ssyncset.done $0x0  }
0x8c: {  	[sflag:s16] =	ssyncadd.s32 $0xFFFFD800  }
0x8d: {  	[tilespmem:s13], [sflag:$0x3] =	stream.indirect.gather [hbm4b:s4+s10], $0x80, s29, s10, $0xb8;
	[tilespmem:$0x1EC00] =	vst v63  }
0x8e: {  	_ =	swait.ge [sflag:s19], $0x2800  }
0x8f: {  	[sflag:s19] =	ssyncset.done $0x0  }
0x90: {  	[sflag:s19] =	ssyncadd.s32 $0xFFFFD800  }
0x91: {  	[spmem:s2] =	stream.indirect.scatter.add.f32 [tilespmem:s14], [sflag:$0x5], $0x80, s30, s10, $0xb8;
	[tilespmem:$0x1EC00] =	vst v63  }
0x92: {  	_ =	swait.ge [sflag:s16], $0x2800  }
0x93: {  	[sflag:s16] =	ssyncset.done $0x0  }
0x94: {  	[sflag:s16] =	ssyncadd.s32 $0xFFFFD800  }
0x95: {  	[tilespmem:s14], [sflag:$0x4] =	stream.indirect.gather [hbm4b:s4+s10], $0x80, s31, s10, $0xb8;
	[tilespmem:$0x1EC00] =	vst v63  }
0x96: {  	_ =	swait.ge [sflag:s15], $0x2800  }
0x97: {  	[sflag:s15] =	ssyncset.done $0x0  }
0x98: {  	[sflag:s15] =	ssyncadd.s32 $0xFFFFD800  }
0x99: {  	[spmem:s2] =	stream.indirect.scatter.add.f32 [tilespmem:s11], [sflag:$0x5], $0x80, s0, s10, $0xb8;
	[tilespmem:$0x1EC00] =	vst v63  }
0x9a: {  	_ =	swait.ge [sflag:s17], $0x2800  }
0x9b: {  	[sflag:s17] =	ssyncset.done $0x0  }
0x9c: {  	[sflag:s17] =	ssyncadd.s32 $0xFFFFD800  }
0x9d: {  	[spmem:s2] =	stream.indirect.scatter.add.f32 [tilespmem:s12], [sflag:$0x5], $0x80, s1, s10, $0xb8;
	[tilespmem:$0x1EC00] =	vst v63  }
0x9e: {  	_ =	swait.ge [sflag:s18], $0x2800  }
0x9f: {  	[sflag:s18] =	ssyncset.done $0x0  }
0xa0: {  	[sflag:s18] =	ssyncadd.s32 $0xFFFFD800  }
0xa1: {  	[spmem:s2] =	stream.indirect.scatter.add.f32 [tilespmem:s13], [sflag:$0x5], $0x80, s5, s10, $0xb8;
	[tilespmem:$0x1EC00] =	vst v63  }
0xa2: {  	_ =	swait.ge [sflag:s19], $0x2800  }
0xa3: {  	[sflag:s19] =	ssyncset.done $0x0  }
0xa4: {  	[sflag:s19] =	ssyncadd.s32 $0xFFFFD800  }
0xa5: {  	[spmem:s2] =	stream.indirect.scatter.add.f32 [tilespmem:s14], [sflag:$0x5], $0x80, s7, s10, $0xb8;
	[tilespmem:$0x1EC00] =	vst v63  }
0xa6: {  	_ =	swait.ge [sflag:s16], $0x2800  }
0xa7: {  	[sflag:s16] =	ssyncset.done $0x0  }
0xa8: {  	[sflag:s16] =	ssyncadd.s32 $0xFFFFD800  }
0xa9: {  	_ =	swait.ge [sflag:s16], $0x2800  }
0xaa: {  	[sflag:s16] =	ssyncset.done $0x0  }
0xab: {  	[sflag:s16] =	ssyncadd.s32 $0xFFFFD800  }
0xac: {  	_ =	swait.ge [sflag:s16], $0x2800  }
0xad: {  	[sflag:s16] =	ssyncset.done $0x0  }
0xae: {  	[sflag:s16] =	ssyncadd.s32 $0xFFFFD800  }
0xaf: {  	s6 =	simm.s32 $0x200;
	_ =	swait.ge [sflag:s16], $0x2800  }
0xb0: {  	s8 =	simm.s32 $0x400;
	s24 =	rddreg [dreg:$0x3];
	[sflag:s16] =	ssyncset.done $0x0  }
.LBB2_2:
0xb1: {  	[sflag:s16] =	ssyncadd.s32 $0xFFFFD800;
	s24 =	sadd.s32 s6, s24  }
0xb2: {  	[tilespmem:s3], [sflag:$0x6] =	stream.linear.gather [hbm4b:s24+s3], $0x1000, $0x38;
	[tilespmem:$0x1EC00] =	vst v63  }
0xb3: {  	_ =	swait.ge [sflag:s9], $0x1000  }
0xb4: {  	[sflag:s9] =	ssyncset.done $0x0  }
0xb5: {  	s20 =	smov.u32 s8;
	[sflag:s9] =	ssyncadd.s32 $0xFFFFF000  }
0xb6: {  	[tilespmem:s11], [sflag:$0x1] =	stream.indirect.gather [hbm4b:s4+s10], $0x80, s3, s10, $0xb8;
	[tilespmem:$0x1EC00] =	vst v63  }
0xb7: {  	s6 =	smov.u32 s20;
	s20 =	rddreg [dreg:$0x4]  }
0xb8: {  	[tilespmem:s12], [sflag:$0x2] =	stream.indirect.gather [hbm4b:s4+s10], $0x80, s20, s10, $0xb8;
	[tilespmem:$0x1EC00] =	vst v63  }
0xb9: {  	s24 =	rddreg [dreg:$0x5]  }
0xba: {  	[tilespmem:s13], [sflag:$0x3] =	stream.indirect.gather [hbm4b:s4+s10], $0x80, s24, s10, $0xb8;
	[tilespmem:$0x1EC00] =	vst v63  }
0xbb: {  	s20 =	rddreg [dreg:$0x6]  }
0xbc: {  	[tilespmem:s14], [sflag:$0x4] =	stream.indirect.gather [hbm4b:s4+s10], $0x80, s20, s10, $0xb8;
	[tilespmem:$0x1EC00] =	vst v63  }
0xbd: {  	_ =	swait.ge [sflag:s15], $0x2800  }
0xbe: {  	[sflag:s15] =	ssyncset.done $0x0  }
0xbf: {  	s24 =	rddreg [dreg:$0x7];
	[sflag:s15] =	ssyncadd.s32 $0xFFFFD800  }
0xc0: {  	[spmem:s2] =	stream.indirect.scatter.add.f32 [tilespmem:s11], [sflag:$0x5], $0x80, s24, s10, $0xb8;
	[tilespmem:$0x1EC00] =	vst v63  }
0xc1: {  	_ =	swait.ge [sflag:s16], $0x2800  }
0xc2: {  	[sflag:s16] =	ssyncset.done $0x0  }
0xc3: {  	s24 =	rddreg [dreg:$0x8];
	[sflag:s16] =	ssyncadd.s32 $0xFFFFD800  }
0xc4: {  	[tilespmem:s11], [sflag:$0x1] =	stream.indirect.gather [hbm4b:s4+s10], $0x80, s24, s10, $0xb8;
	[tilespmem:$0x1EC00] =	vst v63  }
0xc5: {  	_ =	swait.ge [sflag:s17], $0x2800  }
0xc6: {  	[sflag:s17] =	ssyncset.done $0x0  }
0xc7: {  	s24 =	rddreg [dreg:$0x9];
	[sflag:s17] =	ssyncadd.s32 $0xFFFFD800  }
0xc8: {  	[spmem:s2] =	stream.indirect.scatter.add.f32 [tilespmem:s12], [sflag:$0x5], $0x80, s24, s10, $0xb8;
	[tilespmem:$0x1EC00] =	vst v63  }
0xc9: {  	_ =	swait.ge [sflag:s16], $0x2800  }
0xca: {  	[sflag:s16] =	ssyncset.done $0x0  }
0xcb: {  	s24 =	rddreg [dreg:$0xa];
	[sflag:s16] =	ssyncadd.s32 $0xFFFFD800  }
0xcc: {  	[tilespmem:s12], [sflag:$0x2] =	stream.indirect.gather [hbm4b:s4+s10], $0x80, s24, s10, $0xb8;
	[tilespmem:$0x1EC00] =	vst v63  }
0xcd: {  	_ =	swait.ge [sflag:s18], $0x2800  }
0xce: {  	[sflag:s18] =	ssyncset.done $0x0  }
0xcf: {  	s24 =	rddreg [dreg:$0xb];
	[sflag:s18] =	ssyncadd.s32 $0xFFFFD800  }
0xd0: {  	[spmem:s2] =	stream.indirect.scatter.add.f32 [tilespmem:s13], [sflag:$0x5], $0x80, s24, s10, $0xb8;
	[tilespmem:$0x1EC00] =	vst v63  }
0xd1: {  	_ =	swait.ge [sflag:s16], $0x2800  }
0xd2: {  	[sflag:s16] =	ssyncset.done $0x0  }
0xd3: {  	s24 =	rddreg [dreg:$0xc];
	[sflag:s16] =	ssyncadd.s32 $0xFFFFD800  }
0xd4: {  	[tilespmem:s13], [sflag:$0x3] =	stream.indirect.gather [hbm4b:s4+s10], $0x80, s24, s10, $0xb8;
	[tilespmem:$0x1EC00] =	vst v63  }
0xd5: {  	_ =	swait.ge [sflag:s19], $0x2800  }
0xd6: {  	[sflag:s19] =	ssyncset.done $0x0  }
0xd7: {  	s24 =	rddreg [dreg:$0xd];
	[sflag:s19] =	ssyncadd.s32 $0xFFFFD800  }
0xd8: {  	[spmem:s2] =	stream.indirect.scatter.add.f32 [tilespmem:s14], [sflag:$0x5], $0x80, s24, s10, $0xb8;
	[tilespmem:$0x1EC00] =	vst v63  }
0xd9: {  	_ =	swait.ge [sflag:s16], $0x2800  }
0xda: {  	[sflag:s16] =	ssyncset.done $0x0  }
0xdb: {  	s24 =	rddreg [dreg:$0xe];
	[sflag:s16] =	ssyncadd.s32 $0xFFFFD800  }
0xdc: {  	[tilespmem:s14], [sflag:$0x4] =	stream.indirect.gather [hbm4b:s4+s10], $0x80, s24, s10, $0xb8;
	[tilespmem:$0x1EC00] =	vst v63  }
0xdd: {  	_ =	swait.ge [sflag:s15], $0x2800  }
0xde: {  	[sflag:s15] =	ssyncset.done $0x0  }
0xdf: {  	s24 =	rddreg [dreg:$0xf];
	[sflag:s15] =	ssyncadd.s32 $0xFFFFD800  }
0xe0: {  	[spmem:s2] =	stream.indirect.scatter.add.f32 [tilespmem:s11], [sflag:$0x5], $0x80, s24, s10, $0xb8;
	[tilespmem:$0x1EC00] =	vst v63  }
0xe1: {  	_ =	swait.ge [sflag:s16], $0x2800  }
0xe2: {  	[sflag:s16] =	ssyncset.done $0x0  }
0xe3: {  	s24 =	rddreg [dreg:$0x10];
	[sflag:s16] =	ssyncadd.s32 $0xFFFFD800  }
0xe4: {  	[tilespmem:s11], [sflag:$0x1] =	stream.indirect.gather [hbm4b:s4+s10], $0x80, s24, s10, $0xb8;
	[tilespmem:$0x1EC00] =	vst v63  }
0xe5: {  	_ =	swait.ge [sflag:s17], $0x2800  }
0xe6: {  	[sflag:s17] =	ssyncset.done $0x0  }
0xe7: {  	s24 =	rddreg [dreg:$0x11];
	[sflag:s17] =	ssyncadd.s32 $0xFFFFD800  }
0xe8: {  	[spmem:s2] =	stream.indirect.scatter.add.f32 [tilespmem:s12], [sflag:$0x5], $0x80, s24, s10, $0xb8;
	[tilespmem:$0x1EC00] =	vst v63  }
0xe9: {  	_ =	swait.ge [sflag:s16], $0x2800  }
0xea: {  	[sflag:s16] =	ssyncset.done $0x0  }
0xeb: {  	s24 =	rddreg [dreg:$0x12];
	[sflag:s16] =	ssyncadd.s32 $0xFFFFD800  }
0xec: {  	[tilespmem:s12], [sflag:$0x2] =	stream.indirect.gather [hbm4b:s4+s10], $0x80, s24, s10, $0xb8;
	[tilespmem:$0x1EC00] =	vst v63  }
0xed: {  	_ =	swait.ge [sflag:s18], $0x2800  }
0xee: {  	[sflag:s18] =	ssyncset.done $0x0  }
0xef: {  	s24 =	rddreg [dreg:$0x13];
	[sflag:s18] =	ssyncadd.s32 $0xFFFFD800  }
0xf0: {  	[spmem:s2] =	stream.indirect.scatter.add.f32 [tilespmem:s13], [sflag:$0x5], $0x80, s24, s10, $0xb8;
	[tilespmem:$0x1EC00] =	vst v63  }
0xf1: {  	_ =	swait.ge [sflag:s16], $0x2800  }
0xf2: {  	[sflag:s16] =	ssyncset.done $0x0  }
0xf3: {  	s24 =	rddreg [dreg:$0x14];
	[sflag:s16] =	ssyncadd.s32 $0xFFFFD800  }
0xf4: {  	[tilespmem:s13], [sflag:$0x3] =	stream.indirect.gather [hbm4b:s4+s10], $0x80, s24, s10, $0xb8;
	[tilespmem:$0x1EC00] =	vst v63  }
0xf5: {  	_ =	swait.ge [sflag:s19], $0x2800  }
0xf6: {  	[sflag:s19] =	ssyncset.done $0x0  }
0xf7: {  	s24 =	simm.s32 $0x780;
	[sflag:s19] =	ssyncadd.s32 $0xFFFFD800  }
0xf8: {  	[spmem:s2] =	stream.indirect.scatter.add.f32 [tilespmem:s14], [sflag:$0x5], $0x80, s24, s10, $0xb8;
	[tilespmem:$0x1EC00] =	vst v63  }
0xf9: {  	_ =	swait.ge [sflag:s16], $0x2800  }
0xfa: {  	[sflag:s16] =	ssyncset.done $0x0  }
0xfb: {  	[sflag:s16] =	ssyncadd.s32 $0xFFFFD800  }
0xfc: {  	[tilespmem:s14], [sflag:$0x4] =	stream.indirect.gather [hbm4b:s4+s10], $0x80, s21, s10, $0xb8;
	[tilespmem:$0x1EC00] =	vst v63  }
0xfd: {  	_ =	swait.ge [sflag:s15], $0x2800  }
0xfe: {  	[sflag:s15] =	ssyncset.done $0x0  }
0xff: {  	[sflag:s15] =	ssyncadd.s32 $0xFFFFD800  }
0x100: {  	[spmem:s2] =	stream.indirect.scatter.add.f32 [tilespmem:s11], [sflag:$0x5], $0x80, s22, s10, $0xb8;
	[tilespmem:$0x1EC00] =	vst v63  }
0x101: {  	_ =	swait.ge [sflag:s16], $0x2800  }
0x102: {  	[sflag:s16] =	ssyncset.done $0x0  }
0x103: {  	[sflag:s16] =	ssyncadd.s32 $0xFFFFD800  }
0x104: {  	[tilespmem:s11], [sflag:$0x1] =	stream.indirect.gather [hbm4b:s4+s10], $0x80, s23, s10, $0xb8;
	[tilespmem:$0x1EC00] =	vst v63  }
0x105: {  	_ =	swait.ge [sflag:s17], $0x2800  }
0x106: {  	[sflag:s17] =	ssyncset.done $0x0  }
0x107: {  	[sflag:s17] =	ssyncadd.s32 $0xFFFFD800  }
0x108: {  	[spmem:s2] =	stream.indirect.scatter.add.f32 [tilespmem:s12], [sflag:$0x5], $0x80, s25, s10, $0xb8;
	[tilespmem:$0x1EC00] =	vst v63  }
0x109: {  	_ =	swait.ge [sflag:s16], $0x2800  }
0x10a: {  	[sflag:s16] =	ssyncset.done $0x0  }
0x10b: {  	[sflag:s16] =	ssyncadd.s32 $0xFFFFD800  }
0x10c: {  	[tilespmem:s12], [sflag:$0x2] =	stream.indirect.gather [hbm4b:s4+s10], $0x80, s26, s10, $0xb8;
	[tilespmem:$0x1EC00] =	vst v63  }
0x10d: {  	_ =	swait.ge [sflag:s18], $0x2800  }
0x10e: {  	[sflag:s18] =	ssyncset.done $0x0  }
0x10f: {  	[sflag:s18] =	ssyncadd.s32 $0xFFFFD800  }
0x110: {  	[spmem:s2] =	stream.indirect.scatter.add.f32 [tilespmem:s13], [sflag:$0x5], $0x80, s28, s10, $0xb8;
	[tilespmem:$0x1EC00] =	vst v63  }
0x111: {  	_ =	swait.ge [sflag:s16], $0x2800  }
0x112: {  	[sflag:s16] =	ssyncset.done $0x0  }
0x113: {  	[sflag:s16] =	ssyncadd.s32 $0xFFFFD800  }
0x114: {  	[tilespmem:s13], [sflag:$0x3] =	stream.indirect.gather [hbm4b:s4+s10], $0x80, s29, s10, $0xb8;
	[tilespmem:$0x1EC00] =	vst v63  }
0x115: {  	_ =	swait.ge [sflag:s19], $0x2800  }
0x116: {  	[sflag:s19] =	ssyncset.done $0x0  }
0x117: {  	[sflag:s19] =	ssyncadd.s32 $0xFFFFD800  }
0x118: {  	[spmem:s2] =	stream.indirect.scatter.add.f32 [tilespmem:s14], [sflag:$0x5], $0x80, s30, s10, $0xb8;
	[tilespmem:$0x1EC00] =	vst v63  }
0x119: {  	_ =	swait.ge [sflag:s16], $0x2800  }
0x11a: {  	[sflag:s16] =	ssyncset.done $0x0  }
0x11b: {  	[sflag:s16] =	ssyncadd.s32 $0xFFFFD800  }
0x11c: {  	[tilespmem:s14], [sflag:$0x4] =	stream.indirect.gather [hbm4b:s4+s10], $0x80, s31, s10, $0xb8;
	[tilespmem:$0x1EC00] =	vst v63  }
0x11d: {  	_ =	swait.ge [sflag:s15], $0x2800  }
0x11e: {  	[sflag:s15] =	ssyncset.done $0x0  }
0x11f: {  	[sflag:s15] =	ssyncadd.s32 $0xFFFFD800  }
0x120: {  	[spmem:s2] =	stream.indirect.scatter.add.f32 [tilespmem:s11], [sflag:$0x5], $0x80, s0, s10, $0xb8;
	[tilespmem:$0x1EC00] =	vst v63  }
0x121: {  	_ =	swait.ge [sflag:s17], $0x2800  }
0x122: {  	[sflag:s17] =	ssyncset.done $0x0  }
0x123: {  	[sflag:s17] =	ssyncadd.s32 $0xFFFFD800  }
0x124: {  	[spmem:s2] =	stream.indirect.scatter.add.f32 [tilespmem:s12], [sflag:$0x5], $0x80, s1, s10, $0xb8;
	[tilespmem:$0x1EC00] =	vst v63  }
0x125: {  	_ =	swait.ge [sflag:s18], $0x2800  }
0x126: {  	[sflag:s18] =	ssyncset.done $0x0  }
0x127: {  	[sflag:s18] =	ssyncadd.s32 $0xFFFFD800  }
0x128: {  	[spmem:s2] =	stream.indirect.scatter.add.f32 [tilespmem:s13], [sflag:$0x5], $0x80, s5, s10, $0xb8;
	[tilespmem:$0x1EC00] =	vst v63  }
0x129: {  	_ =	swait.ge [sflag:s19], $0x2800  }
0x12a: {  	[sflag:s19] =	ssyncset.done $0x0  }
0x12b: {  	[sflag:s19] =	ssyncadd.s32 $0xFFFFD800  }
0x12c: {  	[spmem:s2] =	stream.indirect.scatter.add.f32 [tilespmem:s14], [sflag:$0x5], $0x80, s7, s10, $0xb8;
	[tilespmem:$0x1EC00] =	vst v63  }
0x12d: {  	_ =	swait.ge [sflag:s16], $0x2800  }
0x12e: {  	[sflag:s16] =	ssyncset.done $0x0  }
0x12f: {  	[sflag:s16] =	ssyncadd.s32 $0xFFFFD800  }
0x130: {  	_ =	swait.ge [sflag:s16], $0x2800  }
0x131: {  	[sflag:s16] =	ssyncset.done $0x0  }
0x132: {  	p0 =	sne.s32 s8, $0xE00;
	[sflag:s16] =	ssyncadd.s32 $0xFFFFD800  }
.Ltmp0:
0x133: {  	_ =	swait.ge [sflag:s16], $0x2800;
	(pc) =	sbr.rel @p0 .LBB2_2-.Ltmp0, $4  }
0x134: {  	[sflag:s16] =	ssyncset.done $0x0  }
0x135: {  	[sflag:s16] =	ssyncadd.s32 $0xFFFFD800  }
0x136: {  	_ =	swait.ge [sflag:s16], $0x2800  }
0x137: {  	s8 =	sadd.s32 $0x200, s8;
	s24 =	rddreg [dreg:$0x3];
	[sflag:s16] =	ssyncset.done $0x0  }
0x138: {  	[sflag:s16] =	ssyncadd.s32 $0xFFFFD800;
	s6 =	sadd.s32 s6, s24  }
0x139: {  	[tilespmem:s3], [sflag:$0x6] =	stream.linear.gather [hbm4b:s6+s3], $0x1000, $0x38;
	[tilespmem:$0x1EC00] =	vst v63  }
0x13a: {  	_ =	swait.ge [sflag:s9], $0x1000  }
0x13b: {  	[sflag:s9] =	ssyncset.done $0x0  }
0x13c: {  	[sflag:s9] =	ssyncadd.s32 $0xFFFFF000  }
0x13d: {  	[tilespmem:s11], [sflag:$0x1] =	stream.indirect.gather [hbm4b:s4+s10], $0x80, s3, s10, $0xb8;
	[tilespmem:$0x1EC00] =	vst v63  }
0x13e: {  	s24 =	rddreg [dreg:$0x4]  }
0x13f: {  	[tilespmem:s12], [sflag:$0x2] =	stream.indirect.gather [hbm4b:s4+s10], $0x80, s24, s10, $0xb8;
	[tilespmem:$0x1EC00] =	vst v63  }
0x140: {  	s8 =	rddreg [dreg:$0x5]  }
0x141: {  	[tilespmem:s13], [sflag:$0x3] =	stream.indirect.gather [hbm4b:s4+s10], $0x80, s8, s10, $0xb8;
	[tilespmem:$0x1EC00] =	vst v63  }
0x142: {  	s20 =	rddreg [dreg:$0x6]  }
0x143: {  	[tilespmem:s14], [sflag:$0x4] =	stream.indirect.gather [hbm4b:s4+s10], $0x80, s20, s10, $0xb8;
	[tilespmem:$0x1EC00] =	vst v63  }
0x144: {  	_ =	swait.ge [sflag:s15], $0x2800  }
0x145: {  	[sflag:s15] =	ssyncset.done $0x0  }
0x146: {  	s24 =	rddreg [dreg:$0x7];
	[sflag:s15] =	ssyncadd.s32 $0xFFFFD800  }
0x147: {  	[spmem:s2] =	stream.indirect.scatter.add.f32 [tilespmem:s11], [sflag:$0x5], $0x80, s24, s10, $0xb8;
	[tilespmem:$0x1EC00] =	vst v63  }
0x148: {  	_ =	swait.ge [sflag:s16], $0x2800  }
0x149: {  	[sflag:s16] =	ssyncset.done $0x0  }
0x14a: {  	s8 =	rddreg [dreg:$0x8];
	[sflag:s16] =	ssyncadd.s32 $0xFFFFD800  }
0x14b: {  	[tilespmem:s11], [sflag:$0x1] =	stream.indirect.gather [hbm4b:s4+s10], $0x80, s8, s10, $0xb8;
	[tilespmem:$0x1EC00] =	vst v63  }
0x14c: {  	_ =	swait.ge [sflag:s17], $0x2800  }
0x14d: {  	[sflag:s17] =	ssyncset.done $0x0  }
0x14e: {  	s20 =	rddreg [dreg:$0x9];
	[sflag:s17] =	ssyncadd.s32 $0xFFFFD800  }
0x14f: {  	[spmem:s2] =	stream.indirect.scatter.add.f32 [tilespmem:s12], [sflag:$0x5], $0x80, s20, s10, $0xb8;
	[tilespmem:$0x1EC00] =	vst v63  }
0x150: {  	_ =	swait.ge [sflag:s16], $0x2800  }
0x151: {  	[sflag:s16] =	ssyncset.done $0x0  }
0x152: {  	s24 =	rddreg [dreg:$0xa];
	[sflag:s16] =	ssyncadd.s32 $0xFFFFD800  }
0x153: {  	[tilespmem:s12], [sflag:$0x2] =	stream.indirect.gather [hbm4b:s4+s10], $0x80, s24, s10, $0xb8;
	[tilespmem:$0x1EC00] =	vst v63  }
0x154: {  	_ =	swait.ge [sflag:s18], $0x2800  }
0x155: {  	[sflag:s18] =	ssyncset.done $0x0  }
0x156: {  	s8 =	rddreg [dreg:$0xb];
	[sflag:s18] =	ssyncadd.s32 $0xFFFFD800  }
0x157: {  	[spmem:s2] =	stream.indirect.scatter.add.f32 [tilespmem:s13], [sflag:$0x5], $0x80, s8, s10, $0xb8;
	[tilespmem:$0x1EC00] =	vst v63  }
0x158: {  	_ =	swait.ge [sflag:s16], $0x2800  }
0x159: {  	[sflag:s16] =	ssyncset.done $0x0  }
0x15a: {  	s20 =	rddreg [dreg:$0xc];
	[sflag:s16] =	ssyncadd.s32 $0xFFFFD800  }
0x15b: {  	[tilespmem:s13], [sflag:$0x3] =	stream.indirect.gather [hbm4b:s4+s10], $0x80, s20, s10, $0xb8;
	[tilespmem:$0x1EC00] =	vst v63  }
0x15c: {  	_ =	swait.ge [sflag:s19], $0x2800  }
0x15d: {  	[sflag:s19] =	ssyncset.done $0x0  }
0x15e: {  	s24 =	rddreg [dreg:$0xd];
	[sflag:s19] =	ssyncadd.s32 $0xFFFFD800  }
0x15f: {  	[spmem:s2] =	stream.indirect.scatter.add.f32 [tilespmem:s14], [sflag:$0x5], $0x80, s24, s10, $0xb8;
	[tilespmem:$0x1EC00] =	vst v63  }
0x160: {  	_ =	swait.ge [sflag:s16], $0x2800  }
0x161: {  	[sflag:s16] =	ssyncset.done $0x0  }
0x162: {  	s8 =	rddreg [dreg:$0xe];
	[sflag:s16] =	ssyncadd.s32 $0xFFFFD800  }
0x163: {  	[tilespmem:s14], [sflag:$0x4] =	stream.indirect.gather [hbm4b:s4+s10], $0x80, s8, s10, $0xb8;
	[tilespmem:$0x1EC00] =	vst v63  }
0x164: {  	_ =	swait.ge [sflag:s15], $0x2800  }
0x165: {  	[sflag:s15] =	ssyncset.done $0x0  }
0x166: {  	s20 =	rddreg [dreg:$0xf];
	[sflag:s15] =	ssyncadd.s32 $0xFFFFD800  }
0x167: {  	[spmem:s2] =	stream.indirect.scatter.add.f32 [tilespmem:s11], [sflag:$0x5], $0x80, s20, s10, $0xb8;
	[tilespmem:$0x1EC00] =	vst v63  }
0x168: {  	_ =	swait.ge [sflag:s16], $0x2800  }
0x169: {  	[sflag:s16] =	ssyncset.done $0x0  }
0x16a: {  	s24 =	rddreg [dreg:$0x10];
	[sflag:s16] =	ssyncadd.s32 $0xFFFFD800  }
0x16b: {  	[tilespmem:s11], [sflag:$0x1] =	stream.indirect.gather [hbm4b:s4+s10], $0x80, s24, s10, $0xb8;
	[tilespmem:$0x1EC00] =	vst v63  }
0x16c: {  	_ =	swait.ge [sflag:s17], $0x2800  }
0x16d: {  	[sflag:s17] =	ssyncset.done $0x0  }
0x16e: {  	s8 =	rddreg [dreg:$0x11];
	[sflag:s17] =	ssyncadd.s32 $0xFFFFD800  }
0x16f: {  	[spmem:s2] =	stream.indirect.scatter.add.f32 [tilespmem:s12], [sflag:$0x5], $0x80, s8, s10, $0xb8;
	[tilespmem:$0x1EC00] =	vst v63  }
0x170: {  	_ =	swait.ge [sflag:s16], $0x2800  }
0x171: {  	[sflag:s16] =	ssyncset.done $0x0  }
0x172: {  	s20 =	rddreg [dreg:$0x12];
	[sflag:s16] =	ssyncadd.s32 $0xFFFFD800  }
0x173: {  	[tilespmem:s12], [sflag:$0x2] =	stream.indirect.gather [hbm4b:s4+s10], $0x80, s20, s10, $0xb8;
	[tilespmem:$0x1EC00] =	vst v63  }
0x174: {  	_ =	swait.ge [sflag:s18], $0x2800  }
0x175: {  	[sflag:s18] =	ssyncset.done $0x0  }
0x176: {  	s24 =	rddreg [dreg:$0x13];
	[sflag:s18] =	ssyncadd.s32 $0xFFFFD800  }
0x177: {  	[spmem:s2] =	stream.indirect.scatter.add.f32 [tilespmem:s13], [sflag:$0x5], $0x80, s24, s10, $0xb8;
	[tilespmem:$0x1EC00] =	vst v63  }
0x178: {  	_ =	swait.ge [sflag:s16], $0x2800  }
0x179: {  	[sflag:s16] =	ssyncset.done $0x0  }
0x17a: {  	s8 =	rddreg [dreg:$0x14];
	[sflag:s16] =	ssyncadd.s32 $0xFFFFD800  }
0x17b: {  	[tilespmem:s13], [sflag:$0x3] =	stream.indirect.gather [hbm4b:s4+s10], $0x80, s8, s10, $0xb8;
	[tilespmem:$0x1EC00] =	vst v63  }
0x17c: {  	_ =	swait.ge [sflag:s19], $0x2800  }
0x17d: {  	[sflag:s19] =	ssyncset.done $0x0  }
0x17e: {  	s20 =	simm.s32 $0x780;
	[sflag:s19] =	ssyncadd.s32 $0xFFFFD800  }
0x17f: {  	[spmem:s2] =	stream.indirect.scatter.add.f32 [tilespmem:s14], [sflag:$0x5], $0x80, s20, s10, $0xb8;
	[tilespmem:$0x1EC00] =	vst v63  }
0x180: {  	_ =	swait.ge [sflag:s16], $0x2800  }
0x181: {  	[sflag:s16] =	ssyncset.done $0x0  }
0x182: {  	[sflag:s16] =	ssyncadd.s32 $0xFFFFD800  }
0x183: {  	[tilespmem:s14], [sflag:$0x4] =	stream.indirect.gather [hbm4b:s4+s10], $0x80, s21, s10, $0xb8;
	[tilespmem:$0x1EC00] =	vst v63  }
0x184: {  	_ =	swait.ge [sflag:s15], $0x2800  }
0x185: {  	[sflag:s15] =	ssyncset.done $0x0  }
0x186: {  	[sflag:s15] =	ssyncadd.s32 $0xFFFFD800  }
0x187: {  	[spmem:s2] =	stream.indirect.scatter.add.f32 [tilespmem:s11], [sflag:$0x5], $0x80, s22, s10, $0xb8;
	[tilespmem:$0x1EC00] =	vst v63  }
0x188: {  	_ =	swait.ge [sflag:s16], $0x2800  }
0x189: {  	[sflag:s16] =	ssyncset.done $0x0  }
0x18a: {  	[sflag:s16] =	ssyncadd.s32 $0xFFFFD800  }
0x18b: {  	[tilespmem:s11], [sflag:$0x1] =	stream.indirect.gather [hbm4b:s4+s10], $0x80, s23, s10, $0xb8;
	[tilespmem:$0x1EC00] =	vst v63  }
0x18c: {  	_ =	swait.ge [sflag:s17], $0x2800  }
0x18d: {  	[sflag:s17] =	ssyncset.done $0x0  }
0x18e: {  	[sflag:s17] =	ssyncadd.s32 $0xFFFFD800  }
0x18f: {  	[spmem:s2] =	stream.indirect.scatter.add.f32 [tilespmem:s12], [sflag:$0x5], $0x80, s25, s10, $0xb8;
	[tilespmem:$0x1EC00] =	vst v63  }
0x190: {  	_ =	swait.ge [sflag:s16], $0x2800  }
0x191: {  	[sflag:s16] =	ssyncset.done $0x0  }
0x192: {  	[sflag:s16] =	ssyncadd.s32 $0xFFFFD800  }
0x193: {  	[tilespmem:s12], [sflag:$0x2] =	stream.indirect.gather [hbm4b:s4+s10], $0x80, s26, s10, $0xb8;
	[tilespmem:$0x1EC00] =	vst v63  }
0x194: {  	_ =	swait.ge [sflag:s18], $0x2800  }
0x195: {  	[sflag:s18] =	ssyncset.done $0x0  }
0x196: {  	[sflag:s18] =	ssyncadd.s32 $0xFFFFD800  }
0x197: {  	[spmem:s2] =	stream.indirect.scatter.add.f32 [tilespmem:s13], [sflag:$0x5], $0x80, s28, s10, $0xb8;
	[tilespmem:$0x1EC00] =	vst v63  }
0x198: {  	_ =	swait.ge [sflag:s16], $0x2800  }
0x199: {  	[sflag:s16] =	ssyncset.done $0x0  }
0x19a: {  	[sflag:s16] =	ssyncadd.s32 $0xFFFFD800  }
0x19b: {  	[tilespmem:s13], [sflag:$0x3] =	stream.indirect.gather [hbm4b:s4+s10], $0x80, s29, s10, $0xb8;
	[tilespmem:$0x1EC00] =	vst v63  }
0x19c: {  	_ =	swait.ge [sflag:s19], $0x2800  }
0x19d: {  	[sflag:s19] =	ssyncset.done $0x0  }
0x19e: {  	[sflag:s19] =	ssyncadd.s32 $0xFFFFD800  }
0x19f: {  	[spmem:s2] =	stream.indirect.scatter.add.f32 [tilespmem:s14], [sflag:$0x5], $0x80, s30, s10, $0xb8;
	[tilespmem:$0x1EC00] =	vst v63  }
0x1a0: {  	_ =	swait.ge [sflag:s16], $0x2800  }
0x1a1: {  	[sflag:s16] =	ssyncset.done $0x0  }
0x1a2: {  	[sflag:s16] =	ssyncadd.s32 $0xFFFFD800  }
0x1a3: {  	[tilespmem:s14], [sflag:$0x4] =	stream.indirect.gather [hbm4b:s4+s10], $0x80, s31, s10, $0xb8;
	[tilespmem:$0x1EC00] =	vst v63  }
0x1a4: {  	_ =	swait.ge [sflag:s15], $0x2800  }
0x1a5: {  	[sflag:s15] =	ssyncset.done $0x0  }
0x1a6: {  	[sflag:s15] =	ssyncadd.s32 $0xFFFFD800  }
0x1a7: {  	[spmem:s2] =	stream.indirect.scatter.add.f32 [tilespmem:s11], [sflag:$0x5], $0x80, s0, s10, $0xb8;
	[tilespmem:$0x1EC00] =	vst v63  }
0x1a8: {  	_ =	swait.ge [sflag:s17], $0x2800  }
0x1a9: {  	[sflag:s17] =	ssyncset.done $0x0  }
0x1aa: {  	[sflag:s17] =	ssyncadd.s32 $0xFFFFD800  }
0x1ab: {  	[spmem:s2] =	stream.indirect.scatter.add.f32 [tilespmem:s12], [sflag:$0x5], $0x80, s1, s10, $0xb8;
	[tilespmem:$0x1EC00] =	vst v63  }
0x1ac: {  	_ =	swait.ge [sflag:s18], $0x2800  }
0x1ad: {  	[sflag:s18] =	ssyncset.done $0x0  }
0x1ae: {  	[sflag:s18] =	ssyncadd.s32 $0xFFFFD800  }
0x1af: {  	[spmem:s2] =	stream.indirect.scatter.add.f32 [tilespmem:s13], [sflag:$0x5], $0x80, s5, s10, $0xb8;
	[tilespmem:$0x1EC00] =	vst v63  }
0x1b0: {  	_ =	swait.ge [sflag:s19], $0x2800  }
0x1b1: {  	[sflag:s19] =	ssyncset.done $0x0  }
0x1b2: {  	[sflag:s19] =	ssyncadd.s32 $0xFFFFD800  }
0x1b3: {  	[spmem:s2] =	stream.indirect.scatter.add.f32 [tilespmem:s14], [sflag:$0x5], $0x80, s7, s10, $0xb8;
	[tilespmem:$0x1EC00] =	vst v63  }
0x1b4: {  	_ =	swait.ge [sflag:s16], $0x2800  }
0x1b5: {  	[sflag:s16] =	ssyncset.done $0x0  }
0x1b6: {  	[sflag:s16] =	ssyncadd.s32 $0xFFFFD800  }
0x1b7: {  	_ =	swait.ge [sflag:s16], $0x2800  }
0x1b8: {  	[sflag:s16] =	ssyncset.done $0x0  }
0x1b9: {  	[sflag:s16] =	ssyncadd.s32 $0xFFFFD800  }
0x1ba: {  	_ =	swait.ge [sflag:s16], $0x2800  }
0x1bb: {  	[sflag:s16] =	ssyncset.done $0x0  }
0x1bc: {  	[sflag:s16] =	ssyncadd.s32 $0xFFFFD800  }
0x1bd: {  	_ =	swait.ge [sflag:s16], $0x2800  }
0x1be: {  	[sflag:s16] =	ssyncset.done $0x0  }
0x1bf: {  	[sflag:s16] =	ssyncadd.s32 $0xFFFFD800  }
0x1c0: {  	[bflag:$0x0] =	sbarrier.arrive $0xFFFF  }
0x1c1: {  	s20 =	rddreg [dreg:$0x16]  }
0x1c2: {  	s8 =	rddreg [dreg:$0x18]  }
0x1c3: {  	s24 =	rddreg [dreg:$0x19]  }
0x1c4: {  	[hbm:s24], [sflag:s20] =	dma.local [spmem:s8], $0x2780  }
0x1c5: {  	_ =	swait.ge [sflag:s9], $0x2780  }
0x1c6: {  	s6 =	rddreg [dreg:$0x1a]  }
0x1c7: {  	s24 =	sadd.s32 $0x1, s6;
	s6 =	rddreg [dreg:$0x17]  }
0x1c8: {  	p0 =	sne.s32 s24, s6  }
.Ltmp1:
0x1c9: {  	_ = 	snop;
	(pc) =	sbr.rel @p0 .LBB2_1-.Ltmp1, $3  }
0x1ca: {  	_ =	sdelay $0x1  }
0x1cb: {  	[sflag:s9] =	ssyncset.done $0x0  }
0x1cc: {  	[sflag:s9] =	ssyncadd.s32 $0xFFFFD880  }
0x1cd: {  	_ =	sfence.sel $0x180000  }
0x1ce: {  	[bflag:$0x0] =	sbarrier.arrive $0xFFFF  }
0x1cf: {  	_ =	strace $0x90000050  }
0x1d0: {  	s0 =	stileid.u32;
	[bflag:$0x2] =	sbarrier.arrive $0xFFFF  }
0x1d1: {  	p0 =	sne.s32 s0, $0x0;
	s0 =	rddreg [dreg:$0x2]  }
0x1d2: {  	s0 =	sadd.s32 @!p0 $0x100000, s0  }
0x1d3: {  	[sflag:s0] =	ssyncadd.tile.s32 @!p0 $0x1;
	_ =	shalt  }
.Lfunc_end2:
_tile_overlayer_lowered:
.L_overlay_start_2:
0x1d4: {  	(tag) =	ssettag $0x2  }
0x1d5: {  	s0 =	rddreg [dreg:$0x0];
	s2 =	stileid.u32  }
0x1d6: {  	s1 =	rddreg [dreg:$0x1];
	p0 =	sne.s32 s2, $0x0  }
0x1d7: {  	s3 =	rddreg [dreg:$0x2];
	[bflag:$0x3] =	sbarrier.arrive $0xFFFF;
	s2 =	simm.s32 @!p0 $0x1C06  }
0x1d8: {  	[timem:s3], [sflag:s2] =	dma.local @!p0 [hbm:s0], s1  }
0x1d9: {  	s0 =	simm.s32 @!p0 $0x6  }
0x1da: {  	_ =	swait.ge @!p0 [sflag:s0], s1  }
0x1db: {  	s1 =	ssub.s32 @!p0 $0x0, s1;
	[sflag:s0] =	ssyncset.done @!p0 $0x0  }
0x1dc: {  	[sflag:s0] =	ssyncadd.s32 @!p0 s1  }
0x1dd: {  	[bflag:$0x3] =	sbarrier.arrive $0xFFFF  }
0x1de: {  	_ =	shalt  }

</sc_bundles>
